<compile_context>
chip_gen: v7x
topology: tpu7x:2x2x1
jax: 0.10.2.dev20260603
libtpu: 0.0.44.dev20260713+nightly
codegen_flags: <defaults>
</compile_context>

<pallas_src>
import jax
import jax.numpy as jnp
from jax import lax
from jax.experimental import pallas as pl
from jax.experimental.pallas import tpu as pltpu
from jax.experimental.pallas import tpu_sc as plsc

N = 10000
E = 320000
H = 128
NC = 2
NS = 16
NW = NC * NS
CH = 40
NCHUNK = E // (NW * CH)
NB = 5
GB = 10
NG = NCHUNK // GB
NBODY = GB // NB
SB = 3
SROWS = GB + NB
IPAD = 16
DCH = 40
DNCHUNK = E // (NW * DCH)
DUN = 5
DGB = 25
DNG = DNCHUNK // DGB
DNI = DGB // DUN
STRIPE = 624
TAIL0 = NS * STRIPE
TAILN = N - TAIL0
BLK = 1000
GRID = N // BLK

_MESH = plsc.VectorSubcoreMesh(
    core_axis_name="c", subcore_axis_name="s", num_cores=NC, num_subcores=NS
)


def _sc_agg_body(h_hbm, src_hbm, dst_hbm, zeros_hbm,
                 out_agg,
                 src_bk, dst_bk, rows_v, acc,
                 g0, g1, g2, g3, g4, ssem, isem):
    c = lax.axis_index("c")
    s = lax.axis_index("s")
    w = c * NS + s
    r0 = s * STRIPE
    pltpu.sync_copy(zeros_hbm.at[pl.ds(r0, STRIPE), :], acc.at[pl.ds(r0, STRIPE), :])

    @pl.when(s == NS - 1)
    def _():
        pltpu.sync_copy(zeros_hbm.at[pl.ds(TAIL0, TAILN), :],
                        acc.at[pl.ds(TAIL0, TAILN), :])

    plsc.subcore_barrier()

    rows = [rows_v.at[k] for k in range(NB)]
    gsem = [g0, g1, g2, g3, g4]

    def group(g, carry):
        p = lax.rem(g, SB)
        p2 = lax.rem(g, 2)
        pn = lax.rem(g + 1, SB)
        pn2 = lax.rem(g + 1, 2)
        base = w * NCHUNK + g * GB

        @pl.when(g > 0)
        def _():
            pltpu.make_async_copy(
                src_hbm.at[pl.ds(base, SROWS)], src_bk.at[p], isem).wait()
            pltpu.make_async_copy(
                dst_hbm.at[pl.ds(base, GB)], dst_bk.at[p2], isem).wait()

        pltpu.async_copy(src_hbm.at[pl.ds(base + GB, SROWS)], src_bk.at[pn],
                         isem)
        pltpu.async_copy(dst_hbm.at[pl.ds(base + GB, GB)], dst_bk.at[pn2],
                         isem)

        def body(i, carry2):
            t0 = NB * i
            for k in range(NB):
                lc = t0 + k
                pltpu.make_async_copy(
                    h_hbm.at[src_bk.at[p, lc, 0]], rows[k], gsem[k]).wait()
                pltpu.async_copy(
                    rows[k], acc.at[dst_bk.at[p2, lc, 0]], ssem,
                    add=True).wait()
                pltpu.async_copy(h_hbm.at[src_bk.at[p, lc + NB, 0]], rows[k],
                                 gsem[k])
            return carry2

        lax.fori_loop(0, NBODY, body, 0)
        return carry

    pltpu.sync_copy(src_hbm.at[pl.ds(w * NCHUNK, SROWS)], src_bk.at[0])
    pltpu.sync_copy(dst_hbm.at[pl.ds(w * NCHUNK, GB)], dst_bk.at[0])
    for k in range(NB):
        pltpu.async_copy(h_hbm.at[src_bk.at[0, k, 0]], rows[k], gsem[k])
    lax.fori_loop(0, NG, group, 0)
    for k in range(NB):
        pltpu.make_async_copy(h_hbm.at[pl.ds(0, CH)], rows[k], gsem[k]).wait()
    pltpu.make_async_copy(src_hbm.at[pl.ds(0, SROWS)], src_bk.at[0],
                          isem).wait()
    pltpu.make_async_copy(dst_hbm.at[pl.ds(0, GB)], dst_bk.at[0], isem).wait()
    plsc.subcore_barrier()
    pltpu.sync_copy(acc.at[pl.ds(r0, STRIPE), :], out_agg.at[c, pl.ds(r0, STRIPE), :])

    @pl.when(s == NS - 1)
    def _():
        pltpu.sync_copy(acc.at[pl.ds(TAIL0, TAILN), :],
                        out_agg.at[c, pl.ds(TAIL0, TAILN), :])


def _sc_deg_body(dst_hbm, zeros_hbm, ones_hbm,
                 out_deg,
                 dst_c, ones_v, accd, ssem):
    c = lax.axis_index("c")
    s = lax.axis_index("s")
    w = c * NS + s
    r0 = s * STRIPE
    pltpu.sync_copy(zeros_hbm.at[pl.ds(r0, STRIPE), :], accd.at[pl.ds(r0, STRIPE), :])

    @pl.when(s == NS - 1)
    def _():
        pltpu.sync_copy(zeros_hbm.at[pl.ds(TAIL0, TAILN), :],
                        accd.at[pl.ds(TAIL0, TAILN), :])

    pltpu.sync_copy(ones_hbm, ones_v)
    plsc.subcore_barrier()

    def group(g, carry):
        base = w * DNCHUNK + g * DGB
        pltpu.sync_copy(dst_hbm.at[pl.ds(base, DGB)], dst_c)

        def step(k, carry2):
            j0 = k * DUN
            scatters = [
                pltpu.async_copy(ones_v, accd.at[dst_c.at[j0 + b, 0]],
                                 ssem, add=True)
                for b in range(DUN)
            ]
            for sc in scatters:
                sc.wait()
            return carry2

        lax.fori_loop(0, DNI, step, 0)
        return carry

    lax.fori_loop(0, DNG, group, 0)
    plsc.subcore_barrier()
    pltpu.sync_copy(accd.at[pl.ds(r0, STRIPE), :], out_deg.at[c, pl.ds(r0, STRIPE), :])

    @pl.when(s == NS - 1)
    def _():
        pltpu.sync_copy(accd.at[pl.ds(TAIL0, TAILN), :],
                        out_deg.at[c, pl.ds(TAIL0, TAILN), :])


_sc_agg = pl.kernel(
    _sc_agg_body,
    out_type=jax.ShapeDtypeStruct((NC, N, H), jnp.float32),
    mesh=_MESH,
    scratch_types=(
        [pltpu.VMEM((SB, SROWS, 1, CH), jnp.int32)]
        + [pltpu.VMEM((2, GB, 1, CH), jnp.int32)]
        + [pltpu.VMEM((NB, CH, H), jnp.float32)]
        + [pltpu.VMEM_SHARED((N, H), jnp.float32)]
        + [pltpu.SemaphoreType.DMA] * (NB + 2)
    ),
)

_sc_deg = pl.kernel(
    _sc_deg_body,
    out_type=jax.ShapeDtypeStruct((NC, N, H), jnp.float32),
    mesh=_MESH,
    scratch_types=[
        pltpu.VMEM((DGB, 1, DCH), jnp.int32),
        pltpu.VMEM((DCH, H), jnp.float32),
        pltpu.VMEM_SHARED((N, H), jnp.float32),
        pltpu.SemaphoreType.DMA,
    ],
)


def _tc_in_body(x_ref, w_ref, b_ref, o_ref):
    o_ref[...] = jnp.tanh(
        jnp.dot(x_ref[...], w_ref[...], preferred_element_type=jnp.float32)
        + b_ref[...]
    )


def _tc_mid_body(a0_ref, a1_ref, d0_ref, d1_ref, w_ref, b_ref, o_ref):
    agg = a0_ref[0] + a1_ref[0]
    deg = jnp.maximum(d0_ref[0][:, :1] + d1_ref[0][:, :1], 1.0)
    t = jnp.dot(agg, w_ref[...], preferred_element_type=jnp.float32) / deg
    o_ref[...] = jnp.maximum(t + b_ref[...], 0.0)


def _tc_out_body(a0_ref, a1_ref, d0_ref, d1_ref, w_ref, b_ref, wo_ref, bo_ref,
                 o_ref, acc_ref):
    i = pl.program_id(0)

    @pl.when(i == 0)
    def _():
        acc_ref[...] = jnp.zeros_like(acc_ref)

    agg = a0_ref[0] + a1_ref[0]
    deg = jnp.maximum(d0_ref[0][:, :1] + d1_ref[0][:, :1], 1.0)
    t = jnp.dot(agg, w_ref[...], preferred_element_type=jnp.float32) / deg
    h = jnp.maximum(t + b_ref[...], 0.0)
    acc_ref[...] += jnp.sum(h, axis=0, keepdims=True)

    @pl.when(i == pl.num_programs(0) - 1)
    def _():
        y = jnp.sum(acc_ref[...] * wo_ref[...]) + bo_ref[0, 0]
        o_ref[...] = jnp.full((1, H), y, jnp.float32)


_tc_in = pl.pallas_call(
    _tc_in_body,
    grid=(GRID,),
    in_specs=[
        pl.BlockSpec((BLK, H), lambda i: (i, 0)),
        pl.BlockSpec((H, H), lambda i: (0, 0)),
        pl.BlockSpec((1, H), lambda i: (0, 0)),
    ],
    out_specs=pl.BlockSpec((BLK, H), lambda i: (i, 0)),
    out_shape=jax.ShapeDtypeStruct((N, H), jnp.float32),
)

_tc_mid = pl.pallas_call(
    _tc_mid_body,
    grid=(GRID,),
    in_specs=[
        pl.BlockSpec((1, BLK, H), lambda i: (0, i, 0)),
        pl.BlockSpec((1, BLK, H), lambda i: (1, i, 0)),
        pl.BlockSpec((1, BLK, H), lambda i: (0, i, 0)),
        pl.BlockSpec((1, BLK, H), lambda i: (1, i, 0)),
        pl.BlockSpec((H, H), lambda i: (0, 0)),
        pl.BlockSpec((1, H), lambda i: (0, 0)),
    ],
    out_specs=pl.BlockSpec((BLK, H), lambda i: (i, 0)),
    out_shape=jax.ShapeDtypeStruct((N, H), jnp.float32),
)

_tc_out = pl.pallas_call(
    _tc_out_body,
    grid=(GRID,),
    in_specs=[
        pl.BlockSpec((1, BLK, H), lambda i: (0, i, 0)),
        pl.BlockSpec((1, BLK, H), lambda i: (1, i, 0)),
        pl.BlockSpec((1, BLK, H), lambda i: (0, i, 0)),
        pl.BlockSpec((1, BLK, H), lambda i: (1, i, 0)),
        pl.BlockSpec((H, H), lambda i: (0, 0)),
        pl.BlockSpec((1, H), lambda i: (0, 0)),
        pl.BlockSpec((1, H), lambda i: (0, 0)),
        pl.BlockSpec((1, H), lambda i: (0, 0)),
    ],
    out_specs=pl.BlockSpec((1, H), lambda i: (0, 0)),
    out_shape=jax.ShapeDtypeStruct((1, H), jnp.float32),
    scratch_shapes=[pltpu.VMEM((1, H), jnp.float32)],
)


def kernel(x, edge_index, W_in, b_in, W1, b1, W2, b2, W_out, b_out):
    pad3 = ((0, IPAD), (0, 0), (0, 0))
    src = jnp.pad(edge_index[0].astype(jnp.int32).reshape(NW * NCHUNK, 1, CH),
                  pad3)
    dst = jnp.pad(edge_index[1].astype(jnp.int32).reshape(NW * NCHUNK, 1, CH),
                  pad3)
    zeros = jnp.zeros((N, H), jnp.float32)
    ones = jnp.ones((DCH, H), jnp.float32)

    deg = _sc_deg(dst, zeros, ones)
    h0 = _tc_in(x, W_in, b_in.reshape(1, H))
    agg1 = _sc_agg(h0, src, dst, zeros)
    h1 = _tc_mid(agg1, agg1, deg, deg, W1, b1.reshape(1, H))
    agg2 = _sc_agg(h1, src, dst, zeros)
    y = _tc_out(agg2, agg2, deg, deg, W2, b2.reshape(1, H),
                W_out.reshape(1, H),
                jnp.broadcast_to(b_out.reshape(1, 1), (1, H)))
    return y[0, 0]

# --- scband reference (transcript-rebuilt; emitter-appended) ---
"""Pipeline reference for scband-sequential-55714315764195 (READ-ONLY COPY).

The authoritative reference and input builder live on the scoring server;
editing this copy changes nothing except your own understanding.
"""

import jax, jax.numpy as jnp
import numpy as np

N = 10000
E = 320000
F = 128  # feature_units
H = 128  # input_units / hidden dims from config


def setup_inputs(seed: int = 0) -> dict:
    key = jax.random.key(seed)
    ks = jax.random.split(key, 10)
    x = jax.random.normal(ks[0], (N, F), dtype=jnp.float32)
    edge_index = jax.random.randint(ks[1], (2, E), 0, N)
    s = 1.0 / np.sqrt(H)
    W_in = jax.random.normal(ks[2], (F, H), dtype=jnp.float32) * s
    b_in = jnp.zeros((H,), dtype=jnp.float32)
    W1 = jax.random.normal(ks[3], (H, H), dtype=jnp.float32) * s
    b1 = jnp.zeros((H,), dtype=jnp.float32)
    W2 = jax.random.normal(ks[4], (H, H), dtype=jnp.float32) * s
    b2 = jnp.zeros((H,), dtype=jnp.float32)
    W_out = jax.random.normal(ks[5], (H, 1), dtype=jnp.float32) * s
    b_out = jnp.zeros((1,), dtype=jnp.float32)
    return {"x": x, "edge_index": edge_index, "W_in": W_in, "b_in": b_in,
            "W1": W1, "b1": b1, "W2": W2, "b2": b2,
            "W_out": W_out, "b_out": b_out}


def reference(x, edge_index, W_in, b_in, W1, b1, W2, b2, W_out, b_out):
    src = edge_index[0]
    dst = edge_index[1]
    # in-degree normalization (GraphConv-style mean aggregation)
    deg = jax.ops.segment_sum(jnp.ones((E,), dtype=jnp.float32), dst, num_segments=N)
    deg = jnp.clip(deg, 1.0, None)
    # f_in: Linear + Tanh applied per node  (h0 -> h)
    h = jnp.tanh(x @ W_in + b_in)
    # d0: GraphConv layer 1 (gather src features, scatter-add to dst, normalize, linear)
    agg = jax.ops.segment_sum(h[src], dst, num_segments=N) / deg[:, None]
    h = agg @ W1 + b1
    # a1: relu applied per node
    h = jax.nn.relu(h)
    # o2: dropout(p=0.1) -> identity in eval mode
    # d3: GraphConv layer 2
    agg = jax.ops.segment_sum(h[src], dst, num_segments=N) / deg[:, None]
    h = agg @ W2 + b2
    # a4: relu
    h = jax.nn.relu(h)
    # dgl.sum_nodes over the (single) graph, then f_out + squeeze
    pooled = jnp.sum(h, axis=0)
    y_hat = jnp.squeeze(pooled @ W_out + b_out)
    return y_hat

if __name__ == "__main__":
    import jax
    _d = setup_inputs()
    print(jax.jit(kernel)(*tuple(_d.values())))

</pallas_src>

<mosaic_0001>
#map = affine_map<(d0, d1) -> (0, 0)>
#map1 = affine_map<(d0, d1) -> (0, 0, 0)>
module attributes {stable_mosaic.version = 14 : i64} {
  func.func @_sc_agg_body(%arg0: i32, %arg1: i32, %arg2: memref<10000x128xf32, #tpu.memory_space<hbm>>, %arg3: memref<8016x1x40xi32, #tpu.memory_space<hbm>>, %arg4: memref<8016x1x40xi32, #tpu.memory_space<hbm>>, %arg5: memref<10000x128xf32, #tpu.memory_space<hbm>>, %arg6: memref<2x10000x128xf32, #tpu.memory_space<hbm>>, %arg7: memref<3x15x1x40xi32, #tpu.memory_space<vmem>>, %arg8: memref<2x10x1x40xi32, #tpu.memory_space<vmem>>, %arg9: memref<5x40x128xf32, #tpu.memory_space<vmem>>, %arg10: memref<10000x128xf32, #tpu.memory_space<vmem_shared>>, %arg11: memref<!tpu.dma_semaphore, #tpu.memory_space<semaphore_mem>>, %arg12: memref<!tpu.dma_semaphore, #tpu.memory_space<semaphore_mem>>, %arg13: memref<!tpu.dma_semaphore, #tpu.memory_space<semaphore_mem>>, %arg14: memref<!tpu.dma_semaphore, #tpu.memory_space<semaphore_mem>>, %arg15: memref<!tpu.dma_semaphore, #tpu.memory_space<semaphore_mem>>, %arg16: memref<!tpu.dma_semaphore, #tpu.memory_space<semaphore_mem>>, %arg17: memref<!tpu.dma_semaphore, #tpu.memory_space<semaphore_mem>>) attributes {dimension_semantics = [#tpu.dimension_semantics<core_parallel>, #tpu.dimension_semantics<subcore_parallel>], iteration_bounds = array<i64: 2, 16>, scalar_prefetch = 0 : i64, scratch_operands = 11 : i64, tpu.core_type = #tpu.core_type<sc_vector_subcore>, window_params = [{transform_indices = #map}, {transform_indices = #map1}, {transform_indices = #map1}, {transform_indices = #map}, {transform_indices = #map1}]} {
    %mul3A = arith.constant 16 : i32
    %mul3A_0 = arith.muli %arg0, %mul3A : i32
    %add3A = arith.addi %mul3A_0, %arg1 : i32
    %mul3A_1 = arith.constant 624 : i32
    %mul3A_2 = arith.muli %arg1, %mul3A_1 : i32
    "tpu.region"() ({
      %run_scoped3A_207 = tpu.sem_alloc : memref<!tpu.dma_semaphore, #tpu.memory_space<semaphore_mem>>
      %dma_start3A_208 = arith.constant 0 : i32
      %dma_start3A_209 = tpu.memref_slice %arg10[%mul3A_2, %dma_start3A_208] : memref<10000x128xf32, #tpu.memory_space<vmem_shared>> -> memref<624x128xf32, #tpu.memory_space<vmem_shared>>
      %dma_start3A_210 = arith.constant 0 : i32
      %dma_start3A_211 = tpu.memref_slice %arg5[%mul3A_2, %dma_start3A_210] : memref<10000x128xf32, #tpu.memory_space<hbm>> -> memref<624x128xf32, #tpu.memory_space<hbm>>
      tpu.enqueue_dma source(%dma_start3A_211 : memref<624x128xf32, #tpu.memory_space<hbm>>) target(%dma_start3A_209 : memref<624x128xf32, #tpu.memory_space<vmem_shared>>) target_semaphore(%run_scoped3A_207 : memref<!tpu.dma_semaphore, #tpu.memory_space<semaphore_mem>>)
      %dma_wait3A_212 = arith.constant 0 : i32
      %dma_wait3A_213 = tpu.memref_slice %arg10[%mul3A_2, %dma_wait3A_212] : memref<10000x128xf32, #tpu.memory_space<vmem_shared>> -> memref<624x128xf32, #tpu.memory_space<vmem_shared>>
      %dma_wait3A_214 = arith.constant 0 : i32
      %dma_wait3A_215 = tpu.memref_slice %arg5[%mul3A_2, %dma_wait3A_214] : memref<10000x128xf32, #tpu.memory_space<hbm>> -> memref<624x128xf32, #tpu.memory_space<hbm>>
      tpu.wait_dma2 semaphore(%run_scoped3A_207 : memref<!tpu.dma_semaphore, #tpu.memory_space<semaphore_mem>>) src(%dma_wait3A_215 : memref<624x128xf32, #tpu.memory_space<hbm>>) dst(%dma_wait3A_213 : memref<624x128xf32, #tpu.memory_space<vmem_shared>>)
      tpu.yield
    }) : () -> ()
    %eq3A = arith.constant 15 : i32
    %eq3A_3 = arith.cmpi eq, %arg1, %eq3A : i32
    %convert_element_type3A = arith.extui %eq3A_3 : i1 to i32
    %cond3A = arith.constant 0 : i32
    %cond3A_4 = arith.cmpi ne, %convert_element_type3A, %cond3A : i32
    scf.if %cond3A_4 {
      "tpu.region"() ({
        %run_scoped3A_207 = tpu.sem_alloc : memref<!tpu.dma_semaphore, #tpu.memory_space<semaphore_mem>>
        %dma_start3A_208 = arith.constant 9984 : i32
        %dma_start3A_209 = arith.constant 0 : i32
        %dma_start3A_210 = tpu.memref_slice %arg10[%dma_start3A_208, %dma_start3A_209] : memref<10000x128xf32, #tpu.memory_space<vmem_shared>> -> memref<16x128xf32, #tpu.memory_space<vmem_shared>>
        %dma_start3A_211 = arith.constant 9984 : i32
        %dma_start3A_212 = arith.constant 0 : i32
        %dma_start3A_213 = tpu.memref_slice %arg5[%dma_start3A_211, %dma_start3A_212] : memref<10000x128xf32, #tpu.memory_space<hbm>> -> memref<16x128xf32, #tpu.memory_space<hbm>>
        tpu.enqueue_dma source(%dma_start3A_213 : memref<16x128xf32, #tpu.memory_space<hbm>>) target(%dma_start3A_210 : memref<16x128xf32, #tpu.memory_space<vmem_shared>>) target_semaphore(%run_scoped3A_207 : memref<!tpu.dma_semaphore, #tpu.memory_space<semaphore_mem>>)
        %dma_wait3A_214 = arith.constant 9984 : i32
        %dma_wait3A_215 = arith.constant 0 : i32
        %dma_wait3A_216 = tpu.memref_slice %arg10[%dma_wait3A_214, %dma_wait3A_215] : memref<10000x128xf32, #tpu.memory_space<vmem_shared>> -> memref<16x128xf32, #tpu.memory_space<vmem_shared>>
        %dma_wait3A_217 = arith.constant 9984 : i32
        %dma_wait3A_218 = arith.constant 0 : i32
        %dma_wait3A_219 = tpu.memref_slice %arg5[%dma_wait3A_217, %dma_wait3A_218] : memref<10000x128xf32, #tpu.memory_space<hbm>> -> memref<16x128xf32, #tpu.memory_space<hbm>>
        tpu.wait_dma2 semaphore(%run_scoped3A_207 : memref<!tpu.dma_semaphore, #tpu.memory_space<semaphore_mem>>) src(%dma_wait3A_219 : memref<16x128xf32, #tpu.memory_space<hbm>>) dst(%dma_wait3A_216 : memref<16x128xf32, #tpu.memory_space<vmem_shared>>)
        tpu.yield
      }) : () -> ()
    } else {
    }
    %barrier3A = arith.constant 0 : index
    tpu.barrier barrier_id(%barrier3A)
    %mul3A_5 = arith.constant 250 : i32
    %mul3A_6 = arith.muli %add3A, %mul3A_5 : i32
    %run_scoped3A = arith.constant 0 : i32
    "tpu.region"() ({
      %run_scoped3A_207 = tpu.sem_alloc : memref<!tpu.dma_semaphore, #tpu.memory_space<semaphore_mem>>
      %dma_start3A_208 = arith.constant 0 : i32
      %dma_start3A_209 = arith.constant 0 : i32
      %dma_start3A_210 = arith.constant 0 : i32
      %dma_start3A_211 = tpu.memref_slice %arg7[%run_scoped3A, %dma_start3A_208, %dma_start3A_209, %dma_start3A_210] : memref<3x15x1x40xi32, #tpu.memory_space<vmem>> -> memref<1x15x1x40xi32, #tpu.memory_space<vmem>>
      %dma_start3A_212 = tpu.memref_squeeze %dma_start3A_211 : memref<1x15x1x40xi32, #tpu.memory_space<vmem>> -> memref<15x1x40xi32, #tpu.memory_space<vmem>>
      %dma_start3A_213 = arith.constant 0 : i32
      %dma_start3A_214 = arith.constant 0 : i32
      %dma_start3A_215 = tpu.memref_slice %arg3[%mul3A_6, %dma_start3A_213, %dma_start3A_214] : memref<8016x1x40xi32, #tpu.memory_space<hbm>> -> memref<15x1x40xi32, #tpu.memory_space<hbm>>
      %dma_start3A_216 = arith.constant 0 : i32
      %dma_start3A_217 = arith.constant 0 : i32
      %dma_start3A_218 = arith.constant 0 : i32
      %dma_start3A_219 = tpu.memref_slice %arg7[%run_scoped3A, %dma_start3A_216, %dma_start3A_217, %dma_start3A_218] : memref<3x15x1x40xi32, #tpu.memory_space<vmem>> -> memref<1x15x1x40xi32, #tpu.memory_space<vmem>>
      %dma_start3A_220 = tpu.memref_squeeze %dma_start3A_219 : memref<1x15x1x40xi32, #tpu.memory_space<vmem>> -> memref<15x1x40xi32, #tpu.memory_space<vmem>>
      %dma_start3A_221 = arith.constant 0 : i32
      %dma_start3A_222 = arith.constant 0 : i32
      %dma_start3A_223 = tpu.memref_slice %arg3[%mul3A_6, %dma_start3A_221, %dma_start3A_222] : memref<8016x1x40xi32, #tpu.memory_space<hbm>> -> memref<15x1x40xi32, #tpu.memory_space<hbm>>
      tpu.enqueue_dma source(%dma_start3A_223 : memref<15x1x40xi32, #tpu.memory_space<hbm>>) target(%dma_start3A_220 : memref<15x1x40xi32, #tpu.memory_space<vmem>>) target_semaphore(%run_scoped3A_207 : memref<!tpu.dma_semaphore, #tpu.memory_space<semaphore_mem>>)
      %dma_wait3A_224 = arith.constant 0 : i32
      %dma_wait3A_225 = arith.constant 0 : i32
      %dma_wait3A_226 = arith.constant 0 : i32
      %dma_wait3A_227 = tpu.memref_slice %arg7[%run_scoped3A, %dma_wait3A_224, %dma_wait3A_225, %dma_wait3A_226] : memref<3x15x1x40xi32, #tpu.memory_space<vmem>> -> memref<1x15x1x40xi32, #tpu.memory_space<vmem>>
      %dma_wait3A_228 = tpu.memref_squeeze %dma_wait3A_227 : memref<1x15x1x40xi32, #tpu.memory_space<vmem>> -> memref<15x1x40xi32, #tpu.memory_space<vmem>>
      %dma_wait3A_229 = arith.constant 0 : i32
      %dma_wait3A_230 = arith.constant 0 : i32
      %dma_wait3A_231 = tpu.memref_slice %arg3[%mul3A_6, %dma_wait3A_229, %dma_wait3A_230] : memref<8016x1x40xi32, #tpu.memory_space<hbm>> -> memref<15x1x40xi32, #tpu.memory_space<hbm>>
      %dma_wait3A_232 = arith.constant 0 : i32
      %dma_wait3A_233 = arith.constant 0 : i32
      %dma_wait3A_234 = arith.constant 0 : i32
      %dma_wait3A_235 = tpu.memref_slice %arg7[%run_scoped3A, %dma_wait3A_232, %dma_wait3A_233, %dma_wait3A_234] : memref<3x15x1x40xi32, #tpu.memory_space<vmem>> -> memref<1x15x1x40xi32, #tpu.memory_space<vmem>>
      %dma_wait3A_236 = tpu.memref_squeeze %dma_wait3A_235 : memref<1x15x1x40xi32, #tpu.memory_space<vmem>> -> memref<15x1x40xi32, #tpu.memory_space<vmem>>
      %dma_wait3A_237 = arith.constant 0 : i32
      %dma_wait3A_238 = arith.constant 0 : i32
      %dma_wait3A_239 = tpu.memref_slice %arg3[%mul3A_6, %dma_wait3A_237, %dma_wait3A_238] : memref<8016x1x40xi32, #tpu.memory_space<hbm>> -> memref<15x1x40xi32, #tpu.memory_space<hbm>>
      tpu.wait_dma2 semaphore(%run_scoped3A_207 : memref<!tpu.dma_semaphore, #tpu.memory_space<semaphore_mem>>) src(%dma_wait3A_239 : memref<15x1x40xi32, #tpu.memory_space<hbm>>) dst(%dma_wait3A_236 : memref<15x1x40xi32, #tpu.memory_space<vmem>>)
      tpu.yield
    }) : () -> ()
    %mul3A_7 = arith.constant 250 : i32
    %mul3A_8 = arith.muli %add3A, %mul3A_7 : i32
    %run_scoped3A_9 = arith.constant 0 : i32
    "tpu.region"() ({
      %run_scoped3A_207 = tpu.sem_alloc : memref<!tpu.dma_semaphore, #tpu.memory_space<semaphore_mem>>
      %dma_start3A_208 = arith.constant 0 : i32
      %dma_start3A_209 = arith.constant 0 : i32
      %dma_start3A_210 = arith.constant 0 : i32
      %dma_start3A_211 = tpu.memref_slice %arg8[%run_scoped3A_9, %dma_start3A_208, %dma_start3A_209, %dma_start3A_210] : memref<2x10x1x40xi32, #tpu.memory_space<vmem>> -> memref<1x10x1x40xi32, #tpu.memory_space<vmem>>
      %dma_start3A_212 = tpu.memref_squeeze %dma_start3A_211 : memref<1x10x1x40xi32, #tpu.memory_space<vmem>> -> memref<10x1x40xi32, #tpu.memory_space<vmem>>
      %dma_start3A_213 = arith.constant 0 : i32
      %dma_start3A_214 = arith.constant 0 : i32
      %dma_start3A_215 = tpu.memref_slice %arg4[%mul3A_8, %dma_start3A_213, %dma_start3A_214] : memref<8016x1x40xi32, #tpu.memory_space<hbm>> -> memref<10x1x40xi32, #tpu.memory_space<hbm>>
      %dma_start3A_216 = arith.constant 0 : i32
      %dma_start3A_217 = arith.constant 0 : i32
      %dma_start3A_218 = arith.constant 0 : i32
      %dma_start3A_219 = tpu.memref_slice %arg8[%run_scoped3A_9, %dma_start3A_216, %dma_start3A_217, %dma_start3A_218] : memref<2x10x1x40xi32, #tpu.memory_space<vmem>> -> memref<1x10x1x40xi32, #tpu.memory_space<vmem>>
      %dma_start3A_220 = tpu.memref_squeeze %dma_start3A_219 : memref<1x10x1x40xi32, #tpu.memory_space<vmem>> -> memref<10x1x40xi32, #tpu.memory_space<vmem>>
      %dma_start3A_221 = arith.constant 0 : i32
      %dma_start3A_222 = arith.constant 0 : i32
      %dma_start3A_223 = tpu.memref_slice %arg4[%mul3A_8, %dma_start3A_221, %dma_start3A_222] : memref<8016x1x40xi32, #tpu.memory_space<hbm>> -> memref<10x1x40xi32, #tpu.memory_space<hbm>>
      tpu.enqueue_dma source(%dma_start3A_223 : memref<10x1x40xi32, #tpu.memory_space<hbm>>) target(%dma_start3A_220 : memref<10x1x40xi32, #tpu.memory_space<vmem>>) target_semaphore(%run_scoped3A_207 : memref<!tpu.dma_semaphore, #tpu.memory_space<semaphore_mem>>)
      %dma_wait3A_224 = arith.constant 0 : i32
      %dma_wait3A_225 = arith.constant 0 : i32
      %dma_wait3A_226 = arith.constant 0 : i32
      %dma_wait3A_227 = tpu.memref_slice %arg8[%run_scoped3A_9, %dma_wait3A_224, %dma_wait3A_225, %dma_wait3A_226] : memref<2x10x1x40xi32, #tpu.memory_space<vmem>> -> memref<1x10x1x40xi32, #tpu.memory_space<vmem>>
      %dma_wait3A_228 = tpu.memref_squeeze %dma_wait3A_227 : memref<1x10x1x40xi32, #tpu.memory_space<vmem>> -> memref<10x1x40xi32, #tpu.memory_space<vmem>>
      %dma_wait3A_229 = arith.constant 0 : i32
      %dma_wait3A_230 = arith.constant 0 : i32
      %dma_wait3A_231 = tpu.memref_slice %arg4[%mul3A_8, %dma_wait3A_229, %dma_wait3A_230] : memref<8016x1x40xi32, #tpu.memory_space<hbm>> -> memref<10x1x40xi32, #tpu.memory_space<hbm>>
      %dma_wait3A_232 = arith.constant 0 : i32
      %dma_wait3A_233 = arith.constant 0 : i32
      %dma_wait3A_234 = arith.constant 0 : i32
      %dma_wait3A_235 = tpu.memref_slice %arg8[%run_scoped3A_9, %dma_wait3A_232, %dma_wait3A_233, %dma_wait3A_234] : memref<2x10x1x40xi32, #tpu.memory_space<vmem>> -> memref<1x10x1x40xi32, #tpu.memory_space<vmem>>
      %dma_wait3A_236 = tpu.memref_squeeze %dma_wait3A_235 : memref<1x10x1x40xi32, #tpu.memory_space<vmem>> -> memref<10x1x40xi32, #tpu.memory_space<vmem>>
      %dma_wait3A_237 = arith.constant 0 : i32
      %dma_wait3A_238 = arith.constant 0 : i32
      %dma_wait3A_239 = tpu.memref_slice %arg4[%mul3A_8, %dma_wait3A_237, %dma_wait3A_238] : memref<8016x1x40xi32, #tpu.memory_space<hbm>> -> memref<10x1x40xi32, #tpu.memory_space<hbm>>
      tpu.wait_dma2 semaphore(%run_scoped3A_207 : memref<!tpu.dma_semaphore, #tpu.memory_space<semaphore_mem>>) src(%dma_wait3A_239 : memref<10x1x40xi32, #tpu.memory_space<hbm>>) dst(%dma_wait3A_236 : memref<10x1x40xi32, #tpu.memory_space<vmem>>)
      tpu.yield
    }) : () -> ()
    %dma_start3A = arith.constant 0 : i32
    %dma_start3A_10 = arith.constant 0 : i32
    %dma_start3A_11 = arith.constant 0 : i32
    %dma_start3A_12 = arith.constant 0 : i32
    %dma_start3A_13 = arith.constant 0 : i32
    %dma_start3A_14 = arith.constant 0 : i32
    %dma_start3A_15 = tpu.memref_slice %arg9[%dma_start3A_12, %dma_start3A_13, %dma_start3A_14] : memref<5x40x128xf32, #tpu.memory_space<vmem>> -> memref<1x40x128xf32, #tpu.memory_space<vmem>>
    %dma_start3A_16 = tpu.memref_squeeze %dma_start3A_15 : memref<1x40x128xf32, #tpu.memory_space<vmem>> -> memref<40x128xf32, #tpu.memory_space<vmem>>
    %dma_start3A_17 = arith.constant 0 : i32
    %dma_start3A_18 = tpu.memref_slice %arg7[%dma_start3A, %dma_start3A_10, %dma_start3A_11, %dma_start3A_17] : memref<3x15x1x40xi32, #tpu.memory_space<vmem>> -> memref<1x1x1x40xi32, #tpu.memory_space<vmem>>
    %dma_start3A_19 = tpu.memref_squeeze %dma_start3A_18 : memref<1x1x1x40xi32, #tpu.memory_space<vmem>> -> memref<40xi32, #tpu.memory_space<vmem>>
    %dma_start3A_20 = arith.constant 0 : i32
    %dma_start3A_21 = arith.constant 0 : i32
    %dma_start3A_22 = tpu.memref_slice %arg2[%dma_start3A_20, %dma_start3A_21] : memref<10000x128xf32, #tpu.memory_space<hbm>> -> memref<10000x128xf32, #tpu.memory_space<hbm>>
    tpu.enqueue_indirect_dma source(%dma_start3A_22 : memref<10000x128xf32, #tpu.memory_space<hbm>>) target(%dma_start3A_16 : memref<40x128xf32, #tpu.memory_space<vmem>>) offsets(%dma_start3A_19 : memref<40xi32, #tpu.memory_space<vmem>>) semaphore(%arg11 : memref<!tpu.dma_semaphore, #tpu.memory_space<semaphore_mem>>)
    %dma_start3A_23 = arith.constant 0 : i32
    %dma_start3A_24 = arith.constant 1 : i32
    %dma_start3A_25 = arith.constant 0 : i32
    %dma_start3A_26 = arith.constant 1 : i32
    %dma_start3A_27 = arith.constant 0 : i32
    %dma_start3A_28 = arith.constant 0 : i32
    %dma_start3A_29 = tpu.memref_slice %arg9[%dma_start3A_26, %dma_start3A_27, %dma_start3A_28] : memref<5x40x128xf32, #tpu.memory_space<vmem>> -> memref<1x40x128xf32, #tpu.memory_space<vmem>>
    %dma_start3A_30 = tpu.memref_squeeze %dma_start3A_29 : memref<1x40x128xf32, #tpu.memory_space<vmem>> -> memref<40x128xf32, #tpu.memory_space<vmem>>
    %dma_start3A_31 = arith.constant 0 : i32
    %dma_start3A_32 = tpu.memref_slice %arg7[%dma_start3A_23, %dma_start3A_24, %dma_start3A_25, %dma_start3A_31] : memref<3x15x1x40xi32, #tpu.memory_space<vmem>> -> memref<1x1x1x40xi32, #tpu.memory_space<vmem>>
    %dma_start3A_33 = tpu.memref_squeeze %dma_start3A_32 : memref<1x1x1x40xi32, #tpu.memory_space<vmem>> -> memref<40xi32, #tpu.memory_space<vmem>>
    %dma_start3A_34 = arith.constant 0 : i32
    %dma_start3A_35 = arith.constant 0 : i32
    %dma_start3A_36 = tpu.memref_slice %arg2[%dma_start3A_34, %dma_start3A_35] : memref<10000x128xf32, #tpu.memory_space<hbm>> -> memref<10000x128xf32, #tpu.memory_space<hbm>>
    tpu.enqueue_indirect_dma source(%dma_start3A_36 : memref<10000x128xf32, #tpu.memory_space<hbm>>) target(%dma_start3A_30 : memref<40x128xf32, #tpu.memory_space<vmem>>) offsets(%dma_start3A_33 : memref<40xi32, #tpu.memory_space<vmem>>) semaphore(%arg12 : memref<!tpu.dma_semaphore, #tpu.memory_space<semaphore_mem>>)
    %dma_start3A_37 = arith.constant 0 : i32
    %dma_start3A_38 = arith.constant 2 : i32
    %dma_start3A_39 = arith.constant 0 : i32
    %dma_start3A_40 = arith.constant 2 : i32
    %dma_start3A_41 = arith.constant 0 : i32
    %dma_start3A_42 = arith.constant 0 : i32
    %dma_start3A_43 = tpu.memref_slice %arg9[%dma_start3A_40, %dma_start3A_41, %dma_start3A_42] : memref<5x40x128xf32, #tpu.memory_space<vmem>> -> memref<1x40x128xf32, #tpu.memory_space<vmem>>
    %dma_start3A_44 = tpu.memref_squeeze %dma_start3A_43 : memref<1x40x128xf32, #tpu.memory_space<vmem>> -> memref<40x128xf32, #tpu.memory_space<vmem>>
    %dma_start3A_45 = arith.constant 0 : i32
    %dma_start3A_46 = tpu.memref_slice %arg7[%dma_start3A_37, %dma_start3A_38, %dma_start3A_39, %dma_start3A_45] : memref<3x15x1x40xi32, #tpu.memory_space<vmem>> -> memref<1x1x1x40xi32, #tpu.memory_space<vmem>>
    %dma_start3A_47 = tpu.memref_squeeze %dma_start3A_46 : memref<1x1x1x40xi32, #tpu.memory_space<vmem>> -> memref<40xi32, #tpu.memory_space<vmem>>
    %dma_start3A_48 = arith.constant 0 : i32
    %dma_start3A_49 = arith.constant 0 : i32
    %dma_start3A_50 = tpu.memref_slice %arg2[%dma_start3A_48, %dma_start3A_49] : memref<10000x128xf32, #tpu.memory_space<hbm>> -> memref<10000x128xf32, #tpu.memory_space<hbm>>
    tpu.enqueue_indirect_dma source(%dma_start3A_50 : memref<10000x128xf32, #tpu.memory_space<hbm>>) target(%dma_start3A_44 : memref<40x128xf32, #tpu.memory_space<vmem>>) offsets(%dma_start3A_47 : memref<40xi32, #tpu.memory_space<vmem>>) semaphore(%arg13 : memref<!tpu.dma_semaphore, #tpu.memory_space<semaphore_mem>>)
    %dma_start3A_51 = arith.constant 0 : i32
    %dma_start3A_52 = arith.constant 3 : i32
    %dma_start3A_53 = arith.constant 0 : i32
    %dma_start3A_54 = arith.constant 3 : i32
    %dma_start3A_55 = arith.constant 0 : i32
    %dma_start3A_56 = arith.constant 0 : i32
    %dma_start3A_57 = tpu.memref_slice %arg9[%dma_start3A_54, %dma_start3A_55, %dma_start3A_56] : memref<5x40x128xf32, #tpu.memory_space<vmem>> -> memref<1x40x128xf32, #tpu.memory_space<vmem>>
    %dma_start3A_58 = tpu.memref_squeeze %dma_start3A_57 : memref<1x40x128xf32, #tpu.memory_space<vmem>> -> memref<40x128xf32, #tpu.memory_space<vmem>>
    %dma_start3A_59 = arith.constant 0 : i32
    %dma_start3A_60 = tpu.memref_slice %arg7[%dma_start3A_51, %dma_start3A_52, %dma_start3A_53, %dma_start3A_59] : memref<3x15x1x40xi32, #tpu.memory_space<vmem>> -> memref<1x1x1x40xi32, #tpu.memory_space<vmem>>
    %dma_start3A_61 = tpu.memref_squeeze %dma_start3A_60 : memref<1x1x1x40xi32, #tpu.memory_space<vmem>> -> memref<40xi32, #tpu.memory_space<vmem>>
    %dma_start3A_62 = arith.constant 0 : i32
    %dma_start3A_63 = arith.constant 0 : i32
    %dma_start3A_64 = tpu.memref_slice %arg2[%dma_start3A_62, %dma_start3A_63] : memref<10000x128xf32, #tpu.memory_space<hbm>> -> memref<10000x128xf32, #tpu.memory_space<hbm>>
    tpu.enqueue_indirect_dma source(%dma_start3A_64 : memref<10000x128xf32, #tpu.memory_space<hbm>>) target(%dma_start3A_58 : memref<40x128xf32, #tpu.memory_space<vmem>>) offsets(%dma_start3A_61 : memref<40xi32, #tpu.memory_space<vmem>>) semaphore(%arg14 : memref<!tpu.dma_semaphore, #tpu.memory_space<semaphore_mem>>)
    %dma_start3A_65 = arith.constant 0 : i32
    %dma_start3A_66 = arith.constant 4 : i32
    %dma_start3A_67 = arith.constant 0 : i32
    %dma_start3A_68 = arith.constant 4 : i32
    %dma_start3A_69 = arith.constant 0 : i32
    %dma_start3A_70 = arith.constant 0 : i32
    %dma_start3A_71 = tpu.memref_slice %arg9[%dma_start3A_68, %dma_start3A_69, %dma_start3A_70] : memref<5x40x128xf32, #tpu.memory_space<vmem>> -> memref<1x40x128xf32, #tpu.memory_space<vmem>>
    %dma_start3A_72 = tpu.memref_squeeze %dma_start3A_71 : memref<1x40x128xf32, #tpu.memory_space<vmem>> -> memref<40x128xf32, #tpu.memory_space<vmem>>
    %dma_start3A_73 = arith.constant 0 : i32
    %dma_start3A_74 = tpu.memref_slice %arg7[%dma_start3A_65, %dma_start3A_66, %dma_start3A_67, %dma_start3A_73] : memref<3x15x1x40xi32, #tpu.memory_space<vmem>> -> memref<1x1x1x40xi32, #tpu.memory_space<vmem>>
    %dma_start3A_75 = tpu.memref_squeeze %dma_start3A_74 : memref<1x1x1x40xi32, #tpu.memory_space<vmem>> -> memref<40xi32, #tpu.memory_space<vmem>>
    %dma_start3A_76 = arith.constant 0 : i32
    %dma_start3A_77 = arith.constant 0 : i32
    %dma_start3A_78 = tpu.memref_slice %arg2[%dma_start3A_76, %dma_start3A_77] : memref<10000x128xf32, #tpu.memory_space<hbm>> -> memref<10000x128xf32, #tpu.memory_space<hbm>>
    tpu.enqueue_indirect_dma source(%dma_start3A_78 : memref<10000x128xf32, #tpu.memory_space<hbm>>) target(%dma_start3A_72 : memref<40x128xf32, #tpu.memory_space<vmem>>) offsets(%dma_start3A_75 : memref<40xi32, #tpu.memory_space<vmem>>) semaphore(%arg15 : memref<!tpu.dma_semaphore, #tpu.memory_space<semaphore_mem>>)
    %scan3A = arith.constant 0 : i32
    %scan3A_79 = arith.constant 0 : i32
    %scan3A_80 = arith.constant 1 : i32
    %scan3A_81 = arith.constant 2 : i32
    %scan3A_82 = arith.constant 3 : i32
    %scan3A_83 = arith.constant 4 : i32
    %scan3A_84 = arith.constant 0 : i32
    %scan3A_85 = arith.constant 25 : i32
    %scan3A_86 = arith.addi %scan3A_84, %scan3A_85 : i32
    %scan3A_87 = arith.constant 1 : i32
    scf.for %scan3A_207 = %scan3A_84 to %scan3A_86 step %scan3A_87  : i32 {
      %rem3A = arith.constant 3 : i32
      %rem3A_208 = arith.remsi %scan3A_207, %rem3A : i32
      %rem3A_209 = arith.constant 2 : i32
      %rem3A_210 = arith.remsi %scan3A_207, %rem3A_209 : i32
      %add3A_211 = arith.constant 1 : i32
      %add3A_212 = arith.addi %scan3A_207, %add3A_211 : i32
      %rem3A_213 = arith.constant 3 : i32
      %rem3A_214 = arith.remsi %add3A_212, %rem3A_213 : i32
      %add3A_215 = arith.constant 1 : i32
      %add3A_216 = arith.addi %scan3A_207, %add3A_215 : i32
      %rem3A_217 = arith.constant 2 : i32
      %rem3A_218 = arith.remsi %add3A_216, %rem3A_217 : i32
      %mul3A_219 = arith.constant 250 : i32
      %mul3A_220 = arith.muli %add3A, %mul3A_219 : i32
      %mul3A_221 = arith.constant 10 : i32
      %mul3A_222 = arith.muli %scan3A_207, %mul3A_221 : i32
      %add3A_223 = arith.addi %mul3A_220, %mul3A_222 : i32
      %gt3A = arith.constant 0 : i32
      %gt3A_224 = arith.cmpi sgt, %scan3A_207, %gt3A : i32
      %convert_element_type3A_225 = arith.extui %gt3A_224 : i1 to i32
      %cond3A_226 = arith.constant 0 : i32
      %cond3A_227 = arith.cmpi ne, %convert_element_type3A_225, %cond3A_226 : i32
      scf.if %cond3A_227 {
        %dma_wait3A_270 = arith.constant 0 : i32
        %dma_wait3A_271 = arith.constant 0 : i32
        %dma_wait3A_272 = arith.constant 0 : i32
        %dma_wait3A_273 = tpu.memref_slice %arg7[%rem3A_208, %dma_wait3A_270, %dma_wait3A_271, %dma_wait3A_272] : memref<3x15x1x40xi32, #tpu.memory_space<vmem>> -> memref<1x15x1x40xi32, #tpu.memory_space<vmem>>
        %dma_wait3A_274 = tpu.memref_squeeze %dma_wait3A_273 : memref<1x15x1x40xi32, #tpu.memory_space<vmem>> -> memref<15x1x40xi32, #tpu.memory_space<vmem>>
        %dma_wait3A_275 = arith.constant 0 : i32
        %dma_wait3A_276 = arith.constant 0 : i32
        %dma_wait3A_277 = tpu.memref_slice %arg3[%add3A_223, %dma_wait3A_275, %dma_wait3A_276] : memref<8016x1x40xi32, #tpu.memory_space<hbm>> -> memref<15x1x40xi32, #tpu.memory_space<hbm>>
        %dma_wait3A_278 = arith.constant 0 : i32
        %dma_wait3A_279 = arith.constant 0 : i32
        %dma_wait3A_280 = arith.constant 0 : i32
        %dma_wait3A_281 = tpu.memref_slice %arg7[%rem3A_208, %dma_wait3A_278, %dma_wait3A_279, %dma_wait3A_280] : memref<3x15x1x40xi32, #tpu.memory_space<vmem>> -> memref<1x15x1x40xi32, #tpu.memory_space<vmem>>
        %dma_wait3A_282 = tpu.memref_squeeze %dma_wait3A_281 : memref<1x15x1x40xi32, #tpu.memory_space<vmem>> -> memref<15x1x40xi32, #tpu.memory_space<vmem>>
        %dma_wait3A_283 = arith.constant 0 : i32
        %dma_wait3A_284 = arith.constant 0 : i32
        %dma_wait3A_285 = tpu.memref_slice %arg3[%add3A_223, %dma_wait3A_283, %dma_wait3A_284] : memref<8016x1x40xi32, #tpu.memory_space<hbm>> -> memref<15x1x40xi32, #tpu.memory_space<hbm>>
        tpu.wait_dma2 semaphore(%arg17 : memref<!tpu.dma_semaphore, #tpu.memory_space<semaphore_mem>>) src(%dma_wait3A_285 : memref<15x1x40xi32, #tpu.memory_space<hbm>>) dst(%dma_wait3A_282 : memref<15x1x40xi32, #tpu.memory_space<vmem>>)
        %dma_wait3A_286 = arith.constant 0 : i32
        %dma_wait3A_287 = arith.constant 0 : i32
        %dma_wait3A_288 = arith.constant 0 : i32
        %dma_wait3A_289 = tpu.memref_slice %arg8[%rem3A_210, %dma_wait3A_286, %dma_wait3A_287, %dma_wait3A_288] : memref<2x10x1x40xi32, #tpu.memory_space<vmem>> -> memref<1x10x1x40xi32, #tpu.memory_space<vmem>>
        %dma_wait3A_290 = tpu.memref_squeeze %dma_wait3A_289 : memref<1x10x1x40xi32, #tpu.memory_space<vmem>> -> memref<10x1x40xi32, #tpu.memory_space<vmem>>
        %dma_wait3A_291 = arith.constant 0 : i32
        %dma_wait3A_292 = arith.constant 0 : i32
        %dma_wait3A_293 = tpu.memref_slice %arg4[%add3A_223, %dma_wait3A_291, %dma_wait3A_292] : memref<8016x1x40xi32, #tpu.memory_space<hbm>> -> memref<10x1x40xi32, #tpu.memory_space<hbm>>
        %dma_wait3A_294 = arith.constant 0 : i32
        %dma_wait3A_295 = arith.constant 0 : i32
        %dma_wait3A_296 = arith.constant 0 : i32
        %dma_wait3A_297 = tpu.memref_slice %arg8[%rem3A_210, %dma_wait3A_294, %dma_wait3A_295, %dma_wait3A_296] : memref<2x10x1x40xi32, #tpu.memory_space<vmem>> -> memref<1x10x1x40xi32, #tpu.memory_space<vmem>>
        %dma_wait3A_298 = tpu.memref_squeeze %dma_wait3A_297 : memref<1x10x1x40xi32, #tpu.memory_space<vmem>> -> memref<10x1x40xi32, #tpu.memory_space<vmem>>
        %dma_wait3A_299 = arith.constant 0 : i32
        %dma_wait3A_300 = arith.constant 0 : i32
        %dma_wait3A_301 = tpu.memref_slice %arg4[%add3A_223, %dma_wait3A_299, %dma_wait3A_300] : memref<8016x1x40xi32, #tpu.memory_space<hbm>> -> memref<10x1x40xi32, #tpu.memory_space<hbm>>
        tpu.wait_dma2 semaphore(%arg17 : memref<!tpu.dma_semaphore, #tpu.memory_space<semaphore_mem>>) src(%dma_wait3A_301 : memref<10x1x40xi32, #tpu.memory_space<hbm>>) dst(%dma_wait3A_298 : memref<10x1x40xi32, #tpu.memory_space<vmem>>)
      } else {
      }
      %add3A_228 = arith.constant 10 : i32
      %add3A_229 = arith.addi %add3A_223, %add3A_228 : i32
      %dma_start3A_230 = arith.constant 0 : i32
      %dma_start3A_231 = arith.constant 0 : i32
      %dma_start3A_232 = arith.constant 0 : i32
      %dma_start3A_233 = tpu.memref_slice %arg7[%rem3A_214, %dma_start3A_230, %dma_start3A_231, %dma_start3A_232] : memref<3x15x1x40xi32, #tpu.memory_space<vmem>> -> memref<1x15x1x40xi32, #tpu.memory_space<vmem>>
      %dma_start3A_234 = tpu.memref_squeeze %dma_start3A_233 : memref<1x15x1x40xi32, #tpu.memory_space<vmem>> -> memref<15x1x40xi32, #tpu.memory_space<vmem>>
      %dma_start3A_235 = arith.constant 0 : i32
      %dma_start3A_236 = arith.constant 0 : i32
      %dma_start3A_237 = tpu.memref_slice %arg3[%add3A_229, %dma_start3A_235, %dma_start3A_236] : memref<8016x1x40xi32, #tpu.memory_space<hbm>> -> memref<15x1x40xi32, #tpu.memory_space<hbm>>
      %dma_start3A_238 = arith.constant 0 : i32
      %dma_start3A_239 = arith.constant 0 : i32
      %dma_start3A_240 = arith.constant 0 : i32
      %dma_start3A_241 = tpu.memref_slice %arg7[%rem3A_214, %dma_start3A_238, %dma_start3A_239, %dma_start3A_240] : memref<3x15x1x40xi32, #tpu.memory_space<vmem>> -> memref<1x15x1x40xi32, #tpu.memory_space<vmem>>
      %dma_start3A_242 = tpu.memref_squeeze %dma_start3A_241 : memref<1x15x1x40xi32, #tpu.memory_space<vmem>> -> memref<15x1x40xi32, #tpu.memory_space<vmem>>
      %dma_start3A_243 = arith.constant 0 : i32
      %dma_start3A_244 = arith.constant 0 : i32
      %dma_start3A_245 = tpu.memref_slice %arg3[%add3A_229, %dma_start3A_243, %dma_start3A_244] : memref<8016x1x40xi32, #tpu.memory_space<hbm>> -> memref<15x1x40xi32, #tpu.memory_space<hbm>>
      tpu.enqueue_dma source(%dma_start3A_245 : memref<15x1x40xi32, #tpu.memory_space<hbm>>) target(%dma_start3A_242 : memref<15x1x40xi32, #tpu.memory_space<vmem>>) target_semaphore(%arg17 : memref<!tpu.dma_semaphore, #tpu.memory_space<semaphore_mem>>)
      %add3A_246 = arith.constant 10 : i32
      %add3A_247 = arith.addi %add3A_223, %add3A_246 : i32
      %dma_start3A_248 = arith.constant 0 : i32
      %dma_start3A_249 = arith.constant 0 : i32
      %dma_start3A_250 = arith.constant 0 : i32
      %dma_start3A_251 = tpu.memref_slice %arg8[%rem3A_218, %dma_start3A_248, %dma_start3A_249, %dma_start3A_250] : memref<2x10x1x40xi32, #tpu.memory_space<vmem>> -> memref<1x10x1x40xi32, #tpu.memory_space<vmem>>
      %dma_start3A_252 = tpu.memref_squeeze %dma_start3A_251 : memref<1x10x1x40xi32, #tpu.memory_space<vmem>> -> memref<10x1x40xi32, #tpu.memory_space<vmem>>
      %dma_start3A_253 = arith.constant 0 : i32
      %dma_start3A_254 = arith.constant 0 : i32
      %dma_start3A_255 = tpu.memref_slice %arg4[%add3A_247, %dma_start3A_253, %dma_start3A_254] : memref<8016x1x40xi32, #tpu.memory_space<hbm>> -> memref<10x1x40xi32, #tpu.memory_space<hbm>>
      %dma_start3A_256 = arith.constant 0 : i32
      %dma_start3A_257 = arith.constant 0 : i32
      %dma_start3A_258 = arith.constant 0 : i32
      %dma_start3A_259 = tpu.memref_slice %arg8[%rem3A_218, %dma_start3A_256, %dma_start3A_257, %dma_start3A_258] : memref<2x10x1x40xi32, #tpu.memory_space<vmem>> -> memref<1x10x1x40xi32, #tpu.memory_space<vmem>>
      %dma_start3A_260 = tpu.memref_squeeze %dma_start3A_259 : memref<1x10x1x40xi32, #tpu.memory_space<vmem>> -> memref<10x1x40xi32, #tpu.memory_space<vmem>>
      %dma_start3A_261 = arith.constant 0 : i32
      %dma_start3A_262 = arith.constant 0 : i32
      %dma_start3A_263 = tpu.memref_slice %arg4[%add3A_247, %dma_start3A_261, %dma_start3A_262] : memref<8016x1x40xi32, #tpu.memory_space<hbm>> -> memref<10x1x40xi32, #tpu.memory_space<hbm>>
      tpu.enqueue_dma source(%dma_start3A_263 : memref<10x1x40xi32, #tpu.memory_space<hbm>>) target(%dma_start3A_260 : memref<10x1x40xi32, #tpu.memory_space<vmem>>) target_semaphore(%arg17 : memref<!tpu.dma_semaphore, #tpu.memory_space<semaphore_mem>>)
      %scan3A_264 = arith.constant 0 : i32
      %scan3A_265 = arith.constant 0 : i32
      %scan3A_266 = arith.constant 2 : i32
      %scan3A_267 = arith.addi %scan3A_265, %scan3A_266 : i32
      %scan3A_268 = arith.constant 1 : i32
      scf.for %scan3A_270 = %scan3A_265 to %scan3A_267 step %scan3A_268  : i32 {
        %mul3A_271 = arith.constant 5 : i32
        %mul3A_272 = arith.muli %mul3A_271, %scan3A_270 : i32
        %add3A_273 = arith.constant 0 : i32
        %add3A_274 = arith.addi %mul3A_272, %add3A_273 : i32
        %dma_wait3A_275 = arith.constant 0 : i32
        %dma_wait3A_276 = arith.constant 0 : i32
        %dma_wait3A_277 = arith.constant 0 : i32
        %dma_wait3A_278 = tpu.memref_slice %arg9[%scan3A_79, %dma_wait3A_276, %dma_wait3A_277] : memref<5x40x128xf32, #tpu.memory_space<vmem>> -> memref<1x40x128xf32, #tpu.memory_space<vmem>>
        %dma_wait3A_279 = tpu.memref_squeeze %dma_wait3A_278 : memref<1x40x128xf32, #tpu.memory_space<vmem>> -> memref<40x128xf32, #tpu.memory_space<vmem>>
        %dma_wait3A_280 = arith.constant 0 : i32
        %dma_wait3A_281 = tpu.memref_slice %arg7[%rem3A_208, %add3A_274, %dma_wait3A_275, %dma_wait3A_280] : memref<3x15x1x40xi32, #tpu.memory_space<vmem>> -> memref<1x1x1x40xi32, #tpu.memory_space<vmem>>
        %dma_wait3A_282 = tpu.memref_squeeze %dma_wait3A_281 : memref<1x1x1x40xi32, #tpu.memory_space<vmem>> -> memref<40xi32, #tpu.memory_space<vmem>>
        %dma_wait3A_283 = arith.constant 0 : i32
        %dma_wait3A_284 = arith.constant 0 : i32
        %dma_wait3A_285 = tpu.memref_slice %arg2[%dma_wait3A_283, %dma_wait3A_284] : memref<10000x128xf32, #tpu.memory_space<hbm>> -> memref<10000x128xf32, #tpu.memory_space<hbm>>
        tpu.wait_indirect_dma semaphore(%arg11 : memref<!tpu.dma_semaphore, #tpu.memory_space<semaphore_mem>>) src(%dma_wait3A_285 : memref<10000x128xf32, #tpu.memory_space<hbm>>) dst(%dma_wait3A_279 : memref<40x128xf32, #tpu.memory_space<vmem>>)
        %dma_start3A_286 = arith.constant 0 : i32
        %dma_start3A_287 = arith.constant 0 : i32
        %dma_start3A_288 = arith.constant 0 : i32
        %dma_start3A_289 = tpu.memref_slice %arg9[%scan3A_79, %dma_start3A_287, %dma_start3A_288] : memref<5x40x128xf32, #tpu.memory_space<vmem>> -> memref<1x40x128xf32, #tpu.memory_space<vmem>>
        %dma_start3A_290 = tpu.memref_squeeze %dma_start3A_289 : memref<1x40x128xf32, #tpu.memory_space<vmem>> -> memref<40x128xf32, #tpu.memory_space<vmem>>
        %dma_start3A_291 = arith.constant 0 : i32
        %dma_start3A_292 = tpu.memref_slice %arg8[%rem3A_210, %add3A_274, %dma_start3A_286, %dma_start3A_291] : memref<2x10x1x40xi32, #tpu.memory_space<vmem>> -> memref<1x1x1x40xi32, #tpu.memory_space<vmem>>
        %dma_start3A_293 = tpu.memref_squeeze %dma_start3A_292 : memref<1x1x1x40xi32, #tpu.memory_space<vmem>> -> memref<40xi32, #tpu.memory_space<vmem>>
        %dma_start3A_294 = arith.constant 0 : i32
        %dma_start3A_295 = arith.constant 0 : i32
        %dma_start3A_296 = tpu.memref_slice %arg10[%dma_start3A_294, %dma_start3A_295] : memref<10000x128xf32, #tpu.memory_space<vmem_shared>> -> memref<10000x128xf32, #tpu.memory_space<vmem_shared>>
        tpu.enqueue_indirect_dma source(%dma_start3A_290 : memref<40x128xf32, #tpu.memory_space<vmem>>) target(%dma_start3A_296 : memref<10000x128xf32, #tpu.memory_space<vmem_shared>>) offsets(%dma_start3A_293 : memref<40xi32, #tpu.memory_space<vmem>>) semaphore(%arg16 : memref<!tpu.dma_semaphore, #tpu.memory_space<semaphore_mem>>) {add = true}
        %dma_wait3A_297 = arith.constant 0 : i32
        %dma_wait3A_298 = arith.constant 0 : i32
        %dma_wait3A_299 = arith.constant 0 : i32
        %dma_wait3A_300 = tpu.memref_slice %arg9[%scan3A_79, %dma_wait3A_298, %dma_wait3A_299] : memref<5x40x128xf32, #tpu.memory_space<vmem>> -> memref<1x40x128xf32, #tpu.memory_space<vmem>>
        %dma_wait3A_301 = tpu.memref_squeeze %dma_wait3A_300 : memref<1x40x128xf32, #tpu.memory_space<vmem>> -> memref<40x128xf32, #tpu.memory_space<vmem>>
        %dma_wait3A_302 = arith.constant 0 : i32
        %dma_wait3A_303 = tpu.memref_slice %arg8[%rem3A_210, %add3A_274, %dma_wait3A_297, %dma_wait3A_302] : memref<2x10x1x40xi32, #tpu.memory_space<vmem>> -> memref<1x1x1x40xi32, #tpu.memory_space<vmem>>
        %dma_wait3A_304 = tpu.memref_squeeze %dma_wait3A_303 : memref<1x1x1x40xi32, #tpu.memory_space<vmem>> -> memref<40xi32, #tpu.memory_space<vmem>>
        %dma_wait3A_305 = arith.constant 0 : i32
        %dma_wait3A_306 = arith.constant 0 : i32
        %dma_wait3A_307 = tpu.memref_slice %arg10[%dma_wait3A_305, %dma_wait3A_306] : memref<10000x128xf32, #tpu.memory_space<vmem_shared>> -> memref<10000x128xf32, #tpu.memory_space<vmem_shared>>
        tpu.wait_indirect_dma semaphore(%arg16 : memref<!tpu.dma_semaphore, #tpu.memory_space<semaphore_mem>>) src(%dma_wait3A_301 : memref<40x128xf32, #tpu.memory_space<vmem>>) dst(%dma_wait3A_307 : memref<10000x128xf32, #tpu.memory_space<vmem_shared>>)
        %add3A_308 = arith.constant 5 : i32
        %add3A_309 = arith.addi %add3A_274, %add3A_308 : i32
        %dma_start3A_310 = arith.constant 0 : i32
        %dma_start3A_311 = arith.constant 0 : i32
        %dma_start3A_312 = arith.constant 0 : i32
        %dma_start3A_313 = tpu.memref_slice %arg9[%scan3A_79, %dma_start3A_311, %dma_start3A_312] : memref<5x40x128xf32, #tpu.memory_space<vmem>> -> memref<1x40x128xf32, #tpu.memory_space<vmem>>
        %dma_start3A_314 = tpu.memref_squeeze %dma_start3A_313 : memref<1x40x128xf32, #tpu.memory_space<vmem>> -> memref<40x128xf32, #tpu.memory_space<vmem>>
        %dma_start3A_315 = arith.constant 0 : i32
        %dma_start3A_316 = tpu.memref_slice %arg7[%rem3A_208, %add3A_309, %dma_start3A_310, %dma_start3A_315] : memref<3x15x1x40xi32, #tpu.memory_space<vmem>> -> memref<1x1x1x40xi32, #tpu.memory_space<vmem>>
        %dma_start3A_317 = tpu.memref_squeeze %dma_start3A_316 : memref<1x1x1x40xi32, #tpu.memory_space<vmem>> -> memref<40xi32, #tpu.memory_space<vmem>>
        %dma_start3A_318 = arith.constant 0 : i32
        %dma_start3A_319 = arith.constant 0 : i32
        %dma_start3A_320 = tpu.memref_slice %arg2[%dma_start3A_318, %dma_start3A_319] : memref<10000x128xf32, #tpu.memory_space<hbm>> -> memref<10000x128xf32, #tpu.memory_space<hbm>>
        tpu.enqueue_indirect_dma source(%dma_start3A_320 : memref<10000x128xf32, #tpu.memory_space<hbm>>) target(%dma_start3A_314 : memref<40x128xf32, #tpu.memory_space<vmem>>) offsets(%dma_start3A_317 : memref<40xi32, #tpu.memory_space<vmem>>) semaphore(%arg11 : memref<!tpu.dma_semaphore, #tpu.memory_space<semaphore_mem>>)
        %add3A_321 = arith.constant 1 : i32
        %add3A_322 = arith.addi %mul3A_272, %add3A_321 : i32
        %dma_wait3A_323 = arith.constant 0 : i32
        %dma_wait3A_324 = arith.constant 0 : i32
        %dma_wait3A_325 = arith.constant 0 : i32
        %dma_wait3A_326 = tpu.memref_slice %arg9[%scan3A_80, %dma_wait3A_324, %dma_wait3A_325] : memref<5x40x128xf32, #tpu.memory_space<vmem>> -> memref<1x40x128xf32, #tpu.memory_space<vmem>>
        %dma_wait3A_327 = tpu.memref_squeeze %dma_wait3A_326 : memref<1x40x128xf32, #tpu.memory_space<vmem>> -> memref<40x128xf32, #tpu.memory_space<vmem>>
        %dma_wait3A_328 = arith.constant 0 : i32
        %dma_wait3A_329 = tpu.memref_slice %arg7[%rem3A_208, %add3A_322, %dma_wait3A_323, %dma_wait3A_328] : memref<3x15x1x40xi32, #tpu.memory_space<vmem>> -> memref<1x1x1x40xi32, #tpu.memory_space<vmem>>
        %dma_wait3A_330 = tpu.memref_squeeze %dma_wait3A_329 : memref<1x1x1x40xi32, #tpu.memory_space<vmem>> -> memref<40xi32, #tpu.memory_space<vmem>>
        %dma_wait3A_331 = arith.constant 0 : i32
        %dma_wait3A_332 = arith.constant 0 : i32
        %dma_wait3A_333 = tpu.memref_slice %arg2[%dma_wait3A_331, %dma_wait3A_332] : memref<10000x128xf32, #tpu.memory_space<hbm>> -> memref<10000x128xf32, #tpu.memory_space<hbm>>
        tpu.wait_indirect_dma semaphore(%arg12 : memref<!tpu.dma_semaphore, #tpu.memory_space<semaphore_mem>>) src(%dma_wait3A_333 : memref<10000x128xf32, #tpu.memory_space<hbm>>) dst(%dma_wait3A_327 : memref<40x128xf32, #tpu.memory_space<vmem>>)
        %dma_start3A_334 = arith.constant 0 : i32
        %dma_start3A_335 = arith.constant 0 : i32
        %dma_start3A_336 = arith.constant 0 : i32
        %dma_start3A_337 = tpu.memref_slice %arg9[%scan3A_80, %dma_start3A_335, %dma_start3A_336] : memref<5x40x128xf32, #tpu.memory_space<vmem>> -> memref<1x40x128xf32, #tpu.memory_space<vmem>>
        %dma_start3A_338 = tpu.memref_squeeze %dma_start3A_337 : memref<1x40x128xf32, #tpu.memory_space<vmem>> -> memref<40x128xf32, #tpu.memory_space<vmem>>
        %dma_start3A_339 = arith.constant 0 : i32
        %dma_start3A_340 = tpu.memref_slice %arg8[%rem3A_210, %add3A_322, %dma_start3A_334, %dma_start3A_339] : memref<2x10x1x40xi32, #tpu.memory_space<vmem>> -> memref<1x1x1x40xi32, #tpu.memory_space<vmem>>
        %dma_start3A_341 = tpu.memref_squeeze %dma_start3A_340 : memref<1x1x1x40xi32, #tpu.memory_space<vmem>> -> memref<40xi32, #tpu.memory_space<vmem>>
        %dma_start3A_342 = arith.constant 0 : i32
        %dma_start3A_343 = arith.constant 0 : i32
        %dma_start3A_344 = tpu.memref_slice %arg10[%dma_start3A_342, %dma_start3A_343] : memref<10000x128xf32, #tpu.memory_space<vmem_shared>> -> memref<10000x128xf32, #tpu.memory_space<vmem_shared>>
        tpu.enqueue_indirect_dma source(%dma_start3A_338 : memref<40x128xf32, #tpu.memory_space<vmem>>) target(%dma_start3A_344 : memref<10000x128xf32, #tpu.memory_space<vmem_shared>>) offsets(%dma_start3A_341 : memref<40xi32, #tpu.memory_space<vmem>>) semaphore(%arg16 : memref<!tpu.dma_semaphore, #tpu.memory_space<semaphore_mem>>) {add = true}
        %dma_wait3A_345 = arith.constant 0 : i32
        %dma_wait3A_346 = arith.constant 0 : i32
        %dma_wait3A_347 = arith.constant 0 : i32
        %dma_wait3A_348 = tpu.memref_slice %arg9[%scan3A_80, %dma_wait3A_346, %dma_wait3A_347] : memref<5x40x128xf32, #tpu.memory_space<vmem>> -> memref<1x40x128xf32, #tpu.memory_space<vmem>>
        %dma_wait3A_349 = tpu.memref_squeeze %dma_wait3A_348 : memref<1x40x128xf32, #tpu.memory_space<vmem>> -> memref<40x128xf32, #tpu.memory_space<vmem>>
        %dma_wait3A_350 = arith.constant 0 : i32
        %dma_wait3A_351 = tpu.memref_slice %arg8[%rem3A_210, %add3A_322, %dma_wait3A_345, %dma_wait3A_350] : memref<2x10x1x40xi32, #tpu.memory_space<vmem>> -> memref<1x1x1x40xi32, #tpu.memory_space<vmem>>
        %dma_wait3A_352 = tpu.memref_squeeze %dma_wait3A_351 : memref<1x1x1x40xi32, #tpu.memory_space<vmem>> -> memref<40xi32, #tpu.memory_space<vmem>>
        %dma_wait3A_353 = arith.constant 0 : i32
        %dma_wait3A_354 = arith.constant 0 : i32
        %dma_wait3A_355 = tpu.memref_slice %arg10[%dma_wait3A_353, %dma_wait3A_354] : memref<10000x128xf32, #tpu.memory_space<vmem_shared>> -> memref<10000x128xf32, #tpu.memory_space<vmem_shared>>
        tpu.wait_indirect_dma semaphore(%arg16 : memref<!tpu.dma_semaphore, #tpu.memory_space<semaphore_mem>>) src(%dma_wait3A_349 : memref<40x128xf32, #tpu.memory_space<vmem>>) dst(%dma_wait3A_355 : memref<10000x128xf32, #tpu.memory_space<vmem_shared>>)
        %add3A_356 = arith.constant 5 : i32
        %add3A_357 = arith.addi %add3A_322, %add3A_356 : i32
        %dma_start3A_358 = arith.constant 0 : i32
        %dma_start3A_359 = arith.constant 0 : i32
        %dma_start3A_360 = arith.constant 0 : i32
        %dma_start3A_361 = tpu.memref_slice %arg9[%scan3A_80, %dma_start3A_359, %dma_start3A_360] : memref<5x40x128xf32, #tpu.memory_space<vmem>> -> memref<1x40x128xf32, #tpu.memory_space<vmem>>
        %dma_start3A_362 = tpu.memref_squeeze %dma_start3A_361 : memref<1x40x128xf32, #tpu.memory_space<vmem>> -> memref<40x128xf32, #tpu.memory_space<vmem>>
        %dma_start3A_363 = arith.constant 0 : i32
        %dma_start3A_364 = tpu.memref_slice %arg7[%rem3A_208, %add3A_357, %dma_start3A_358, %dma_start3A_363] : memref<3x15x1x40xi32, #tpu.memory_space<vmem>> -> memref<1x1x1x40xi32, #tpu.memory_space<vmem>>
        %dma_start3A_365 = tpu.memref_squeeze %dma_start3A_364 : memref<1x1x1x40xi32, #tpu.memory_space<vmem>> -> memref<40xi32, #tpu.memory_space<vmem>>
        %dma_start3A_366 = arith.constant 0 : i32
        %dma_start3A_367 = arith.constant 0 : i32
        %dma_start3A_368 = tpu.memref_slice %arg2[%dma_start3A_366, %dma_start3A_367] : memref<10000x128xf32, #tpu.memory_space<hbm>> -> memref<10000x128xf32, #tpu.memory_space<hbm>>
        tpu.enqueue_indirect_dma source(%dma_start3A_368 : memref<10000x128xf32, #tpu.memory_space<hbm>>) target(%dma_start3A_362 : memref<40x128xf32, #tpu.memory_space<vmem>>) offsets(%dma_start3A_365 : memref<40xi32, #tpu.memory_space<vmem>>) semaphore(%arg12 : memref<!tpu.dma_semaphore, #tpu.memory_space<semaphore_mem>>)
        %add3A_369 = arith.constant 2 : i32
        %add3A_370 = arith.addi %mul3A_272, %add3A_369 : i32
        %dma_wait3A_371 = arith.constant 0 : i32
        %dma_wait3A_372 = arith.constant 0 : i32
        %dma_wait3A_373 = arith.constant 0 : i32
        %dma_wait3A_374 = tpu.memref_slice %arg9[%scan3A_81, %dma_wait3A_372, %dma_wait3A_373] : memref<5x40x128xf32, #tpu.memory_space<vmem>> -> memref<1x40x128xf32, #tpu.memory_space<vmem>>
        %dma_wait3A_375 = tpu.memref_squeeze %dma_wait3A_374 : memref<1x40x128xf32, #tpu.memory_space<vmem>> -> memref<40x128xf32, #tpu.memory_space<vmem>>
        %dma_wait3A_376 = arith.constant 0 : i32
        %dma_wait3A_377 = tpu.memref_slice %arg7[%rem3A_208, %add3A_370, %dma_wait3A_371, %dma_wait3A_376] : memref<3x15x1x40xi32, #tpu.memory_space<vmem>> -> memref<1x1x1x40xi32, #tpu.memory_space<vmem>>
        %dma_wait3A_378 = tpu.memref_squeeze %dma_wait3A_377 : memref<1x1x1x40xi32, #tpu.memory_space<vmem>> -> memref<40xi32, #tpu.memory_space<vmem>>
        %dma_wait3A_379 = arith.constant 0 : i32
        %dma_wait3A_380 = arith.constant 0 : i32
        %dma_wait3A_381 = tpu.memref_slice %arg2[%dma_wait3A_379, %dma_wait3A_380] : memref<10000x128xf32, #tpu.memory_space<hbm>> -> memref<10000x128xf32, #tpu.memory_space<hbm>>
        tpu.wait_indirect_dma semaphore(%arg13 : memref<!tpu.dma_semaphore, #tpu.memory_space<semaphore_mem>>) src(%dma_wait3A_381 : memref<10000x128xf32, #tpu.memory_space<hbm>>) dst(%dma_wait3A_375 : memref<40x128xf32, #tpu.memory_space<vmem>>)
        %dma_start3A_382 = arith.constant 0 : i32
        %dma_start3A_383 = arith.constant 0 : i32
        %dma_start3A_384 = arith.constant 0 : i32
        %dma_start3A_385 = tpu.memref_slice %arg9[%scan3A_81, %dma_start3A_383, %dma_start3A_384] : memref<5x40x128xf32, #tpu.memory_space<vmem>> -> memref<1x40x128xf32, #tpu.memory_space<vmem>>
        %dma_start3A_386 = tpu.memref_squeeze %dma_start3A_385 : memref<1x40x128xf32, #tpu.memory_space<vmem>> -> memref<40x128xf32, #tpu.memory_space<vmem>>
        %dma_start3A_387 = arith.constant 0 : i32
        %dma_start3A_388 = tpu.memref_slice %arg8[%rem3A_210, %add3A_370, %dma_start3A_382, %dma_start3A_387] : memref<2x10x1x40xi32, #tpu.memory_space<vmem>> -> memref<1x1x1x40xi32, #tpu.memory_space<vmem>>
        %dma_start3A_389 = tpu.memref_squeeze %dma_start3A_388 : memref<1x1x1x40xi32, #tpu.memory_space<vmem>> -> memref<40xi32, #tpu.memory_space<vmem>>
        %dma_start3A_390 = arith.constant 0 : i32
        %dma_start3A_391 = arith.constant 0 : i32
        %dma_start3A_392 = tpu.memref_slice %arg10[%dma_start3A_390, %dma_start3A_391] : memref<10000x128xf32, #tpu.memory_space<vmem_shared>> -> memref<10000x128xf32, #tpu.memory_space<vmem_shared>>
        tpu.enqueue_indirect_dma source(%dma_start3A_386 : memref<40x128xf32, #tpu.memory_space<vmem>>) target(%dma_start3A_392 : memref<10000x128xf32, #tpu.memory_space<vmem_shared>>) offsets(%dma_start3A_389 : memref<40xi32, #tpu.memory_space<vmem>>) semaphore(%arg16 : memref<!tpu.dma_semaphore, #tpu.memory_space<semaphore_mem>>) {add = true}
        %dma_wait3A_393 = arith.constant 0 : i32
        %dma_wait3A_394 = arith.constant 0 : i32
        %dma_wait3A_395 = arith.constant 0 : i32
        %dma_wait3A_396 = tpu.memref_slice %arg9[%scan3A_81, %dma_wait3A_394, %dma_wait3A_395] : memref<5x40x128xf32, #tpu.memory_space<vmem>> -> memref<1x40x128xf32, #tpu.memory_space<vmem>>
        %dma_wait3A_397 = tpu.memref_squeeze %dma_wait3A_396 : memref<1x40x128xf32, #tpu.memory_space<vmem>> -> memref<40x128xf32, #tpu.memory_space<vmem>>
        %dma_wait3A_398 = arith.constant 0 : i32
        %dma_wait3A_399 = tpu.memref_slice %arg8[%rem3A_210, %add3A_370, %dma_wait3A_393, %dma_wait3A_398] : memref<2x10x1x40xi32, #tpu.memory_space<vmem>> -> memref<1x1x1x40xi32, #tpu.memory_space<vmem>>
        %dma_wait3A_400 = tpu.memref_squeeze %dma_wait3A_399 : memref<1x1x1x40xi32, #tpu.memory_space<vmem>> -> memref<40xi32, #tpu.memory_space<vmem>>
        %dma_wait3A_401 = arith.constant 0 : i32
        %dma_wait3A_402 = arith.constant 0 : i32
        %dma_wait3A_403 = tpu.memref_slice %arg10[%dma_wait3A_401, %dma_wait3A_402] : memref<10000x128xf32, #tpu.memory_space<vmem_shared>> -> memref<10000x128xf32, #tpu.memory_space<vmem_shared>>
        tpu.wait_indirect_dma semaphore(%arg16 : memref<!tpu.dma_semaphore, #tpu.memory_space<semaphore_mem>>) src(%dma_wait3A_397 : memref<40x128xf32, #tpu.memory_space<vmem>>) dst(%dma_wait3A_403 : memref<10000x128xf32, #tpu.memory_space<vmem_shared>>)
        %add3A_404 = arith.constant 5 : i32
        %add3A_405 = arith.addi %add3A_370, %add3A_404 : i32
        %dma_start3A_406 = arith.constant 0 : i32
        %dma_start3A_407 = arith.constant 0 : i32
        %dma_start3A_408 = arith.constant 0 : i32
        %dma_start3A_409 = tpu.memref_slice %arg9[%scan3A_81, %dma_start3A_407, %dma_start3A_408] : memref<5x40x128xf32, #tpu.memory_space<vmem>> -> memref<1x40x128xf32, #tpu.memory_space<vmem>>
        %dma_start3A_410 = tpu.memref_squeeze %dma_start3A_409 : memref<1x40x128xf32, #tpu.memory_space<vmem>> -> memref<40x128xf32, #tpu.memory_space<vmem>>
        %dma_start3A_411 = arith.constant 0 : i32
        %dma_start3A_412 = tpu.memref_slice %arg7[%rem3A_208, %add3A_405, %dma_start3A_406, %dma_start3A_411] : memref<3x15x1x40xi32, #tpu.memory_space<vmem>> -> memref<1x1x1x40xi32, #tpu.memory_space<vmem>>
        %dma_start3A_413 = tpu.memref_squeeze %dma_start3A_412 : memref<1x1x1x40xi32, #tpu.memory_space<vmem>> -> memref<40xi32, #tpu.memory_space<vmem>>
        %dma_start3A_414 = arith.constant 0 : i32
        %dma_start3A_415 = arith.constant 0 : i32
        %dma_start3A_416 = tpu.memref_slice %arg2[%dma_start3A_414, %dma_start3A_415] : memref<10000x128xf32, #tpu.memory_space<hbm>> -> memref<10000x128xf32, #tpu.memory_space<hbm>>
        tpu.enqueue_indirect_dma source(%dma_start3A_416 : memref<10000x128xf32, #tpu.memory_space<hbm>>) target(%dma_start3A_410 : memref<40x128xf32, #tpu.memory_space<vmem>>) offsets(%dma_start3A_413 : memref<40xi32, #tpu.memory_space<vmem>>) semaphore(%arg13 : memref<!tpu.dma_semaphore, #tpu.memory_space<semaphore_mem>>)
        %add3A_417 = arith.constant 3 : i32
        %add3A_418 = arith.addi %mul3A_272, %add3A_417 : i32
        %dma_wait3A_419 = arith.constant 0 : i32
        %dma_wait3A_420 = arith.constant 0 : i32
        %dma_wait3A_421 = arith.constant 0 : i32
        %dma_wait3A_422 = tpu.memref_slice %arg9[%scan3A_82, %dma_wait3A_420, %dma_wait3A_421] : memref<5x40x128xf32, #tpu.memory_space<vmem>> -> memref<1x40x128xf32, #tpu.memory_space<vmem>>
        %dma_wait3A_423 = tpu.memref_squeeze %dma_wait3A_422 : memref<1x40x128xf32, #tpu.memory_space<vmem>> -> memref<40x128xf32, #tpu.memory_space<vmem>>
        %dma_wait3A_424 = arith.constant 0 : i32
        %dma_wait3A_425 = tpu.memref_slice %arg7[%rem3A_208, %add3A_418, %dma_wait3A_419, %dma_wait3A_424] : memref<3x15x1x40xi32, #tpu.memory_space<vmem>> -> memref<1x1x1x40xi32, #tpu.memory_space<vmem>>
        %dma_wait3A_426 = tpu.memref_squeeze %dma_wait3A_425 : memref<1x1x1x40xi32, #tpu.memory_space<vmem>> -> memref<40xi32, #tpu.memory_space<vmem>>
        %dma_wait3A_427 = arith.constant 0 : i32
        %dma_wait3A_428 = arith.constant 0 : i32
        %dma_wait3A_429 = tpu.memref_slice %arg2[%dma_wait3A_427, %dma_wait3A_428] : memref<10000x128xf32, #tpu.memory_space<hbm>> -> memref<10000x128xf32, #tpu.memory_space<hbm>>
        tpu.wait_indirect_dma semaphore(%arg14 : memref<!tpu.dma_semaphore, #tpu.memory_space<semaphore_mem>>) src(%dma_wait3A_429 : memref<10000x128xf32, #tpu.memory_space<hbm>>) dst(%dma_wait3A_423 : memref<40x128xf32, #tpu.memory_space<vmem>>)
        %dma_start3A_430 = arith.constant 0 : i32
        %dma_start3A_431 = arith.constant 0 : i32
        %dma_start3A_432 = arith.constant 0 : i32
        %dma_start3A_433 = tpu.memref_slice %arg9[%scan3A_82, %dma_start3A_431, %dma_start3A_432] : memref<5x40x128xf32, #tpu.memory_space<vmem>> -> memref<1x40x128xf32, #tpu.memory_space<vmem>>
        %dma_start3A_434 = tpu.memref_squeeze %dma_start3A_433 : memref<1x40x128xf32, #tpu.memory_space<vmem>> -> memref<40x128xf32, #tpu.memory_space<vmem>>
        %dma_start3A_435 = arith.constant 0 : i32
        %dma_start3A_436 = tpu.memref_slice %arg8[%rem3A_210, %add3A_418, %dma_start3A_430, %dma_start3A_435] : memref<2x10x1x40xi32, #tpu.memory_space<vmem>> -> memref<1x1x1x40xi32, #tpu.memory_space<vmem>>
        %dma_start3A_437 = tpu.memref_squeeze %dma_start3A_436 : memref<1x1x1x40xi32, #tpu.memory_space<vmem>> -> memref<40xi32, #tpu.memory_space<vmem>>
        %dma_start3A_438 = arith.constant 0 : i32
        %dma_start3A_439 = arith.constant 0 : i32
        %dma_start3A_440 = tpu.memref_slice %arg10[%dma_start3A_438, %dma_start3A_439] : memref<10000x128xf32, #tpu.memory_space<vmem_shared>> -> memref<10000x128xf32, #tpu.memory_space<vmem_shared>>
        tpu.enqueue_indirect_dma source(%dma_start3A_434 : memref<40x128xf32, #tpu.memory_space<vmem>>) target(%dma_start3A_440 : memref<10000x128xf32, #tpu.memory_space<vmem_shared>>) offsets(%dma_start3A_437 : memref<40xi32, #tpu.memory_space<vmem>>) semaphore(%arg16 : memref<!tpu.dma_semaphore, #tpu.memory_space<semaphore_mem>>) {add = true}
        %dma_wait3A_441 = arith.constant 0 : i32
        %dma_wait3A_442 = arith.constant 0 : i32
        %dma_wait3A_443 = arith.constant 0 : i32
        %dma_wait3A_444 = tpu.memref_slice %arg9[%scan3A_82, %dma_wait3A_442, %dma_wait3A_443] : memref<5x40x128xf32, #tpu.memory_space<vmem>> -> memref<1x40x128xf32, #tpu.memory_space<vmem>>
        %dma_wait3A_445 = tpu.memref_squeeze %dma_wait3A_444 : memref<1x40x128xf32, #tpu.memory_space<vmem>> -> memref<40x128xf32, #tpu.memory_space<vmem>>
        %dma_wait3A_446 = arith.constant 0 : i32
        %dma_wait3A_447 = tpu.memref_slice %arg8[%rem3A_210, %add3A_418, %dma_wait3A_441, %dma_wait3A_446] : memref<2x10x1x40xi32, #tpu.memory_space<vmem>> -> memref<1x1x1x40xi32, #tpu.memory_space<vmem>>
        %dma_wait3A_448 = tpu.memref_squeeze %dma_wait3A_447 : memref<1x1x1x40xi32, #tpu.memory_space<vmem>> -> memref<40xi32, #tpu.memory_space<vmem>>
        %dma_wait3A_449 = arith.constant 0 : i32
        %dma_wait3A_450 = arith.constant 0 : i32
        %dma_wait3A_451 = tpu.memref_slice %arg10[%dma_wait3A_449, %dma_wait3A_450] : memref<10000x128xf32, #tpu.memory_space<vmem_shared>> -> memref<10000x128xf32, #tpu.memory_space<vmem_shared>>
        tpu.wait_indirect_dma semaphore(%arg16 : memref<!tpu.dma_semaphore, #tpu.memory_space<semaphore_mem>>) src(%dma_wait3A_445 : memref<40x128xf32, #tpu.memory_space<vmem>>) dst(%dma_wait3A_451 : memref<10000x128xf32, #tpu.memory_space<vmem_shared>>)
        %add3A_452 = arith.constant 5 : i32
        %add3A_453 = arith.addi %add3A_418, %add3A_452 : i32
        %dma_start3A_454 = arith.constant 0 : i32
        %dma_start3A_455 = arith.constant 0 : i32
        %dma_start3A_456 = arith.constant 0 : i32
        %dma_start3A_457 = tpu.memref_slice %arg9[%scan3A_82, %dma_start3A_455, %dma_start3A_456] : memref<5x40x128xf32, #tpu.memory_space<vmem>> -> memref<1x40x128xf32, #tpu.memory_space<vmem>>
        %dma_start3A_458 = tpu.memref_squeeze %dma_start3A_457 : memref<1x40x128xf32, #tpu.memory_space<vmem>> -> memref<40x128xf32, #tpu.memory_space<vmem>>
        %dma_start3A_459 = arith.constant 0 : i32
        %dma_start3A_460 = tpu.memref_slice %arg7[%rem3A_208, %add3A_453, %dma_start3A_454, %dma_start3A_459] : memref<3x15x1x40xi32, #tpu.memory_space<vmem>> -> memref<1x1x1x40xi32, #tpu.memory_space<vmem>>
        %dma_start3A_461 = tpu.memref_squeeze %dma_start3A_460 : memref<1x1x1x40xi32, #tpu.memory_space<vmem>> -> memref<40xi32, #tpu.memory_space<vmem>>
        %dma_start3A_462 = arith.constant 0 : i32
        %dma_start3A_463 = arith.constant 0 : i32
        %dma_start3A_464 = tpu.memref_slice %arg2[%dma_start3A_462, %dma_start3A_463] : memref<10000x128xf32, #tpu.memory_space<hbm>> -> memref<10000x128xf32, #tpu.memory_space<hbm>>
        tpu.enqueue_indirect_dma source(%dma_start3A_464 : memref<10000x128xf32, #tpu.memory_space<hbm>>) target(%dma_start3A_458 : memref<40x128xf32, #tpu.memory_space<vmem>>) offsets(%dma_start3A_461 : memref<40xi32, #tpu.memory_space<vmem>>) semaphore(%arg14 : memref<!tpu.dma_semaphore, #tpu.memory_space<semaphore_mem>>)
        %add3A_465 = arith.constant 4 : i32
        %add3A_466 = arith.addi %mul3A_272, %add3A_465 : i32
        %dma_wait3A_467 = arith.constant 0 : i32
        %dma_wait3A_468 = arith.constant 0 : i32
        %dma_wait3A_469 = arith.constant 0 : i32
        %dma_wait3A_470 = tpu.memref_slice %arg9[%scan3A_83, %dma_wait3A_468, %dma_wait3A_469] : memref<5x40x128xf32, #tpu.memory_space<vmem>> -> memref<1x40x128xf32, #tpu.memory_space<vmem>>
        %dma_wait3A_471 = tpu.memref_squeeze %dma_wait3A_470 : memref<1x40x128xf32, #tpu.memory_space<vmem>> -> memref<40x128xf32, #tpu.memory_space<vmem>>
        %dma_wait3A_472 = arith.constant 0 : i32
        %dma_wait3A_473 = tpu.memref_slice %arg7[%rem3A_208, %add3A_466, %dma_wait3A_467, %dma_wait3A_472] : memref<3x15x1x40xi32, #tpu.memory_space<vmem>> -> memref<1x1x1x40xi32, #tpu.memory_space<vmem>>
        %dma_wait3A_474 = tpu.memref_squeeze %dma_wait3A_473 : memref<1x1x1x40xi32, #tpu.memory_space<vmem>> -> memref<40xi32, #tpu.memory_space<vmem>>
        %dma_wait3A_475 = arith.constant 0 : i32
        %dma_wait3A_476 = arith.constant 0 : i32
        %dma_wait3A_477 = tpu.memref_slice %arg2[%dma_wait3A_475, %dma_wait3A_476] : memref<10000x128xf32, #tpu.memory_space<hbm>> -> memref<10000x128xf32, #tpu.memory_space<hbm>>
        tpu.wait_indirect_dma semaphore(%arg15 : memref<!tpu.dma_semaphore, #tpu.memory_space<semaphore_mem>>) src(%dma_wait3A_477 : memref<10000x128xf32, #tpu.memory_space<hbm>>) dst(%dma_wait3A_471 : memref<40x128xf32, #tpu.memory_space<vmem>>)
        %dma_start3A_478 = arith.constant 0 : i32
        %dma_start3A_479 = arith.constant 0 : i32
        %dma_start3A_480 = arith.constant 0 : i32
        %dma_start3A_481 = tpu.memref_slice %arg9[%scan3A_83, %dma_start3A_479, %dma_start3A_480] : memref<5x40x128xf32, #tpu.memory_space<vmem>> -> memref<1x40x128xf32, #tpu.memory_space<vmem>>
        %dma_start3A_482 = tpu.memref_squeeze %dma_start3A_481 : memref<1x40x128xf32, #tpu.memory_space<vmem>> -> memref<40x128xf32, #tpu.memory_space<vmem>>
        %dma_start3A_483 = arith.constant 0 : i32
        %dma_start3A_484 = tpu.memref_slice %arg8[%rem3A_210, %add3A_466, %dma_start3A_478, %dma_start3A_483] : memref<2x10x1x40xi32, #tpu.memory_space<vmem>> -> memref<1x1x1x40xi32, #tpu.memory_space<vmem>>
        %dma_start3A_485 = tpu.memref_squeeze %dma_start3A_484 : memref<1x1x1x40xi32, #tpu.memory_space<vmem>> -> memref<40xi32, #tpu.memory_space<vmem>>
        %dma_start3A_486 = arith.constant 0 : i32
        %dma_start3A_487 = arith.constant 0 : i32
        %dma_start3A_488 = tpu.memref_slice %arg10[%dma_start3A_486, %dma_start3A_487] : memref<10000x128xf32, #tpu.memory_space<vmem_shared>> -> memref<10000x128xf32, #tpu.memory_space<vmem_shared>>
        tpu.enqueue_indirect_dma source(%dma_start3A_482 : memref<40x128xf32, #tpu.memory_space<vmem>>) target(%dma_start3A_488 : memref<10000x128xf32, #tpu.memory_space<vmem_shared>>) offsets(%dma_start3A_485 : memref<40xi32, #tpu.memory_space<vmem>>) semaphore(%arg16 : memref<!tpu.dma_semaphore, #tpu.memory_space<semaphore_mem>>) {add = true}
        %dma_wait3A_489 = arith.constant 0 : i32
        %dma_wait3A_490 = arith.constant 0 : i32
        %dma_wait3A_491 = arith.constant 0 : i32
        %dma_wait3A_492 = tpu.memref_slice %arg9[%scan3A_83, %dma_wait3A_490, %dma_wait3A_491] : memref<5x40x128xf32, #tpu.memory_space<vmem>> -> memref<1x40x128xf32, #tpu.memory_space<vmem>>
        %dma_wait3A_493 = tpu.memref_squeeze %dma_wait3A_492 : memref<1x40x128xf32, #tpu.memory_space<vmem>> -> memref<40x128xf32, #tpu.memory_space<vmem>>
        %dma_wait3A_494 = arith.constant 0 : i32
        %dma_wait3A_495 = tpu.memref_slice %arg8[%rem3A_210, %add3A_466, %dma_wait3A_489, %dma_wait3A_494] : memref<2x10x1x40xi32, #tpu.memory_space<vmem>> -> memref<1x1x1x40xi32, #tpu.memory_space<vmem>>
        %dma_wait3A_496 = tpu.memref_squeeze %dma_wait3A_495 : memref<1x1x1x40xi32, #tpu.memory_space<vmem>> -> memref<40xi32, #tpu.memory_space<vmem>>
        %dma_wait3A_497 = arith.constant 0 : i32
        %dma_wait3A_498 = arith.constant 0 : i32
        %dma_wait3A_499 = tpu.memref_slice %arg10[%dma_wait3A_497, %dma_wait3A_498] : memref<10000x128xf32, #tpu.memory_space<vmem_shared>> -> memref<10000x128xf32, #tpu.memory_space<vmem_shared>>
        tpu.wait_indirect_dma semaphore(%arg16 : memref<!tpu.dma_semaphore, #tpu.memory_space<semaphore_mem>>) src(%dma_wait3A_493 : memref<40x128xf32, #tpu.memory_space<vmem>>) dst(%dma_wait3A_499 : memref<10000x128xf32, #tpu.memory_space<vmem_shared>>)
        %add3A_500 = arith.constant 5 : i32
        %add3A_501 = arith.addi %add3A_466, %add3A_500 : i32
        %dma_start3A_502 = arith.constant 0 : i32
        %dma_start3A_503 = arith.constant 0 : i32
        %dma_start3A_504 = arith.constant 0 : i32
        %dma_start3A_505 = tpu.memref_slice %arg9[%scan3A_83, %dma_start3A_503, %dma_start3A_504] : memref<5x40x128xf32, #tpu.memory_space<vmem>> -> memref<1x40x128xf32, #tpu.memory_space<vmem>>
        %dma_start3A_506 = tpu.memref_squeeze %dma_start3A_505 : memref<1x40x128xf32, #tpu.memory_space<vmem>> -> memref<40x128xf32, #tpu.memory_space<vmem>>
        %dma_start3A_507 = arith.constant 0 : i32
        %dma_start3A_508 = tpu.memref_slice %arg7[%rem3A_208, %add3A_501, %dma_start3A_502, %dma_start3A_507] : memref<3x15x1x40xi32, #tpu.memory_space<vmem>> -> memref<1x1x1x40xi32, #tpu.memory_space<vmem>>
        %dma_start3A_509 = tpu.memref_squeeze %dma_start3A_508 : memref<1x1x1x40xi32, #tpu.memory_space<vmem>> -> memref<40xi32, #tpu.memory_space<vmem>>
        %dma_start3A_510 = arith.constant 0 : i32
        %dma_start3A_511 = arith.constant 0 : i32
        %dma_start3A_512 = tpu.memref_slice %arg2[%dma_start3A_510, %dma_start3A_511] : memref<10000x128xf32, #tpu.memory_space<hbm>> -> memref<10000x128xf32, #tpu.memory_space<hbm>>
        tpu.enqueue_indirect_dma source(%dma_start3A_512 : memref<10000x128xf32, #tpu.memory_space<hbm>>) target(%dma_start3A_506 : memref<40x128xf32, #tpu.memory_space<vmem>>) offsets(%dma_start3A_509 : memref<40xi32, #tpu.memory_space<vmem>>) semaphore(%arg15 : memref<!tpu.dma_semaphore, #tpu.memory_space<semaphore_mem>>)
      }
      %scan3A_269 = arith.constant 2 : i32
    }
    %scan3A_88 = arith.constant 25 : i32
    %dma_wait3A = arith.constant 0 : i32
    %dma_wait3A_89 = arith.constant 0 : i32
    %dma_wait3A_90 = arith.constant 0 : i32
    %dma_wait3A_91 = tpu.memref_slice %arg9[%dma_wait3A, %dma_wait3A_89, %dma_wait3A_90] : memref<5x40x128xf32, #tpu.memory_space<vmem>> -> memref<1x40x128xf32, #tpu.memory_space<vmem>>
    %dma_wait3A_92 = tpu.memref_squeeze %dma_wait3A_91 : memref<1x40x128xf32, #tpu.memory_space<vmem>> -> memref<40x128xf32, #tpu.memory_space<vmem>>
    %dma_wait3A_93 = arith.constant 0 : i32
    %dma_wait3A_94 = arith.constant 0 : i32
    %dma_wait3A_95 = tpu.memref_slice %arg2[%dma_wait3A_93, %dma_wait3A_94] : memref<10000x128xf32, #tpu.memory_space<hbm>> -> memref<40x128xf32, #tpu.memory_space<hbm>>
    %dma_wait3A_96 = arith.constant 0 : i32
    %dma_wait3A_97 = arith.constant 0 : i32
    %dma_wait3A_98 = tpu.memref_slice %arg9[%dma_wait3A, %dma_wait3A_96, %dma_wait3A_97] : memref<5x40x128xf32, #tpu.memory_space<vmem>> -> memref<1x40x128xf32, #tpu.memory_space<vmem>>
    %dma_wait3A_99 = tpu.memref_squeeze %dma_wait3A_98 : memref<1x40x128xf32, #tpu.memory_space<vmem>> -> memref<40x128xf32, #tpu.memory_space<vmem>>
    %dma_wait3A_100 = arith.constant 0 : i32
    %dma_wait3A_101 = arith.constant 0 : i32
    %dma_wait3A_102 = tpu.memref_slice %arg2[%dma_wait3A_100, %dma_wait3A_101] : memref<10000x128xf32, #tpu.memory_space<hbm>> -> memref<40x128xf32, #tpu.memory_space<hbm>>
    tpu.wait_dma2 semaphore(%arg11 : memref<!tpu.dma_semaphore, #tpu.memory_space<semaphore_mem>>) src(%dma_wait3A_102 : memref<40x128xf32, #tpu.memory_space<hbm>>) dst(%dma_wait3A_99 : memref<40x128xf32, #tpu.memory_space<vmem>>)
    %dma_wait3A_103 = arith.constant 1 : i32
    %dma_wait3A_104 = arith.constant 0 : i32
    %dma_wait3A_105 = arith.constant 0 : i32
    %dma_wait3A_106 = tpu.memref_slice %arg9[%dma_wait3A_103, %dma_wait3A_104, %dma_wait3A_105] : memref<5x40x128xf32, #tpu.memory_space<vmem>> -> memref<1x40x128xf32, #tpu.memory_space<vmem>>
    %dma_wait3A_107 = tpu.memref_squeeze %dma_wait3A_106 : memref<1x40x128xf32, #tpu.memory_space<vmem>> -> memref<40x128xf32, #tpu.memory_space<vmem>>
    %dma_wait3A_108 = arith.constant 0 : i32
    %dma_wait3A_109 = arith.constant 0 : i32
    %dma_wait3A_110 = tpu.memref_slice %arg2[%dma_wait3A_108, %dma_wait3A_109] : memref<10000x128xf32, #tpu.memory_space<hbm>> -> memref<40x128xf32, #tpu.memory_space<hbm>>
    %dma_wait3A_111 = arith.constant 0 : i32
    %dma_wait3A_112 = arith.constant 0 : i32
    %dma_wait3A_113 = tpu.memref_slice %arg9[%dma_wait3A_103, %dma_wait3A_111, %dma_wait3A_112] : memref<5x40x128xf32, #tpu.memory_space<vmem>> -> memref<1x40x128xf32, #tpu.memory_space<vmem>>
    %dma_wait3A_114 = tpu.memref_squeeze %dma_wait3A_113 : memref<1x40x128xf32, #tpu.memory_space<vmem>> -> memref<40x128xf32, #tpu.memory_space<vmem>>
    %dma_wait3A_115 = arith.constant 0 : i32
    %dma_wait3A_116 = arith.constant 0 : i32
    %dma_wait3A_117 = tpu.memref_slice %arg2[%dma_wait3A_115, %dma_wait3A_116] : memref<10000x128xf32, #tpu.memory_space<hbm>> -> memref<40x128xf32, #tpu.memory_space<hbm>>
    tpu.wait_dma2 semaphore(%arg12 : memref<!tpu.dma_semaphore, #tpu.memory_space<semaphore_mem>>) src(%dma_wait3A_117 : memref<40x128xf32, #tpu.memory_space<hbm>>) dst(%dma_wait3A_114 : memref<40x128xf32, #tpu.memory_space<vmem>>)
    %dma_wait3A_118 = arith.constant 2 : i32
    %dma_wait3A_119 = arith.constant 0 : i32
    %dma_wait3A_120 = arith.constant 0 : i32
    %dma_wait3A_121 = tpu.memref_slice %arg9[%dma_wait3A_118, %dma_wait3A_119, %dma_wait3A_120] : memref<5x40x128xf32, #tpu.memory_space<vmem>> -> memref<1x40x128xf32, #tpu.memory_space<vmem>>
    %dma_wait3A_122 = tpu.memref_squeeze %dma_wait3A_121 : memref<1x40x128xf32, #tpu.memory_space<vmem>> -> memref<40x128xf32, #tpu.memory_space<vmem>>
    %dma_wait3A_123 = arith.constant 0 : i32
    %dma_wait3A_124 = arith.constant 0 : i32
    %dma_wait3A_125 = tpu.memref_slice %arg2[%dma_wait3A_123, %dma_wait3A_124] : memref<10000x128xf32, #tpu.memory_space<hbm>> -> memref<40x128xf32, #tpu.memory_space<hbm>>
    %dma_wait3A_126 = arith.constant 0 : i32
    %dma_wait3A_127 = arith.constant 0 : i32
    %dma_wait3A_128 = tpu.memref_slice %arg9[%dma_wait3A_118, %dma_wait3A_126, %dma_wait3A_127] : memref<5x40x128xf32, #tpu.memory_space<vmem>> -> memref<1x40x128xf32, #tpu.memory_space<vmem>>
    %dma_wait3A_129 = tpu.memref_squeeze %dma_wait3A_128 : memref<1x40x128xf32, #tpu.memory_space<vmem>> -> memref<40x128xf32, #tpu.memory_space<vmem>>
    %dma_wait3A_130 = arith.constant 0 : i32
    %dma_wait3A_131 = arith.constant 0 : i32
    %dma_wait3A_132 = tpu.memref_slice %arg2[%dma_wait3A_130, %dma_wait3A_131] : memref<10000x128xf32, #tpu.memory_space<hbm>> -> memref<40x128xf32, #tpu.memory_space<hbm>>
    tpu.wait_dma2 semaphore(%arg13 : memref<!tpu.dma_semaphore, #tpu.memory_space<semaphore_mem>>) src(%dma_wait3A_132 : memref<40x128xf32, #tpu.memory_space<hbm>>) dst(%dma_wait3A_129 : memref<40x128xf32, #tpu.memory_space<vmem>>)
    %dma_wait3A_133 = arith.constant 3 : i32
    %dma_wait3A_134 = arith.constant 0 : i32
    %dma_wait3A_135 = arith.constant 0 : i32
    %dma_wait3A_136 = tpu.memref_slice %arg9[%dma_wait3A_133, %dma_wait3A_134, %dma_wait3A_135] : memref<5x40x128xf32, #tpu.memory_space<vmem>> -> memref<1x40x128xf32, #tpu.memory_space<vmem>>
    %dma_wait3A_137 = tpu.memref_squeeze %dma_wait3A_136 : memref<1x40x128xf32, #tpu.memory_space<vmem>> -> memref<40x128xf32, #tpu.memory_space<vmem>>
    %dma_wait3A_138 = arith.constant 0 : i32
    %dma_wait3A_139 = arith.constant 0 : i32
    %dma_wait3A_140 = tpu.memref_slice %arg2[%dma_wait3A_138, %dma_wait3A_139] : memref<10000x128xf32, #tpu.memory_space<hbm>> -> memref<40x128xf32, #tpu.memory_space<hbm>>
    %dma_wait3A_141 = arith.constant 0 : i32
    %dma_wait3A_142 = arith.constant 0 : i32
    %dma_wait3A_143 = tpu.memref_slice %arg9[%dma_wait3A_133, %dma_wait3A_141, %dma_wait3A_142] : memref<5x40x128xf32, #tpu.memory_space<vmem>> -> memref<1x40x128xf32, #tpu.memory_space<vmem>>
    %dma_wait3A_144 = tpu.memref_squeeze %dma_wait3A_143 : memref<1x40x128xf32, #tpu.memory_space<vmem>> -> memref<40x128xf32, #tpu.memory_space<vmem>>
    %dma_wait3A_145 = arith.constant 0 : i32
    %dma_wait3A_146 = arith.constant 0 : i32
    %dma_wait3A_147 = tpu.memref_slice %arg2[%dma_wait3A_145, %dma_wait3A_146] : memref<10000x128xf32, #tpu.memory_space<hbm>> -> memref<40x128xf32, #tpu.memory_space<hbm>>
    tpu.wait_dma2 semaphore(%arg14 : memref<!tpu.dma_semaphore, #tpu.memory_space<semaphore_mem>>) src(%dma_wait3A_147 : memref<40x128xf32, #tpu.memory_space<hbm>>) dst(%dma_wait3A_144 : memref<40x128xf32, #tpu.memory_space<vmem>>)
    %dma_wait3A_148 = arith.constant 4 : i32
    %dma_wait3A_149 = arith.constant 0 : i32
    %dma_wait3A_150 = arith.constant 0 : i32
    %dma_wait3A_151 = tpu.memref_slice %arg9[%dma_wait3A_148, %dma_wait3A_149, %dma_wait3A_150] : memref<5x40x128xf32, #tpu.memory_space<vmem>> -> memref<1x40x128xf32, #tpu.memory_space<vmem>>
    %dma_wait3A_152 = tpu.memref_squeeze %dma_wait3A_151 : memref<1x40x128xf32, #tpu.memory_space<vmem>> -> memref<40x128xf32, #tpu.memory_space<vmem>>
    %dma_wait3A_153 = arith.constant 0 : i32
    %dma_wait3A_154 = arith.constant 0 : i32
    %dma_wait3A_155 = tpu.memref_slice %arg2[%dma_wait3A_153, %dma_wait3A_154] : memref<10000x128xf32, #tpu.memory_space<hbm>> -> memref<40x128xf32, #tpu.memory_space<hbm>>
    %dma_wait3A_156 = arith.constant 0 : i32
    %dma_wait3A_157 = arith.constant 0 : i32
    %dma_wait3A_158 = tpu.memref_slice %arg9[%dma_wait3A_148, %dma_wait3A_156, %dma_wait3A_157] : memref<5x40x128xf32, #tpu.memory_space<vmem>> -> memref<1x40x128xf32, #tpu.memory_space<vmem>>
    %dma_wait3A_159 = tpu.memref_squeeze %dma_wait3A_158 : memref<1x40x128xf32, #tpu.memory_space<vmem>> -> memref<40x128xf32, #tpu.memory_space<vmem>>
    %dma_wait3A_160 = arith.constant 0 : i32
    %dma_wait3A_161 = arith.constant 0 : i32
    %dma_wait3A_162 = tpu.memref_slice %arg2[%dma_wait3A_160, %dma_wait3A_161] : memref<10000x128xf32, #tpu.memory_space<hbm>> -> memref<40x128xf32, #tpu.memory_space<hbm>>
    tpu.wait_dma2 semaphore(%arg15 : memref<!tpu.dma_semaphore, #tpu.memory_space<semaphore_mem>>) src(%dma_wait3A_162 : memref<40x128xf32, #tpu.memory_space<hbm>>) dst(%dma_wait3A_159 : memref<40x128xf32, #tpu.memory_space<vmem>>)
    %dma_wait3A_163 = arith.constant 0 : i32
    %dma_wait3A_164 = arith.constant 0 : i32
    %dma_wait3A_165 = arith.constant 0 : i32
    %dma_wait3A_166 = arith.constant 0 : i32
    %dma_wait3A_167 = tpu.memref_slice %arg7[%dma_wait3A_163, %dma_wait3A_164, %dma_wait3A_165, %dma_wait3A_166] : memref<3x15x1x40xi32, #tpu.memory_space<vmem>> -> memref<1x15x1x40xi32, #tpu.memory_space<vmem>>
    %dma_wait3A_168 = tpu.memref_squeeze %dma_wait3A_167 : memref<1x15x1x40xi32, #tpu.memory_space<vmem>> -> memref<15x1x40xi32, #tpu.memory_space<vmem>>
    %dma_wait3A_169 = arith.constant 0 : i32
    %dma_wait3A_170 = arith.constant 0 : i32
    %dma_wait3A_171 = arith.constant 0 : i32
    %dma_wait3A_172 = tpu.memref_slice %arg3[%dma_wait3A_169, %dma_wait3A_170, %dma_wait3A_171] : memref<8016x1x40xi32, #tpu.memory_space<hbm>> -> memref<15x1x40xi32, #tpu.memory_space<hbm>>
    %dma_wait3A_173 = arith.constant 0 : i32
    %dma_wait3A_174 = arith.constant 0 : i32
    %dma_wait3A_175 = arith.constant 0 : i32
    %dma_wait3A_176 = tpu.memref_slice %arg7[%dma_wait3A_163, %dma_wait3A_173, %dma_wait3A_174, %dma_wait3A_175] : memref<3x15x1x40xi32, #tpu.memory_space<vmem>> -> memref<1x15x1x40xi32, #tpu.memory_space<vmem>>
    %dma_wait3A_177 = tpu.memref_squeeze %dma_wait3A_176 : memref<1x15x1x40xi32, #tpu.memory_space<vmem>> -> memref<15x1x40xi32, #tpu.memory_space<vmem>>
    %dma_wait3A_178 = arith.constant 0 : i32
    %dma_wait3A_179 = arith.constant 0 : i32
    %dma_wait3A_180 = arith.constant 0 : i32
    %dma_wait3A_181 = tpu.memref_slice %arg3[%dma_wait3A_178, %dma_wait3A_179, %dma_wait3A_180] : memref<8016x1x40xi32, #tpu.memory_space<hbm>> -> memref<15x1x40xi32, #tpu.memory_space<hbm>>
    tpu.wait_dma2 semaphore(%arg17 : memref<!tpu.dma_semaphore, #tpu.memory_space<semaphore_mem>>) src(%dma_wait3A_181 : memref<15x1x40xi32, #tpu.memory_space<hbm>>) dst(%dma_wait3A_177 : memref<15x1x40xi32, #tpu.memory_space<vmem>>)
    %dma_wait3A_182 = arith.constant 0 : i32
    %dma_wait3A_183 = arith.constant 0 : i32
    %dma_wait3A_184 = arith.constant 0 : i32
    %dma_wait3A_185 = arith.constant 0 : i32
    %dma_wait3A_186 = tpu.memref_slice %arg8[%dma_wait3A_182, %dma_wait3A_183, %dma_wait3A_184, %dma_wait3A_185] : memref<2x10x1x40xi32, #tpu.memory_space<vmem>> -> memref<1x10x1x40xi32, #tpu.memory_space<vmem>>
    %dma_wait3A_187 = tpu.memref_squeeze %dma_wait3A_186 : memref<1x10x1x40xi32, #tpu.memory_space<vmem>> -> memref<10x1x40xi32, #tpu.memory_space<vmem>>
    %dma_wait3A_188 = arith.constant 0 : i32
    %dma_wait3A_189 = arith.constant 0 : i32
    %dma_wait3A_190 = arith.constant 0 : i32
    %dma_wait3A_191 = tpu.memref_slice %arg4[%dma_wait3A_188, %dma_wait3A_189, %dma_wait3A_190] : memref<8016x1x40xi32, #tpu.memory_space<hbm>> -> memref<10x1x40xi32, #tpu.memory_space<hbm>>
    %dma_wait3A_192 = arith.constant 0 : i32
    %dma_wait3A_193 = arith.constant 0 : i32
    %dma_wait3A_194 = arith.constant 0 : i32
    %dma_wait3A_195 = tpu.memref_slice %arg8[%dma_wait3A_182, %dma_wait3A_192, %dma_wait3A_193, %dma_wait3A_194] : memref<2x10x1x40xi32, #tpu.memory_space<vmem>> -> memref<1x10x1x40xi32, #tpu.memory_space<vmem>>
    %dma_wait3A_196 = tpu.memref_squeeze %dma_wait3A_195 : memref<1x10x1x40xi32, #tpu.memory_space<vmem>> -> memref<10x1x40xi32, #tpu.memory_space<vmem>>
    %dma_wait3A_197 = arith.constant 0 : i32
    %dma_wait3A_198 = arith.constant 0 : i32
    %dma_wait3A_199 = arith.constant 0 : i32
    %dma_wait3A_200 = tpu.memref_slice %arg4[%dma_wait3A_197, %dma_wait3A_198, %dma_wait3A_199] : memref<8016x1x40xi32, #tpu.memory_space<hbm>> -> memref<10x1x40xi32, #tpu.memory_space<hbm>>
    tpu.wait_dma2 semaphore(%arg17 : memref<!tpu.dma_semaphore, #tpu.memory_space<semaphore_mem>>) src(%dma_wait3A_200 : memref<10x1x40xi32, #tpu.memory_space<hbm>>) dst(%dma_wait3A_196 : memref<10x1x40xi32, #tpu.memory_space<vmem>>)
    %barrier3A_201 = arith.constant 0 : index
    tpu.barrier barrier_id(%barrier3A_201)
    "tpu.region"() ({
      %run_scoped3A_207 = tpu.sem_alloc : memref<!tpu.dma_semaphore, #tpu.memory_space<semaphore_mem>>
      %dma_start3A_208 = arith.constant 0 : i32
      %dma_start3A_209 = tpu.memref_slice %arg6[%arg0, %mul3A_2, %dma_start3A_208] : memref<2x10000x128xf32, #tpu.memory_space<hbm>> -> memref<1x624x128xf32, #tpu.memory_space<hbm>>
      %dma_start3A_210 = tpu.memref_squeeze %dma_start3A_209 : memref<1x624x128xf32, #tpu.memory_space<hbm>> -> memref<624x128xf32, #tpu.memory_space<hbm>>
      %dma_start3A_211 = arith.constant 0 : i32
      %dma_start3A_212 = tpu.memref_slice %arg10[%mul3A_2, %dma_start3A_211] : memref<10000x128xf32, #tpu.memory_space<vmem_shared>> -> memref<624x128xf32, #tpu.memory_space<vmem_shared>>
      tpu.enqueue_dma source(%dma_start3A_212 : memref<624x128xf32, #tpu.memory_space<vmem_shared>>) target(%dma_start3A_210 : memref<624x128xf32, #tpu.memory_space<hbm>>) target_semaphore(%run_scoped3A_207 : memref<!tpu.dma_semaphore, #tpu.memory_space<semaphore_mem>>)
      %dma_wait3A_213 = arith.constant 0 : i32
      %dma_wait3A_214 = tpu.memref_slice %arg6[%arg0, %mul3A_2, %dma_wait3A_213] : memref<2x10000x128xf32, #tpu.memory_space<hbm>> -> memref<1x624x128xf32, #tpu.memory_space<hbm>>
      %dma_wait3A_215 = tpu.memref_squeeze %dma_wait3A_214 : memref<1x624x128xf32, #tpu.memory_space<hbm>> -> memref<624x128xf32, #tpu.memory_space<hbm>>
      %dma_wait3A_216 = arith.constant 0 : i32
      %dma_wait3A_217 = tpu.memref_slice %arg10[%mul3A_2, %dma_wait3A_216] : memref<10000x128xf32, #tpu.memory_space<vmem_shared>> -> memref<624x128xf32, #tpu.memory_space<vmem_shared>>
      tpu.wait_dma2 semaphore(%run_scoped3A_207 : memref<!tpu.dma_semaphore, #tpu.memory_space<semaphore_mem>>) src(%dma_wait3A_217 : memref<624x128xf32, #tpu.memory_space<vmem_shared>>) dst(%dma_wait3A_215 : memref<624x128xf32, #tpu.memory_space<hbm>>)
      tpu.yield
    }) : () -> ()
    %eq3A_202 = arith.constant 15 : i32
    %eq3A_203 = arith.cmpi eq, %arg1, %eq3A_202 : i32
    %convert_element_type3A_204 = arith.extui %eq3A_203 : i1 to i32
    %cond3A_205 = arith.constant 0 : i32
    %cond3A_206 = arith.cmpi ne, %convert_element_type3A_204, %cond3A_205 : i32
    scf.if %cond3A_206 {
      "tpu.region"() ({
        %run_scoped3A_207 = tpu.sem_alloc : memref<!tpu.dma_semaphore, #tpu.memory_space<semaphore_mem>>
        %dma_start3A_208 = arith.constant 9984 : i32
        %dma_start3A_209 = arith.constant 0 : i32
        %dma_start3A_210 = tpu.memref_slice %arg6[%arg0, %dma_start3A_208, %dma_start3A_209] : memref<2x10000x128xf32, #tpu.memory_space<hbm>> -> memref<1x16x128xf32, #tpu.memory_space<hbm>>
        %dma_start3A_211 = tpu.memref_squeeze %dma_start3A_210 : memref<1x16x128xf32, #tpu.memory_space<hbm>> -> memref<16x128xf32, #tpu.memory_space<hbm>>
        %dma_start3A_212 = arith.constant 9984 : i32
        %dma_start3A_213 = arith.constant 0 : i32
        %dma_start3A_214 = tpu.memref_slice %arg10[%dma_start3A_212, %dma_start3A_213] : memref<10000x128xf32, #tpu.memory_space<vmem_shared>> -> memref<16x128xf32, #tpu.memory_space<vmem_shared>>
        tpu.enqueue_dma source(%dma_start3A_214 : memref<16x128xf32, #tpu.memory_space<vmem_shared>>) target(%dma_start3A_211 : memref<16x128xf32, #tpu.memory_space<hbm>>) target_semaphore(%run_scoped3A_207 : memref<!tpu.dma_semaphore, #tpu.memory_space<semaphore_mem>>)
        %dma_wait3A_215 = arith.constant 9984 : i32
        %dma_wait3A_216 = arith.constant 0 : i32
        %dma_wait3A_217 = tpu.memref_slice %arg6[%arg0, %dma_wait3A_215, %dma_wait3A_216] : memref<2x10000x128xf32, #tpu.memory_space<hbm>> -> memref<1x16x128xf32, #tpu.memory_space<hbm>>
        %dma_wait3A_218 = tpu.memref_squeeze %dma_wait3A_217 : memref<1x16x128xf32, #tpu.memory_space<hbm>> -> memref<16x128xf32, #tpu.memory_space<hbm>>
        %dma_wait3A_219 = arith.constant 9984 : i32
        %dma_wait3A_220 = arith.constant 0 : i32
        %dma_wait3A_221 = tpu.memref_slice %arg10[%dma_wait3A_219, %dma_wait3A_220] : memref<10000x128xf32, #tpu.memory_space<vmem_shared>> -> memref<16x128xf32, #tpu.memory_space<vmem_shared>>
        tpu.wait_dma2 semaphore(%run_scoped3A_207 : memref<!tpu.dma_semaphore, #tpu.memory_space<semaphore_mem>>) src(%dma_wait3A_221 : memref<16x128xf32, #tpu.memory_space<vmem_shared>>) dst(%dma_wait3A_218 : memref<16x128xf32, #tpu.memory_space<hbm>>)
        tpu.yield
      }) : () -> ()
    } else {
    }
    return
  }
}

#map = affine_map<(d0, d1) -> (0, 0, 0)>
#map1 = affine_map<(d0, d1) -> (0, 0)>
module attributes {stable_mosaic.version = 14 : i64} {
  func.func @_sc_deg_body(%arg0: i32, %arg1: i32, %arg2: memref<8016x1x40xi32, #tpu.memory_space<hbm>>, %arg3: memref<10000x128xf32, #tpu.memory_space<hbm>>, %arg4: memref<40x128xf32, #tpu.memory_space<hbm>>, %arg5: memref<2x10000x128xf32, #tpu.memory_space<hbm>>, %arg6: memref<25x1x40xi32, #tpu.memory_space<vmem>>, %arg7: memref<40x128xf32, #tpu.memory_space<vmem>>, %arg8: memref<10000x128xf32, #tpu.memory_space<vmem_shared>>, %arg9: memref<!tpu.dma_semaphore, #tpu.memory_space<semaphore_mem>>) attributes {dimension_semantics = [#tpu.dimension_semantics<core_parallel>, #tpu.dimension_semantics<subcore_parallel>], iteration_bounds = array<i64: 2, 16>, scalar_prefetch = 0 : i64, scratch_operands = 4 : i64, tpu.core_type = #tpu.core_type<sc_vector_subcore>, window_params = [{transform_indices = #map}, {transform_indices = #map1}, {transform_indices = #map1}, {transform_indices = #map}]} {
    %mul3A = arith.constant 16 : i32
    %mul3A_0 = arith.muli %arg0, %mul3A : i32
    %add3A = arith.addi %mul3A_0, %arg1 : i32
    %mul3A_1 = arith.constant 624 : i32
    %mul3A_2 = arith.muli %arg1, %mul3A_1 : i32
    "tpu.region"() ({
      %run_scoped3A = tpu.sem_alloc : memref<!tpu.dma_semaphore, #tpu.memory_space<semaphore_mem>>
      %dma_start3A = arith.constant 0 : i32
      %dma_start3A_16 = tpu.memref_slice %arg8[%mul3A_2, %dma_start3A] : memref<10000x128xf32, #tpu.memory_space<vmem_shared>> -> memref<624x128xf32, #tpu.memory_space<vmem_shared>>
      %dma_start3A_17 = arith.constant 0 : i32
      %dma_start3A_18 = tpu.memref_slice %arg3[%mul3A_2, %dma_start3A_17] : memref<10000x128xf32, #tpu.memory_space<hbm>> -> memref<624x128xf32, #tpu.memory_space<hbm>>
      tpu.enqueue_dma source(%dma_start3A_18 : memref<624x128xf32, #tpu.memory_space<hbm>>) target(%dma_start3A_16 : memref<624x128xf32, #tpu.memory_space<vmem_shared>>) target_semaphore(%run_scoped3A : memref<!tpu.dma_semaphore, #tpu.memory_space<semaphore_mem>>)
      %dma_wait3A = arith.constant 0 : i32
      %dma_wait3A_19 = tpu.memref_slice %arg8[%mul3A_2, %dma_wait3A] : memref<10000x128xf32, #tpu.memory_space<vmem_shared>> -> memref<624x128xf32, #tpu.memory_space<vmem_shared>>
      %dma_wait3A_20 = arith.constant 0 : i32
      %dma_wait3A_21 = tpu.memref_slice %arg3[%mul3A_2, %dma_wait3A_20] : memref<10000x128xf32, #tpu.memory_space<hbm>> -> memref<624x128xf32, #tpu.memory_space<hbm>>
      tpu.wait_dma2 semaphore(%run_scoped3A : memref<!tpu.dma_semaphore, #tpu.memory_space<semaphore_mem>>) src(%dma_wait3A_21 : memref<624x128xf32, #tpu.memory_space<hbm>>) dst(%dma_wait3A_19 : memref<624x128xf32, #tpu.memory_space<vmem_shared>>)
      tpu.yield
    }) : () -> ()
    %eq3A = arith.constant 15 : i32
    %eq3A_3 = arith.cmpi eq, %arg1, %eq3A : i32
    %convert_element_type3A = arith.extui %eq3A_3 : i1 to i32
    %cond3A = arith.constant 0 : i32
    %cond3A_4 = arith.cmpi ne, %convert_element_type3A, %cond3A : i32
    scf.if %cond3A_4 {
      "tpu.region"() ({
        %run_scoped3A = tpu.sem_alloc : memref<!tpu.dma_semaphore, #tpu.memory_space<semaphore_mem>>
        %dma_start3A = arith.constant 9984 : i32
        %dma_start3A_16 = arith.constant 0 : i32
        %dma_start3A_17 = tpu.memref_slice %arg8[%dma_start3A, %dma_start3A_16] : memref<10000x128xf32, #tpu.memory_space<vmem_shared>> -> memref<16x128xf32, #tpu.memory_space<vmem_shared>>
        %dma_start3A_18 = arith.constant 9984 : i32
        %dma_start3A_19 = arith.constant 0 : i32
        %dma_start3A_20 = tpu.memref_slice %arg3[%dma_start3A_18, %dma_start3A_19] : memref<10000x128xf32, #tpu.memory_space<hbm>> -> memref<16x128xf32, #tpu.memory_space<hbm>>
        tpu.enqueue_dma source(%dma_start3A_20 : memref<16x128xf32, #tpu.memory_space<hbm>>) target(%dma_start3A_17 : memref<16x128xf32, #tpu.memory_space<vmem_shared>>) target_semaphore(%run_scoped3A : memref<!tpu.dma_semaphore, #tpu.memory_space<semaphore_mem>>)
        %dma_wait3A = arith.constant 9984 : i32
        %dma_wait3A_21 = arith.constant 0 : i32
        %dma_wait3A_22 = tpu.memref_slice %arg8[%dma_wait3A, %dma_wait3A_21] : memref<10000x128xf32, #tpu.memory_space<vmem_shared>> -> memref<16x128xf32, #tpu.memory_space<vmem_shared>>
        %dma_wait3A_23 = arith.constant 9984 : i32
        %dma_wait3A_24 = arith.constant 0 : i32
        %dma_wait3A_25 = tpu.memref_slice %arg3[%dma_wait3A_23, %dma_wait3A_24] : memref<10000x128xf32, #tpu.memory_space<hbm>> -> memref<16x128xf32, #tpu.memory_space<hbm>>
        tpu.wait_dma2 semaphore(%run_scoped3A : memref<!tpu.dma_semaphore, #tpu.memory_space<semaphore_mem>>) src(%dma_wait3A_25 : memref<16x128xf32, #tpu.memory_space<hbm>>) dst(%dma_wait3A_22 : memref<16x128xf32, #tpu.memory_space<vmem_shared>>)
        tpu.yield
      }) : () -> ()
    } else {
    }
    "tpu.region"() ({
      %run_scoped3A = tpu.sem_alloc : memref<!tpu.dma_semaphore, #tpu.memory_space<semaphore_mem>>
      tpu.enqueue_dma source(%arg4 : memref<40x128xf32, #tpu.memory_space<hbm>>) target(%arg7 : memref<40x128xf32, #tpu.memory_space<vmem>>) target_semaphore(%run_scoped3A : memref<!tpu.dma_semaphore, #tpu.memory_space<semaphore_mem>>)
      tpu.wait_dma2 semaphore(%run_scoped3A : memref<!tpu.dma_semaphore, #tpu.memory_space<semaphore_mem>>) src(%arg4 : memref<40x128xf32, #tpu.memory_space<hbm>>) dst(%arg7 : memref<40x128xf32, #tpu.memory_space<vmem>>)
      tpu.yield
    }) : () -> ()
    %barrier3A = arith.constant 0 : index
    tpu.barrier barrier_id(%barrier3A)
    %scan3A = arith.constant 0 : i32
    %scan3A_5 = arith.constant 0 : i32
    %scan3A_6 = arith.constant 10 : i32
    %scan3A_7 = arith.addi %scan3A_5, %scan3A_6 : i32
    %scan3A_8 = arith.constant 1 : i32
    scf.for %scan3A_16 = %scan3A_5 to %scan3A_7 step %scan3A_8  : i32 {
      %mul3A_17 = arith.constant 250 : i32
      %mul3A_18 = arith.muli %add3A, %mul3A_17 : i32
      %mul3A_19 = arith.constant 25 : i32
      %mul3A_20 = arith.muli %scan3A_16, %mul3A_19 : i32
      %add3A_21 = arith.addi %mul3A_18, %mul3A_20 : i32
      "tpu.region"() ({
        %run_scoped3A = tpu.sem_alloc : memref<!tpu.dma_semaphore, #tpu.memory_space<semaphore_mem>>
        %dma_start3A = arith.constant 0 : i32
        %dma_start3A_28 = arith.constant 0 : i32
        %dma_start3A_29 = tpu.memref_slice %arg2[%add3A_21, %dma_start3A, %dma_start3A_28] : memref<8016x1x40xi32, #tpu.memory_space<hbm>> -> memref<25x1x40xi32, #tpu.memory_space<hbm>>
        %dma_start3A_30 = arith.constant 0 : i32
        %dma_start3A_31 = arith.constant 0 : i32
        %dma_start3A_32 = tpu.memref_slice %arg2[%add3A_21, %dma_start3A_30, %dma_start3A_31] : memref<8016x1x40xi32, #tpu.memory_space<hbm>> -> memref<25x1x40xi32, #tpu.memory_space<hbm>>
        tpu.enqueue_dma source(%dma_start3A_32 : memref<25x1x40xi32, #tpu.memory_space<hbm>>) target(%arg6 : memref<25x1x40xi32, #tpu.memory_space<vmem>>) target_semaphore(%run_scoped3A : memref<!tpu.dma_semaphore, #tpu.memory_space<semaphore_mem>>)
        %dma_wait3A = arith.constant 0 : i32
        %dma_wait3A_33 = arith.constant 0 : i32
        %dma_wait3A_34 = tpu.memref_slice %arg2[%add3A_21, %dma_wait3A, %dma_wait3A_33] : memref<8016x1x40xi32, #tpu.memory_space<hbm>> -> memref<25x1x40xi32, #tpu.memory_space<hbm>>
        %dma_wait3A_35 = arith.constant 0 : i32
        %dma_wait3A_36 = arith.constant 0 : i32
        %dma_wait3A_37 = tpu.memref_slice %arg2[%add3A_21, %dma_wait3A_35, %dma_wait3A_36] : memref<8016x1x40xi32, #tpu.memory_space<hbm>> -> memref<25x1x40xi32, #tpu.memory_space<hbm>>
        tpu.wait_dma2 semaphore(%run_scoped3A : memref<!tpu.dma_semaphore, #tpu.memory_space<semaphore_mem>>) src(%dma_wait3A_37 : memref<25x1x40xi32, #tpu.memory_space<hbm>>) dst(%arg6 : memref<25x1x40xi32, #tpu.memory_space<vmem>>)
        tpu.yield
      }) : () -> ()
      %scan3A_22 = arith.constant 0 : i32
      %scan3A_23 = arith.constant 0 : i32
      %scan3A_24 = arith.constant 5 : i32
      %scan3A_25 = arith.addi %scan3A_23, %scan3A_24 : i32
      %scan3A_26 = arith.constant 1 : i32
      scf.for %scan3A_28 = %scan3A_23 to %scan3A_25 step %scan3A_26  : i32 {
        %mul3A_29 = arith.constant 5 : i32
        %mul3A_30 = arith.muli %scan3A_28, %mul3A_29 : i32
        %add3A_31 = arith.constant 0 : i32
        %add3A_32 = arith.addi %mul3A_30, %add3A_31 : i32
        %dma_start3A = arith.constant 0 : i32
        %dma_start3A_33 = arith.constant 0 : i32
        %dma_start3A_34 = tpu.memref_slice %arg6[%add3A_32, %dma_start3A, %dma_start3A_33] : memref<25x1x40xi32, #tpu.memory_space<vmem>> -> memref<1x1x40xi32, #tpu.memory_space<vmem>>
        %dma_start3A_35 = tpu.memref_squeeze %dma_start3A_34 : memref<1x1x40xi32, #tpu.memory_space<vmem>> -> memref<40xi32, #tpu.memory_space<vmem>>
        %dma_start3A_36 = arith.constant 0 : i32
        %dma_start3A_37 = arith.constant 0 : i32
        %dma_start3A_38 = tpu.memref_slice %arg8[%dma_start3A_36, %dma_start3A_37] : memref<10000x128xf32, #tpu.memory_space<vmem_shared>> -> memref<10000x128xf32, #tpu.memory_space<vmem_shared>>
        tpu.enqueue_indirect_dma source(%arg7 : memref<40x128xf32, #tpu.memory_space<vmem>>) target(%dma_start3A_38 : memref<10000x128xf32, #tpu.memory_space<vmem_shared>>) offsets(%dma_start3A_35 : memref<40xi32, #tpu.memory_space<vmem>>) semaphore(%arg9 : memref<!tpu.dma_semaphore, #tpu.memory_space<semaphore_mem>>) {add = true}
        %add3A_39 = arith.constant 1 : i32
        %add3A_40 = arith.addi %mul3A_30, %add3A_39 : i32
        %dma_start3A_41 = arith.constant 0 : i32
        %dma_start3A_42 = arith.constant 0 : i32
        %dma_start3A_43 = tpu.memref_slice %arg6[%add3A_40, %dma_start3A_41, %dma_start3A_42] : memref<25x1x40xi32, #tpu.memory_space<vmem>> -> memref<1x1x40xi32, #tpu.memory_space<vmem>>
        %dma_start3A_44 = tpu.memref_squeeze %dma_start3A_43 : memref<1x1x40xi32, #tpu.memory_space<vmem>> -> memref<40xi32, #tpu.memory_space<vmem>>
        %dma_start3A_45 = arith.constant 0 : i32
        %dma_start3A_46 = arith.constant 0 : i32
        %dma_start3A_47 = tpu.memref_slice %arg8[%dma_start3A_45, %dma_start3A_46] : memref<10000x128xf32, #tpu.memory_space<vmem_shared>> -> memref<10000x128xf32, #tpu.memory_space<vmem_shared>>
        tpu.enqueue_indirect_dma source(%arg7 : memref<40x128xf32, #tpu.memory_space<vmem>>) target(%dma_start3A_47 : memref<10000x128xf32, #tpu.memory_space<vmem_shared>>) offsets(%dma_start3A_44 : memref<40xi32, #tpu.memory_space<vmem>>) semaphore(%arg9 : memref<!tpu.dma_semaphore, #tpu.memory_space<semaphore_mem>>) {add = true}
        %add3A_48 = arith.constant 2 : i32
        %add3A_49 = arith.addi %mul3A_30, %add3A_48 : i32
        %dma_start3A_50 = arith.constant 0 : i32
        %dma_start3A_51 = arith.constant 0 : i32
        %dma_start3A_52 = tpu.memref_slice %arg6[%add3A_49, %dma_start3A_50, %dma_start3A_51] : memref<25x1x40xi32, #tpu.memory_space<vmem>> -> memref<1x1x40xi32, #tpu.memory_space<vmem>>
        %dma_start3A_53 = tpu.memref_squeeze %dma_start3A_52 : memref<1x1x40xi32, #tpu.memory_space<vmem>> -> memref<40xi32, #tpu.memory_space<vmem>>
        %dma_start3A_54 = arith.constant 0 : i32
        %dma_start3A_55 = arith.constant 0 : i32
        %dma_start3A_56 = tpu.memref_slice %arg8[%dma_start3A_54, %dma_start3A_55] : memref<10000x128xf32, #tpu.memory_space<vmem_shared>> -> memref<10000x128xf32, #tpu.memory_space<vmem_shared>>
        tpu.enqueue_indirect_dma source(%arg7 : memref<40x128xf32, #tpu.memory_space<vmem>>) target(%dma_start3A_56 : memref<10000x128xf32, #tpu.memory_space<vmem_shared>>) offsets(%dma_start3A_53 : memref<40xi32, #tpu.memory_space<vmem>>) semaphore(%arg9 : memref<!tpu.dma_semaphore, #tpu.memory_space<semaphore_mem>>) {add = true}
        %add3A_57 = arith.constant 3 : i32
        %add3A_58 = arith.addi %mul3A_30, %add3A_57 : i32
        %dma_start3A_59 = arith.constant 0 : i32
        %dma_start3A_60 = arith.constant 0 : i32
        %dma_start3A_61 = tpu.memref_slice %arg6[%add3A_58, %dma_start3A_59, %dma_start3A_60] : memref<25x1x40xi32, #tpu.memory_space<vmem>> -> memref<1x1x40xi32, #tpu.memory_space<vmem>>
        %dma_start3A_62 = tpu.memref_squeeze %dma_start3A_61 : memref<1x1x40xi32, #tpu.memory_space<vmem>> -> memref<40xi32, #tpu.memory_space<vmem>>
        %dma_start3A_63 = arith.constant 0 : i32
        %dma_start3A_64 = arith.constant 0 : i32
        %dma_start3A_65 = tpu.memref_slice %arg8[%dma_start3A_63, %dma_start3A_64] : memref<10000x128xf32, #tpu.memory_space<vmem_shared>> -> memref<10000x128xf32, #tpu.memory_space<vmem_shared>>
        tpu.enqueue_indirect_dma source(%arg7 : memref<40x128xf32, #tpu.memory_space<vmem>>) target(%dma_start3A_65 : memref<10000x128xf32, #tpu.memory_space<vmem_shared>>) offsets(%dma_start3A_62 : memref<40xi32, #tpu.memory_space<vmem>>) semaphore(%arg9 : memref<!tpu.dma_semaphore, #tpu.memory_space<semaphore_mem>>) {add = true}
        %add3A_66 = arith.constant 4 : i32
        %add3A_67 = arith.addi %mul3A_30, %add3A_66 : i32
        %dma_start3A_68 = arith.constant 0 : i32
        %dma_start3A_69 = arith.constant 0 : i32
        %dma_start3A_70 = tpu.memref_slice %arg6[%add3A_67, %dma_start3A_68, %dma_start3A_69] : memref<25x1x40xi32, #tpu.memory_space<vmem>> -> memref<1x1x40xi32, #tpu.memory_space<vmem>>
        %dma_start3A_71 = tpu.memref_squeeze %dma_start3A_70 : memref<1x1x40xi32, #tpu.memory_space<vmem>> -> memref<40xi32, #tpu.memory_space<vmem>>
        %dma_start3A_72 = arith.constant 0 : i32
        %dma_start3A_73 = arith.constant 0 : i32
        %dma_start3A_74 = tpu.memref_slice %arg8[%dma_start3A_72, %dma_start3A_73] : memref<10000x128xf32, #tpu.memory_space<vmem_shared>> -> memref<10000x128xf32, #tpu.memory_space<vmem_shared>>
        tpu.enqueue_indirect_dma source(%arg7 : memref<40x128xf32, #tpu.memory_space<vmem>>) target(%dma_start3A_74 : memref<10000x128xf32, #tpu.memory_space<vmem_shared>>) offsets(%dma_start3A_71 : memref<40xi32, #tpu.memory_space<vmem>>) semaphore(%arg9 : memref<!tpu.dma_semaphore, #tpu.memory_space<semaphore_mem>>) {add = true}
        %dma_wait3A = arith.constant 0 : i32
        %dma_wait3A_75 = arith.constant 0 : i32
        %dma_wait3A_76 = tpu.memref_slice %arg6[%add3A_32, %dma_wait3A, %dma_wait3A_75] : memref<25x1x40xi32, #tpu.memory_space<vmem>> -> memref<1x1x40xi32, #tpu.memory_space<vmem>>
        %dma_wait3A_77 = tpu.memref_squeeze %dma_wait3A_76 : memref<1x1x40xi32, #tpu.memory_space<vmem>> -> memref<40xi32, #tpu.memory_space<vmem>>
        %dma_wait3A_78 = arith.constant 0 : i32
        %dma_wait3A_79 = arith.constant 0 : i32
        %dma_wait3A_80 = tpu.memref_slice %arg8[%dma_wait3A_78, %dma_wait3A_79] : memref<10000x128xf32, #tpu.memory_space<vmem_shared>> -> memref<10000x128xf32, #tpu.memory_space<vmem_shared>>
        tpu.wait_indirect_dma semaphore(%arg9 : memref<!tpu.dma_semaphore, #tpu.memory_space<semaphore_mem>>) src(%arg7 : memref<40x128xf32, #tpu.memory_space<vmem>>) dst(%dma_wait3A_80 : memref<10000x128xf32, #tpu.memory_space<vmem_shared>>)
        %dma_wait3A_81 = arith.constant 0 : i32
        %dma_wait3A_82 = arith.constant 0 : i32
        %dma_wait3A_83 = tpu.memref_slice %arg6[%add3A_40, %dma_wait3A_81, %dma_wait3A_82] : memref<25x1x40xi32, #tpu.memory_space<vmem>> -> memref<1x1x40xi32, #tpu.memory_space<vmem>>
        %dma_wait3A_84 = tpu.memref_squeeze %dma_wait3A_83 : memref<1x1x40xi32, #tpu.memory_space<vmem>> -> memref<40xi32, #tpu.memory_space<vmem>>
        %dma_wait3A_85 = arith.constant 0 : i32
        %dma_wait3A_86 = arith.constant 0 : i32
        %dma_wait3A_87 = tpu.memref_slice %arg8[%dma_wait3A_85, %dma_wait3A_86] : memref<10000x128xf32, #tpu.memory_space<vmem_shared>> -> memref<10000x128xf32, #tpu.memory_space<vmem_shared>>
        tpu.wait_indirect_dma semaphore(%arg9 : memref<!tpu.dma_semaphore, #tpu.memory_space<semaphore_mem>>) src(%arg7 : memref<40x128xf32, #tpu.memory_space<vmem>>) dst(%dma_wait3A_87 : memref<10000x128xf32, #tpu.memory_space<vmem_shared>>)
        %dma_wait3A_88 = arith.constant 0 : i32
        %dma_wait3A_89 = arith.constant 0 : i32
        %dma_wait3A_90 = tpu.memref_slice %arg6[%add3A_49, %dma_wait3A_88, %dma_wait3A_89] : memref<25x1x40xi32, #tpu.memory_space<vmem>> -> memref<1x1x40xi32, #tpu.memory_space<vmem>>
        %dma_wait3A_91 = tpu.memref_squeeze %dma_wait3A_90 : memref<1x1x40xi32, #tpu.memory_space<vmem>> -> memref<40xi32, #tpu.memory_space<vmem>>
        %dma_wait3A_92 = arith.constant 0 : i32
        %dma_wait3A_93 = arith.constant 0 : i32
        %dma_wait3A_94 = tpu.memref_slice %arg8[%dma_wait3A_92, %dma_wait3A_93] : memref<10000x128xf32, #tpu.memory_space<vmem_shared>> -> memref<10000x128xf32, #tpu.memory_space<vmem_shared>>
        tpu.wait_indirect_dma semaphore(%arg9 : memref<!tpu.dma_semaphore, #tpu.memory_space<semaphore_mem>>) src(%arg7 : memref<40x128xf32, #tpu.memory_space<vmem>>) dst(%dma_wait3A_94 : memref<10000x128xf32, #tpu.memory_space<vmem_shared>>)
        %dma_wait3A_95 = arith.constant 0 : i32
        %dma_wait3A_96 = arith.constant 0 : i32
        %dma_wait3A_97 = tpu.memref_slice %arg6[%add3A_58, %dma_wait3A_95, %dma_wait3A_96] : memref<25x1x40xi32, #tpu.memory_space<vmem>> -> memref<1x1x40xi32, #tpu.memory_space<vmem>>
        %dma_wait3A_98 = tpu.memref_squeeze %dma_wait3A_97 : memref<1x1x40xi32, #tpu.memory_space<vmem>> -> memref<40xi32, #tpu.memory_space<vmem>>
        %dma_wait3A_99 = arith.constant 0 : i32
        %dma_wait3A_100 = arith.constant 0 : i32
        %dma_wait3A_101 = tpu.memref_slice %arg8[%dma_wait3A_99, %dma_wait3A_100] : memref<10000x128xf32, #tpu.memory_space<vmem_shared>> -> memref<10000x128xf32, #tpu.memory_space<vmem_shared>>
        tpu.wait_indirect_dma semaphore(%arg9 : memref<!tpu.dma_semaphore, #tpu.memory_space<semaphore_mem>>) src(%arg7 : memref<40x128xf32, #tpu.memory_space<vmem>>) dst(%dma_wait3A_101 : memref<10000x128xf32, #tpu.memory_space<vmem_shared>>)
        %dma_wait3A_102 = arith.constant 0 : i32
        %dma_wait3A_103 = arith.constant 0 : i32
        %dma_wait3A_104 = tpu.memref_slice %arg6[%add3A_67, %dma_wait3A_102, %dma_wait3A_103] : memref<25x1x40xi32, #tpu.memory_space<vmem>> -> memref<1x1x40xi32, #tpu.memory_space<vmem>>
        %dma_wait3A_105 = tpu.memref_squeeze %dma_wait3A_104 : memref<1x1x40xi32, #tpu.memory_space<vmem>> -> memref<40xi32, #tpu.memory_space<vmem>>
        %dma_wait3A_106 = arith.constant 0 : i32
        %dma_wait3A_107 = arith.constant 0 : i32
        %dma_wait3A_108 = tpu.memref_slice %arg8[%dma_wait3A_106, %dma_wait3A_107] : memref<10000x128xf32, #tpu.memory_space<vmem_shared>> -> memref<10000x128xf32, #tpu.memory_space<vmem_shared>>
        tpu.wait_indirect_dma semaphore(%arg9 : memref<!tpu.dma_semaphore, #tpu.memory_space<semaphore_mem>>) src(%arg7 : memref<40x128xf32, #tpu.memory_space<vmem>>) dst(%dma_wait3A_108 : memref<10000x128xf32, #tpu.memory_space<vmem_shared>>)
      }
      %scan3A_27 = arith.constant 5 : i32
    }
    %scan3A_9 = arith.constant 10 : i32
    %barrier3A_10 = arith.constant 0 : index
    tpu.barrier barrier_id(%barrier3A_10)
    "tpu.region"() ({
      %run_scoped3A = tpu.sem_alloc : memref<!tpu.dma_semaphore, #tpu.memory_space<semaphore_mem>>
      %dma_start3A = arith.constant 0 : i32
      %dma_start3A_16 = tpu.memref_slice %arg5[%arg0, %mul3A_2, %dma_start3A] : memref<2x10000x128xf32, #tpu.memory_space<hbm>> -> memref<1x624x128xf32, #tpu.memory_space<hbm>>
      %dma_start3A_17 = tpu.memref_squeeze %dma_start3A_16 : memref<1x624x128xf32, #tpu.memory_space<hbm>> -> memref<624x128xf32, #tpu.memory_space<hbm>>
      %dma_start3A_18 = arith.constant 0 : i32
      %dma_start3A_19 = tpu.memref_slice %arg8[%mul3A_2, %dma_start3A_18] : memref<10000x128xf32, #tpu.memory_space<vmem_shared>> -> memref<624x128xf32, #tpu.memory_space<vmem_shared>>
      tpu.enqueue_dma source(%dma_start3A_19 : memref<624x128xf32, #tpu.memory_space<vmem_shared>>) target(%dma_start3A_17 : memref<624x128xf32, #tpu.memory_space<hbm>>) target_semaphore(%run_scoped3A : memref<!tpu.dma_semaphore, #tpu.memory_space<semaphore_mem>>)
      %dma_wait3A = arith.constant 0 : i32
      %dma_wait3A_20 = tpu.memref_slice %arg5[%arg0, %mul3A_2, %dma_wait3A] : memref<2x10000x128xf32, #tpu.memory_space<hbm>> -> memref<1x624x128xf32, #tpu.memory_space<hbm>>
      %dma_wait3A_21 = tpu.memref_squeeze %dma_wait3A_20 : memref<1x624x128xf32, #tpu.memory_space<hbm>> -> memref<624x128xf32, #tpu.memory_space<hbm>>
      %dma_wait3A_22 = arith.constant 0 : i32
      %dma_wait3A_23 = tpu.memref_slice %arg8[%mul3A_2, %dma_wait3A_22] : memref<10000x128xf32, #tpu.memory_space<vmem_shared>> -> memref<624x128xf32, #tpu.memory_space<vmem_shared>>
      tpu.wait_dma2 semaphore(%run_scoped3A : memref<!tpu.dma_semaphore, #tpu.memory_space<semaphore_mem>>) src(%dma_wait3A_23 : memref<624x128xf32, #tpu.memory_space<vmem_shared>>) dst(%dma_wait3A_21 : memref<624x128xf32, #tpu.memory_space<hbm>>)
      tpu.yield
    }) : () -> ()
    %eq3A_11 = arith.constant 15 : i32
    %eq3A_12 = arith.cmpi eq, %arg1, %eq3A_11 : i32
    %convert_element_type3A_13 = arith.extui %eq3A_12 : i1 to i32
    %cond3A_14 = arith.constant 0 : i32
    %cond3A_15 = arith.cmpi ne, %convert_element_type3A_13, %cond3A_14 : i32
    scf.if %cond3A_15 {
      "tpu.region"() ({
        %run_scoped3A = tpu.sem_alloc : memref<!tpu.dma_semaphore, #tpu.memory_space<semaphore_mem>>
        %dma_start3A = arith.constant 9984 : i32
        %dma_start3A_16 = arith.constant 0 : i32
        %dma_start3A_17 = tpu.memref_slice %arg5[%arg0, %dma_start3A, %dma_start3A_16] : memref<2x10000x128xf32, #tpu.memory_space<hbm>> -> memref<1x16x128xf32, #tpu.memory_space<hbm>>
        %dma_start3A_18 = tpu.memref_squeeze %dma_start3A_17 : memref<1x16x128xf32, #tpu.memory_space<hbm>> -> memref<16x128xf32, #tpu.memory_space<hbm>>
        %dma_start3A_19 = arith.constant 9984 : i32
        %dma_start3A_20 = arith.constant 0 : i32
        %dma_start3A_21 = tpu.memref_slice %arg8[%dma_start3A_19, %dma_start3A_20] : memref<10000x128xf32, #tpu.memory_space<vmem_shared>> -> memref<16x128xf32, #tpu.memory_space<vmem_shared>>
        tpu.enqueue_dma source(%dma_start3A_21 : memref<16x128xf32, #tpu.memory_space<vmem_shared>>) target(%dma_start3A_18 : memref<16x128xf32, #tpu.memory_space<hbm>>) target_semaphore(%run_scoped3A : memref<!tpu.dma_semaphore, #tpu.memory_space<semaphore_mem>>)
        %dma_wait3A = arith.constant 9984 : i32
        %dma_wait3A_22 = arith.constant 0 : i32
        %dma_wait3A_23 = tpu.memref_slice %arg5[%arg0, %dma_wait3A, %dma_wait3A_22] : memref<2x10000x128xf32, #tpu.memory_space<hbm>> -> memref<1x16x128xf32, #tpu.memory_space<hbm>>
        %dma_wait3A_24 = tpu.memref_squeeze %dma_wait3A_23 : memref<1x16x128xf32, #tpu.memory_space<hbm>> -> memref<16x128xf32, #tpu.memory_space<hbm>>
        %dma_wait3A_25 = arith.constant 9984 : i32
        %dma_wait3A_26 = arith.constant 0 : i32
        %dma_wait3A_27 = tpu.memref_slice %arg8[%dma_wait3A_25, %dma_wait3A_26] : memref<10000x128xf32, #tpu.memory_space<vmem_shared>> -> memref<16x128xf32, #tpu.memory_space<vmem_shared>>
        tpu.wait_dma2 semaphore(%run_scoped3A : memref<!tpu.dma_semaphore, #tpu.memory_space<semaphore_mem>>) src(%dma_wait3A_27 : memref<16x128xf32, #tpu.memory_space<vmem_shared>>) dst(%dma_wait3A_24 : memref<16x128xf32, #tpu.memory_space<hbm>>)
        tpu.yield
      }) : () -> ()
    } else {
    }
    return
  }
}

#map = affine_map<(d0, d1) -> (0, 0)>
#map1 = affine_map<(d0, d1) -> (0, 0, 0)>
module attributes {stable_mosaic.version = 14 : i64} {
  func.func @_sc_agg_body(%arg0: i32, %arg1: i32, %arg2: memref<10000x128xf32, #tpu.memory_space<hbm>>, %arg3: memref<8016x1x40xi32, #tpu.memory_space<hbm>>, %arg4: memref<8016x1x40xi32, #tpu.memory_space<hbm>>, %arg5: memref<10000x128xf32, #tpu.memory_space<hbm>>, %arg6: memref<2x10000x128xf32, #tpu.memory_space<hbm>>, %arg7: memref<3x15x1x40xi32, #tpu.memory_space<vmem>>, %arg8: memref<2x10x1x40xi32, #tpu.memory_space<vmem>>, %arg9: memref<5x40x128xf32, #tpu.memory_space<vmem>>, %arg10: memref<10000x128xf32, #tpu.memory_space<vmem_shared>>, %arg11: memref<!tpu.dma_semaphore, #tpu.memory_space<semaphore_mem>>, %arg12: memref<!tpu.dma_semaphore, #tpu.memory_space<semaphore_mem>>, %arg13: memref<!tpu.dma_semaphore, #tpu.memory_space<semaphore_mem>>, %arg14: memref<!tpu.dma_semaphore, #tpu.memory_space<semaphore_mem>>, %arg15: memref<!tpu.dma_semaphore, #tpu.memory_space<semaphore_mem>>, %arg16: memref<!tpu.dma_semaphore, #tpu.memory_space<semaphore_mem>>, %arg17: memref<!tpu.dma_semaphore, #tpu.memory_space<semaphore_mem>>) attributes {dimension_semantics = [#tpu.dimension_semantics<core_parallel>, #tpu.dimension_semantics<subcore_parallel>], iteration_bounds = array<i64: 2, 16>, scalar_prefetch = 0 : i64, scratch_operands = 11 : i64, tpu.core_type = #tpu.core_type<sc_vector_subcore>, window_params = [{transform_indices = #map}, {transform_indices = #map1}, {transform_indices = #map1}, {transform_indices = #map}, {transform_indices = #map1}]} {
    %mul3A = arith.constant 16 : i32
    %mul3A_0 = arith.muli %arg0, %mul3A : i32
    %add3A = arith.addi %mul3A_0, %arg1 : i32
    %mul3A_1 = arith.constant 624 : i32
    %mul3A_2 = arith.muli %arg1, %mul3A_1 : i32
    "tpu.region"() ({
      %run_scoped3A_207 = tpu.sem_alloc : memref<!tpu.dma_semaphore, #tpu.memory_space<semaphore_mem>>
      %dma_start3A_208 = arith.constant 0 : i32
      %dma_start3A_209 = tpu.memref_slice %arg10[%mul3A_2, %dma_start3A_208] : memref<10000x128xf32, #tpu.memory_space<vmem_shared>> -> memref<624x128xf32, #tpu.memory_space<vmem_shared>>
      %dma_start3A_210 = arith.constant 0 : i32
      %dma_start3A_211 = tpu.memref_slice %arg5[%mul3A_2, %dma_start3A_210] : memref<10000x128xf32, #tpu.memory_space<hbm>> -> memref<624x128xf32, #tpu.memory_space<hbm>>
      tpu.enqueue_dma source(%dma_start3A_211 : memref<624x128xf32, #tpu.memory_space<hbm>>) target(%dma_start3A_209 : memref<624x128xf32, #tpu.memory_space<vmem_shared>>) target_semaphore(%run_scoped3A_207 : memref<!tpu.dma_semaphore, #tpu.memory_space<semaphore_mem>>)
      %dma_wait3A_212 = arith.constant 0 : i32
      %dma_wait3A_213 = tpu.memref_slice %arg10[%mul3A_2, %dma_wait3A_212] : memref<10000x128xf32, #tpu.memory_space<vmem_shared>> -> memref<624x128xf32, #tpu.memory_space<vmem_shared>>
      %dma_wait3A_214 = arith.constant 0 : i32
      %dma_wait3A_215 = tpu.memref_slice %arg5[%mul3A_2, %dma_wait3A_214] : memref<10000x128xf32, #tpu.memory_space<hbm>> -> memref<624x128xf32, #tpu.memory_space<hbm>>
      tpu.wait_dma2 semaphore(%run_scoped3A_207 : memref<!tpu.dma_semaphore, #tpu.memory_space<semaphore_mem>>) src(%dma_wait3A_215 : memref<624x128xf32, #tpu.memory_space<hbm>>) dst(%dma_wait3A_213 : memref<624x128xf32, #tpu.memory_space<vmem_shared>>)
      tpu.yield
    }) : () -> ()
    %eq3A = arith.constant 15 : i32
    %eq3A_3 = arith.cmpi eq, %arg1, %eq3A : i32
    %convert_element_type3A = arith.extui %eq3A_3 : i1 to i32
    %cond3A = arith.constant 0 : i32
    %cond3A_4 = arith.cmpi ne, %convert_element_type3A, %cond3A : i32
    scf.if %cond3A_4 {
      "tpu.region"() ({
        %run_scoped3A_207 = tpu.sem_alloc : memref<!tpu.dma_semaphore, #tpu.memory_space<semaphore_mem>>
        %dma_start3A_208 = arith.constant 9984 : i32
        %dma_start3A_209 = arith.constant 0 : i32
        %dma_start3A_210 = tpu.memref_slice %arg10[%dma_start3A_208, %dma_start3A_209] : memref<10000x128xf32, #tpu.memory_space<vmem_shared>> -> memref<16x128xf32, #tpu.memory_space<vmem_shared>>
        %dma_start3A_211 = arith.constant 9984 : i32
        %dma_start3A_212 = arith.constant 0 : i32
        %dma_start3A_213 = tpu.memref_slice %arg5[%dma_start3A_211, %dma_start3A_212] : memref<10000x128xf32, #tpu.memory_space<hbm>> -> memref<16x128xf32, #tpu.memory_space<hbm>>
        tpu.enqueue_dma source(%dma_start3A_213 : memref<16x128xf32, #tpu.memory_space<hbm>>) target(%dma_start3A_210 : memref<16x128xf32, #tpu.memory_space<vmem_shared>>) target_semaphore(%run_scoped3A_207 : memref<!tpu.dma_semaphore, #tpu.memory_space<semaphore_mem>>)
        %dma_wait3A_214 = arith.constant 9984 : i32
        %dma_wait3A_215 = arith.constant 0 : i32
        %dma_wait3A_216 = tpu.memref_slice %arg10[%dma_wait3A_214, %dma_wait3A_215] : memref<10000x128xf32, #tpu.memory_space<vmem_shared>> -> memref<16x128xf32, #tpu.memory_space<vmem_shared>>
        %dma_wait3A_217 = arith.constant 9984 : i32
        %dma_wait3A_218 = arith.constant 0 : i32
        %dma_wait3A_219 = tpu.memref_slice %arg5[%dma_wait3A_217, %dma_wait3A_218] : memref<10000x128xf32, #tpu.memory_space<hbm>> -> memref<16x128xf32, #tpu.memory_space<hbm>>
        tpu.wait_dma2 semaphore(%run_scoped3A_207 : memref<!tpu.dma_semaphore, #tpu.memory_space<semaphore_mem>>) src(%dma_wait3A_219 : memref<16x128xf32, #tpu.memory_space<hbm>>) dst(%dma_wait3A_216 : memref<16x128xf32, #tpu.memory_space<vmem_shared>>)
        tpu.yield
      }) : () -> ()
    } else {
    }
    %barrier3A = arith.constant 0 : index
    tpu.barrier barrier_id(%barrier3A)
    %mul3A_5 = arith.constant 250 : i32
    %mul3A_6 = arith.muli %add3A, %mul3A_5 : i32
    %run_scoped3A = arith.constant 0 : i32
    "tpu.region"() ({
      %run_scoped3A_207 = tpu.sem_alloc : memref<!tpu.dma_semaphore, #tpu.memory_space<semaphore_mem>>
      %dma_start3A_208 = arith.constant 0 : i32
      %dma_start3A_209 = arith.constant 0 : i32
      %dma_start3A_210 = arith.constant 0 : i32
      %dma_start3A_211 = tpu.memref_slice %arg7[%run_scoped3A, %dma_start3A_208, %dma_start3A_209, %dma_start3A_210] : memref<3x15x1x40xi32, #tpu.memory_space<vmem>> -> memref<1x15x1x40xi32, #tpu.memory_space<vmem>>
      %dma_start3A_212 = tpu.memref_squeeze %dma_start3A_211 : memref<1x15x1x40xi32, #tpu.memory_space<vmem>> -> memref<15x1x40xi32, #tpu.memory_space<vmem>>
      %dma_start3A_213 = arith.constant 0 : i32
      %dma_start3A_214 = arith.constant 0 : i32
      %dma_start3A_215 = tpu.memref_slice %arg3[%mul3A_6, %dma_start3A_213, %dma_start3A_214] : memref<8016x1x40xi32, #tpu.memory_space<hbm>> -> memref<15x1x40xi32, #tpu.memory_space<hbm>>
      %dma_start3A_216 = arith.constant 0 : i32
      %dma_start3A_217 = arith.constant 0 : i32
      %dma_start3A_218 = arith.constant 0 : i32
      %dma_start3A_219 = tpu.memref_slice %arg7[%run_scoped3A, %dma_start3A_216, %dma_start3A_217, %dma_start3A_218] : memref<3x15x1x40xi32, #tpu.memory_space<vmem>> -> memref<1x15x1x40xi32, #tpu.memory_space<vmem>>
      %dma_start3A_220 = tpu.memref_squeeze %dma_start3A_219 : memref<1x15x1x40xi32, #tpu.memory_space<vmem>> -> memref<15x1x40xi32, #tpu.memory_space<vmem>>
      %dma_start3A_221 = arith.constant 0 : i32
      %dma_start3A_222 = arith.constant 0 : i32
      %dma_start3A_223 = tpu.memref_slice %arg3[%mul3A_6, %dma_start3A_221, %dma_start3A_222] : memref<8016x1x40xi32, #tpu.memory_space<hbm>> -> memref<15x1x40xi32, #tpu.memory_space<hbm>>
      tpu.enqueue_dma source(%dma_start3A_223 : memref<15x1x40xi32, #tpu.memory_space<hbm>>) target(%dma_start3A_220 : memref<15x1x40xi32, #tpu.memory_space<vmem>>) target_semaphore(%run_scoped3A_207 : memref<!tpu.dma_semaphore, #tpu.memory_space<semaphore_mem>>)
      %dma_wait3A_224 = arith.constant 0 : i32
      %dma_wait3A_225 = arith.constant 0 : i32
      %dma_wait3A_226 = arith.constant 0 : i32
      %dma_wait3A_227 = tpu.memref_slice %arg7[%run_scoped3A, %dma_wait3A_224, %dma_wait3A_225, %dma_wait3A_226] : memref<3x15x1x40xi32, #tpu.memory_space<vmem>> -> memref<1x15x1x40xi32, #tpu.memory_space<vmem>>
      %dma_wait3A_228 = tpu.memref_squeeze %dma_wait3A_227 : memref<1x15x1x40xi32, #tpu.memory_space<vmem>> -> memref<15x1x40xi32, #tpu.memory_space<vmem>>
      %dma_wait3A_229 = arith.constant 0 : i32
      %dma_wait3A_230 = arith.constant 0 : i32
      %dma_wait3A_231 = tpu.memref_slice %arg3[%mul3A_6, %dma_wait3A_229, %dma_wait3A_230] : memref<8016x1x40xi32, #tpu.memory_space<hbm>> -> memref<15x1x40xi32, #tpu.memory_space<hbm>>
      %dma_wait3A_232 = arith.constant 0 : i32
      %dma_wait3A_233 = arith.constant 0 : i32
      %dma_wait3A_234 = arith.constant 0 : i32
      %dma_wait3A_235 = tpu.memref_slice %arg7[%run_scoped3A, %dma_wait3A_232, %dma_wait3A_233, %dma_wait3A_234] : memref<3x15x1x40xi32, #tpu.memory_space<vmem>> -> memref<1x15x1x40xi32, #tpu.memory_space<vmem>>
      %dma_wait3A_236 = tpu.memref_squeeze %dma_wait3A_235 : memref<1x15x1x40xi32, #tpu.memory_space<vmem>> -> memref<15x1x40xi32, #tpu.memory_space<vmem>>
      %dma_wait3A_237 = arith.constant 0 : i32
      %dma_wait3A_238 = arith.constant 0 : i32
      %dma_wait3A_239 = tpu.memref_slice %arg3[%mul3A_6, %dma_wait3A_237, %dma_wait3A_238] : memref<8016x1x40xi32, #tpu.memory_space<hbm>> -> memref<15x1x40xi32, #tpu.memory_space<hbm>>
      tpu.wait_dma2 semaphore(%run_scoped3A_207 : memref<!tpu.dma_semaphore, #tpu.memory_space<semaphore_mem>>) src(%dma_wait3A_239 : memref<15x1x40xi32, #tpu.memory_space<hbm>>) dst(%dma_wait3A_236 : memref<15x1x40xi32, #tpu.memory_space<vmem>>)
      tpu.yield
    }) : () -> ()
    %mul3A_7 = arith.constant 250 : i32
    %mul3A_8 = arith.muli %add3A, %mul3A_7 : i32
    %run_scoped3A_9 = arith.constant 0 : i32
    "tpu.region"() ({
      %run_scoped3A_207 = tpu.sem_alloc : memref<!tpu.dma_semaphore, #tpu.memory_space<semaphore_mem>>
      %dma_start3A_208 = arith.constant 0 : i32
      %dma_start3A_209 = arith.constant 0 : i32
      %dma_start3A_210 = arith.constant 0 : i32
      %dma_start3A_211 = tpu.memref_slice %arg8[%run_scoped3A_9, %dma_start3A_208, %dma_start3A_209, %dma_start3A_210] : memref<2x10x1x40xi32, #tpu.memory_space<vmem>> -> memref<1x10x1x40xi32, #tpu.memory_space<vmem>>
      %dma_start3A_212 = tpu.memref_squeeze %dma_start3A_211 : memref<1x10x1x40xi32, #tpu.memory_space<vmem>> -> memref<10x1x40xi32, #tpu.memory_space<vmem>>
      %dma_start3A_213 = arith.constant 0 : i32
      %dma_start3A_214 = arith.constant 0 : i32
      %dma_start3A_215 = tpu.memref_slice %arg4[%mul3A_8, %dma_start3A_213, %dma_start3A_214] : memref<8016x1x40xi32, #tpu.memory_space<hbm>> -> memref<10x1x40xi32, #tpu.memory_space<hbm>>
      %dma_start3A_216 = arith.constant 0 : i32
      %dma_start3A_217 = arith.constant 0 : i32
      %dma_start3A_218 = arith.constant 0 : i32
      %dma_start3A_219 = tpu.memref_slice %arg8[%run_scoped3A_9, %dma_start3A_216, %dma_start3A_217, %dma_start3A_218] : memref<2x10x1x40xi32, #tpu.memory_space<vmem>> -> memref<1x10x1x40xi32, #tpu.memory_space<vmem>>
      %dma_start3A_220 = tpu.memref_squeeze %dma_start3A_219 : memref<1x10x1x40xi32, #tpu.memory_space<vmem>> -> memref<10x1x40xi32, #tpu.memory_space<vmem>>
      %dma_start3A_221 = arith.constant 0 : i32
      %dma_start3A_222 = arith.constant 0 : i32
      %dma_start3A_223 = tpu.memref_slice %arg4[%mul3A_8, %dma_start3A_221, %dma_start3A_222] : memref<8016x1x40xi32, #tpu.memory_space<hbm>> -> memref<10x1x40xi32, #tpu.memory_space<hbm>>
      tpu.enqueue_dma source(%dma_start3A_223 : memref<10x1x40xi32, #tpu.memory_space<hbm>>) target(%dma_start3A_220 : memref<10x1x40xi32, #tpu.memory_space<vmem>>) target_semaphore(%run_scoped3A_207 : memref<!tpu.dma_semaphore, #tpu.memory_space<semaphore_mem>>)
      %dma_wait3A_224 = arith.constant 0 : i32
      %dma_wait3A_225 = arith.constant 0 : i32
      %dma_wait3A_226 = arith.constant 0 : i32
      %dma_wait3A_227 = tpu.memref_slice %arg8[%run_scoped3A_9, %dma_wait3A_224, %dma_wait3A_225, %dma_wait3A_226] : memref<2x10x1x40xi32, #tpu.memory_space<vmem>> -> memref<1x10x1x40xi32, #tpu.memory_space<vmem>>
      %dma_wait3A_228 = tpu.memref_squeeze %dma_wait3A_227 : memref<1x10x1x40xi32, #tpu.memory_space<vmem>> -> memref<10x1x40xi32, #tpu.memory_space<vmem>>
      %dma_wait3A_229 = arith.constant 0 : i32
      %dma_wait3A_230 = arith.constant 0 : i32
      %dma_wait3A_231 = tpu.memref_slice %arg4[%mul3A_8, %dma_wait3A_229, %dma_wait3A_230] : memref<8016x1x40xi32, #tpu.memory_space<hbm>> -> memref<10x1x40xi32, #tpu.memory_space<hbm>>
      %dma_wait3A_232 = arith.constant 0 : i32
      %dma_wait3A_233 = arith.constant 0 : i32
      %dma_wait3A_234 = arith.constant 0 : i32
      %dma_wait3A_235 = tpu.memref_slice %arg8[%run_scoped3A_9, %dma_wait3A_232, %dma_wait3A_233, %dma_wait3A_234] : memref<2x10x1x40xi32, #tpu.memory_space<vmem>> -> memref<1x10x1x40xi32, #tpu.memory_space<vmem>>
      %dma_wait3A_236 = tpu.memref_squeeze %dma_wait3A_235 : memref<1x10x1x40xi32, #tpu.memory_space<vmem>> -> memref<10x1x40xi32, #tpu.memory_space<vmem>>
      %dma_wait3A_237 = arith.constant 0 : i32
      %dma_wait3A_238 = arith.constant 0 : i32
      %dma_wait3A_239 = tpu.memref_slice %arg4[%mul3A_8, %dma_wait3A_237, %dma_wait3A_238] : memref<8016x1x40xi32, #tpu.memory_space<hbm>> -> memref<10x1x40xi32, #tpu.memory_space<hbm>>
      tpu.wait_dma2 semaphore(%run_scoped3A_207 : memref<!tpu.dma_semaphore, #tpu.memory_space<semaphore_mem>>) src(%dma_wait3A_239 : memref<10x1x40xi32, #tpu.memory_space<hbm>>) dst(%dma_wait3A_236 : memref<10x1x40xi32, #tpu.memory_space<vmem>>)
      tpu.yield
    }) : () -> ()
    %dma_start3A = arith.constant 0 : i32
    %dma_start3A_10 = arith.constant 0 : i32
    %dma_start3A_11 = arith.constant 0 : i32
    %dma_start3A_12 = arith.constant 0 : i32
    %dma_start3A_13 = arith.constant 0 : i32
    %dma_start3A_14 = arith.constant 0 : i32
    %dma_start3A_15 = tpu.memref_slice %arg9[%dma_start3A_12, %dma_start3A_13, %dma_start3A_14] : memref<5x40x128xf32, #tpu.memory_space<vmem>> -> memref<1x40x128xf32, #tpu.memory_space<vmem>>
    %dma_start3A_16 = tpu.memref_squeeze %dma_start3A_15 : memref<1x40x128xf32, #tpu.memory_space<vmem>> -> memref<40x128xf32, #tpu.memory_space<vmem>>
    %dma_start3A_17 = arith.constant 0 : i32
    %dma_start3A_18 = tpu.memref_slice %arg7[%dma_start3A, %dma_start3A_10, %dma_start3A_11, %dma_start3A_17] : memref<3x15x1x40xi32, #tpu.memory_space<vmem>> -> memref<1x1x1x40xi32, #tpu.memory_space<vmem>>
    %dma_start3A_19 = tpu.memref_squeeze %dma_start3A_18 : memref<1x1x1x40xi32, #tpu.memory_space<vmem>> -> memref<40xi32, #tpu.memory_space<vmem>>
    %dma_start3A_20 = arith.constant 0 : i32
    %dma_start3A_21 = arith.constant 0 : i32
    %dma_start3A_22 = tpu.memref_slice %arg2[%dma_start3A_20, %dma_start3A_21] : memref<10000x128xf32, #tpu.memory_space<hbm>> -> memref<10000x128xf32, #tpu.memory_space<hbm>>
    tpu.enqueue_indirect_dma source(%dma_start3A_22 : memref<10000x128xf32, #tpu.memory_space<hbm>>) target(%dma_start3A_16 : memref<40x128xf32, #tpu.memory_space<vmem>>) offsets(%dma_start3A_19 : memref<40xi32, #tpu.memory_space<vmem>>) semaphore(%arg11 : memref<!tpu.dma_semaphore, #tpu.memory_space<semaphore_mem>>)
    %dma_start3A_23 = arith.constant 0 : i32
    %dma_start3A_24 = arith.constant 1 : i32
    %dma_start3A_25 = arith.constant 0 : i32
    %dma_start3A_26 = arith.constant 1 : i32
    %dma_start3A_27 = arith.constant 0 : i32
    %dma_start3A_28 = arith.constant 0 : i32
    %dma_start3A_29 = tpu.memref_slice %arg9[%dma_start3A_26, %dma_start3A_27, %dma_start3A_28] : memref<5x40x128xf32, #tpu.memory_space<vmem>> -> memref<1x40x128xf32, #tpu.memory_space<vmem>>
    %dma_start3A_30 = tpu.memref_squeeze %dma_start3A_29 : memref<1x40x128xf32, #tpu.memory_space<vmem>> -> memref<40x128xf32, #tpu.memory_space<vmem>>
    %dma_start3A_31 = arith.constant 0 : i32
    %dma_start3A_32 = tpu.memref_slice %arg7[%dma_start3A_23, %dma_start3A_24, %dma_start3A_25, %dma_start3A_31] : memref<3x15x1x40xi32, #tpu.memory_space<vmem>> -> memref<1x1x1x40xi32, #tpu.memory_space<vmem>>
    %dma_start3A_33 = tpu.memref_squeeze %dma_start3A_32 : memref<1x1x1x40xi32, #tpu.memory_space<vmem>> -> memref<40xi32, #tpu.memory_space<vmem>>
    %dma_start3A_34 = arith.constant 0 : i32
    %dma_start3A_35 = arith.constant 0 : i32
    %dma_start3A_36 = tpu.memref_slice %arg2[%dma_start3A_34, %dma_start3A_35] : memref<10000x128xf32, #tpu.memory_space<hbm>> -> memref<10000x128xf32, #tpu.memory_space<hbm>>
    tpu.enqueue_indirect_dma source(%dma_start3A_36 : memref<10000x128xf32, #tpu.memory_space<hbm>>) target(%dma_start3A_30 : memref<40x128xf32, #tpu.memory_space<vmem>>) offsets(%dma_start3A_33 : memref<40xi32, #tpu.memory_space<vmem>>) semaphore(%arg12 : memref<!tpu.dma_semaphore, #tpu.memory_space<semaphore_mem>>)
    %dma_start3A_37 = arith.constant 0 : i32
    %dma_start3A_38 = arith.constant 2 : i32
    %dma_start3A_39 = arith.constant 0 : i32
    %dma_start3A_40 = arith.constant 2 : i32
    %dma_start3A_41 = arith.constant 0 : i32
    %dma_start3A_42 = arith.constant 0 : i32
    %dma_start3A_43 = tpu.memref_slice %arg9[%dma_start3A_40, %dma_start3A_41, %dma_start3A_42] : memref<5x40x128xf32, #tpu.memory_space<vmem>> -> memref<1x40x128xf32, #tpu.memory_space<vmem>>
    %dma_start3A_44 = tpu.memref_squeeze %dma_start3A_43 : memref<1x40x128xf32, #tpu.memory_space<vmem>> -> memref<40x128xf32, #tpu.memory_space<vmem>>
    %dma_start3A_45 = arith.constant 0 : i32
    %dma_start3A_46 = tpu.memref_slice %arg7[%dma_start3A_37, %dma_start3A_38, %dma_start3A_39, %dma_start3A_45] : memref<3x15x1x40xi32, #tpu.memory_space<vmem>> -> memref<1x1x1x40xi32, #tpu.memory_space<vmem>>
    %dma_start3A_47 = tpu.memref_squeeze %dma_start3A_46 : memref<1x1x1x40xi32, #tpu.memory_space<vmem>> -> memref<40xi32, #tpu.memory_space<vmem>>
    %dma_start3A_48 = arith.constant 0 : i32
    %dma_start3A_49 = arith.constant 0 : i32
    %dma_start3A_50 = tpu.memref_slice %arg2[%dma_start3A_48, %dma_start3A_49] : memref<10000x128xf32, #tpu.memory_space<hbm>> -> memref<10000x128xf32, #tpu.memory_space<hbm>>
    tpu.enqueue_indirect_dma source(%dma_start3A_50 : memref<10000x128xf32, #tpu.memory_space<hbm>>) target(%dma_start3A_44 : memref<40x128xf32, #tpu.memory_space<vmem>>) offsets(%dma_start3A_47 : memref<40xi32, #tpu.memory_space<vmem>>) semaphore(%arg13 : memref<!tpu.dma_semaphore, #tpu.memory_space<semaphore_mem>>)
    %dma_start3A_51 = arith.constant 0 : i32
    %dma_start3A_52 = arith.constant 3 : i32
    %dma_start3A_53 = arith.constant 0 : i32
    %dma_start3A_54 = arith.constant 3 : i32
    %dma_start3A_55 = arith.constant 0 : i32
    %dma_start3A_56 = arith.constant 0 : i32
    %dma_start3A_57 = tpu.memref_slice %arg9[%dma_start3A_54, %dma_start3A_55, %dma_start3A_56] : memref<5x40x128xf32, #tpu.memory_space<vmem>> -> memref<1x40x128xf32, #tpu.memory_space<vmem>>
    %dma_start3A_58 = tpu.memref_squeeze %dma_start3A_57 : memref<1x40x128xf32, #tpu.memory_space<vmem>> -> memref<40x128xf32, #tpu.memory_space<vmem>>
    %dma_start3A_59 = arith.constant 0 : i32
    %dma_start3A_60 = tpu.memref_slice %arg7[%dma_start3A_51, %dma_start3A_52, %dma_start3A_53, %dma_start3A_59] : memref<3x15x1x40xi32, #tpu.memory_space<vmem>> -> memref<1x1x1x40xi32, #tpu.memory_space<vmem>>
    %dma_start3A_61 = tpu.memref_squeeze %dma_start3A_60 : memref<1x1x1x40xi32, #tpu.memory_space<vmem>> -> memref<40xi32, #tpu.memory_space<vmem>>
    %dma_start3A_62 = arith.constant 0 : i32
    %dma_start3A_63 = arith.constant 0 : i32
    %dma_start3A_64 = tpu.memref_slice %arg2[%dma_start3A_62, %dma_start3A_63] : memref<10000x128xf32, #tpu.memory_space<hbm>> -> memref<10000x128xf32, #tpu.memory_space<hbm>>
    tpu.enqueue_indirect_dma source(%dma_start3A_64 : memref<10000x128xf32, #tpu.memory_space<hbm>>) target(%dma_start3A_58 : memref<40x128xf32, #tpu.memory_space<vmem>>) offsets(%dma_start3A_61 : memref<40xi32, #tpu.memory_space<vmem>>) semaphore(%arg14 : memref<!tpu.dma_semaphore, #tpu.memory_space<semaphore_mem>>)
    %dma_start3A_65 = arith.constant 0 : i32
    %dma_start3A_66 = arith.constant 4 : i32
    %dma_start3A_67 = arith.constant 0 : i32
    %dma_start3A_68 = arith.constant 4 : i32
    %dma_start3A_69 = arith.constant 0 : i32
    %dma_start3A_70 = arith.constant 0 : i32
    %dma_start3A_71 = tpu.memref_slice %arg9[%dma_start3A_68, %dma_start3A_69, %dma_start3A_70] : memref<5x40x128xf32, #tpu.memory_space<vmem>> -> memref<1x40x128xf32, #tpu.memory_space<vmem>>
    %dma_start3A_72 = tpu.memref_squeeze %dma_start3A_71 : memref<1x40x128xf32, #tpu.memory_space<vmem>> -> memref<40x128xf32, #tpu.memory_space<vmem>>
    %dma_start3A_73 = arith.constant 0 : i32
    %dma_start3A_74 = tpu.memref_slice %arg7[%dma_start3A_65, %dma_start3A_66, %dma_start3A_67, %dma_start3A_73] : memref<3x15x1x40xi32, #tpu.memory_space<vmem>> -> memref<1x1x1x40xi32, #tpu.memory_space<vmem>>
    %dma_start3A_75 = tpu.memref_squeeze %dma_start3A_74 : memref<1x1x1x40xi32, #tpu.memory_space<vmem>> -> memref<40xi32, #tpu.memory_space<vmem>>
    %dma_start3A_76 = arith.constant 0 : i32
    %dma_start3A_77 = arith.constant 0 : i32
    %dma_start3A_78 = tpu.memref_slice %arg2[%dma_start3A_76, %dma_start3A_77] : memref<10000x128xf32, #tpu.memory_space<hbm>> -> memref<10000x128xf32, #tpu.memory_space<hbm>>
    tpu.enqueue_indirect_dma source(%dma_start3A_78 : memref<10000x128xf32, #tpu.memory_space<hbm>>) target(%dma_start3A_72 : memref<40x128xf32, #tpu.memory_space<vmem>>) offsets(%dma_start3A_75 : memref<40xi32, #tpu.memory_space<vmem>>) semaphore(%arg15 : memref<!tpu.dma_semaphore, #tpu.memory_space<semaphore_mem>>)
    %scan3A = arith.constant 0 : i32
    %scan3A_79 = arith.constant 0 : i32
    %scan3A_80 = arith.constant 1 : i32
    %scan3A_81 = arith.constant 2 : i32
    %scan3A_82 = arith.constant 3 : i32
    %scan3A_83 = arith.constant 4 : i32
    %scan3A_84 = arith.constant 0 : i32
    %scan3A_85 = arith.constant 25 : i32
    %scan3A_86 = arith.addi %scan3A_84, %scan3A_85 : i32
    %scan3A_87 = arith.constant 1 : i32
    scf.for %scan3A_207 = %scan3A_84 to %scan3A_86 step %scan3A_87  : i32 {
      %rem3A = arith.constant 3 : i32
      %rem3A_208 = arith.remsi %scan3A_207, %rem3A : i32
      %rem3A_209 = arith.constant 2 : i32
      %rem3A_210 = arith.remsi %scan3A_207, %rem3A_209 : i32
      %add3A_211 = arith.constant 1 : i32
      %add3A_212 = arith.addi %scan3A_207, %add3A_211 : i32
      %rem3A_213 = arith.constant 3 : i32
      %rem3A_214 = arith.remsi %add3A_212, %rem3A_213 : i32
      %add3A_215 = arith.constant 1 : i32
      %add3A_216 = arith.addi %scan3A_207, %add3A_215 : i32
      %rem3A_217 = arith.constant 2 : i32
      %rem3A_218 = arith.remsi %add3A_216, %rem3A_217 : i32
      %mul3A_219 = arith.constant 250 : i32
      %mul3A_220 = arith.muli %add3A, %mul3A_219 : i32
      %mul3A_221 = arith.constant 10 : i32
      %mul3A_222 = arith.muli %scan3A_207, %mul3A_221 : i32
      %add3A_223 = arith.addi %mul3A_220, %mul3A_222 : i32
      %gt3A = arith.constant 0 : i32
      %gt3A_224 = arith.cmpi sgt, %scan3A_207, %gt3A : i32
      %convert_element_type3A_225 = arith.extui %gt3A_224 : i1 to i32
      %cond3A_226 = arith.constant 0 : i32
      %cond3A_227 = arith.cmpi ne, %convert_element_type3A_225, %cond3A_226 : i32
      scf.if %cond3A_227 {
        %dma_wait3A_270 = arith.constant 0 : i32
        %dma_wait3A_271 = arith.constant 0 : i32
        %dma_wait3A_272 = arith.constant 0 : i32
        %dma_wait3A_273 = tpu.memref_slice %arg7[%rem3A_208, %dma_wait3A_270, %dma_wait3A_271, %dma_wait3A_272] : memref<3x15x1x40xi32, #tpu.memory_space<vmem>> -> memref<1x15x1x40xi32, #tpu.memory_space<vmem>>
        %dma_wait3A_274 = tpu.memref_squeeze %dma_wait3A_273 : memref<1x15x1x40xi32, #tpu.memory_space<vmem>> -> memref<15x1x40xi32, #tpu.memory_space<vmem>>
        %dma_wait3A_275 = arith.constant 0 : i32
        %dma_wait3A_276 = arith.constant 0 : i32
        %dma_wait3A_277 = tpu.memref_slice %arg3[%add3A_223, %dma_wait3A_275, %dma_wait3A_276] : memref<8016x1x40xi32, #tpu.memory_space<hbm>> -> memref<15x1x40xi32, #tpu.memory_space<hbm>>
        %dma_wait3A_278 = arith.constant 0 : i32
        %dma_wait3A_279 = arith.constant 0 : i32
        %dma_wait3A_280 = arith.constant 0 : i32
        %dma_wait3A_281 = tpu.memref_slice %arg7[%rem3A_208, %dma_wait3A_278, %dma_wait3A_279, %dma_wait3A_280] : memref<3x15x1x40xi32, #tpu.memory_space<vmem>> -> memref<1x15x1x40xi32, #tpu.memory_space<vmem>>
        %dma_wait3A_282 = tpu.memref_squeeze %dma_wait3A_281 : memref<1x15x1x40xi32, #tpu.memory_space<vmem>> -> memref<15x1x40xi32, #tpu.memory_space<vmem>>
        %dma_wait3A_283 = arith.constant 0 : i32
        %dma_wait3A_284 = arith.constant 0 : i32
        %dma_wait3A_285 = tpu.memref_slice %arg3[%add3A_223, %dma_wait3A_283, %dma_wait3A_284] : memref<8016x1x40xi32, #tpu.memory_space<hbm>> -> memref<15x1x40xi32, #tpu.memory_space<hbm>>
        tpu.wait_dma2 semaphore(%arg17 : memref<!tpu.dma_semaphore, #tpu.memory_space<semaphore_mem>>) src(%dma_wait3A_285 : memref<15x1x40xi32, #tpu.memory_space<hbm>>) dst(%dma_wait3A_282 : memref<15x1x40xi32, #tpu.memory_space<vmem>>)
        %dma_wait3A_286 = arith.constant 0 : i32
        %dma_wait3A_287 = arith.constant 0 : i32
        %dma_wait3A_288 = arith.constant 0 : i32
        %dma_wait3A_289 = tpu.memref_slice %arg8[%rem3A_210, %dma_wait3A_286, %dma_wait3A_287, %dma_wait3A_288] : memref<2x10x1x40xi32, #tpu.memory_space<vmem>> -> memref<1x10x1x40xi32, #tpu.memory_space<vmem>>
        %dma_wait3A_290 = tpu.memref_squeeze %dma_wait3A_289 : memref<1x10x1x40xi32, #tpu.memory_space<vmem>> -> memref<10x1x40xi32, #tpu.memory_space<vmem>>
        %dma_wait3A_291 = arith.constant 0 : i32
        %dma_wait3A_292 = arith.constant 0 : i32
        %dma_wait3A_293 = tpu.memref_slice %arg4[%add3A_223, %dma_wait3A_291, %dma_wait3A_292] : memref<8016x1x40xi32, #tpu.memory_space<hbm>> -> memref<10x1x40xi32, #tpu.memory_space<hbm>>
        %dma_wait3A_294 = arith.constant 0 : i32
        %dma_wait3A_295 = arith.constant 0 : i32
        %dma_wait3A_296 = arith.constant 0 : i32
        %dma_wait3A_297 = tpu.memref_slice %arg8[%rem3A_210, %dma_wait3A_294, %dma_wait3A_295, %dma_wait3A_296] : memref<2x10x1x40xi32, #tpu.memory_space<vmem>> -> memref<1x10x1x40xi32, #tpu.memory_space<vmem>>
        %dma_wait3A_298 = tpu.memref_squeeze %dma_wait3A_297 : memref<1x10x1x40xi32, #tpu.memory_space<vmem>> -> memref<10x1x40xi32, #tpu.memory_space<vmem>>
        %dma_wait3A_299 = arith.constant 0 : i32
        %dma_wait3A_300 = arith.constant 0 : i32
        %dma_wait3A_301 = tpu.memref_slice %arg4[%add3A_223, %dma_wait3A_299, %dma_wait3A_300] : memref<8016x1x40xi32, #tpu.memory_space<hbm>> -> memref<10x1x40xi32, #tpu.memory_space<hbm>>
        tpu.wait_dma2 semaphore(%arg17 : memref<!tpu.dma_semaphore, #tpu.memory_space<semaphore_mem>>) src(%dma_wait3A_301 : memref<10x1x40xi32, #tpu.memory_space<hbm>>) dst(%dma_wait3A_298 : memref<10x1x40xi32, #tpu.memory_space<vmem>>)
      } else {
      }
      %add3A_228 = arith.constant 10 : i32
      %add3A_229 = arith.addi %add3A_223, %add3A_228 : i32
      %dma_start3A_230 = arith.constant 0 : i32
      %dma_start3A_231 = arith.constant 0 : i32
      %dma_start3A_232 = arith.constant 0 : i32
      %dma_start3A_233 = tpu.memref_slice %arg7[%rem3A_214, %dma_start3A_230, %dma_start3A_231, %dma_start3A_232] : memref<3x15x1x40xi32, #tpu.memory_space<vmem>> -> memref<1x15x1x40xi32, #tpu.memory_space<vmem>>
      %dma_start3A_234 = tpu.memref_squeeze %dma_start3A_233 : memref<1x15x1x40xi32, #tpu.memory_space<vmem>> -> memref<15x1x40xi32, #tpu.memory_space<vmem>>
      %dma_start3A_235 = arith.constant 0 : i32
      %dma_start3A_236 = arith.constant 0 : i32
      %dma_start3A_237 = tpu.memref_slice %arg3[%add3A_229, %dma_start3A_235, %dma_start3A_236] : memref<8016x1x40xi32, #tpu.memory_space<hbm>> -> memref<15x1x40xi32, #tpu.memory_space<hbm>>
      %dma_start3A_238 = arith.constant 0 : i32
      %dma_start3A_239 = arith.constant 0 : i32
      %dma_start3A_240 = arith.constant 0 : i32
      %dma_start3A_241 = tpu.memref_slice %arg7[%rem3A_214, %dma_start3A_238, %dma_start3A_239, %dma_start3A_240] : memref<3x15x1x40xi32, #tpu.memory_space<vmem>> -> memref<1x15x1x40xi32, #tpu.memory_space<vmem>>
      %dma_start3A_242 = tpu.memref_squeeze %dma_start3A_241 : memref<1x15x1x40xi32, #tpu.memory_space<vmem>> -> memref<15x1x40xi32, #tpu.memory_space<vmem>>
      %dma_start3A_243 = arith.constant 0 : i32
      %dma_start3A_244 = arith.constant 0 : i32
      %dma_start3A_245 = tpu.memref_slice %arg3[%add3A_229, %dma_start3A_243, %dma_start3A_244] : memref<8016x1x40xi32, #tpu.memory_space<hbm>> -> memref<15x1x40xi32, #tpu.memory_space<hbm>>
      tpu.enqueue_dma source(%dma_start3A_245 : memref<15x1x40xi32, #tpu.memory_space<hbm>>) target(%dma_start3A_242 : memref<15x1x40xi32, #tpu.memory_space<vmem>>) target_semaphore(%arg17 : memref<!tpu.dma_semaphore, #tpu.memory_space<semaphore_mem>>)
      %add3A_246 = arith.constant 10 : i32
      %add3A_247 = arith.addi %add3A_223, %add3A_246 : i32
      %dma_start3A_248 = arith.constant 0 : i32
      %dma_start3A_249 = arith.constant 0 : i32
      %dma_start3A_250 = arith.constant 0 : i32
      %dma_start3A_251 = tpu.memref_slice %arg8[%rem3A_218, %dma_start3A_248, %dma_start3A_249, %dma_start3A_250] : memref<2x10x1x40xi32, #tpu.memory_space<vmem>> -> memref<1x10x1x40xi32, #tpu.memory_space<vmem>>
      %dma_start3A_252 = tpu.memref_squeeze %dma_start3A_251 : memref<1x10x1x40xi32, #tpu.memory_space<vmem>> -> memref<10x1x40xi32, #tpu.memory_space<vmem>>
      %dma_start3A_253 = arith.constant 0 : i32
      %dma_start3A_254 = arith.constant 0 : i32
      %dma_start3A_255 = tpu.memref_slice %arg4[%add3A_247, %dma_start3A_253, %dma_start3A_254] : memref<8016x1x40xi32, #tpu.memory_space<hbm>> -> memref<10x1x40xi32, #tpu.memory_space<hbm>>
      %dma_start3A_256 = arith.constant 0 : i32
      %dma_start3A_257 = arith.constant 0 : i32
      %dma_start3A_258 = arith.constant 0 : i32
      %dma_start3A_259 = tpu.memref_slice %arg8[%rem3A_218, %dma_start3A_256, %dma_start3A_257, %dma_start3A_258] : memref<2x10x1x40xi32, #tpu.memory_space<vmem>> -> memref<1x10x1x40xi32, #tpu.memory_space<vmem>>
      %dma_start3A_260 = tpu.memref_squeeze %dma_start3A_259 : memref<1x10x1x40xi32, #tpu.memory_space<vmem>> -> memref<10x1x40xi32, #tpu.memory_space<vmem>>
      %dma_start3A_261 = arith.constant 0 : i32
      %dma_start3A_262 = arith.constant 0 : i32
      %dma_start3A_263 = tpu.memref_slice %arg4[%add3A_247, %dma_start3A_261, %dma_start3A_262] : memref<8016x1x40xi32, #tpu.memory_space<hbm>> -> memref<10x1x40xi32, #tpu.memory_space<hbm>>
      tpu.enqueue_dma source(%dma_start3A_263 : memref<10x1x40xi32, #tpu.memory_space<hbm>>) target(%dma_start3A_260 : memref<10x1x40xi32, #tpu.memory_space<vmem>>) target_semaphore(%arg17 : memref<!tpu.dma_semaphore, #tpu.memory_space<semaphore_mem>>)
      %scan3A_264 = arith.constant 0 : i32
      %scan3A_265 = arith.constant 0 : i32
      %scan3A_266 = arith.constant 2 : i32
      %scan3A_267 = arith.addi %scan3A_265, %scan3A_266 : i32
      %scan3A_268 = arith.constant 1 : i32
      scf.for %scan3A_270 = %scan3A_265 to %scan3A_267 step %scan3A_268  : i32 {
        %mul3A_271 = arith.constant 5 : i32
        %mul3A_272 = arith.muli %mul3A_271, %scan3A_270 : i32
        %add3A_273 = arith.constant 0 : i32
        %add3A_274 = arith.addi %mul3A_272, %add3A_273 : i32
        %dma_wait3A_275 = arith.constant 0 : i32
        %dma_wait3A_276 = arith.constant 0 : i32
        %dma_wait3A_277 = arith.constant 0 : i32
        %dma_wait3A_278 = tpu.memref_slice %arg9[%scan3A_79, %dma_wait3A_276, %dma_wait3A_277] : memref<5x40x128xf32, #tpu.memory_space<vmem>> -> memref<1x40x128xf32, #tpu.memory_space<vmem>>
        %dma_wait3A_279 = tpu.memref_squeeze %dma_wait3A_278 : memref<1x40x128xf32, #tpu.memory_space<vmem>> -> memref<40x128xf32, #tpu.memory_space<vmem>>
        %dma_wait3A_280 = arith.constant 0 : i32
        %dma_wait3A_281 = tpu.memref_slice %arg7[%rem3A_208, %add3A_274, %dma_wait3A_275, %dma_wait3A_280] : memref<3x15x1x40xi32, #tpu.memory_space<vmem>> -> memref<1x1x1x40xi32, #tpu.memory_space<vmem>>
        %dma_wait3A_282 = tpu.memref_squeeze %dma_wait3A_281 : memref<1x1x1x40xi32, #tpu.memory_space<vmem>> -> memref<40xi32, #tpu.memory_space<vmem>>
        %dma_wait3A_283 = arith.constant 0 : i32
        %dma_wait3A_284 = arith.constant 0 : i32
        %dma_wait3A_285 = tpu.memref_slice %arg2[%dma_wait3A_283, %dma_wait3A_284] : memref<10000x128xf32, #tpu.memory_space<hbm>> -> memref<10000x128xf32, #tpu.memory_space<hbm>>
        tpu.wait_indirect_dma semaphore(%arg11 : memref<!tpu.dma_semaphore, #tpu.memory_space<semaphore_mem>>) src(%dma_wait3A_285 : memref<10000x128xf32, #tpu.memory_space<hbm>>) dst(%dma_wait3A_279 : memref<40x128xf32, #tpu.memory_space<vmem>>)
        %dma_start3A_286 = arith.constant 0 : i32
        %dma_start3A_287 = arith.constant 0 : i32
        %dma_start3A_288 = arith.constant 0 : i32
        %dma_start3A_289 = tpu.memref_slice %arg9[%scan3A_79, %dma_start3A_287, %dma_start3A_288] : memref<5x40x128xf32, #tpu.memory_space<vmem>> -> memref<1x40x128xf32, #tpu.memory_space<vmem>>
        %dma_start3A_290 = tpu.memref_squeeze %dma_start3A_289 : memref<1x40x128xf32, #tpu.memory_space<vmem>> -> memref<40x128xf32, #tpu.memory_space<vmem>>
        %dma_start3A_291 = arith.constant 0 : i32
        %dma_start3A_292 = tpu.memref_slice %arg8[%rem3A_210, %add3A_274, %dma_start3A_286, %dma_start3A_291] : memref<2x10x1x40xi32, #tpu.memory_space<vmem>> -> memref<1x1x1x40xi32, #tpu.memory_space<vmem>>
        %dma_start3A_293 = tpu.memref_squeeze %dma_start3A_292 : memref<1x1x1x40xi32, #tpu.memory_space<vmem>> -> memref<40xi32, #tpu.memory_space<vmem>>
        %dma_start3A_294 = arith.constant 0 : i32
        %dma_start3A_295 = arith.constant 0 : i32
        %dma_start3A_296 = tpu.memref_slice %arg10[%dma_start3A_294, %dma_start3A_295] : memref<10000x128xf32, #tpu.memory_space<vmem_shared>> -> memref<10000x128xf32, #tpu.memory_space<vmem_shared>>
        tpu.enqueue_indirect_dma source(%dma_start3A_290 : memref<40x128xf32, #tpu.memory_space<vmem>>) target(%dma_start3A_296 : memref<10000x128xf32, #tpu.memory_space<vmem_shared>>) offsets(%dma_start3A_293 : memref<40xi32, #tpu.memory_space<vmem>>) semaphore(%arg16 : memref<!tpu.dma_semaphore, #tpu.memory_space<semaphore_mem>>) {add = true}
        %dma_wait3A_297 = arith.constant 0 : i32
        %dma_wait3A_298 = arith.constant 0 : i32
        %dma_wait3A_299 = arith.constant 0 : i32
        %dma_wait3A_300 = tpu.memref_slice %arg9[%scan3A_79, %dma_wait3A_298, %dma_wait3A_299] : memref<5x40x128xf32, #tpu.memory_space<vmem>> -> memref<1x40x128xf32, #tpu.memory_space<vmem>>
        %dma_wait3A_301 = tpu.memref_squeeze %dma_wait3A_300 : memref<1x40x128xf32, #tpu.memory_space<vmem>> -> memref<40x128xf32, #tpu.memory_space<vmem>>
        %dma_wait3A_302 = arith.constant 0 : i32
        %dma_wait3A_303 = tpu.memref_slice %arg8[%rem3A_210, %add3A_274, %dma_wait3A_297, %dma_wait3A_302] : memref<2x10x1x40xi32, #tpu.memory_space<vmem>> -> memref<1x1x1x40xi32, #tpu.memory_space<vmem>>
        %dma_wait3A_304 = tpu.memref_squeeze %dma_wait3A_303 : memref<1x1x1x40xi32, #tpu.memory_space<vmem>> -> memref<40xi32, #tpu.memory_space<vmem>>
        %dma_wait3A_305 = arith.constant 0 : i32
        %dma_wait3A_306 = arith.constant 0 : i32
        %dma_wait3A_307 = tpu.memref_slice %arg10[%dma_wait3A_305, %dma_wait3A_306] : memref<10000x128xf32, #tpu.memory_space<vmem_shared>> -> memref<10000x128xf32, #tpu.memory_space<vmem_shared>>
        tpu.wait_indirect_dma semaphore(%arg16 : memref<!tpu.dma_semaphore, #tpu.memory_space<semaphore_mem>>) src(%dma_wait3A_301 : memref<40x128xf32, #tpu.memory_space<vmem>>) dst(%dma_wait3A_307 : memref<10000x128xf32, #tpu.memory_space<vmem_shared>>)
        %add3A_308 = arith.constant 5 : i32
        %add3A_309 = arith.addi %add3A_274, %add3A_308 : i32
        %dma_start3A_310 = arith.constant 0 : i32
        %dma_start3A_311 = arith.constant 0 : i32
        %dma_start3A_312 = arith.constant 0 : i32
        %dma_start3A_313 = tpu.memref_slice %arg9[%scan3A_79, %dma_start3A_311, %dma_start3A_312] : memref<5x40x128xf32, #tpu.memory_space<vmem>> -> memref<1x40x128xf32, #tpu.memory_space<vmem>>
        %dma_start3A_314 = tpu.memref_squeeze %dma_start3A_313 : memref<1x40x128xf32, #tpu.memory_space<vmem>> -> memref<40x128xf32, #tpu.memory_space<vmem>>
        %dma_start3A_315 = arith.constant 0 : i32
        %dma_start3A_316 = tpu.memref_slice %arg7[%rem3A_208, %add3A_309, %dma_start3A_310, %dma_start3A_315] : memref<3x15x1x40xi32, #tpu.memory_space<vmem>> -> memref<1x1x1x40xi32, #tpu.memory_space<vmem>>
        %dma_start3A_317 = tpu.memref_squeeze %dma_start3A_316 : memref<1x1x1x40xi32, #tpu.memory_space<vmem>> -> memref<40xi32, #tpu.memory_space<vmem>>
        %dma_start3A_318 = arith.constant 0 : i32
        %dma_start3A_319 = arith.constant 0 : i32
        %dma_start3A_320 = tpu.memref_slice %arg2[%dma_start3A_318, %dma_start3A_319] : memref<10000x128xf32, #tpu.memory_space<hbm>> -> memref<10000x128xf32, #tpu.memory_space<hbm>>
        tpu.enqueue_indirect_dma source(%dma_start3A_320 : memref<10000x128xf32, #tpu.memory_space<hbm>>) target(%dma_start3A_314 : memref<40x128xf32, #tpu.memory_space<vmem>>) offsets(%dma_start3A_317 : memref<40xi32, #tpu.memory_space<vmem>>) semaphore(%arg11 : memref<!tpu.dma_semaphore, #tpu.memory_space<semaphore_mem>>)
        %add3A_321 = arith.constant 1 : i32
        %add3A_322 = arith.addi %mul3A_272, %add3A_321 : i32
        %dma_wait3A_323 = arith.constant 0 : i32
        %dma_wait3A_324 = arith.constant 0 : i32
        %dma_wait3A_325 = arith.constant 0 : i32
        %dma_wait3A_326 = tpu.memref_slice %arg9[%scan3A_80, %dma_wait3A_324, %dma_wait3A_325] : memref<5x40x128xf32, #tpu.memory_space<vmem>> -> memref<1x40x128xf32, #tpu.memory_space<vmem>>
        %dma_wait3A_327 = tpu.memref_squeeze %dma_wait3A_326 : memref<1x40x128xf32, #tpu.memory_space<vmem>> -> memref<40x128xf32, #tpu.memory_space<vmem>>
        %dma_wait3A_328 = arith.constant 0 : i32
        %dma_wait3A_329 = tpu.memref_slice %arg7[%rem3A_208, %add3A_322, %dma_wait3A_323, %dma_wait3A_328] : memref<3x15x1x40xi32, #tpu.memory_space<vmem>> -> memref<1x1x1x40xi32, #tpu.memory_space<vmem>>
        %dma_wait3A_330 = tpu.memref_squeeze %dma_wait3A_329 : memref<1x1x1x40xi32, #tpu.memory_space<vmem>> -> memref<40xi32, #tpu.memory_space<vmem>>
        %dma_wait3A_331 = arith.constant 0 : i32
        %dma_wait3A_332 = arith.constant 0 : i32
        %dma_wait3A_333 = tpu.memref_slice %arg2[%dma_wait3A_331, %dma_wait3A_332] : memref<10000x128xf32, #tpu.memory_space<hbm>> -> memref<10000x128xf32, #tpu.memory_space<hbm>>
        tpu.wait_indirect_dma semaphore(%arg12 : memref<!tpu.dma_semaphore, #tpu.memory_space<semaphore_mem>>) src(%dma_wait3A_333 : memref<10000x128xf32, #tpu.memory_space<hbm>>) dst(%dma_wait3A_327 : memref<40x128xf32, #tpu.memory_space<vmem>>)
        %dma_start3A_334 = arith.constant 0 : i32
        %dma_start3A_335 = arith.constant 0 : i32
        %dma_start3A_336 = arith.constant 0 : i32
        %dma_start3A_337 = tpu.memref_slice %arg9[%scan3A_80, %dma_start3A_335, %dma_start3A_336] : memref<5x40x128xf32, #tpu.memory_space<vmem>> -> memref<1x40x128xf32, #tpu.memory_space<vmem>>
        %dma_start3A_338 = tpu.memref_squeeze %dma_start3A_337 : memref<1x40x128xf32, #tpu.memory_space<vmem>> -> memref<40x128xf32, #tpu.memory_space<vmem>>
        %dma_start3A_339 = arith.constant 0 : i32
        %dma_start3A_340 = tpu.memref_slice %arg8[%rem3A_210, %add3A_322, %dma_start3A_334, %dma_start3A_339] : memref<2x10x1x40xi32, #tpu.memory_space<vmem>> -> memref<1x1x1x40xi32, #tpu.memory_space<vmem>>
        %dma_start3A_341 = tpu.memref_squeeze %dma_start3A_340 : memref<1x1x1x40xi32, #tpu.memory_space<vmem>> -> memref<40xi32, #tpu.memory_space<vmem>>
        %dma_start3A_342 = arith.constant 0 : i32
        %dma_start3A_343 = arith.constant 0 : i32
        %dma_start3A_344 = tpu.memref_slice %arg10[%dma_start3A_342, %dma_start3A_343] : memref<10000x128xf32, #tpu.memory_space<vmem_shared>> -> memref<10000x128xf32, #tpu.memory_space<vmem_shared>>
        tpu.enqueue_indirect_dma source(%dma_start3A_338 : memref<40x128xf32, #tpu.memory_space<vmem>>) target(%dma_start3A_344 : memref<10000x128xf32, #tpu.memory_space<vmem_shared>>) offsets(%dma_start3A_341 : memref<40xi32, #tpu.memory_space<vmem>>) semaphore(%arg16 : memref<!tpu.dma_semaphore, #tpu.memory_space<semaphore_mem>>) {add = true}
        %dma_wait3A_345 = arith.constant 0 : i32
        %dma_wait3A_346 = arith.constant 0 : i32
        %dma_wait3A_347 = arith.constant 0 : i32
        %dma_wait3A_348 = tpu.memref_slice %arg9[%scan3A_80, %dma_wait3A_346, %dma_wait3A_347] : memref<5x40x128xf32, #tpu.memory_space<vmem>> -> memref<1x40x128xf32, #tpu.memory_space<vmem>>
        %dma_wait3A_349 = tpu.memref_squeeze %dma_wait3A_348 : memref<1x40x128xf32, #tpu.memory_space<vmem>> -> memref<40x128xf32, #tpu.memory_space<vmem>>
        %dma_wait3A_350 = arith.constant 0 : i32
        %dma_wait3A_351 = tpu.memref_slice %arg8[%rem3A_210, %add3A_322, %dma_wait3A_345, %dma_wait3A_350] : memref<2x10x1x40xi32, #tpu.memory_space<vmem>> -> memref<1x1x1x40xi32, #tpu.memory_space<vmem>>
        %dma_wait3A_352 = tpu.memref_squeeze %dma_wait3A_351 : memref<1x1x1x40xi32, #tpu.memory_space<vmem>> -> memref<40xi32, #tpu.memory_space<vmem>>
        %dma_wait3A_353 = arith.constant 0 : i32
        %dma_wait3A_354 = arith.constant 0 : i32
        %dma_wait3A_355 = tpu.memref_slice %arg10[%dma_wait3A_353, %dma_wait3A_354] : memref<10000x128xf32, #tpu.memory_space<vmem_shared>> -> memref<10000x128xf32, #tpu.memory_space<vmem_shared>>
        tpu.wait_indirect_dma semaphore(%arg16 : memref<!tpu.dma_semaphore, #tpu.memory_space<semaphore_mem>>) src(%dma_wait3A_349 : memref<40x128xf32, #tpu.memory_space<vmem>>) dst(%dma_wait3A_355 : memref<10000x128xf32, #tpu.memory_space<vmem_shared>>)
        %add3A_356 = arith.constant 5 : i32
        %add3A_357 = arith.addi %add3A_322, %add3A_356 : i32
        %dma_start3A_358 = arith.constant 0 : i32
        %dma_start3A_359 = arith.constant 0 : i32
        %dma_start3A_360 = arith.constant 0 : i32
        %dma_start3A_361 = tpu.memref_slice %arg9[%scan3A_80, %dma_start3A_359, %dma_start3A_360] : memref<5x40x128xf32, #tpu.memory_space<vmem>> -> memref<1x40x128xf32, #tpu.memory_space<vmem>>
        %dma_start3A_362 = tpu.memref_squeeze %dma_start3A_361 : memref<1x40x128xf32, #tpu.memory_space<vmem>> -> memref<40x128xf32, #tpu.memory_space<vmem>>
        %dma_start3A_363 = arith.constant 0 : i32
        %dma_start3A_364 = tpu.memref_slice %arg7[%rem3A_208, %add3A_357, %dma_start3A_358, %dma_start3A_363] : memref<3x15x1x40xi32, #tpu.memory_space<vmem>> -> memref<1x1x1x40xi32, #tpu.memory_space<vmem>>
        %dma_start3A_365 = tpu.memref_squeeze %dma_start3A_364 : memref<1x1x1x40xi32, #tpu.memory_space<vmem>> -> memref<40xi32, #tpu.memory_space<vmem>>
        %dma_start3A_366 = arith.constant 0 : i32
        %dma_start3A_367 = arith.constant 0 : i32
        %dma_start3A_368 = tpu.memref_slice %arg2[%dma_start3A_366, %dma_start3A_367] : memref<10000x128xf32, #tpu.memory_space<hbm>> -> memref<10000x128xf32, #tpu.memory_space<hbm>>
        tpu.enqueue_indirect_dma source(%dma_start3A_368 : memref<10000x128xf32, #tpu.memory_space<hbm>>) target(%dma_start3A_362 : memref<40x128xf32, #tpu.memory_space<vmem>>) offsets(%dma_start3A_365 : memref<40xi32, #tpu.memory_space<vmem>>) semaphore(%arg12 : memref<!tpu.dma_semaphore, #tpu.memory_space<semaphore_mem>>)
        %add3A_369 = arith.constant 2 : i32
        %add3A_370 = arith.addi %mul3A_272, %add3A_369 : i32
        %dma_wait3A_371 = arith.constant 0 : i32
        %dma_wait3A_372 = arith.constant 0 : i32
        %dma_wait3A_373 = arith.constant 0 : i32
        %dma_wait3A_374 = tpu.memref_slice %arg9[%scan3A_81, %dma_wait3A_372, %dma_wait3A_373] : memref<5x40x128xf32, #tpu.memory_space<vmem>> -> memref<1x40x128xf32, #tpu.memory_space<vmem>>
        %dma_wait3A_375 = tpu.memref_squeeze %dma_wait3A_374 : memref<1x40x128xf32, #tpu.memory_space<vmem>> -> memref<40x128xf32, #tpu.memory_space<vmem>>
        %dma_wait3A_376 = arith.constant 0 : i32
        %dma_wait3A_377 = tpu.memref_slice %arg7[%rem3A_208, %add3A_370, %dma_wait3A_371, %dma_wait3A_376] : memref<3x15x1x40xi32, #tpu.memory_space<vmem>> -> memref<1x1x1x40xi32, #tpu.memory_space<vmem>>
        %dma_wait3A_378 = tpu.memref_squeeze %dma_wait3A_377 : memref<1x1x1x40xi32, #tpu.memory_space<vmem>> -> memref<40xi32, #tpu.memory_space<vmem>>
        %dma_wait3A_379 = arith.constant 0 : i32
        %dma_wait3A_380 = arith.constant 0 : i32
        %dma_wait3A_381 = tpu.memref_slice %arg2[%dma_wait3A_379, %dma_wait3A_380] : memref<10000x128xf32, #tpu.memory_space<hbm>> -> memref<10000x128xf32, #tpu.memory_space<hbm>>
        tpu.wait_indirect_dma semaphore(%arg13 : memref<!tpu.dma_semaphore, #tpu.memory_space<semaphore_mem>>) src(%dma_wait3A_381 : memref<10000x128xf32, #tpu.memory_space<hbm>>) dst(%dma_wait3A_375 : memref<40x128xf32, #tpu.memory_space<vmem>>)
        %dma_start3A_382 = arith.constant 0 : i32
        %dma_start3A_383 = arith.constant 0 : i32
        %dma_start3A_384 = arith.constant 0 : i32
        %dma_start3A_385 = tpu.memref_slice %arg9[%scan3A_81, %dma_start3A_383, %dma_start3A_384] : memref<5x40x128xf32, #tpu.memory_space<vmem>> -> memref<1x40x128xf32, #tpu.memory_space<vmem>>
        %dma_start3A_386 = tpu.memref_squeeze %dma_start3A_385 : memref<1x40x128xf32, #tpu.memory_space<vmem>> -> memref<40x128xf32, #tpu.memory_space<vmem>>
        %dma_start3A_387 = arith.constant 0 : i32
        %dma_start3A_388 = tpu.memref_slice %arg8[%rem3A_210, %add3A_370, %dma_start3A_382, %dma_start3A_387] : memref<2x10x1x40xi32, #tpu.memory_space<vmem>> -> memref<1x1x1x40xi32, #tpu.memory_space<vmem>>
        %dma_start3A_389 = tpu.memref_squeeze %dma_start3A_388 : memref<1x1x1x40xi32, #tpu.memory_space<vmem>> -> memref<40xi32, #tpu.memory_space<vmem>>
        %dma_start3A_390 = arith.constant 0 : i32
        %dma_start3A_391 = arith.constant 0 : i32
        %dma_start3A_392 = tpu.memref_slice %arg10[%dma_start3A_390, %dma_start3A_391] : memref<10000x128xf32, #tpu.memory_space<vmem_shared>> -> memref<10000x128xf32, #tpu.memory_space<vmem_shared>>
        tpu.enqueue_indirect_dma source(%dma_start3A_386 : memref<40x128xf32, #tpu.memory_space<vmem>>) target(%dma_start3A_392 : memref<10000x128xf32, #tpu.memory_space<vmem_shared>>) offsets(%dma_start3A_389 : memref<40xi32, #tpu.memory_space<vmem>>) semaphore(%arg16 : memref<!tpu.dma_semaphore, #tpu.memory_space<semaphore_mem>>) {add = true}
        %dma_wait3A_393 = arith.constant 0 : i32
        %dma_wait3A_394 = arith.constant 0 : i32
        %dma_wait3A_395 = arith.constant 0 : i32
        %dma_wait3A_396 = tpu.memref_slice %arg9[%scan3A_81, %dma_wait3A_394, %dma_wait3A_395] : memref<5x40x128xf32, #tpu.memory_space<vmem>> -> memref<1x40x128xf32, #tpu.memory_space<vmem>>
        %dma_wait3A_397 = tpu.memref_squeeze %dma_wait3A_396 : memref<1x40x128xf32, #tpu.memory_space<vmem>> -> memref<40x128xf32, #tpu.memory_space<vmem>>
        %dma_wait3A_398 = arith.constant 0 : i32
        %dma_wait3A_399 = tpu.memref_slice %arg8[%rem3A_210, %add3A_370, %dma_wait3A_393, %dma_wait3A_398] : memref<2x10x1x40xi32, #tpu.memory_space<vmem>> -> memref<1x1x1x40xi32, #tpu.memory_space<vmem>>
        %dma_wait3A_400 = tpu.memref_squeeze %dma_wait3A_399 : memref<1x1x1x40xi32, #tpu.memory_space<vmem>> -> memref<40xi32, #tpu.memory_space<vmem>>
        %dma_wait3A_401 = arith.constant 0 : i32
        %dma_wait3A_402 = arith.constant 0 : i32
        %dma_wait3A_403 = tpu.memref_slice %arg10[%dma_wait3A_401, %dma_wait3A_402] : memref<10000x128xf32, #tpu.memory_space<vmem_shared>> -> memref<10000x128xf32, #tpu.memory_space<vmem_shared>>
        tpu.wait_indirect_dma semaphore(%arg16 : memref<!tpu.dma_semaphore, #tpu.memory_space<semaphore_mem>>) src(%dma_wait3A_397 : memref<40x128xf32, #tpu.memory_space<vmem>>) dst(%dma_wait3A_403 : memref<10000x128xf32, #tpu.memory_space<vmem_shared>>)
        %add3A_404 = arith.constant 5 : i32
        %add3A_405 = arith.addi %add3A_370, %add3A_404 : i32
        %dma_start3A_406 = arith.constant 0 : i32
        %dma_start3A_407 = arith.constant 0 : i32
        %dma_start3A_408 = arith.constant 0 : i32
        %dma_start3A_409 = tpu.memref_slice %arg9[%scan3A_81, %dma_start3A_407, %dma_start3A_408] : memref<5x40x128xf32, #tpu.memory_space<vmem>> -> memref<1x40x128xf32, #tpu.memory_space<vmem>>
        %dma_start3A_410 = tpu.memref_squeeze %dma_start3A_409 : memref<1x40x128xf32, #tpu.memory_space<vmem>> -> memref<40x128xf32, #tpu.memory_space<vmem>>
        %dma_start3A_411 = arith.constant 0 : i32
        %dma_start3A_412 = tpu.memref_slice %arg7[%rem3A_208, %add3A_405, %dma_start3A_406, %dma_start3A_411] : memref<3x15x1x40xi32, #tpu.memory_space<vmem>> -> memref<1x1x1x40xi32, #tpu.memory_space<vmem>>
        %dma_start3A_413 = tpu.memref_squeeze %dma_start3A_412 : memref<1x1x1x40xi32, #tpu.memory_space<vmem>> -> memref<40xi32, #tpu.memory_space<vmem>>
        %dma_start3A_414 = arith.constant 0 : i32
        %dma_start3A_415 = arith.constant 0 : i32
        %dma_start3A_416 = tpu.memref_slice %arg2[%dma_start3A_414, %dma_start3A_415] : memref<10000x128xf32, #tpu.memory_space<hbm>> -> memref<10000x128xf32, #tpu.memory_space<hbm>>
        tpu.enqueue_indirect_dma source(%dma_start3A_416 : memref<10000x128xf32, #tpu.memory_space<hbm>>) target(%dma_start3A_410 : memref<40x128xf32, #tpu.memory_space<vmem>>) offsets(%dma_start3A_413 : memref<40xi32, #tpu.memory_space<vmem>>) semaphore(%arg13 : memref<!tpu.dma_semaphore, #tpu.memory_space<semaphore_mem>>)
        %add3A_417 = arith.constant 3 : i32
        %add3A_418 = arith.addi %mul3A_272, %add3A_417 : i32
        %dma_wait3A_419 = arith.constant 0 : i32
        %dma_wait3A_420 = arith.constant 0 : i32
        %dma_wait3A_421 = arith.constant 0 : i32
        %dma_wait3A_422 = tpu.memref_slice %arg9[%scan3A_82, %dma_wait3A_420, %dma_wait3A_421] : memref<5x40x128xf32, #tpu.memory_space<vmem>> -> memref<1x40x128xf32, #tpu.memory_space<vmem>>
        %dma_wait3A_423 = tpu.memref_squeeze %dma_wait3A_422 : memref<1x40x128xf32, #tpu.memory_space<vmem>> -> memref<40x128xf32, #tpu.memory_space<vmem>>
        %dma_wait3A_424 = arith.constant 0 : i32
        %dma_wait3A_425 = tpu.memref_slice %arg7[%rem3A_208, %add3A_418, %dma_wait3A_419, %dma_wait3A_424] : memref<3x15x1x40xi32, #tpu.memory_space<vmem>> -> memref<1x1x1x40xi32, #tpu.memory_space<vmem>>
        %dma_wait3A_426 = tpu.memref_squeeze %dma_wait3A_425 : memref<1x1x1x40xi32, #tpu.memory_space<vmem>> -> memref<40xi32, #tpu.memory_space<vmem>>
        %dma_wait3A_427 = arith.constant 0 : i32
        %dma_wait3A_428 = arith.constant 0 : i32
        %dma_wait3A_429 = tpu.memref_slice %arg2[%dma_wait3A_427, %dma_wait3A_428] : memref<10000x128xf32, #tpu.memory_space<hbm>> -> memref<10000x128xf32, #tpu.memory_space<hbm>>
        tpu.wait_indirect_dma semaphore(%arg14 : memref<!tpu.dma_semaphore, #tpu.memory_space<semaphore_mem>>) src(%dma_wait3A_429 : memref<10000x128xf32, #tpu.memory_space<hbm>>) dst(%dma_wait3A_423 : memref<40x128xf32, #tpu.memory_space<vmem>>)
        %dma_start3A_430 = arith.constant 0 : i32
        %dma_start3A_431 = arith.constant 0 : i32
        %dma_start3A_432 = arith.constant 0 : i32
        %dma_start3A_433 = tpu.memref_slice %arg9[%scan3A_82, %dma_start3A_431, %dma_start3A_432] : memref<5x40x128xf32, #tpu.memory_space<vmem>> -> memref<1x40x128xf32, #tpu.memory_space<vmem>>
        %dma_start3A_434 = tpu.memref_squeeze %dma_start3A_433 : memref<1x40x128xf32, #tpu.memory_space<vmem>> -> memref<40x128xf32, #tpu.memory_space<vmem>>
        %dma_start3A_435 = arith.constant 0 : i32
        %dma_start3A_436 = tpu.memref_slice %arg8[%rem3A_210, %add3A_418, %dma_start3A_430, %dma_start3A_435] : memref<2x10x1x40xi32, #tpu.memory_space<vmem>> -> memref<1x1x1x40xi32, #tpu.memory_space<vmem>>
        %dma_start3A_437 = tpu.memref_squeeze %dma_start3A_436 : memref<1x1x1x40xi32, #tpu.memory_space<vmem>> -> memref<40xi32, #tpu.memory_space<vmem>>
        %dma_start3A_438 = arith.constant 0 : i32
        %dma_start3A_439 = arith.constant 0 : i32
        %dma_start3A_440 = tpu.memref_slice %arg10[%dma_start3A_438, %dma_start3A_439] : memref<10000x128xf32, #tpu.memory_space<vmem_shared>> -> memref<10000x128xf32, #tpu.memory_space<vmem_shared>>
        tpu.enqueue_indirect_dma source(%dma_start3A_434 : memref<40x128xf32, #tpu.memory_space<vmem>>) target(%dma_start3A_440 : memref<10000x128xf32, #tpu.memory_space<vmem_shared>>) offsets(%dma_start3A_437 : memref<40xi32, #tpu.memory_space<vmem>>) semaphore(%arg16 : memref<!tpu.dma_semaphore, #tpu.memory_space<semaphore_mem>>) {add = true}
        %dma_wait3A_441 = arith.constant 0 : i32
        %dma_wait3A_442 = arith.constant 0 : i32
        %dma_wait3A_443 = arith.constant 0 : i32
        %dma_wait3A_444 = tpu.memref_slice %arg9[%scan3A_82, %dma_wait3A_442, %dma_wait3A_443] : memref<5x40x128xf32, #tpu.memory_space<vmem>> -> memref<1x40x128xf32, #tpu.memory_space<vmem>>
        %dma_wait3A_445 = tpu.memref_squeeze %dma_wait3A_444 : memref<1x40x128xf32, #tpu.memory_space<vmem>> -> memref<40x128xf32, #tpu.memory_space<vmem>>
        %dma_wait3A_446 = arith.constant 0 : i32
        %dma_wait3A_447 = tpu.memref_slice %arg8[%rem3A_210, %add3A_418, %dma_wait3A_441, %dma_wait3A_446] : memref<2x10x1x40xi32, #tpu.memory_space<vmem>> -> memref<1x1x1x40xi32, #tpu.memory_space<vmem>>
        %dma_wait3A_448 = tpu.memref_squeeze %dma_wait3A_447 : memref<1x1x1x40xi32, #tpu.memory_space<vmem>> -> memref<40xi32, #tpu.memory_space<vmem>>
        %dma_wait3A_449 = arith.constant 0 : i32
        %dma_wait3A_450 = arith.constant 0 : i32
        %dma_wait3A_451 = tpu.memref_slice %arg10[%dma_wait3A_449, %dma_wait3A_450] : memref<10000x128xf32, #tpu.memory_space<vmem_shared>> -> memref<10000x128xf32, #tpu.memory_space<vmem_shared>>
        tpu.wait_indirect_dma semaphore(%arg16 : memref<!tpu.dma_semaphore, #tpu.memory_space<semaphore_mem>>) src(%dma_wait3A_445 : memref<40x128xf32, #tpu.memory_space<vmem>>) dst(%dma_wait3A_451 : memref<10000x128xf32, #tpu.memory_space<vmem_shared>>)
        %add3A_452 = arith.constant 5 : i32
        %add3A_453 = arith.addi %add3A_418, %add3A_452 : i32
        %dma_start3A_454 = arith.constant 0 : i32
        %dma_start3A_455 = arith.constant 0 : i32
        %dma_start3A_456 = arith.constant 0 : i32
        %dma_start3A_457 = tpu.memref_slice %arg9[%scan3A_82, %dma_start3A_455, %dma_start3A_456] : memref<5x40x128xf32, #tpu.memory_space<vmem>> -> memref<1x40x128xf32, #tpu.memory_space<vmem>>
        %dma_start3A_458 = tpu.memref_squeeze %dma_start3A_457 : memref<1x40x128xf32, #tpu.memory_space<vmem>> -> memref<40x128xf32, #tpu.memory_space<vmem>>
        %dma_start3A_459 = arith.constant 0 : i32
        %dma_start3A_460 = tpu.memref_slice %arg7[%rem3A_208, %add3A_453, %dma_start3A_454, %dma_start3A_459] : memref<3x15x1x40xi32, #tpu.memory_space<vmem>> -> memref<1x1x1x40xi32, #tpu.memory_space<vmem>>
        %dma_start3A_461 = tpu.memref_squeeze %dma_start3A_460 : memref<1x1x1x40xi32, #tpu.memory_space<vmem>> -> memref<40xi32, #tpu.memory_space<vmem>>
        %dma_start3A_462 = arith.constant 0 : i32
        %dma_start3A_463 = arith.constant 0 : i32
        %dma_start3A_464 = tpu.memref_slice %arg2[%dma_start3A_462, %dma_start3A_463] : memref<10000x128xf32, #tpu.memory_space<hbm>> -> memref<10000x128xf32, #tpu.memory_space<hbm>>
        tpu.enqueue_indirect_dma source(%dma_start3A_464 : memref<10000x128xf32, #tpu.memory_space<hbm>>) target(%dma_start3A_458 : memref<40x128xf32, #tpu.memory_space<vmem>>) offsets(%dma_start3A_461 : memref<40xi32, #tpu.memory_space<vmem>>) semaphore(%arg14 : memref<!tpu.dma_semaphore, #tpu.memory_space<semaphore_mem>>)
        %add3A_465 = arith.constant 4 : i32
        %add3A_466 = arith.addi %mul3A_272, %add3A_465 : i32
        %dma_wait3A_467 = arith.constant 0 : i32
        %dma_wait3A_468 = arith.constant 0 : i32
        %dma_wait3A_469 = arith.constant 0 : i32
        %dma_wait3A_470 = tpu.memref_slice %arg9[%scan3A_83, %dma_wait3A_468, %dma_wait3A_469] : memref<5x40x128xf32, #tpu.memory_space<vmem>> -> memref<1x40x128xf32, #tpu.memory_space<vmem>>
        %dma_wait3A_471 = tpu.memref_squeeze %dma_wait3A_470 : memref<1x40x128xf32, #tpu.memory_space<vmem>> -> memref<40x128xf32, #tpu.memory_space<vmem>>
        %dma_wait3A_472 = arith.constant 0 : i32
        %dma_wait3A_473 = tpu.memref_slice %arg7[%rem3A_208, %add3A_466, %dma_wait3A_467, %dma_wait3A_472] : memref<3x15x1x40xi32, #tpu.memory_space<vmem>> -> memref<1x1x1x40xi32, #tpu.memory_space<vmem>>
        %dma_wait3A_474 = tpu.memref_squeeze %dma_wait3A_473 : memref<1x1x1x40xi32, #tpu.memory_space<vmem>> -> memref<40xi32, #tpu.memory_space<vmem>>
        %dma_wait3A_475 = arith.constant 0 : i32
        %dma_wait3A_476 = arith.constant 0 : i32
        %dma_wait3A_477 = tpu.memref_slice %arg2[%dma_wait3A_475, %dma_wait3A_476] : memref<10000x128xf32, #tpu.memory_space<hbm>> -> memref<10000x128xf32, #tpu.memory_space<hbm>>
        tpu.wait_indirect_dma semaphore(%arg15 : memref<!tpu.dma_semaphore, #tpu.memory_space<semaphore_mem>>) src(%dma_wait3A_477 : memref<10000x128xf32, #tpu.memory_space<hbm>>) dst(%dma_wait3A_471 : memref<40x128xf32, #tpu.memory_space<vmem>>)
        %dma_start3A_478 = arith.constant 0 : i32
        %dma_start3A_479 = arith.constant 0 : i32
        %dma_start3A_480 = arith.constant 0 : i32
        %dma_start3A_481 = tpu.memref_slice %arg9[%scan3A_83, %dma_start3A_479, %dma_start3A_480] : memref<5x40x128xf32, #tpu.memory_space<vmem>> -> memref<1x40x128xf32, #tpu.memory_space<vmem>>
        %dma_start3A_482 = tpu.memref_squeeze %dma_start3A_481 : memref<1x40x128xf32, #tpu.memory_space<vmem>> -> memref<40x128xf32, #tpu.memory_space<vmem>>
        %dma_start3A_483 = arith.constant 0 : i32
        %dma_start3A_484 = tpu.memref_slice %arg8[%rem3A_210, %add3A_466, %dma_start3A_478, %dma_start3A_483] : memref<2x10x1x40xi32, #tpu.memory_space<vmem>> -> memref<1x1x1x40xi32, #tpu.memory_space<vmem>>
        %dma_start3A_485 = tpu.memref_squeeze %dma_start3A_484 : memref<1x1x1x40xi32, #tpu.memory_space<vmem>> -> memref<40xi32, #tpu.memory_space<vmem>>
        %dma_start3A_486 = arith.constant 0 : i32
        %dma_start3A_487 = arith.constant 0 : i32
        %dma_start3A_488 = tpu.memref_slice %arg10[%dma_start3A_486, %dma_start3A_487] : memref<10000x128xf32, #tpu.memory_space<vmem_shared>> -> memref<10000x128xf32, #tpu.memory_space<vmem_shared>>
        tpu.enqueue_indirect_dma source(%dma_start3A_482 : memref<40x128xf32, #tpu.memory_space<vmem>>) target(%dma_start3A_488 : memref<10000x128xf32, #tpu.memory_space<vmem_shared>>) offsets(%dma_start3A_485 : memref<40xi32, #tpu.memory_space<vmem>>) semaphore(%arg16 : memref<!tpu.dma_semaphore, #tpu.memory_space<semaphore_mem>>) {add = true}
        %dma_wait3A_489 = arith.constant 0 : i32
        %dma_wait3A_490 = arith.constant 0 : i32
        %dma_wait3A_491 = arith.constant 0 : i32
        %dma_wait3A_492 = tpu.memref_slice %arg9[%scan3A_83, %dma_wait3A_490, %dma_wait3A_491] : memref<5x40x128xf32, #tpu.memory_space<vmem>> -> memref<1x40x128xf32, #tpu.memory_space<vmem>>
        %dma_wait3A_493 = tpu.memref_squeeze %dma_wait3A_492 : memref<1x40x128xf32, #tpu.memory_space<vmem>> -> memref<40x128xf32, #tpu.memory_space<vmem>>
        %dma_wait3A_494 = arith.constant 0 : i32
        %dma_wait3A_495 = tpu.memref_slice %arg8[%rem3A_210, %add3A_466, %dma_wait3A_489, %dma_wait3A_494] : memref<2x10x1x40xi32, #tpu.memory_space<vmem>> -> memref<1x1x1x40xi32, #tpu.memory_space<vmem>>
        %dma_wait3A_496 = tpu.memref_squeeze %dma_wait3A_495 : memref<1x1x1x40xi32, #tpu.memory_space<vmem>> -> memref<40xi32, #tpu.memory_space<vmem>>
        %dma_wait3A_497 = arith.constant 0 : i32
        %dma_wait3A_498 = arith.constant 0 : i32
        %dma_wait3A_499 = tpu.memref_slice %arg10[%dma_wait3A_497, %dma_wait3A_498] : memref<10000x128xf32, #tpu.memory_space<vmem_shared>> -> memref<10000x128xf32, #tpu.memory_space<vmem_shared>>
        tpu.wait_indirect_dma semaphore(%arg16 : memref<!tpu.dma_semaphore, #tpu.memory_space<semaphore_mem>>) src(%dma_wait3A_493 : memref<40x128xf32, #tpu.memory_space<vmem>>) dst(%dma_wait3A_499 : memref<10000x128xf32, #tpu.memory_space<vmem_shared>>)
        %add3A_500 = arith.constant 5 : i32
        %add3A_501 = arith.addi %add3A_466, %add3A_500 : i32
        %dma_start3A_502 = arith.constant 0 : i32
        %dma_start3A_503 = arith.constant 0 : i32
        %dma_start3A_504 = arith.constant 0 : i32
        %dma_start3A_505 = tpu.memref_slice %arg9[%scan3A_83, %dma_start3A_503, %dma_start3A_504] : memref<5x40x128xf32, #tpu.memory_space<vmem>> -> memref<1x40x128xf32, #tpu.memory_space<vmem>>
        %dma_start3A_506 = tpu.memref_squeeze %dma_start3A_505 : memref<1x40x128xf32, #tpu.memory_space<vmem>> -> memref<40x128xf32, #tpu.memory_space<vmem>>
        %dma_start3A_507 = arith.constant 0 : i32
        %dma_start3A_508 = tpu.memref_slice %arg7[%rem3A_208, %add3A_501, %dma_start3A_502, %dma_start3A_507] : memref<3x15x1x40xi32, #tpu.memory_space<vmem>> -> memref<1x1x1x40xi32, #tpu.memory_space<vmem>>
        %dma_start3A_509 = tpu.memref_squeeze %dma_start3A_508 : memref<1x1x1x40xi32, #tpu.memory_space<vmem>> -> memref<40xi32, #tpu.memory_space<vmem>>
        %dma_start3A_510 = arith.constant 0 : i32
        %dma_start3A_511 = arith.constant 0 : i32
        %dma_start3A_512 = tpu.memref_slice %arg2[%dma_start3A_510, %dma_start3A_511] : memref<10000x128xf32, #tpu.memory_space<hbm>> -> memref<10000x128xf32, #tpu.memory_space<hbm>>
        tpu.enqueue_indirect_dma source(%dma_start3A_512 : memref<10000x128xf32, #tpu.memory_space<hbm>>) target(%dma_start3A_506 : memref<40x128xf32, #tpu.memory_space<vmem>>) offsets(%dma_start3A_509 : memref<40xi32, #tpu.memory_space<vmem>>) semaphore(%arg15 : memref<!tpu.dma_semaphore, #tpu.memory_space<semaphore_mem>>)
      }
      %scan3A_269 = arith.constant 2 : i32
    }
    %scan3A_88 = arith.constant 25 : i32
    %dma_wait3A = arith.constant 0 : i32
    %dma_wait3A_89 = arith.constant 0 : i32
    %dma_wait3A_90 = arith.constant 0 : i32
    %dma_wait3A_91 = tpu.memref_slice %arg9[%dma_wait3A, %dma_wait3A_89, %dma_wait3A_90] : memref<5x40x128xf32, #tpu.memory_space<vmem>> -> memref<1x40x128xf32, #tpu.memory_space<vmem>>
    %dma_wait3A_92 = tpu.memref_squeeze %dma_wait3A_91 : memref<1x40x128xf32, #tpu.memory_space<vmem>> -> memref<40x128xf32, #tpu.memory_space<vmem>>
    %dma_wait3A_93 = arith.constant 0 : i32
    %dma_wait3A_94 = arith.constant 0 : i32
    %dma_wait3A_95 = tpu.memref_slice %arg2[%dma_wait3A_93, %dma_wait3A_94] : memref<10000x128xf32, #tpu.memory_space<hbm>> -> memref<40x128xf32, #tpu.memory_space<hbm>>
    %dma_wait3A_96 = arith.constant 0 : i32
    %dma_wait3A_97 = arith.constant 0 : i32
    %dma_wait3A_98 = tpu.memref_slice %arg9[%dma_wait3A, %dma_wait3A_96, %dma_wait3A_97] : memref<5x40x128xf32, #tpu.memory_space<vmem>> -> memref<1x40x128xf32, #tpu.memory_space<vmem>>
    %dma_wait3A_99 = tpu.memref_squeeze %dma_wait3A_98 : memref<1x40x128xf32, #tpu.memory_space<vmem>> -> memref<40x128xf32, #tpu.memory_space<vmem>>
    %dma_wait3A_100 = arith.constant 0 : i32
    %dma_wait3A_101 = arith.constant 0 : i32
    %dma_wait3A_102 = tpu.memref_slice %arg2[%dma_wait3A_100, %dma_wait3A_101] : memref<10000x128xf32, #tpu.memory_space<hbm>> -> memref<40x128xf32, #tpu.memory_space<hbm>>
    tpu.wait_dma2 semaphore(%arg11 : memref<!tpu.dma_semaphore, #tpu.memory_space<semaphore_mem>>) src(%dma_wait3A_102 : memref<40x128xf32, #tpu.memory_space<hbm>>) dst(%dma_wait3A_99 : memref<40x128xf32, #tpu.memory_space<vmem>>)
    %dma_wait3A_103 = arith.constant 1 : i32
    %dma_wait3A_104 = arith.constant 0 : i32
    %dma_wait3A_105 = arith.constant 0 : i32
    %dma_wait3A_106 = tpu.memref_slice %arg9[%dma_wait3A_103, %dma_wait3A_104, %dma_wait3A_105] : memref<5x40x128xf32, #tpu.memory_space<vmem>> -> memref<1x40x128xf32, #tpu.memory_space<vmem>>
    %dma_wait3A_107 = tpu.memref_squeeze %dma_wait3A_106 : memref<1x40x128xf32, #tpu.memory_space<vmem>> -> memref<40x128xf32, #tpu.memory_space<vmem>>
    %dma_wait3A_108 = arith.constant 0 : i32
    %dma_wait3A_109 = arith.constant 0 : i32
    %dma_wait3A_110 = tpu.memref_slice %arg2[%dma_wait3A_108, %dma_wait3A_109] : memref<10000x128xf32, #tpu.memory_space<hbm>> -> memref<40x128xf32, #tpu.memory_space<hbm>>
    %dma_wait3A_111 = arith.constant 0 : i32
    %dma_wait3A_112 = arith.constant 0 : i32
    %dma_wait3A_113 = tpu.memref_slice %arg9[%dma_wait3A_103, %dma_wait3A_111, %dma_wait3A_112] : memref<5x40x128xf32, #tpu.memory_space<vmem>> -> memref<1x40x128xf32, #tpu.memory_space<vmem>>
    %dma_wait3A_114 = tpu.memref_squeeze %dma_wait3A_113 : memref<1x40x128xf32, #tpu.memory_space<vmem>> -> memref<40x128xf32, #tpu.memory_space<vmem>>
    %dma_wait3A_115 = arith.constant 0 : i32
    %dma_wait3A_116 = arith.constant 0 : i32
    %dma_wait3A_117 = tpu.memref_slice %arg2[%dma_wait3A_115, %dma_wait3A_116] : memref<10000x128xf32, #tpu.memory_space<hbm>> -> memref<40x128xf32, #tpu.memory_space<hbm>>
    tpu.wait_dma2 semaphore(%arg12 : memref<!tpu.dma_semaphore, #tpu.memory_space<semaphore_mem>>) src(%dma_wait3A_117 : memref<40x128xf32, #tpu.memory_space<hbm>>) dst(%dma_wait3A_114 : memref<40x128xf32, #tpu.memory_space<vmem>>)
    %dma_wait3A_118 = arith.constant 2 : i32
    %dma_wait3A_119 = arith.constant 0 : i32
    %dma_wait3A_120 = arith.constant 0 : i32
    %dma_wait3A_121 = tpu.memref_slice %arg9[%dma_wait3A_118, %dma_wait3A_119, %dma_wait3A_120] : memref<5x40x128xf32, #tpu.memory_space<vmem>> -> memref<1x40x128xf32, #tpu.memory_space<vmem>>
    %dma_wait3A_122 = tpu.memref_squeeze %dma_wait3A_121 : memref<1x40x128xf32, #tpu.memory_space<vmem>> -> memref<40x128xf32, #tpu.memory_space<vmem>>
    %dma_wait3A_123 = arith.constant 0 : i32
    %dma_wait3A_124 = arith.constant 0 : i32
    %dma_wait3A_125 = tpu.memref_slice %arg2[%dma_wait3A_123, %dma_wait3A_124] : memref<10000x128xf32, #tpu.memory_space<hbm>> -> memref<40x128xf32, #tpu.memory_space<hbm>>
    %dma_wait3A_126 = arith.constant 0 : i32
    %dma_wait3A_127 = arith.constant 0 : i32
    %dma_wait3A_128 = tpu.memref_slice %arg9[%dma_wait3A_118, %dma_wait3A_126, %dma_wait3A_127] : memref<5x40x128xf32, #tpu.memory_space<vmem>> -> memref<1x40x128xf32, #tpu.memory_space<vmem>>
    %dma_wait3A_129 = tpu.memref_squeeze %dma_wait3A_128 : memref<1x40x128xf32, #tpu.memory_space<vmem>> -> memref<40x128xf32, #tpu.memory_space<vmem>>
    %dma_wait3A_130 = arith.constant 0 : i32
    %dma_wait3A_131 = arith.constant 0 : i32
    %dma_wait3A_132 = tpu.memref_slice %arg2[%dma_wait3A_130, %dma_wait3A_131] : memref<10000x128xf32, #tpu.memory_space<hbm>> -> memref<40x128xf32, #tpu.memory_space<hbm>>
    tpu.wait_dma2 semaphore(%arg13 : memref<!tpu.dma_semaphore, #tpu.memory_space<semaphore_mem>>) src(%dma_wait3A_132 : memref<40x128xf32, #tpu.memory_space<hbm>>) dst(%dma_wait3A_129 : memref<40x128xf32, #tpu.memory_space<vmem>>)
    %dma_wait3A_133 = arith.constant 3 : i32
    %dma_wait3A_134 = arith.constant 0 : i32
    %dma_wait3A_135 = arith.constant 0 : i32
    %dma_wait3A_136 = tpu.memref_slice %arg9[%dma_wait3A_133, %dma_wait3A_134, %dma_wait3A_135] : memref<5x40x128xf32, #tpu.memory_space<vmem>> -> memref<1x40x128xf32, #tpu.memory_space<vmem>>
    %dma_wait3A_137 = tpu.memref_squeeze %dma_wait3A_136 : memref<1x40x128xf32, #tpu.memory_space<vmem>> -> memref<40x128xf32, #tpu.memory_space<vmem>>
    %dma_wait3A_138 = arith.constant 0 : i32
    %dma_wait3A_139 = arith.constant 0 : i32
    %dma_wait3A_140 = tpu.memref_slice %arg2[%dma_wait3A_138, %dma_wait3A_139] : memref<10000x128xf32, #tpu.memory_space<hbm>> -> memref<40x128xf32, #tpu.memory_space<hbm>>
    %dma_wait3A_141 = arith.constant 0 : i32
    %dma_wait3A_142 = arith.constant 0 : i32
    %dma_wait3A_143 = tpu.memref_slice %arg9[%dma_wait3A_133, %dma_wait3A_141, %dma_wait3A_142] : memref<5x40x128xf32, #tpu.memory_space<vmem>> -> memref<1x40x128xf32, #tpu.memory_space<vmem>>
    %dma_wait3A_144 = tpu.memref_squeeze %dma_wait3A_143 : memref<1x40x128xf32, #tpu.memory_space<vmem>> -> memref<40x128xf32, #tpu.memory_space<vmem>>
    %dma_wait3A_145 = arith.constant 0 : i32
    %dma_wait3A_146 = arith.constant 0 : i32
    %dma_wait3A_147 = tpu.memref_slice %arg2[%dma_wait3A_145, %dma_wait3A_146] : memref<10000x128xf32, #tpu.memory_space<hbm>> -> memref<40x128xf32, #tpu.memory_space<hbm>>
    tpu.wait_dma2 semaphore(%arg14 : memref<!tpu.dma_semaphore, #tpu.memory_space<semaphore_mem>>) src(%dma_wait3A_147 : memref<40x128xf32, #tpu.memory_space<hbm>>) dst(%dma_wait3A_144 : memref<40x128xf32, #tpu.memory_space<vmem>>)
    %dma_wait3A_148 = arith.constant 4 : i32
    %dma_wait3A_149 = arith.constant 0 : i32
    %dma_wait3A_150 = arith.constant 0 : i32
    %dma_wait3A_151 = tpu.memref_slice %arg9[%dma_wait3A_148, %dma_wait3A_149, %dma_wait3A_150] : memref<5x40x128xf32, #tpu.memory_space<vmem>> -> memref<1x40x128xf32, #tpu.memory_space<vmem>>
    %dma_wait3A_152 = tpu.memref_squeeze %dma_wait3A_151 : memref<1x40x128xf32, #tpu.memory_space<vmem>> -> memref<40x128xf32, #tpu.memory_space<vmem>>
    %dma_wait3A_153 = arith.constant 0 : i32
    %dma_wait3A_154 = arith.constant 0 : i32
    %dma_wait3A_155 = tpu.memref_slice %arg2[%dma_wait3A_153, %dma_wait3A_154] : memref<10000x128xf32, #tpu.memory_space<hbm>> -> memref<40x128xf32, #tpu.memory_space<hbm>>
    %dma_wait3A_156 = arith.constant 0 : i32
    %dma_wait3A_157 = arith.constant 0 : i32
    %dma_wait3A_158 = tpu.memref_slice %arg9[%dma_wait3A_148, %dma_wait3A_156, %dma_wait3A_157] : memref<5x40x128xf32, #tpu.memory_space<vmem>> -> memref<1x40x128xf32, #tpu.memory_space<vmem>>
    %dma_wait3A_159 = tpu.memref_squeeze %dma_wait3A_158 : memref<1x40x128xf32, #tpu.memory_space<vmem>> -> memref<40x128xf32, #tpu.memory_space<vmem>>
    %dma_wait3A_160 = arith.constant 0 : i32
    %dma_wait3A_161 = arith.constant 0 : i32
    %dma_wait3A_162 = tpu.memref_slice %arg2[%dma_wait3A_160, %dma_wait3A_161] : memref<10000x128xf32, #tpu.memory_space<hbm>> -> memref<40x128xf32, #tpu.memory_space<hbm>>
    tpu.wait_dma2 semaphore(%arg15 : memref<!tpu.dma_semaphore, #tpu.memory_space<semaphore_mem>>) src(%dma_wait3A_162 : memref<40x128xf32, #tpu.memory_space<hbm>>) dst(%dma_wait3A_159 : memref<40x128xf32, #tpu.memory_space<vmem>>)
    %dma_wait3A_163 = arith.constant 0 : i32
    %dma_wait3A_164 = arith.constant 0 : i32
    %dma_wait3A_165 = arith.constant 0 : i32
    %dma_wait3A_166 = arith.constant 0 : i32
    %dma_wait3A_167 = tpu.memref_slice %arg7[%dma_wait3A_163, %dma_wait3A_164, %dma_wait3A_165, %dma_wait3A_166] : memref<3x15x1x40xi32, #tpu.memory_space<vmem>> -> memref<1x15x1x40xi32, #tpu.memory_space<vmem>>
    %dma_wait3A_168 = tpu.memref_squeeze %dma_wait3A_167 : memref<1x15x1x40xi32, #tpu.memory_space<vmem>> -> memref<15x1x40xi32, #tpu.memory_space<vmem>>
    %dma_wait3A_169 = arith.constant 0 : i32
    %dma_wait3A_170 = arith.constant 0 : i32
    %dma_wait3A_171 = arith.constant 0 : i32
    %dma_wait3A_172 = tpu.memref_slice %arg3[%dma_wait3A_169, %dma_wait3A_170, %dma_wait3A_171] : memref<8016x1x40xi32, #tpu.memory_space<hbm>> -> memref<15x1x40xi32, #tpu.memory_space<hbm>>
    %dma_wait3A_173 = arith.constant 0 : i32
    %dma_wait3A_174 = arith.constant 0 : i32
    %dma_wait3A_175 = arith.constant 0 : i32
    %dma_wait3A_176 = tpu.memref_slice %arg7[%dma_wait3A_163, %dma_wait3A_173, %dma_wait3A_174, %dma_wait3A_175] : memref<3x15x1x40xi32, #tpu.memory_space<vmem>> -> memref<1x15x1x40xi32, #tpu.memory_space<vmem>>
    %dma_wait3A_177 = tpu.memref_squeeze %dma_wait3A_176 : memref<1x15x1x40xi32, #tpu.memory_space<vmem>> -> memref<15x1x40xi32, #tpu.memory_space<vmem>>
    %dma_wait3A_178 = arith.constant 0 : i32
    %dma_wait3A_179 = arith.constant 0 : i32
    %dma_wait3A_180 = arith.constant 0 : i32
    %dma_wait3A_181 = tpu.memref_slice %arg3[%dma_wait3A_178, %dma_wait3A_179, %dma_wait3A_180] : memref<8016x1x40xi32, #tpu.memory_space<hbm>> -> memref<15x1x40xi32, #tpu.memory_space<hbm>>
    tpu.wait_dma2 semaphore(%arg17 : memref<!tpu.dma_semaphore, #tpu.memory_space<semaphore_mem>>) src(%dma_wait3A_181 : memref<15x1x40xi32, #tpu.memory_space<hbm>>) dst(%dma_wait3A_177 : memref<15x1x40xi32, #tpu.memory_space<vmem>>)
    %dma_wait3A_182 = arith.constant 0 : i32
    %dma_wait3A_183 = arith.constant 0 : i32
    %dma_wait3A_184 = arith.constant 0 : i32
    %dma_wait3A_185 = arith.constant 0 : i32
    %dma_wait3A_186 = tpu.memref_slice %arg8[%dma_wait3A_182, %dma_wait3A_183, %dma_wait3A_184, %dma_wait3A_185] : memref<2x10x1x40xi32, #tpu.memory_space<vmem>> -> memref<1x10x1x40xi32, #tpu.memory_space<vmem>>
    %dma_wait3A_187 = tpu.memref_squeeze %dma_wait3A_186 : memref<1x10x1x40xi32, #tpu.memory_space<vmem>> -> memref<10x1x40xi32, #tpu.memory_space<vmem>>
    %dma_wait3A_188 = arith.constant 0 : i32
    %dma_wait3A_189 = arith.constant 0 : i32
    %dma_wait3A_190 = arith.constant 0 : i32
    %dma_wait3A_191 = tpu.memref_slice %arg4[%dma_wait3A_188, %dma_wait3A_189, %dma_wait3A_190] : memref<8016x1x40xi32, #tpu.memory_space<hbm>> -> memref<10x1x40xi32, #tpu.memory_space<hbm>>
    %dma_wait3A_192 = arith.constant 0 : i32
    %dma_wait3A_193 = arith.constant 0 : i32
    %dma_wait3A_194 = arith.constant 0 : i32
    %dma_wait3A_195 = tpu.memref_slice %arg8[%dma_wait3A_182, %dma_wait3A_192, %dma_wait3A_193, %dma_wait3A_194] : memref<2x10x1x40xi32, #tpu.memory_space<vmem>> -> memref<1x10x1x40xi32, #tpu.memory_space<vmem>>
    %dma_wait3A_196 = tpu.memref_squeeze %dma_wait3A_195 : memref<1x10x1x40xi32, #tpu.memory_space<vmem>> -> memref<10x1x40xi32, #tpu.memory_space<vmem>>
    %dma_wait3A_197 = arith.constant 0 : i32
    %dma_wait3A_198 = arith.constant 0 : i32
    %dma_wait3A_199 = arith.constant 0 : i32
    %dma_wait3A_200 = tpu.memref_slice %arg4[%dma_wait3A_197, %dma_wait3A_198, %dma_wait3A_199] : memref<8016x1x40xi32, #tpu.memory_space<hbm>> -> memref<10x1x40xi32, #tpu.memory_space<hbm>>
    tpu.wait_dma2 semaphore(%arg17 : memref<!tpu.dma_semaphore, #tpu.memory_space<semaphore_mem>>) src(%dma_wait3A_200 : memref<10x1x40xi32, #tpu.memory_space<hbm>>) dst(%dma_wait3A_196 : memref<10x1x40xi32, #tpu.memory_space<vmem>>)
    %barrier3A_201 = arith.constant 0 : index
    tpu.barrier barrier_id(%barrier3A_201)
    "tpu.region"() ({
      %run_scoped3A_207 = tpu.sem_alloc : memref<!tpu.dma_semaphore, #tpu.memory_space<semaphore_mem>>
      %dma_start3A_208 = arith.constant 0 : i32
      %dma_start3A_209 = tpu.memref_slice %arg6[%arg0, %mul3A_2, %dma_start3A_208] : memref<2x10000x128xf32, #tpu.memory_space<hbm>> -> memref<1x624x128xf32, #tpu.memory_space<hbm>>
      %dma_start3A_210 = tpu.memref_squeeze %dma_start3A_209 : memref<1x624x128xf32, #tpu.memory_space<hbm>> -> memref<624x128xf32, #tpu.memory_space<hbm>>
      %dma_start3A_211 = arith.constant 0 : i32
      %dma_start3A_212 = tpu.memref_slice %arg10[%mul3A_2, %dma_start3A_211] : memref<10000x128xf32, #tpu.memory_space<vmem_shared>> -> memref<624x128xf32, #tpu.memory_space<vmem_shared>>
      tpu.enqueue_dma source(%dma_start3A_212 : memref<624x128xf32, #tpu.memory_space<vmem_shared>>) target(%dma_start3A_210 : memref<624x128xf32, #tpu.memory_space<hbm>>) target_semaphore(%run_scoped3A_207 : memref<!tpu.dma_semaphore, #tpu.memory_space<semaphore_mem>>)
      %dma_wait3A_213 = arith.constant 0 : i32
      %dma_wait3A_214 = tpu.memref_slice %arg6[%arg0, %mul3A_2, %dma_wait3A_213] : memref<2x10000x128xf32, #tpu.memory_space<hbm>> -> memref<1x624x128xf32, #tpu.memory_space<hbm>>
      %dma_wait3A_215 = tpu.memref_squeeze %dma_wait3A_214 : memref<1x624x128xf32, #tpu.memory_space<hbm>> -> memref<624x128xf32, #tpu.memory_space<hbm>>
      %dma_wait3A_216 = arith.constant 0 : i32
      %dma_wait3A_217 = tpu.memref_slice %arg10[%mul3A_2, %dma_wait3A_216] : memref<10000x128xf32, #tpu.memory_space<vmem_shared>> -> memref<624x128xf32, #tpu.memory_space<vmem_shared>>
      tpu.wait_dma2 semaphore(%run_scoped3A_207 : memref<!tpu.dma_semaphore, #tpu.memory_space<semaphore_mem>>) src(%dma_wait3A_217 : memref<624x128xf32, #tpu.memory_space<vmem_shared>>) dst(%dma_wait3A_215 : memref<624x128xf32, #tpu.memory_space<hbm>>)
      tpu.yield
    }) : () -> ()
    %eq3A_202 = arith.constant 15 : i32
    %eq3A_203 = arith.cmpi eq, %arg1, %eq3A_202 : i32
    %convert_element_type3A_204 = arith.extui %eq3A_203 : i1 to i32
    %cond3A_205 = arith.constant 0 : i32
    %cond3A_206 = arith.cmpi ne, %convert_element_type3A_204, %cond3A_205 : i32
    scf.if %cond3A_206 {
      "tpu.region"() ({
        %run_scoped3A_207 = tpu.sem_alloc : memref<!tpu.dma_semaphore, #tpu.memory_space<semaphore_mem>>
        %dma_start3A_208 = arith.constant 9984 : i32
        %dma_start3A_209 = arith.constant 0 : i32
        %dma_start3A_210 = tpu.memref_slice %arg6[%arg0, %dma_start3A_208, %dma_start3A_209] : memref<2x10000x128xf32, #tpu.memory_space<hbm>> -> memref<1x16x128xf32, #tpu.memory_space<hbm>>
        %dma_start3A_211 = tpu.memref_squeeze %dma_start3A_210 : memref<1x16x128xf32, #tpu.memory_space<hbm>> -> memref<16x128xf32, #tpu.memory_space<hbm>>
        %dma_start3A_212 = arith.constant 9984 : i32
        %dma_start3A_213 = arith.constant 0 : i32
        %dma_start3A_214 = tpu.memref_slice %arg10[%dma_start3A_212, %dma_start3A_213] : memref<10000x128xf32, #tpu.memory_space<vmem_shared>> -> memref<16x128xf32, #tpu.memory_space<vmem_shared>>
        tpu.enqueue_dma source(%dma_start3A_214 : memref<16x128xf32, #tpu.memory_space<vmem_shared>>) target(%dma_start3A_211 : memref<16x128xf32, #tpu.memory_space<hbm>>) target_semaphore(%run_scoped3A_207 : memref<!tpu.dma_semaphore, #tpu.memory_space<semaphore_mem>>)
        %dma_wait3A_215 = arith.constant 9984 : i32
        %dma_wait3A_216 = arith.constant 0 : i32
        %dma_wait3A_217 = tpu.memref_slice %arg6[%arg0, %dma_wait3A_215, %dma_wait3A_216] : memref<2x10000x128xf32, #tpu.memory_space<hbm>> -> memref<1x16x128xf32, #tpu.memory_space<hbm>>
        %dma_wait3A_218 = tpu.memref_squeeze %dma_wait3A_217 : memref<1x16x128xf32, #tpu.memory_space<hbm>> -> memref<16x128xf32, #tpu.memory_space<hbm>>
        %dma_wait3A_219 = arith.constant 9984 : i32
        %dma_wait3A_220 = arith.constant 0 : i32
        %dma_wait3A_221 = tpu.memref_slice %arg10[%dma_wait3A_219, %dma_wait3A_220] : memref<10000x128xf32, #tpu.memory_space<vmem_shared>> -> memref<16x128xf32, #tpu.memory_space<vmem_shared>>
        tpu.wait_dma2 semaphore(%run_scoped3A_207 : memref<!tpu.dma_semaphore, #tpu.memory_space<semaphore_mem>>) src(%dma_wait3A_221 : memref<16x128xf32, #tpu.memory_space<vmem_shared>>) dst(%dma_wait3A_218 : memref<16x128xf32, #tpu.memory_space<hbm>>)
        tpu.yield
      }) : () -> ()
    } else {
    }
    return
  }
}

module attributes {stable_mosaic.version = 14 : i64} {
  func.func @_tc_in_body(%arg0: i32, %arg1: memref<1000x128xf32, #tpu.memory_space<vmem>>, %arg2: memref<128x128xf32, #tpu.memory_space<vmem>>, %arg3: memref<1x128xf32, #tpu.memory_space<vmem>>, %arg4: memref<1000x128xf32, #tpu.memory_space<vmem>>) attributes {dimension_semantics = [#tpu.dimension_semantics<arbitrary>], iteration_bounds = array<i64: 10>, scalar_prefetch = 0 : i64, scratch_operands = 0 : i64, tpu.core_type = #tpu.core_type<tc>, window_params = [{transform_indices = @transform_0, window_bounds = array<i64: 1000, 128>}, {pipeline_mode = #tpu.pipeline_mode<synchronous>, transform_indices = @transform_1, window_bounds = array<i64: 128, 128>}, {pipeline_mode = #tpu.pipeline_mode<synchronous>, transform_indices = @transform_2, window_bounds = array<i64: 1, 128>}, {transform_indices = @transform_3, window_bounds = array<i64: 1000, 128>}]} {
    %get3A = arith.constant 0 : index
    %get3A_0 = arith.constant 0 : index
    %get3A_1 = vector.load %arg1[%get3A, %get3A_0] : memref<1000x128xf32, #tpu.memory_space<vmem>>, vector<1000x128xf32>
    %get3A_2 = arith.constant 0 : index
    %get3A_3 = arith.constant 0 : index
    %get3A_4 = vector.load %arg2[%get3A_2, %get3A_3] : memref<128x128xf32, #tpu.memory_space<vmem>>, vector<128x128xf32>
    %dot_general3A = arith.constant dense<0.000000e+00> : vector<1000x128xf32>
    %dot_general3A_5 = tpu.matmul %get3A_1, %get3A_4, %dot_general3A {dimension_numbers = #tpu.dot_dimension_numbers<[1], [0], [0], [1], [0, 0, 1, 1], [], []>, transpose_lhs_hint = false} : vector<1000x128xf32>, vector<128x128xf32>, vector<1000x128xf32> -> vector<1000x128xf32>
    %get3A_6 = arith.constant 0 : index
    %get3A_7 = arith.constant 0 : index
    %get3A_8 = vector.load %arg3[%get3A_6, %get3A_7] : memref<1x128xf32, #tpu.memory_space<vmem>>, vector<1x128xf32>
    %add3A = vector.broadcast %get3A_8 : vector<1x128xf32> to vector<1000x128xf32>
    %add3A_9 = arith.addf %dot_general3A_5, %add3A : vector<1000x128xf32>
    %tanh3A = math.tanh %add3A_9 : vector<1000x128xf32>
    %swap3A = arith.constant 0 : index
    %swap3A_10 = arith.constant 0 : index
    %swap3A_11 = vector.load %arg4[%swap3A, %swap3A_10] : memref<1000x128xf32, #tpu.memory_space<vmem>>, vector<1000x128xf32>
    tpu.vector_store %arg4[%swap3A, %swap3A_10], %tanh3A {strides = array<i32>} : memref<1000x128xf32, #tpu.memory_space<vmem>>, vector<1000x128xf32>,
    return
  }
  func.func @transform_0(%arg0: i32) -> (i32, i32) {
    %c0_i32 = arith.constant 0 : i32
    %c0_i32_0 = arith.constant 0 : i32
    return %arg0, %c0_i32 : i32, i32
  }
  func.func @transform_1(%arg0: i32) -> (i32, i32) {
    %c0_i32 = arith.constant 0 : i32
    %c0_i32_0 = arith.constant 0 : i32
    %c0_i32_1 = arith.constant 0 : i32
    return %c0_i32, %c0_i32_0 : i32, i32
  }
  func.func @transform_2(%arg0: i32) -> (i32, i32) {
    %c0_i32 = arith.constant 0 : i32
    %c0_i32_0 = arith.constant 0 : i32
    %c0_i32_1 = arith.constant 0 : i32
    return %c0_i32, %c0_i32_0 : i32, i32
  }
  func.func @transform_3(%arg0: i32) -> (i32, i32) {
    %c0_i32 = arith.constant 0 : i32
    %c0_i32_0 = arith.constant 0 : i32
    return %arg0, %c0_i32 : i32, i32
  }
}

module attributes {stable_mosaic.version = 14 : i64} {
  func.func @_tc_mid_body(%arg0: i32, %arg1: memref<1x1000x128xf32, #tpu.memory_space<vmem>>, %arg2: memref<1x1000x128xf32, #tpu.memory_space<vmem>>, %arg3: memref<1x1000x128xf32, #tpu.memory_space<vmem>>, %arg4: memref<1x1000x128xf32, #tpu.memory_space<vmem>>, %arg5: memref<128x128xf32, #tpu.memory_space<vmem>>, %arg6: memref<1x128xf32, #tpu.memory_space<vmem>>, %arg7: memref<1000x128xf32, #tpu.memory_space<vmem>>) attributes {dimension_semantics = [#tpu.dimension_semantics<arbitrary>], iteration_bounds = array<i64: 10>, scalar_prefetch = 0 : i64, scratch_operands = 0 : i64, tpu.core_type = #tpu.core_type<tc>, window_params = [{transform_indices = @transform_0, window_bounds = array<i64: 1, 1000, 128>}, {transform_indices = @transform_1, window_bounds = array<i64: 1, 1000, 128>}, {transform_indices = @transform_2, window_bounds = array<i64: 1, 1000, 128>}, {transform_indices = @transform_3, window_bounds = array<i64: 1, 1000, 128>}, {pipeline_mode = #tpu.pipeline_mode<synchronous>, transform_indices = @transform_4, window_bounds = array<i64: 128, 128>}, {pipeline_mode = #tpu.pipeline_mode<synchronous>, transform_indices = @transform_5, window_bounds = array<i64: 1, 128>}, {transform_indices = @transform_6, window_bounds = array<i64: 1000, 128>}]} {
    %get3A = arith.constant 0 : index
    %get3A_0 = arith.constant 0 : index
    %get3A_1 = arith.constant 0 : index
    %get3A_2 = vector.load %arg1[%get3A, %get3A_0, %get3A_1] : memref<1x1000x128xf32, #tpu.memory_space<vmem>>, vector<1x1000x128xf32>
    %get3A_3 = vector.shape_cast %get3A_2 : vector<1x1000x128xf32> to vector<1000x128xf32>
    %get3A_4 = arith.constant 0 : index
    %get3A_5 = arith.constant 0 : index
    %get3A_6 = arith.constant 0 : index
    %get3A_7 = vector.load %arg2[%get3A_4, %get3A_5, %get3A_6] : memref<1x1000x128xf32, #tpu.memory_space<vmem>>, vector<1x1000x128xf32>
    %get3A_8 = vector.shape_cast %get3A_7 : vector<1x1000x128xf32> to vector<1000x128xf32>
    %add3A = arith.addf %get3A_3, %get3A_8 : vector<1000x128xf32>
    %get3A_9 = arith.constant 0 : index
    %get3A_10 = arith.constant 0 : index
    %get3A_11 = arith.constant 0 : index
    %get3A_12 = vector.load %arg3[%get3A_9, %get3A_10, %get3A_11] : memref<1x1000x128xf32, #tpu.memory_space<vmem>>, vector<1x1000x128xf32>
    %get3A_13 = vector.shape_cast %get3A_12 : vector<1x1000x128xf32> to vector<1000x128xf32>
    %slice3A = vector.extract_strided_slice %get3A_13 {offsets = [0, 0], sizes = [1000, 1], strides = [1, 1]} : vector<1000x128xf32> to vector<1000x1xf32>
    %get3A_14 = arith.constant 0 : index
    %get3A_15 = arith.constant 0 : index
    %get3A_16 = arith.constant 0 : index
    %get3A_17 = vector.load %arg4[%get3A_14, %get3A_15, %get3A_16] : memref<1x1000x128xf32, #tpu.memory_space<vmem>>, vector<1x1000x128xf32>
    %get3A_18 = vector.shape_cast %get3A_17 : vector<1x1000x128xf32> to vector<1000x128xf32>
    %slice3A_19 = vector.extract_strided_slice %get3A_18 {offsets = [0, 0], sizes = [1000, 1], strides = [1, 1]} : vector<1000x128xf32> to vector<1000x1xf32>
    %add3A_20 = arith.addf %slice3A, %slice3A_19 : vector<1000x1xf32>
    %max3A = arith.constant 1.000000e+00 : f32
    %max3A_21 = vector.broadcast %max3A : f32 to vector<1000x1xf32>
    %max3A_22 = arith.maximumf %add3A_20, %max3A_21 : vector<1000x1xf32>
    %get3A_23 = arith.constant 0 : index
    %get3A_24 = arith.constant 0 : index
    %get3A_25 = vector.load %arg5[%get3A_23, %get3A_24] : memref<128x128xf32, #tpu.memory_space<vmem>>, vector<128x128xf32>
    %dot_general3A = arith.constant dense<0.000000e+00> : vector<1000x128xf32>
    %dot_general3A_26 = tpu.matmul %add3A, %get3A_25, %dot_general3A {dimension_numbers = #tpu.dot_dimension_numbers<[1], [0], [0], [1], [0, 0, 1, 1], [], []>, transpose_lhs_hint = false} : vector<1000x128xf32>, vector<128x128xf32>, vector<1000x128xf32> -> vector<1000x128xf32>
    %div3A = vector.broadcast %max3A_22 : vector<1000x1xf32> to vector<1000x128xf32>
    %div3A_27 = arith.divf %dot_general3A_26, %div3A : vector<1000x128xf32>
    %get3A_28 = arith.constant 0 : index
    %get3A_29 = arith.constant 0 : index
    %get3A_30 = vector.load %arg6[%get3A_28, %get3A_29] : memref<1x128xf32, #tpu.memory_space<vmem>>, vector<1x128xf32>
    %add3A_31 = vector.broadcast %get3A_30 : vector<1x128xf32> to vector<1000x128xf32>
    %add3A_32 = arith.addf %div3A_27, %add3A_31 : vector<1000x128xf32>
    %max3A_33 = arith.constant 0.000000e+00 : f32
    %max3A_34 = vector.broadcast %max3A_33 : f32 to vector<1000x128xf32>
    %max3A_35 = arith.maximumf %add3A_32, %max3A_34 : vector<1000x128xf32>
    %swap3A = arith.constant 0 : index
    %swap3A_36 = arith.constant 0 : index
    %swap3A_37 = vector.load %arg7[%swap3A, %swap3A_36] : memref<1000x128xf32, #tpu.memory_space<vmem>>, vector<1000x128xf32>
    tpu.vector_store %arg7[%swap3A, %swap3A_36], %max3A_35 {strides = array<i32>} : memref<1000x128xf32, #tpu.memory_space<vmem>>, vector<1000x128xf32>,
    return
  }
  func.func @transform_0(%arg0: i32) -> (i32, i32, i32) {
    %c0_i32 = arith.constant 0 : i32
    %c0_i32_0 = arith.constant 0 : i32
    %c0_i32_1 = arith.constant 0 : i32
    return %c0_i32, %arg0, %c0_i32_0 : i32, i32, i32
  }
  func.func @transform_1(%arg0: i32) -> (i32, i32, i32) {
    %c1_i32 = arith.constant 1 : i32
    %c0_i32 = arith.constant 0 : i32
    %c0_i32_0 = arith.constant 0 : i32
    return %c1_i32, %arg0, %c0_i32 : i32, i32, i32
  }
  func.func @transform_2(%arg0: i32) -> (i32, i32, i32) {
    %c0_i32 = arith.constant 0 : i32
    %c0_i32_0 = arith.constant 0 : i32
    %c0_i32_1 = arith.constant 0 : i32
    return %c0_i32, %arg0, %c0_i32_0 : i32, i32, i32
  }
  func.func @transform_3(%arg0: i32) -> (i32, i32, i32) {
    %c1_i32 = arith.constant 1 : i32
    %c0_i32 = arith.constant 0 : i32
    %c0_i32_0 = arith.constant 0 : i32
    return %c1_i32, %arg0, %c0_i32 : i32, i32, i32
  }
  func.func @transform_4(%arg0: i32) -> (i32, i32) {
    %c0_i32 = arith.constant 0 : i32
    %c0_i32_0 = arith.constant 0 : i32
    %c0_i32_1 = arith.constant 0 : i32
    return %c0_i32, %c0_i32_0 : i32, i32
  }
  func.func @transform_5(%arg0: i32) -> (i32, i32) {
    %c0_i32 = arith.constant 0 : i32
    %c0_i32_0 = arith.constant 0 : i32
    %c0_i32_1 = arith.constant 0 : i32
    return %c0_i32, %c0_i32_0 : i32, i32
  }
  func.func @transform_6(%arg0: i32) -> (i32, i32) {
    %c0_i32 = arith.constant 0 : i32
    %c0_i32_0 = arith.constant 0 : i32
    return %arg0, %c0_i32 : i32, i32
  }
}

module attributes {stable_mosaic.version = 14 : i64} {
  func.func @_tc_out_body(%arg0: i32, %arg1: memref<1x1000x128xf32, #tpu.memory_space<vmem>>, %arg2: memref<1x1000x128xf32, #tpu.memory_space<vmem>>, %arg3: memref<1x1000x128xf32, #tpu.memory_space<vmem>>, %arg4: memref<1x1000x128xf32, #tpu.memory_space<vmem>>, %arg5: memref<128x128xf32, #tpu.memory_space<vmem>>, %arg6: memref<1x128xf32, #tpu.memory_space<vmem>>, %arg7: memref<1x128xf32, #tpu.memory_space<vmem>>, %arg8: memref<1x128xf32, #tpu.memory_space<vmem>>, %arg9: memref<1x128xf32, #tpu.memory_space<vmem>>, %arg10: memref<1x128xf32, #tpu.memory_space<vmem>>) attributes {dimension_semantics = [#tpu.dimension_semantics<arbitrary>], iteration_bounds = array<i64: 10>, scalar_prefetch = 0 : i64, scratch_operands = 1 : i64, tpu.core_type = #tpu.core_type<tc>, window_params = [{transform_indices = @transform_0, window_bounds = array<i64: 1, 1000, 128>}, {transform_indices = @transform_1, window_bounds = array<i64: 1, 1000, 128>}, {transform_indices = @transform_2, window_bounds = array<i64: 1, 1000, 128>}, {transform_indices = @transform_3, window_bounds = array<i64: 1, 1000, 128>}, {pipeline_mode = #tpu.pipeline_mode<synchronous>, transform_indices = @transform_4, window_bounds = array<i64: 128, 128>}, {pipeline_mode = #tpu.pipeline_mode<synchronous>, transform_indices = @transform_5, window_bounds = array<i64: 1, 128>}, {pipeline_mode = #tpu.pipeline_mode<synchronous>, transform_indices = @transform_6, window_bounds = array<i64: 1, 128>}, {pipeline_mode = #tpu.pipeline_mode<synchronous>, transform_indices = @transform_7, window_bounds = array<i64: 1, 128>}, {pipeline_mode = #tpu.pipeline_mode<synchronous>, transform_indices = @transform_8, window_bounds = array<i64: 1, 128>}]} {
    %eq3A = arith.constant 0 : i32
    %eq3A_0 = arith.cmpi eq, %arg0, %eq3A : i32
    %convert_element_type3A = arith.extui %eq3A_0 : i1 to i32
    %cond3A = arith.constant 0 : i32
    %cond3A_1 = arith.cmpi ne, %convert_element_type3A, %cond3A : i32
    scf.if %cond3A_1 {
      %broadcast_in_dim3A_50 = arith.constant 0.000000e+00 : f32
      %broadcast_in_dim3A_51 = vector.broadcast %broadcast_in_dim3A_50 : f32 to vector<1x128xf32>
      %swap3A_52 = arith.constant 0 : index
      %swap3A_53 = arith.constant 0 : index
      %swap3A_54 = vector.load %arg10[%swap3A_52, %swap3A_53] : memref<1x128xf32, #tpu.memory_space<vmem>>, vector<1x128xf32>
      tpu.vector_store %arg10[%swap3A_52, %swap3A_53], %broadcast_in_dim3A_51 {strides = array<i32>} : memref<1x128xf32, #tpu.memory_space<vmem>>, vector<1x128xf32>,
    } else {
    }
    %get3A = arith.constant 0 : index
    %get3A_2 = arith.constant 0 : index
    %get3A_3 = arith.constant 0 : index
    %get3A_4 = vector.load %arg1[%get3A, %get3A_2, %get3A_3] : memref<1x1000x128xf32, #tpu.memory_space<vmem>>, vector<1x1000x128xf32>
    %get3A_5 = vector.shape_cast %get3A_4 : vector<1x1000x128xf32> to vector<1000x128xf32>
    %get3A_6 = arith.constant 0 : index
    %get3A_7 = arith.constant 0 : index
    %get3A_8 = arith.constant 0 : index
    %get3A_9 = vector.load %arg2[%get3A_6, %get3A_7, %get3A_8] : memref<1x1000x128xf32, #tpu.memory_space<vmem>>, vector<1x1000x128xf32>
    %get3A_10 = vector.shape_cast %get3A_9 : vector<1x1000x128xf32> to vector<1000x128xf32>
    %add3A = arith.addf %get3A_5, %get3A_10 : vector<1000x128xf32>
    %get3A_11 = arith.constant 0 : index
    %get3A_12 = arith.constant 0 : index
    %get3A_13 = arith.constant 0 : index
    %get3A_14 = vector.load %arg3[%get3A_11, %get3A_12, %get3A_13] : memref<1x1000x128xf32, #tpu.memory_space<vmem>>, vector<1x1000x128xf32>
    %get3A_15 = vector.shape_cast %get3A_14 : vector<1x1000x128xf32> to vector<1000x128xf32>
    %slice3A = vector.extract_strided_slice %get3A_15 {offsets = [0, 0], sizes = [1000, 1], strides = [1, 1]} : vector<1000x128xf32> to vector<1000x1xf32>
    %get3A_16 = arith.constant 0 : index
    %get3A_17 = arith.constant 0 : index
    %get3A_18 = arith.constant 0 : index
    %get3A_19 = vector.load %arg4[%get3A_16, %get3A_17, %get3A_18] : memref<1x1000x128xf32, #tpu.memory_space<vmem>>, vector<1x1000x128xf32>
    %get3A_20 = vector.shape_cast %get3A_19 : vector<1x1000x128xf32> to vector<1000x128xf32>
    %slice3A_21 = vector.extract_strided_slice %get3A_20 {offsets = [0, 0], sizes = [1000, 1], strides = [1, 1]} : vector<1000x128xf32> to vector<1000x1xf32>
    %add3A_22 = arith.addf %slice3A, %slice3A_21 : vector<1000x1xf32>
    %max3A = arith.constant 1.000000e+00 : f32
    %max3A_23 = vector.broadcast %max3A : f32 to vector<1000x1xf32>
    %max3A_24 = arith.maximumf %add3A_22, %max3A_23 : vector<1000x1xf32>
    %get3A_25 = arith.constant 0 : index
    %get3A_26 = arith.constant 0 : index
    %get3A_27 = vector.load %arg5[%get3A_25, %get3A_26] : memref<128x128xf32, #tpu.memory_space<vmem>>, vector<128x128xf32>
    %dot_general3A = arith.constant dense<0.000000e+00> : vector<1000x128xf32>
    %dot_general3A_28 = tpu.matmul %add3A, %get3A_27, %dot_general3A {dimension_numbers = #tpu.dot_dimension_numbers<[1], [0], [0], [1], [0, 0, 1, 1], [], []>, transpose_lhs_hint = false} : vector<1000x128xf32>, vector<128x128xf32>, vector<1000x128xf32> -> vector<1000x128xf32>
    %div3A = vector.broadcast %max3A_24 : vector<1000x1xf32> to vector<1000x128xf32>
    %div3A_29 = arith.divf %dot_general3A_28, %div3A : vector<1000x128xf32>
    %get3A_30 = arith.constant 0 : index
    %get3A_31 = arith.constant 0 : index
    %get3A_32 = vector.load %arg6[%get3A_30, %get3A_31] : memref<1x128xf32, #tpu.memory_space<vmem>>, vector<1x128xf32>
    %add3A_33 = vector.broadcast %get3A_32 : vector<1x128xf32> to vector<1000x128xf32>
    %add3A_34 = arith.addf %div3A_29, %add3A_33 : vector<1000x128xf32>
    %max3A_35 = arith.constant 0.000000e+00 : f32
    %max3A_36 = vector.broadcast %max3A_35 : f32 to vector<1000x128xf32>
    %max3A_37 = arith.maximumf %add3A_34, %max3A_36 : vector<1000x128xf32>
    %get3A_38 = arith.constant 0 : index
    %get3A_39 = arith.constant 0 : index
    %get3A_40 = vector.load %arg10[%get3A_38, %get3A_39] : memref<1x128xf32, #tpu.memory_space<vmem>>, vector<1x128xf32>
    %reduce_sum3A = arith.constant dense<0.000000e+00> : vector<128xf32>
    %reduce_sum3A_41 = vector.multi_reduction <add>, %max3A_37, %reduce_sum3A [0] : vector<1000x128xf32> to vector<128xf32>
    %broadcast_in_dim3A = vector.shape_cast %reduce_sum3A_41 : vector<128xf32> to vector<1x128xf32>
    %add3A_42 = arith.addf %get3A_40, %broadcast_in_dim3A : vector<1x128xf32>
    %swap3A = arith.constant 0 : index
    %swap3A_43 = arith.constant 0 : index
    %swap3A_44 = vector.load %arg10[%swap3A, %swap3A_43] : memref<1x128xf32, #tpu.memory_space<vmem>>, vector<1x128xf32>
    tpu.vector_store %arg10[%swap3A, %swap3A_43], %add3A_42 {strides = array<i32>} : memref<1x128xf32, #tpu.memory_space<vmem>>, vector<1x128xf32>,
    %eq3A_45 = arith.constant 9 : i32
    %eq3A_46 = arith.cmpi eq, %arg0, %eq3A_45 : i32
    %convert_element_type3A_47 = arith.extui %eq3A_46 : i1 to i32
    %cond3A_48 = arith.constant 0 : i32
    %cond3A_49 = arith.cmpi ne, %convert_element_type3A_47, %cond3A_48 : i32
    scf.if %cond3A_49 {
      %get3A_50 = arith.constant 0 : index
      %get3A_51 = arith.constant 0 : index
      %get3A_52 = vector.load %arg10[%get3A_50, %get3A_51] : memref<1x128xf32, #tpu.memory_space<vmem>>, vector<1x128xf32>
      %get3A_53 = arith.constant 0 : index
      %get3A_54 = arith.constant 0 : index
      %get3A_55 = vector.load %arg7[%get3A_53, %get3A_54] : memref<1x128xf32, #tpu.memory_space<vmem>>, vector<1x128xf32>
      %mul3A = arith.mulf %get3A_52, %get3A_55 : vector<1x128xf32>
      %reduce_sum3A_56 = vector.shape_cast %mul3A : vector<1x128xf32> to vector<1x1x128xf32>
      %reduce_sum3A_57 = arith.constant dense<0.000000e+00> : vector<1xf32>
      %reduce_sum3A_58 = vector.multi_reduction <add>, %reduce_sum3A_56, %reduce_sum3A_57 [1, 2] : vector<1x1x128xf32> to vector<1xf32>
      %reduce_sum3A_59 = vector.shape_cast %reduce_sum3A_58 : vector<1xf32> to vector<1x1x1xf32>
      %reduce_sum3A_60 = vector.extract %reduce_sum3A_59[0, 0, 0] : f32 from vector<1x1x1xf32>
      %get3A_61 = arith.constant 0 : index
      %get3A_62 = arith.constant 0 : index
      %get3A_63 = vector.load %arg8[%get3A_61, %get3A_62] : memref<1x128xf32, #tpu.memory_space<vmem>>, vector<1x1xf32>
      %get3A_64 = vector.extract %get3A_63[0, 0] : f32 from vector<1x1xf32>
      %add3A_65 = arith.addf %reduce_sum3A_60, %get3A_64 : f32
      %broadcast_in_dim3A_66 = vector.broadcast %add3A_65 : f32 to vector<1x128xf32>
      %swap3A_67 = arith.constant 0 : index
      %swap3A_68 = arith.constant 0 : index
      %swap3A_69 = vector.load %arg9[%swap3A_67, %swap3A_68] : memref<1x128xf32, #tpu.memory_space<vmem>>, vector<1x128xf32>
      tpu.vector_store %arg9[%swap3A_67, %swap3A_68], %broadcast_in_dim3A_66 {strides = array<i32>} : memref<1x128xf32, #tpu.memory_space<vmem>>, vector<1x128xf32>,
    } else {
    }
    return
  }
  func.func @transform_0(%arg0: i32) -> (i32, i32, i32) {
    %c0_i32 = arith.constant 0 : i32
    %c0_i32_0 = arith.constant 0 : i32
    %c0_i32_1 = arith.constant 0 : i32
    return %c0_i32, %arg0, %c0_i32_0 : i32, i32, i32
  }
  func.func @transform_1(%arg0: i32) -> (i32, i32, i32) {
    %c1_i32 = arith.constant 1 : i32
    %c0_i32 = arith.constant 0 : i32
    %c0_i32_0 = arith.constant 0 : i32
    return %c1_i32, %arg0, %c0_i32 : i32, i32, i32
  }
  func.func @transform_2(%arg0: i32) -> (i32, i32, i32) {
    %c0_i32 = arith.constant 0 : i32
    %c0_i32_0 = arith.constant 0 : i32
    %c0_i32_1 = arith.constant 0 : i32
    return %c0_i32, %arg0, %c0_i32_0 : i32, i32, i32
  }
  func.func @transform_3(%arg0: i32) -> (i32, i32, i32) {
    %c1_i32 = arith.constant 1 : i32
    %c0_i32 = arith.constant 0 : i32
    %c0_i32_0 = arith.constant 0 : i32
    return %c1_i32, %arg0, %c0_i32 : i32, i32, i32
  }
  func.func @transform_4(%arg0: i32) -> (i32, i32) {
    %c0_i32 = arith.constant 0 : i32
    %c0_i32_0 = arith.constant 0 : i32
    %c0_i32_1 = arith.constant 0 : i32
    return %c0_i32, %c0_i32_0 : i32, i32
  }
  func.func @transform_5(%arg0: i32) -> (i32, i32) {
    %c0_i32 = arith.constant 0 : i32
    %c0_i32_0 = arith.constant 0 : i32
    %c0_i32_1 = arith.constant 0 : i32
    return %c0_i32, %c0_i32_0 : i32, i32
  }
  func.func @transform_6(%arg0: i32) -> (i32, i32) {
    %c0_i32 = arith.constant 0 : i32
    %c0_i32_0 = arith.constant 0 : i32
    %c0_i32_1 = arith.constant 0 : i32
    return %c0_i32, %c0_i32_0 : i32, i32
  }
  func.func @transform_7(%arg0: i32) -> (i32, i32) {
    %c0_i32 = arith.constant 0 : i32
    %c0_i32_0 = arith.constant 0 : i32
    %c0_i32_1 = arith.constant 0 : i32
    return %c0_i32, %c0_i32_0 : i32, i32
  }
  func.func @transform_8(%arg0: i32) -> (i32, i32) {
    %c0_i32 = arith.constant 0 : i32
    %c0_i32_0 = arith.constant 0 : i32
    %c0_i32_1 = arith.constant 0 : i32
    return %c0_i32, %c0_i32_0 : i32, i32
  }
}

</mosaic_0001>

<sc_bundles>
// kernel: kernel.11.cloned.1.call-start
scs
__scs_entry_jumppad:
0x0: {  	(pc) =	sbr.rel $0x88, $3  }
0x1: {  	(tag) =	ssettag $0x0;
	lr =	simm.s32 $0x1  }
0x2: {  	[smem:$0x3F97] =	sst lr;
	_ =	strace $0xD0000000  }
0x3: {  	_ = 	snop  }
0x4: {  	_ = 	snop  }
0x5: {  	_ = 	snop  }
0x6: {  	_ = 	snop  }
0x7: {  	_ = 	snop  }
__scs_overlays_trampoline_lowered:
0x8: {  	[smem:$0x3FA6] =	sst s0  }
0x9: {  	[smem:$0x3FA7] =	sst s1  }
0xa: {  	[smem:$0x3FA8] =	sst s2  }
0xb: {  	[smem:$0x3FA9] =	sst s3  }
0xc: {  	[smem:$0x3FAA] =	sst s4  }
0xd: {  	[smem:$0x3FAB] =	sst s5  }
0xe: {  	[smem:$0x3FAC] =	sst s6  }
0xf: {  	[smem:$0x3FAD] =	sst s7  }
0x10: {  	[smem:$0x3FAE] =	sst s8  }
0x11: {  	[smem:$0x3FAF] =	sst s9;
	s0 =	simm.s32 @!p0 $0x0  }
0x12: {  	s1 =	sld [smem:$0x3F95];
	s0 =	simm.s32 @p0 $0x1  }
0x13: {  	[smem:$0x3FB0] =	sst s0;
	s0 =	simm.s32 @!p1 $0x0  }
0x14: {  	s2 =	sld [smem:$0x3F94];
	s0 =	simm.s32 @p1 $0x1  }
0x15: {  	[smem:$0x3FB1] =	sst s0;
	s0 =	simm.s32 @!p2 $0x0  }
0x16: {  	s3 =	sld [smem:$0x3FDB];
	s0 =	simm.s32 @p2 $0x1  }
0x17: {  	s4 =	simm.s32 $0x1BF5;
	[smem:$0x3FB3] =	sst s0  }
0x18: {  	s0 =	sld [smem:$0x3F96];
	_ =	swait.ge [sflag:s4], $0x0  }
0x19: {  	s7 =	sld [smem:$0x3F97]  }
0x1a: {  	s8 =	sadd.s32 $0xFFFFE003, lr  }
0x1b: {  	s9 =	sadd.s32 $0xFFFFFEF7, lr;
	s5 =	simm.s32 $0xFFFFFFFF;
	p2 =	slt.u32 s8, $0xFFFFF086  }
0x1c: {  	p1 =	slt.u32 s9, $0xF7A;
	s5 =	simm.s32 @!p2 $0x0  }
0x1d: {  	s5 =	simm.s32 @p1 $0x1;
	p0 =	seq.s32 s7, s2  }
0x1e: {  	s7 =	smul.u32 @!p0 $0xF7A, s2;
	p2 =	seq.s32 @!p0 s5, $0x0  }
0x1f: {  	s9 =	smul.u32 $0xF7A, s1;
	s8 =	simm.s32 @!p0 $0x1BF5;
	p2 =	por !p2, p0  }
0x20: {  	[sflag:s8] =	ssyncset.s32 @!p0 $0xFFFFF086;
	s6 =	sadd.s32 @!p0 s3, s7;
	s7 =	simm.s32 @!p0 $0x108  }
0x21: {  	s3 =	sadd.s32 s3, s9;
	s6 =	sadd.s32 @!p0 $0x88, s6;
	s7 =	simm.s32 @p2 $0x1082  }
0x22: {  	[simem:s7], [sflag:s8] =	dma.local @!p0 [hbm:s6], $0xF7A  }
0x23: {  	s9 =	sor.u32 $0xD0000000, s2;
	s6 =	simm.s32 $0x108;
	_ =	swait.ge @!p0 [sflag:s8], $0x0  }
0x24: {  	s3 =	sadd.s32 $0x88, s3;
	s6 =	simm.s32 @!p1 $0x1082;
	[sflag:s4] =	ssyncset.s32 $0xFFFFF086  }
0x25: {  	[simem:s6], [sflag:s4] =	dma.local [hbm:s3], $0xF7A  }
0x26: {  	[smem:$0x3F97] =	sst s1;
	(tag) =	ssettag s2;
	_ =	strace s9  }
0x27: {  	s1 =	sld [smem:$0x3FA7]  }
0x28: {  	s2 =	sld [smem:$0x3FA8]  }
0x29: {  	s4 =	sld [smem:$0x3FAA]  }
0x2a: {  	p0 =	seq.s32 s5, $0x0;
	s5 =	sld [smem:$0x3FAB]  }
0x2b: {  	s6 =	sld [smem:$0x3FAC]  }
0x2c: {  	s7 =	sld [smem:$0x3FAD]  }
0x2d: {  	s3 =	simm.s32 $0x108;
	s8 =	sld [smem:$0x3FAE]  }
0x2e: {  	s3 =	simm.s32 @!p0 $0x1082;
	s9 =	sld [smem:$0x3FAF]  }
0x2f: {  	lr =	sadd.s32 s0, s3;
	s0 =	sld [smem:$0x3FA6]  }
0x30: {  	s3 =	sld [smem:$0x3FA9]  }
0x31: {  	[smem:$0x3FB2] =	sst s10  }
0x32: {  	s10 =	sld [smem:$0x3FB0];
	_ =	sdelay $0x3  }
0x33: {  	p0 =	seq.s32 s10, $0x1;
	s10 =	sld [smem:$0x3FB2];
	_ =	sdelay $0x3  }
0x34: {  	[smem:$0x3FB2] =	sst s10  }
0x35: {  	s10 =	sld [smem:$0x3FB1];
	_ =	sdelay $0x3  }
0x36: {  	p1 =	seq.s32 s10, $0x1;
	s10 =	sld [smem:$0x3FB2];
	_ =	sdelay $0x3  }
0x37: {  	[smem:$0x3FB2] =	sst s10  }
0x38: {  	s10 =	sld [smem:$0x3FB3]  }
0x39: {  	_ = 	snop;
	(pc) =	sbr.ind lr, $3  }
0x3a: {  	_ = 	snop  }
0x3b: {  	_ = 	snop  }
0x3c: {  	p2 =	seq.s32 s10, $0x1;
	s10 =	sld [smem:$0x3FB2]  }
0x3d: {  	_ =	shalt  }
0x3e: {  	_ =	shalt  }
0x3f: {  	_ =	shalt  }
0x40: {  	_ =	shalt  }
0x41: {  	_ =	shalt  }
0x42: {  	_ =	shalt  }
0x43: {  	_ =	shalt  }
0x44: {  	_ =	shalt  }
0x45: {  	_ =	shalt  }
0x46: {  	_ =	shalt  }
0x47: {  	_ =	shalt  }
0x48: {  	_ =	shalt  }
0x49: {  	_ =	shalt  }
0x4a: {  	_ =	shalt  }
0x4b: {  	_ =	shalt  }
0x4c: {  	_ =	shalt  }
0x4d: {  	_ =	shalt  }
0x4e: {  	_ =	shalt  }
0x4f: {  	_ =	shalt  }
0x50: {  	_ =	shalt  }
0x51: {  	_ =	shalt  }
0x52: {  	_ =	shalt  }
0x53: {  	_ =	shalt  }
0x54: {  	_ =	shalt  }
0x55: {  	_ =	shalt  }
0x56: {  	_ =	shalt  }
0x57: {  	_ =	shalt  }
0x58: {  	_ =	shalt  }
0x59: {  	_ =	shalt  }
0x5a: {  	_ =	shalt  }
0x5b: {  	_ =	shalt  }
0x5c: {  	_ =	shalt  }
0x5d: {  	_ =	shalt  }
0x5e: {  	_ =	shalt  }
0x5f: {  	_ =	shalt  }
0x60: {  	_ =	shalt  }
0x61: {  	_ =	shalt  }
0x62: {  	_ =	shalt  }
0x63: {  	_ =	shalt  }
0x64: {  	_ =	shalt  }
0x65: {  	_ =	shalt  }
0x66: {  	_ =	shalt  }
0x67: {  	_ =	shalt  }
0x68: {  	_ =	shalt  }
0x69: {  	_ =	shalt  }
0x6a: {  	_ =	shalt  }
0x6b: {  	_ =	shalt  }
0x6c: {  	_ =	shalt  }
0x6d: {  	_ =	shalt  }
0x6e: {  	_ =	shalt  }
0x6f: {  	_ =	shalt  }
0x70: {  	_ =	shalt  }
0x71: {  	_ =	shalt  }
0x72: {  	_ =	shalt  }
0x73: {  	_ =	shalt  }
0x74: {  	_ =	shalt  }
0x75: {  	_ =	shalt  }
0x76: {  	_ =	shalt  }
0x77: {  	_ =	shalt  }
0x78: {  	_ =	shalt  }
0x79: {  	_ =	shalt  }
0x7a: {  	_ =	shalt  }
0x7b: {  	_ =	shalt  }
0x7c: {  	_ =	shalt  }
0x7d: {  	_ =	shalt  }
0x7e: {  	_ =	shalt  }
0x7f: {  	_ =	shalt  }
0x80: {  	_ =	shalt  }
0x81: {  	_ =	shalt  }
0x82: {  	_ =	shalt  }
0x83: {  	_ =	shalt  }
0x84: {  	_ =	shalt  }
0x85: {  	_ =	shalt  }
0x86: {  	_ =	shalt  }
0x87: {  	_ =	shalt  }
.Lfunc_end0:
.L_simem_size_0:
called_computation.1_lowered:
.L_overlay_start_0:
0x88: {  	s2 =	sld [smem:$0x3FD9]  }
0x89: {  	s3 =	sld [smem:$0x3FFE];
	_ =	sdelay $0x1  }
0x8a: {  	s1 =	srdreg.scid  }
0x8b: {  	s0 =	sand.u32 $0x1, s1  }
0x8c: {  	s16 =	sshll.u32 s0, $0xA;
	s2 =	sadd.s32 s3, s2  }
0x8d: {  	s2 =	sadd.s32 s2, s16  }
0x8e: {  	[smem:$0x3FBE] =	sst s2  }
0x8f: {  	_ = 	snop  }
0x90: {  	(tm) =	ssettm $0x1  }
0x91: {  	s17 =	sld [smem:$0x3FFB];
	_ =	sdelay $0x3  }
0x92: {  	_ =	strace s17  }
0x93: {  	s2 =	sld [smem:$0x3FFC];
	_ =	sdelay $0x3  }
0x94: {  	_ =	strace s2  }
0x95: {  	s2 =	sld [smem:$0x3FFD];
	_ =	sdelay $0x3  }
0x96: {  	_ =	strace s2  }
0x97: {  	_ =	strace $0x8FFFFFFF  }
0x98: {  	s18 =	sld [smem:$0x3FDB];
	_ =	sdelay $0x1  }
0x99: {  	s19 =	simm.s32 $_scs_section_size  }
0x9a: {  	s4 =	simm.s32 $_size__tile_overlayer_lowered;
	s5 =	simm.s32 $_tile_overlayer_lowered  }
0x9b: {  	s22 =	simm.s32 $0x1BFF;
	s21 =	sshll.u32 s5, $0x1;
	s2 =	sadd.s32 s19, s18  }
0x9c: {  	s6 =	simm.s32 $0x0;
	s20 =	sshll.u32 s4, $0x1;
	s4 =	sadd.s32 s21, s2  }
0x9d: {  	[timem:s6], [sflag:s22] =	dma.local [hbm:s4], s20  }
0x9e: {  	_ =	swait.ge [sflag:s22], s20  }
0x9f: {  	s3 =	ssub.s32 $0x0, s20;
	[sflag:s22] =	ssyncset.done $0x0  }
0xa0: {  	[sflag:s22] =	ssyncadd.s32 s3;
	_ =	sdelay $0x1  }
0xa1: {  	s23 =	simm.s32 $0x1B8B  }
0xa2: {  	_ =	swait.ge [sflag:s23], $0x1  }
0xa3: {  	[sflag:s23] =	ssyncset.done $0x0  }
0xa4: {  	s25 =	simm.s32 $0x1B8E;
	s24 =	sld [smem:$0x3FFE];
	[sflag:s23] =	ssyncadd.s32 $0xFFFFFFFF  }
0xa5: {  	s26 =	simm.s32 $execute0_lowered;
	[smem:$0x3FD2] =	sst s25  }
0xa6: {  	s4 =	sshll.u32 s26, $0x1;
	_ =	strace $0x80000046;
	[dreg:$0x1] =	wrdreg $0xFFFFFFFF  }
0xa7: {  	s28 =	simm.s32 $_size_execute0_lowered;
	s2 =	sadd.s32 s2, s4;
	[dreg:$0x0] =	wrdreg $0x0  }
0xa8: {  	s4 =	sshll.u32 s28, $0x1;
	[dreg:$0x2] =	wrdreg s2  }
0xa9: {  	[dreg:$0x3] =	wrdreg s4  }
0xaa: {  	[dreg:$0x4] =	wrdreg $0xC0  }
0xab: {  	_ =	task [dreg:s6], $0x5FFFF  }
0xac: {  	[dreg:$0x1] =	wrdreg $0xFFFFFFFF  }
0xad: {  	[dreg:$0x0] =	wrdreg $0x60  }
0xae: {  	[dreg:$0x2] =	wrdreg s24  }
0xaf: {  	[dreg:$0x3] =	wrdreg $0x84800  }
0xb0: {  	[dreg:$0x4] =	wrdreg $0xA  }
0xb1: {  	_ =	task.clear_ibuf [dreg:s6], $0x5FFFF;
	_ =	strace $0x90000046  }
0xb2: {  	s29 =	simm.s32 $0xA;
	_ =	strace $0x80000048  }
0xb3: {  	_ =	swait.ge [sflag:s29], $0x1  }
0xb4: {  	[sflag:s29] =	ssyncadd.s32 $0xFFFFFFFF  }
0xb5: {  	_ =	strace $0x90000048  }
0xb6: {  	_ =	sfence  }
0xb7: {  	s30 =	sld [smem:$0x0];
	_ =	sdelay $0x2  }
0xb8: {  	s31 =	sshll.u32 s1, $0xD;
	s1 =	sshrl.u32 s1, $0x2  }
0xb9: {  	s3 =	sand.u32 $0x4000, s31;
	s1 =	sadd.s32 s1, s30  }
0xba: {  	s0 =	sor.u32 s3, s0;
	s1 =	sshll.u32 s1, $0x11  }
0xbb: {  	s0 =	sor.u32 s1, s0  }
0xbc: {  	s0 =	sadd.s32 $0x8F2B, s0  }
0xbd: {  	[sflag:s0] =	ssyncadd.remote.s32 $0x1  }
0xbe: {  	_ =	sfence.sel $0xFFFF  }
0xbf: {  	[dreg:$0x0] =	wrdreg $0xFFFFFFFF;
	(pc) =	sbr.abs _section_cstart, $3  }
0xc0: {  	[dreg:$0x1] =	wrdreg $0xFFFFFFFF  }
0xc1: {  	_ =	task.clear_ibuf [dreg:s6], $0x2FFFF;
	_ =	strace $0x9FFFFFFF  }
0xc2: {  	(tm) =	ssettm $0x7FFFFFFF  }
0xc3: {  	_ =	shalt  }
tec
execute0_lowered:
.L_overlay_start_1:
0x0: {  	(tag) =	ssettag $0x1  }
0x1: {  	s0 =	rddreg [dreg:$0x0]  }
0x2: {  	s2 =	rddreg [dreg:$0x1];
	s3 =	simm.s32 $0x0  }
0x3: {  	s15 =	stileid.u32;
	s7 =	srdreg.scid;
	s29 =	simm.s32 $0x7080  }
0x4: {  	s30 =	simm.s32 $0x1;
	s31 =	simm.s32 $0x6;
	[smem:$0x7FF] =	sst s3  }
0x5: {  	s1 =	smul.u32 $0x13800, s15;
	s4 =	sadd.s32 $0x41A00, s0;
	s5 =	sadd.s32 $0x22400, s0  }
0x6: {  	s8 =	sadd.s32 $0x2E00, s0;
	s7 =	sand.u32 $0x1, s7;
	s11 =	smul.u32 $0x4E000, s15  }
0x7: {  	s12 =	sadd.s32 $0x8FE00, s0;
	s28 =	sshll.u32 s15, $0x6;
	s17 =	sadd.s32 $0x138000, s2  }
0x8: {  	s22 =	smul.u32 $0xFA0, s15;
	p0 =	sne.s32 s15, $0xF;
	_ =	strace $0x80000047  }
0x9: {  	s9 =	ssub.s32 $0x2, s7;
	s10 =	sshll.u32 s7, $0x4;
	s14 =	smul.u32 $0x138800, s7  }
0xa: {  	s20 =	smul.u32 $0xFA00, s7;
	s6 =	sshrl.u32 s1, $0x3;
	s13 =	sshrl.u32 s9, $0x1  }
0xb: {  	s10 =	sor.u32 s15, s10;
	s11 =	sshrl.u32 s11, $0x2;
	s6 =	sadd.s32 s6, s0  }
0xc: {  	s9 =	ssub.s32 s9, s13;
	s10 =	smul.u32 $0xFA0, s10;
	s26 =	sadd.s32 s11, s2  }
0xd: {  	s0 =	sadd.s32 $0x8FC00, s0;
	s18 =	sadd.s32 s1, s14;
	s21 =	sshrl.u32 s14, $0x3  }
0xe: {  	s1 =	sadd.s32 s20, s8;
	s6 =	sadd.s32 $0x68C00, s6;
	[dreg:$0x6] =	wrdreg s0  }
0xf: {  	s0 =	sshrl.u32 s18, $0x3;
	s1 =	sadd.s32 s22, s1;
	s24 =	smax.u32 s9, $0x1  }
0x10: {  	s9 =	sshrl.u32 s26, $0x3;
	s26 =	simm.s32 $0x1B80;
	s18 =	simm.s32 $0x4  }
0x11: {  	[dreg:$0x5] =	wrdreg s6;
	s6 =	sor.u32 $0x1C08, s28;
	s16 =	sadd.s32 s5, s10  }
0x12: {  	s19 =	sadd.s32 s8, s10;
	s0 =	sadd.s32 s12, s0;
	[dreg:$0xb] =	wrdreg s24  }
0x13: {  	s5 =	sadd.s32 s20, s5;
	s25 =	sadd.s32 $0xA0, s1;
	[dreg:$0x3] =	wrdreg s26  }
0x14: {  	s10 =	sshrl.u32 @!p0 s17, $0x3;
	s20 =	simm.s32 $0x2080;
	[dreg:$0x7] =	wrdreg s16  }
0x15: {  	s28 =	simm.s32 $0x500;
	s24 =	simm.s32 $0x4880;
	[dreg:$0x8] =	wrdreg s19  }
0x16: {  	s26 =	simm.s32 $0x5C80;
	s1 =	simm.s32 $0x3;
	[dreg:$0x9] =	wrdreg s0  }
0x17: {  	s0 =	sadd.s32 s12, s21;
	s23 =	sadd.s32 s22, s5;
	[dreg:$0xd] =	wrdreg s25  }
0x18: {  	s16 =	simm.s32 $0x8;
	s19 =	simm.s32 $0x28;
	s22 =	simm.s32 $0x3480  }
0x19: {  	[dreg:$0x4] =	wrdreg s28;
	s21 =	simm.s32 $0x5;
	s0 =	sadd.s32 $0x27000, s0  }
0x1a: {  	s25 =	simm.s32 $0x0;
	[dreg:$0xa] =	wrdreg s0;
	s0 =	sadd.s32 $0xA0, s23  }
0x1b: {  	s23 =	simm.s32 $0x7;
	[dreg:$0xc] =	wrdreg s0;
	s0 =	simm.s32 $0x2  }
.LBB2_1:
0x1c: {  	s5 =	rddreg [dreg:$0x5]  }
0x1d: {  	[spmem:s9], [sflag:s6] =	dma.local [hbm:s5], $0x2700  }
0x1e: {  	_ =	swait.ge [sflag:s16], $0x2700  }
0x1f: {  	[sflag:s16] =	ssyncset.done $0x0  }
0x20: {  	s5 =	rddreg [dreg:$0x6];
	[sflag:s16] =	ssyncadd.s32 $0xFFFFD900  }
0x21: {  	[spmem:s10], [sflag:s6] =	dma.local @!p0 [hbm:s5], $0x100  }
0x22: {  	s5 =	simm.s32 @!p0 $0x8  }
0x23: {  	_ =	swait.ge @!p0 [sflag:s5], $0x100  }
0x24: {  	[sflag:s5] =	ssyncset.done @!p0 $0x0  }
0x25: {  	[sflag:s5] =	ssyncadd.s32 @!p0 $0xFFFFFF00  }
0x26: {  	[bflag:$0x0] =	sbarrier.arrive $0xFFFF  }
0x27: {  	s14 =	rddreg [dreg:$0x7]  }
0x28: {  	[tilespmem:s3], [sflag:$0x8] =	stream.linear.gather [hbm4b:s14+s3], $0x780, $0x38;
	[tilespmem:$0x1BD00] =	vst v63  }
0x29: {  	_ =	swait.ge [sflag:s16], $0x780  }
0x2a: {  	[sflag:s16] =	ssyncset.done $0x0  }
0x2b: {  	s7 =	simm.s32 $0x1680;
	s15 =	rddreg [dreg:$0x8];
	[sflag:s16] =	ssyncadd.s32 $0xFFFFF880  }
0x2c: {  	[tilespmem:s7], [sflag:$0x8] =	stream.linear.gather [hbm4b:s15+s3], $0x500, $0x38;
	[tilespmem:$0x1BD00] =	vst v63  }
0x2d: {  	_ =	swait.ge [sflag:s16], $0x500  }
0x2e: {  	[sflag:s16] =	ssyncset.done $0x0  }
0x2f: {  	s17 =	smov.u32 s9;
	s8 =	smov.u32 s10;
	[sflag:s16] =	ssyncadd.s32 $0xFFFFFB00  }
0x30: {  	[tilespmem:s20], [sflag:$0x1] =	stream.indirect.gather [hbm4b:s4+s19], $0x80, s3, s19, $0xb8;
	[tilespmem:$0x1BD00] =	vst v63  }
0x31: {  	s11 =	simm.s32 $0x180;
	s12 =	smul.u32 $0xAB, s30;
	s9 =	simm.s32 $0x80  }
0x32: {  	[tilespmem:s22], [sflag:$0x2] =	stream.indirect.gather [hbm4b:s4+s19], $0x80, s9, s19, $0xb8;
	[tilespmem:$0x1BD00] =	vst v63  }
0x33: {  	p1 =	por $0x1, $0x1;
	s10 =	simm.s32 $0x100;
	s15 =	sshrl.u32 s12, $0x9  }
0x34: {  	[tilespmem:s24], [sflag:$0x3] =	stream.indirect.gather [hbm4b:s4+s19], $0x80, s10, s19, $0xb8;
	[tilespmem:$0x1BD00] =	vst v63  }
0x35: {  	s13 =	simm.s32 @!p1 $0x7;
	s5 =	sadd.s32 $0xFFFFFF55, s12;
	s7 =	sand.u32 $0x7F, s15  }
0x36: {  	[tilespmem:s26], [sflag:$0x4] =	stream.indirect.gather [hbm4b:s4+s19], $0x80, s11, s19, $0xb8;
	[tilespmem:$0x1BD00] =	vst v63  }
0x37: {  	s5 =	sshrl.u32 s5, $0x9;
	s14 =	simm.s32 $0x200;
	s7 =	smul.u32 $0x3, s7  }
0x38: {  	[tilespmem:s29], [sflag:$0x5] =	stream.indirect.gather [hbm4b:s4+s19], $0x80, s14, s19, $0xb8;
	[tilespmem:$0x1BD00] =	vst v63  }
0x39: {  	s5 =	sand.u32 $0x7F, s5;
	s7 =	ssub.s32 $0x1, s7;
	_ =	swait.ge @!p1 [sflag:s13], $0x780  }
0x3a: {  	s7 =	sand.u32 $0xFF, s7;
	s14 =	smul.u32 $0x3, s5;
	[sflag:s13] =	ssyncset.done @!p1 $0x0  }
0x3b: {  	s10 =	simm.s32 $0x0;
	s5 =	smul.u32 $0x1E00, s7;
	[sflag:s13] =	ssyncadd.s32 @!p1 $0xFFFFF880  }
0x3c: {  	s9 =	sand.u32 $0x1, s30;
	s11 =	sand.u32 $0x1, s10;
	_ =	swait.ge @!p1 [sflag:s13], $0x500  }
0x3d: {  	s5 =	sshrl.u32 s5, $0x2;
	[sflag:s13] =	ssyncset.done @!p1 $0x0;
	s28 =	rddreg [dreg:$0x3]  }
0x3e: {  	[sflag:s13] =	ssyncadd.s32 @!p1 $0xFFFFFB00;
	p1 =	seq.s32 s9, $0x1;
	s9 =	rddreg [dreg:$0xc]  }
0x3f: {  	[tilespmem:s5], [sflag:$0x7] =	stream.linear.gather [hbm4b:s9+s3], $0x780, $0x38;
	[tilespmem:$0x1BD00] =	vst v63  }
0x40: {  	s12 =	ssub.s32 $0x0, s14;
	s10 =	rddreg [dreg:$0xd];
	s28 =	simm.s32 @!p1 $0x1680  }
0x41: {  	[tilespmem:s28], [sflag:$0x7] =	stream.linear.gather [hbm4b:s10+s3], $0x500, $0x38;
	[tilespmem:$0x1BD00] =	vst v63  }
0x42: {  	s5 =	rddreg [dreg:$0x4];
	p1 =	seq.s32 s11, $0x1;
	_ =	swait.ge [sflag:s30], $0x1400  }
0x43: {  	s13 =	sand.u32 $0xFF, s12;
	s5 =	simm.s32 @!p1 $0x0;
	[sflag:s30] =	ssyncset.done $0x0  }
0x44: {  	s7 =	smul.u32 $0x1E00, s13;
	s14 =	sadd.s32 $0x1680, s5;
	[sflag:s30] =	ssyncadd.s32 $0xFFFFEC00  }
0x45: {  	[spmem:s2] =	stream.indirect.scatter.add.f32 [tilespmem:s20], [sflag:$0x6], $0x80, s14, s19, $0xb8;
	[tilespmem:$0x1BD00] =	vst v63  }
0x46: {  	_ =	swait.ge [sflag:s31], $0x1400  }
0x47: {  	s28 =	sshrl.u32 s7, $0x2;
	[sflag:s31] =	ssyncset.done $0x0  }
0x48: {  	s7 =	sadd.s32 $0x280, s28;
	[sflag:s31] =	ssyncadd.s32 $0xFFFFEC00  }
0x49: {  	[tilespmem:s20], [sflag:$0x1] =	stream.indirect.gather [hbm4b:s4+s19], $0x80, s7, s19, $0xb8;
	[tilespmem:$0x1BD00] =	vst v63  }
0x4a: {  	_ =	swait.ge [sflag:s0], $0x1400  }
0x4b: {  	[sflag:s0] =	ssyncset.done $0x0  }
0x4c: {  	s15 =	sadd.s32 $0x1700, s5;
	[sflag:s0] =	ssyncadd.s32 $0xFFFFEC00  }
0x4d: {  	[spmem:s2] =	stream.indirect.scatter.add.f32 [tilespmem:s22], [sflag:$0x6], $0x80, s15, s19, $0xb8;
	[tilespmem:$0x1BD00] =	vst v63  }
0x4e: {  	_ =	swait.ge [sflag:s31], $0x1400  }
0x4f: {  	[sflag:s31] =	ssyncset.done $0x0  }
0x50: {  	s11 =	sadd.s32 $0x300, s28;
	[sflag:s31] =	ssyncadd.s32 $0xFFFFEC00  }
0x51: {  	[tilespmem:s22], [sflag:$0x2] =	stream.indirect.gather [hbm4b:s4+s19], $0x80, s11, s19, $0xb8;
	[tilespmem:$0x1BD00] =	vst v63  }
0x52: {  	_ =	swait.ge [sflag:s1], $0x1400  }
0x53: {  	[sflag:s1] =	ssyncset.done $0x0  }
0x54: {  	s12 =	sadd.s32 $0x1780, s5;
	[sflag:s1] =	ssyncadd.s32 $0xFFFFEC00  }
0x55: {  	[spmem:s2] =	stream.indirect.scatter.add.f32 [tilespmem:s24], [sflag:$0x6], $0x80, s12, s19, $0xb8;
	[tilespmem:$0x1BD00] =	vst v63  }
0x56: {  	_ =	swait.ge [sflag:s31], $0x1400  }
0x57: {  	[sflag:s31] =	ssyncset.done $0x0  }
0x58: {  	s13 =	sadd.s32 $0x380, s28;
	[sflag:s31] =	ssyncadd.s32 $0xFFFFEC00  }
0x59: {  	[tilespmem:s24], [sflag:$0x3] =	stream.indirect.gather [hbm4b:s4+s19], $0x80, s13, s19, $0xb8;
	[tilespmem:$0x1BD00] =	vst v63  }
0x5a: {  	_ =	swait.ge [sflag:s18], $0x1400  }
0x5b: {  	[sflag:s18] =	ssyncset.done $0x0  }
0x5c: {  	s14 =	sor.u32 $0x1800, s5;
	[sflag:s18] =	ssyncadd.s32 $0xFFFFEC00  }
0x5d: {  	[spmem:s2] =	stream.indirect.scatter.add.f32 [tilespmem:s26], [sflag:$0x6], $0x80, s14, s19, $0xb8;
	[tilespmem:$0x1BD00] =	vst v63  }
0x5e: {  	_ =	swait.ge [sflag:s31], $0x1400  }
0x5f: {  	[sflag:s31] =	ssyncset.done $0x0  }
0x60: {  	s15 =	sadd.s32 $0x400, s28;
	[sflag:s31] =	ssyncadd.s32 $0xFFFFEC00  }
0x61: {  	[tilespmem:s26], [sflag:$0x4] =	stream.indirect.gather [hbm4b:s4+s19], $0x80, s15, s19, $0xb8;
	[tilespmem:$0x1BD00] =	vst v63  }
0x62: {  	_ =	swait.ge [sflag:s21], $0x1400  }
0x63: {  	[sflag:s21] =	ssyncset.done $0x0  }
0x64: {  	s11 =	sor.u32 $0x1880, s5;
	[sflag:s21] =	ssyncadd.s32 $0xFFFFEC00  }
0x65: {  	[spmem:s2] =	stream.indirect.scatter.add.f32 [tilespmem:s29], [sflag:$0x6], $0x80, s11, s19, $0xb8;
	[tilespmem:$0x1BD00] =	vst v63  }
0x66: {  	_ =	swait.ge [sflag:s31], $0x1400  }
0x67: {  	[sflag:s31] =	ssyncset.done $0x0  }
0x68: {  	s12 =	sadd.s32 $0x480, s28;
	[sflag:s31] =	ssyncadd.s32 $0xFFFFEC00  }
0x69: {  	[tilespmem:s29], [sflag:$0x5] =	stream.indirect.gather [hbm4b:s4+s19], $0x80, s12, s19, $0xb8;
	[tilespmem:$0x1BD00] =	vst v63  }
0x6a: {  	_ =	swait.ge [sflag:s30], $0x1400  }
0x6b: {  	[sflag:s30] =	ssyncset.done $0x0  }
0x6c: {  	s13 =	sadd.s32 $0x1900, s5;
	[sflag:s30] =	ssyncadd.s32 $0xFFFFEC00  }
0x6d: {  	[spmem:s2] =	stream.indirect.scatter.add.f32 [tilespmem:s20], [sflag:$0x6], $0x80, s13, s19, $0xb8;
	[tilespmem:$0x1BD00] =	vst v63  }
0x6e: {  	_ =	swait.ge [sflag:s31], $0x1400  }
0x6f: {  	[sflag:s31] =	ssyncset.done $0x0  }
0x70: {  	s14 =	sadd.s32 $0x500, s28;
	[sflag:s31] =	ssyncadd.s32 $0xFFFFEC00  }
0x71: {  	[tilespmem:s20], [sflag:$0x1] =	stream.indirect.gather [hbm4b:s4+s19], $0x80, s14, s19, $0xb8;
	[tilespmem:$0x1BD00] =	vst v63  }
0x72: {  	_ =	swait.ge [sflag:s0], $0x1400  }
0x73: {  	[sflag:s0] =	ssyncset.done $0x0  }
0x74: {  	s15 =	sadd.s32 $0x1980, s5;
	[sflag:s0] =	ssyncadd.s32 $0xFFFFEC00  }
0x75: {  	[spmem:s2] =	stream.indirect.scatter.add.f32 [tilespmem:s22], [sflag:$0x6], $0x80, s15, s19, $0xb8;
	[tilespmem:$0x1BD00] =	vst v63  }
0x76: {  	_ =	swait.ge [sflag:s31], $0x1400  }
0x77: {  	[sflag:s31] =	ssyncset.done $0x0  }
0x78: {  	s11 =	sadd.s32 $0x580, s28;
	[sflag:s31] =	ssyncadd.s32 $0xFFFFEC00  }
0x79: {  	[tilespmem:s22], [sflag:$0x2] =	stream.indirect.gather [hbm4b:s4+s19], $0x80, s11, s19, $0xb8;
	[tilespmem:$0x1BD00] =	vst v63  }
0x7a: {  	_ =	swait.ge [sflag:s1], $0x1400  }
0x7b: {  	[sflag:s1] =	ssyncset.done $0x0  }
0x7c: {  	s12 =	sor.u32 $0x1A00, s5;
	[sflag:s1] =	ssyncadd.s32 $0xFFFFEC00  }
0x7d: {  	[spmem:s2] =	stream.indirect.scatter.add.f32 [tilespmem:s24], [sflag:$0x6], $0x80, s12, s19, $0xb8;
	[tilespmem:$0x1BD00] =	vst v63  }
0x7e: {  	_ =	swait.ge [sflag:s31], $0x1400  }
0x7f: {  	[sflag:s31] =	ssyncset.done $0x0  }
0x80: {  	s13 =	sadd.s32 $0x600, s28;
	[sflag:s31] =	ssyncadd.s32 $0xFFFFEC00  }
0x81: {  	[tilespmem:s24], [sflag:$0x3] =	stream.indirect.gather [hbm4b:s4+s19], $0x80, s13, s19, $0xb8;
	[tilespmem:$0x1BD00] =	vst v63  }
0x82: {  	_ =	swait.ge [sflag:s18], $0x1400  }
0x83: {  	[sflag:s18] =	ssyncset.done $0x0  }
0x84: {  	s14 =	sor.u32 $0x1A80, s5;
	[sflag:s18] =	ssyncadd.s32 $0xFFFFEC00  }
0x85: {  	[spmem:s2] =	stream.indirect.scatter.add.f32 [tilespmem:s26], [sflag:$0x6], $0x80, s14, s19, $0xb8;
	[tilespmem:$0x1BD00] =	vst v63  }
0x86: {  	_ =	swait.ge [sflag:s31], $0x1400  }
0x87: {  	s7 =	simm.s32 $0x2;
	s15 =	sadd.s32 $0x680, s28;
	[sflag:s31] =	ssyncset.done $0x0  }
0x88: {  	s13 =	smov.u32 s9;
	s14 =	smov.u32 s10;
	[sflag:s31] =	ssyncadd.s32 $0xFFFFEC00  }
0x89: {  	[tilespmem:s26], [sflag:$0x4] =	stream.indirect.gather [hbm4b:s4+s19], $0x80, s15, s19, $0xb8;
	[tilespmem:$0x1BD00] =	vst v63  }
.LBB2_2:
0x8a: {  	s10 =	smul.u32 $0xAB, s7  }
0x8b: {  	s14 =	sadd.s32 $0xA0, s14;
	s11 =	smov.u32 s7;
	_ =	swait.ge [sflag:s21], $0x1400  }
0x8c: {  	s5 =	sadd.s32 $0x1B00, s5;
	s13 =	sadd.s32 $0xA0, s13;
	[sflag:s21] =	ssyncset.done $0x0  }
0x8d: {  	s28 =	sadd.s32 $0x700, s28;
	p1 =	seq.s32 s11, $0x1;
	[sflag:s21] =	ssyncadd.s32 $0xFFFFEC00  }
0x8e: {  	[spmem:s2] =	stream.indirect.scatter.add.f32 [tilespmem:s29], [sflag:$0x6], $0x80, s5, s19, $0xb8;
	[tilespmem:$0x1BD00] =	vst v63  }
0x8f: {  	s12 =	sadd.s32 $0xFFFFFF55, s10;
	s10 =	sshrl.u32 s10, $0x9;
	_ =	swait.ge [sflag:s31], $0x1400  }
0x90: {  	s10 =	sand.u32 $0x7F, s10;
	s12 =	sshrl.u32 s12, $0x9;
	[sflag:s31] =	ssyncset.done $0x0  }
0x91: {  	s9 =	smul.u32 $0x3, s10;
	s10 =	simm.s32 @!p1 $0x7;
	[sflag:s31] =	ssyncadd.s32 $0xFFFFEC00  }
0x92: {  	[tilespmem:s29], [sflag:$0x5] =	stream.indirect.gather [hbm4b:s4+s19], $0x80, s28, s19, $0xb8;
	[tilespmem:$0x1BD00] =	vst v63  }
0x93: {  	s12 =	sand.u32 $0x7F, s12;
	s5 =	ssub.s32 s11, s9;
	_ =	swait.ge @!p1 [sflag:s10], $0x780  }
0x94: {  	s12 =	smul.u32 $0x3, s12;
	s5 =	sand.u32 $0xFF, s5;
	[sflag:s10] =	ssyncset.done @!p1 $0x0  }
0x95: {  	s28 =	sadd.s32 $0xFFFFFFFF, s11;
	s5 =	smul.u32 $0x1E00, s5;
	[sflag:s10] =	ssyncadd.s32 @!p1 $0xFFFFF880  }
0x96: {  	s11 =	sand.u32 $0x1, s11;
	s12 =	ssub.s32 s28, s12;
	_ =	swait.ge @!p1 [sflag:s10], $0x500  }
0x97: {  	s15 =	sand.u32 $0x1, s28;
	s5 =	sshrl.u32 s5, $0x2;
	[sflag:s10] =	ssyncset.done @!p1 $0x0  }
0x98: {  	s9 =	rddreg [dreg:$0x3];
	[sflag:s10] =	ssyncadd.s32 @!p1 $0xFFFFFB00;
	p1 =	seq.s32 s11, $0x1  }
0x99: {  	[tilespmem:s5], [sflag:$0x7] =	stream.linear.gather [hbm4b:s13+s3], $0x780, $0x38;
	[tilespmem:$0x1BD00] =	vst v63  }
0x9a: {  	s12 =	sand.u32 $0xFF, s12;
	p2 =	seq.s32 s15, $0x1;
	s9 =	simm.s32 @!p1 $0x1680  }
0x9b: {  	[tilespmem:s9], [sflag:$0x7] =	stream.linear.gather [hbm4b:s14+s3], $0x500, $0x38;
	[tilespmem:$0x1BD00] =	vst v63  }
0x9c: {  	s12 =	smul.u32 $0x1E00, s12;
	s5 =	rddreg [dreg:$0x4];
	_ =	swait.ge [sflag:s30], $0x1400  }
0x9d: {  	s5 =	simm.s32 @!p2 $0x0;
	[sflag:s30] =	ssyncset.done $0x0  }
0x9e: {  	s28 =	sshrl.u32 s12, $0x2;
	s12 =	sadd.s32 $0x1680, s5;
	[sflag:s30] =	ssyncadd.s32 $0xFFFFEC00  }
0x9f: {  	[spmem:s2] =	stream.indirect.scatter.add.f32 [tilespmem:s20], [sflag:$0x6], $0x80, s12, s19, $0xb8;
	[tilespmem:$0x1BD00] =	vst v63  }
0xa0: {  	_ =	swait.ge [sflag:s31], $0x1400  }
0xa1: {  	[sflag:s31] =	ssyncset.done $0x0  }
0xa2: {  	s15 =	sadd.s32 $0x280, s28;
	[sflag:s31] =	ssyncadd.s32 $0xFFFFEC00  }
0xa3: {  	[tilespmem:s20], [sflag:$0x1] =	stream.indirect.gather [hbm4b:s4+s19], $0x80, s15, s19, $0xb8;
	[tilespmem:$0x1BD00] =	vst v63  }
0xa4: {  	_ =	swait.ge [sflag:s0], $0x1400  }
0xa5: {  	[sflag:s0] =	ssyncset.done $0x0  }
0xa6: {  	s10 =	sadd.s32 $0x1700, s5;
	[sflag:s0] =	ssyncadd.s32 $0xFFFFEC00  }
0xa7: {  	[spmem:s2] =	stream.indirect.scatter.add.f32 [tilespmem:s22], [sflag:$0x6], $0x80, s10, s19, $0xb8;
	[tilespmem:$0x1BD00] =	vst v63  }
0xa8: {  	_ =	swait.ge [sflag:s31], $0x1400  }
0xa9: {  	[sflag:s31] =	ssyncset.done $0x0  }
0xaa: {  	s11 =	sadd.s32 $0x300, s28;
	[sflag:s31] =	ssyncadd.s32 $0xFFFFEC00  }
0xab: {  	[tilespmem:s22], [sflag:$0x2] =	stream.indirect.gather [hbm4b:s4+s19], $0x80, s11, s19, $0xb8;
	[tilespmem:$0x1BD00] =	vst v63  }
0xac: {  	_ =	swait.ge [sflag:s1], $0x1400  }
0xad: {  	[sflag:s1] =	ssyncset.done $0x0  }
0xae: {  	s12 =	sadd.s32 $0x1780, s5;
	[sflag:s1] =	ssyncadd.s32 $0xFFFFEC00  }
0xaf: {  	[spmem:s2] =	stream.indirect.scatter.add.f32 [tilespmem:s24], [sflag:$0x6], $0x80, s12, s19, $0xb8;
	[tilespmem:$0x1BD00] =	vst v63  }
0xb0: {  	_ =	swait.ge [sflag:s31], $0x1400  }
0xb1: {  	[sflag:s31] =	ssyncset.done $0x0  }
0xb2: {  	s15 =	sadd.s32 $0x380, s28;
	[sflag:s31] =	ssyncadd.s32 $0xFFFFEC00  }
0xb3: {  	[tilespmem:s24], [sflag:$0x3] =	stream.indirect.gather [hbm4b:s4+s19], $0x80, s15, s19, $0xb8;
	[tilespmem:$0x1BD00] =	vst v63  }
0xb4: {  	_ =	swait.ge [sflag:s18], $0x1400  }
0xb5: {  	[sflag:s18] =	ssyncset.done $0x0  }
0xb6: {  	s10 =	sor.u32 $0x1800, s5;
	[sflag:s18] =	ssyncadd.s32 $0xFFFFEC00  }
0xb7: {  	[spmem:s2] =	stream.indirect.scatter.add.f32 [tilespmem:s26], [sflag:$0x6], $0x80, s10, s19, $0xb8;
	[tilespmem:$0x1BD00] =	vst v63  }
0xb8: {  	_ =	swait.ge [sflag:s31], $0x1400  }
0xb9: {  	[sflag:s31] =	ssyncset.done $0x0  }
0xba: {  	s11 =	sadd.s32 $0x400, s28;
	[sflag:s31] =	ssyncadd.s32 $0xFFFFEC00  }
0xbb: {  	[tilespmem:s26], [sflag:$0x4] =	stream.indirect.gather [hbm4b:s4+s19], $0x80, s11, s19, $0xb8;
	[tilespmem:$0x1BD00] =	vst v63  }
0xbc: {  	_ =	swait.ge [sflag:s21], $0x1400  }
0xbd: {  	[sflag:s21] =	ssyncset.done $0x0  }
0xbe: {  	s12 =	sor.u32 $0x1880, s5;
	[sflag:s21] =	ssyncadd.s32 $0xFFFFEC00  }
0xbf: {  	[spmem:s2] =	stream.indirect.scatter.add.f32 [tilespmem:s29], [sflag:$0x6], $0x80, s12, s19, $0xb8;
	[tilespmem:$0x1BD00] =	vst v63  }
0xc0: {  	_ =	swait.ge [sflag:s31], $0x1400  }
0xc1: {  	[sflag:s31] =	ssyncset.done $0x0  }
0xc2: {  	s15 =	sadd.s32 $0x480, s28;
	[sflag:s31] =	ssyncadd.s32 $0xFFFFEC00  }
0xc3: {  	[tilespmem:s29], [sflag:$0x5] =	stream.indirect.gather [hbm4b:s4+s19], $0x80, s15, s19, $0xb8;
	[tilespmem:$0x1BD00] =	vst v63  }
0xc4: {  	_ =	swait.ge [sflag:s30], $0x1400  }
0xc5: {  	[sflag:s30] =	ssyncset.done $0x0  }
0xc6: {  	s10 =	sadd.s32 $0x1900, s5;
	[sflag:s30] =	ssyncadd.s32 $0xFFFFEC00  }
0xc7: {  	[spmem:s2] =	stream.indirect.scatter.add.f32 [tilespmem:s20], [sflag:$0x6], $0x80, s10, s19, $0xb8;
	[tilespmem:$0x1BD00] =	vst v63  }
0xc8: {  	_ =	swait.ge [sflag:s31], $0x1400  }
0xc9: {  	[sflag:s31] =	ssyncset.done $0x0  }
0xca: {  	s11 =	sadd.s32 $0x500, s28;
	[sflag:s31] =	ssyncadd.s32 $0xFFFFEC00  }
0xcb: {  	[tilespmem:s20], [sflag:$0x1] =	stream.indirect.gather [hbm4b:s4+s19], $0x80, s11, s19, $0xb8;
	[tilespmem:$0x1BD00] =	vst v63  }
0xcc: {  	_ =	swait.ge [sflag:s0], $0x1400  }
0xcd: {  	[sflag:s0] =	ssyncset.done $0x0  }
0xce: {  	s12 =	sadd.s32 $0x1980, s5;
	[sflag:s0] =	ssyncadd.s32 $0xFFFFEC00  }
0xcf: {  	[spmem:s2] =	stream.indirect.scatter.add.f32 [tilespmem:s22], [sflag:$0x6], $0x80, s12, s19, $0xb8;
	[tilespmem:$0x1BD00] =	vst v63  }
0xd0: {  	_ =	swait.ge [sflag:s31], $0x1400  }
0xd1: {  	[sflag:s31] =	ssyncset.done $0x0  }
0xd2: {  	s15 =	sadd.s32 $0x580, s28;
	[sflag:s31] =	ssyncadd.s32 $0xFFFFEC00  }
0xd3: {  	[tilespmem:s22], [sflag:$0x2] =	stream.indirect.gather [hbm4b:s4+s19], $0x80, s15, s19, $0xb8;
	[tilespmem:$0x1BD00] =	vst v63  }
0xd4: {  	_ =	swait.ge [sflag:s1], $0x1400  }
0xd5: {  	[sflag:s1] =	ssyncset.done $0x0  }
0xd6: {  	s10 =	sor.u32 $0x1A00, s5;
	[sflag:s1] =	ssyncadd.s32 $0xFFFFEC00  }
0xd7: {  	[spmem:s2] =	stream.indirect.scatter.add.f32 [tilespmem:s24], [sflag:$0x6], $0x80, s10, s19, $0xb8;
	[tilespmem:$0x1BD00] =	vst v63  }
0xd8: {  	_ =	swait.ge [sflag:s31], $0x1400  }
0xd9: {  	[sflag:s31] =	ssyncset.done $0x0  }
0xda: {  	s11 =	sadd.s32 $0x600, s28;
	[sflag:s31] =	ssyncadd.s32 $0xFFFFEC00  }
0xdb: {  	[tilespmem:s24], [sflag:$0x3] =	stream.indirect.gather [hbm4b:s4+s19], $0x80, s11, s19, $0xb8;
	[tilespmem:$0x1BD00] =	vst v63  }
0xdc: {  	_ =	swait.ge [sflag:s18], $0x1400  }
0xdd: {  	s7 =	sadd.s32 $0x1, s7;
	[sflag:s18] =	ssyncset.done $0x0  }
0xde: {  	p1 =	sne.s32 s7, $0x1A;
	s12 =	sor.u32 $0x1A80, s5;
	[sflag:s18] =	ssyncadd.s32 $0xFFFFEC00  }
0xdf: {  	[spmem:s2] =	stream.indirect.scatter.add.f32 [tilespmem:s26], [sflag:$0x6], $0x80, s12, s19, $0xb8;
	[tilespmem:$0x1BD00] =	vst v63  }
.Ltmp0:
0xe0: {  	_ = 	snop;
	(pc) =	sbr.rel @p1 .LBB2_2-.Ltmp0, $4  }
0xe1: {  	_ =	swait.ge [sflag:s31], $0x1400  }
0xe2: {  	[sflag:s31] =	ssyncset.done $0x0  }
0xe3: {  	s15 =	sadd.s32 $0x680, s28;
	[sflag:s31] =	ssyncadd.s32 $0xFFFFEC00  }
0xe4: {  	[tilespmem:s26], [sflag:$0x4] =	stream.indirect.gather [hbm4b:s4+s19], $0x80, s15, s19, $0xb8;
	[tilespmem:$0x1BD00] =	vst v63  }
0xe5: {  	_ =	swait.ge [sflag:s21], $0x1400  }
0xe6: {  	[sflag:s21] =	ssyncset.done $0x0  }
0xe7: {  	s5 =	sadd.s32 $0x1B00, s5;
	[sflag:s21] =	ssyncadd.s32 $0xFFFFEC00  }
0xe8: {  	[spmem:s2] =	stream.indirect.scatter.add.f32 [tilespmem:s29], [sflag:$0x6], $0x80, s5, s19, $0xb8;
	[tilespmem:$0x1BD00] =	vst v63  }
0xe9: {  	_ =	swait.ge [sflag:s31], $0x1400  }
0xea: {  	[sflag:s31] =	ssyncset.done $0x0  }
0xeb: {  	s15 =	sadd.s32 $0x700, s28;
	[sflag:s31] =	ssyncadd.s32 $0xFFFFEC00  }
0xec: {  	[tilespmem:s29], [sflag:$0x5] =	stream.indirect.gather [hbm4b:s4+s19], $0x80, s15, s19, $0xb8;
	[tilespmem:$0x1BD00] =	vst v63  }
0xed: {  	_ =	swait.ge [sflag:s30], $0x1400  }
0xee: {  	[sflag:s30] =	ssyncset.done $0x0  }
0xef: {  	[sflag:s30] =	ssyncadd.s32 $0xFFFFEC00  }
0xf0: {  	_ =	swait.ge [sflag:s0], $0x1400  }
0xf1: {  	[sflag:s0] =	ssyncset.done $0x0  }
0xf2: {  	[sflag:s0] =	ssyncadd.s32 $0xFFFFEC00  }
0xf3: {  	_ =	swait.ge [sflag:s1], $0x1400  }
0xf4: {  	[sflag:s1] =	ssyncset.done $0x0  }
0xf5: {  	[sflag:s1] =	ssyncadd.s32 $0xFFFFEC00  }
0xf6: {  	_ =	swait.ge [sflag:s18], $0x1400  }
0xf7: {  	[sflag:s18] =	ssyncset.done $0x0  }
0xf8: {  	[sflag:s18] =	ssyncadd.s32 $0xFFFFEC00  }
0xf9: {  	_ =	swait.ge [sflag:s21], $0x1400  }
0xfa: {  	[sflag:s21] =	ssyncset.done $0x0  }
0xfb: {  	[sflag:s21] =	ssyncadd.s32 $0xFFFFEC00  }
0xfc: {  	_ =	swait.ge [sflag:s23], $0x780  }
0xfd: {  	[sflag:s23] =	ssyncset.done $0x0  }
0xfe: {  	[sflag:s23] =	ssyncadd.s32 $0xFFFFF880  }
0xff: {  	_ =	swait.ge [sflag:s23], $0x500  }
0x100: {  	[sflag:s23] =	ssyncset.done $0x0  }
0x101: {  	[sflag:s23] =	ssyncadd.s32 $0xFFFFFB00  }
0x102: {  	[bflag:$0x0] =	sbarrier.arrive $0xFFFF  }
0x103: {  	s28 =	rddreg [dreg:$0x9]  }
0x104: {  	[hbm:s28], [sflag:s6] =	dma.local [spmem:s17], $0x2700  }
0x105: {  	_ =	swait.ge [sflag:s16], $0x2700  }
0x106: {  	[sflag:s16] =	ssyncset.done $0x0  }
0x107: {  	s5 =	rddreg [dreg:$0xa];
	[sflag:s16] =	ssyncadd.s32 $0xFFFFD900  }
0x108: {  	[hbm:s5], [sflag:s6] =	dma.local @!p0 [spmem:s8], $0x100  }
0x109: {  	s5 =	simm.s32 @!p0 $0x8  }
0x10a: {  	_ =	swait.ge @!p0 [sflag:s5], $0x100  }
0x10b: {  	s25 =	sadd.s32 $0x1, s25;
	s7 =	rddreg [dreg:$0xb]  }
0x10c: {  	p1 =	sne.s32 s25, s7  }
.Ltmp1:
0x10d: {  	_ = 	snop;
	(pc) =	sbr.rel @p1 .LBB2_1-.Ltmp1, $3  }
0x10e: {  	_ =	sdelay $0x1  }
0x10f: {  	[sflag:s5] =	ssyncset.done @!p0 $0x0  }
0x110: {  	s9 =	smov.u32 s17;
	s10 =	smov.u32 s8;
	[sflag:s5] =	ssyncadd.s32 @!p0 $0xFFFFFF00  }
0x111: {  	_ =	sfence.sel $0x180000  }
0x112: {  	[bflag:$0x0] =	sbarrier.arrive $0xFFFF  }
0x113: {  	_ =	strace $0x90000047  }
0x114: {  	s0 =	stileid.u32;
	[bflag:$0x2] =	sbarrier.arrive $0xFFFF  }
0x115: {  	p0 =	sne.s32 s0, $0x0;
	s0 =	rddreg [dreg:$0x2]  }
0x116: {  	s0 =	sadd.s32 @!p0 $0x100000, s0  }
0x117: {  	[sflag:s0] =	ssyncadd.tile.s32 @!p0 $0x1;
	_ =	shalt  }
.Lfunc_end2:
_tile_overlayer_lowered:
.L_overlay_start_2:
0x118: {  	(tag) =	ssettag $0x2  }
0x119: {  	s0 =	rddreg [dreg:$0x0];
	s2 =	stileid.u32  }
0x11a: {  	s1 =	rddreg [dreg:$0x1];
	p0 =	sne.s32 s2, $0x0  }
0x11b: {  	s3 =	rddreg [dreg:$0x2];
	[bflag:$0x3] =	sbarrier.arrive $0xFFFF;
	s2 =	simm.s32 @!p0 $0x1C08  }
0x11c: {  	[timem:s3], [sflag:s2] =	dma.local @!p0 [hbm:s0], s1  }
0x11d: {  	s0 =	simm.s32 @!p0 $0x8  }
0x11e: {  	_ =	swait.ge @!p0 [sflag:s0], s1  }
0x11f: {  	s1 =	ssub.s32 @!p0 $0x0, s1;
	[sflag:s0] =	ssyncset.done @!p0 $0x0  }
0x120: {  	[sflag:s0] =	ssyncadd.s32 @!p0 s1  }
0x121: {  	[bflag:$0x3] =	sbarrier.arrive $0xFFFF  }
0x122: {  	_ =	shalt  }

// kernel: kernel.14.cloned.1.call-start
scs
__scs_entry_jumppad:
0x0: {  	(pc) =	sbr.rel $0x88, $3  }
0x1: {  	(tag) =	ssettag $0x0;
	lr =	simm.s32 $0x1  }
0x2: {  	[smem:$0x3F97] =	sst lr;
	_ =	strace $0xD0000000  }
0x3: {  	_ = 	snop  }
0x4: {  	_ = 	snop  }
0x5: {  	_ = 	snop  }
0x6: {  	_ = 	snop  }
0x7: {  	_ = 	snop  }
__scs_overlays_trampoline_lowered:
0x8: {  	[smem:$0x3FA6] =	sst s0  }
0x9: {  	[smem:$0x3FA7] =	sst s1  }
0xa: {  	[smem:$0x3FA8] =	sst s2  }
0xb: {  	[smem:$0x3FA9] =	sst s3  }
0xc: {  	[smem:$0x3FAA] =	sst s4  }
0xd: {  	[smem:$0x3FAB] =	sst s5  }
0xe: {  	[smem:$0x3FAC] =	sst s6  }
0xf: {  	[smem:$0x3FAD] =	sst s7  }
0x10: {  	[smem:$0x3FAE] =	sst s8  }
0x11: {  	[smem:$0x3FAF] =	sst s9;
	s0 =	simm.s32 @!p0 $0x0  }
0x12: {  	s1 =	sld [smem:$0x3F95];
	s0 =	simm.s32 @p0 $0x1  }
0x13: {  	[smem:$0x3FB0] =	sst s0;
	s0 =	simm.s32 @!p1 $0x0  }
0x14: {  	s2 =	sld [smem:$0x3F94];
	s0 =	simm.s32 @p1 $0x1  }
0x15: {  	[smem:$0x3FB1] =	sst s0;
	s0 =	simm.s32 @!p2 $0x0  }
0x16: {  	s3 =	sld [smem:$0x3FDB];
	s0 =	simm.s32 @p2 $0x1  }
0x17: {  	s4 =	simm.s32 $0x1BF5;
	[smem:$0x3FB3] =	sst s0  }
0x18: {  	s0 =	sld [smem:$0x3F96];
	_ =	swait.ge [sflag:s4], $0x0  }
0x19: {  	s7 =	sld [smem:$0x3F97]  }
0x1a: {  	s8 =	sadd.s32 $0xFFFFE003, lr  }
0x1b: {  	s9 =	sadd.s32 $0xFFFFFEF7, lr;
	s5 =	simm.s32 $0xFFFFFFFF;
	p2 =	slt.u32 s8, $0xFFFFF086  }
0x1c: {  	p1 =	slt.u32 s9, $0xF7A;
	s5 =	simm.s32 @!p2 $0x0  }
0x1d: {  	s5 =	simm.s32 @p1 $0x1;
	p0 =	seq.s32 s7, s2  }
0x1e: {  	s7 =	smul.u32 @!p0 $0xF7A, s2;
	p2 =	seq.s32 @!p0 s5, $0x0  }
0x1f: {  	s9 =	smul.u32 $0xF7A, s1;
	s8 =	simm.s32 @!p0 $0x1BF5;
	p2 =	por !p2, p0  }
0x20: {  	[sflag:s8] =	ssyncset.s32 @!p0 $0xFFFFF086;
	s6 =	sadd.s32 @!p0 s3, s7;
	s7 =	simm.s32 @!p0 $0x108  }
0x21: {  	s3 =	sadd.s32 s3, s9;
	s6 =	sadd.s32 @!p0 $0x88, s6;
	s7 =	simm.s32 @p2 $0x1082  }
0x22: {  	[simem:s7], [sflag:s8] =	dma.local @!p0 [hbm:s6], $0xF7A  }
0x23: {  	s9 =	sor.u32 $0xD0000000, s2;
	s6 =	simm.s32 $0x108;
	_ =	swait.ge @!p0 [sflag:s8], $0x0  }
0x24: {  	s3 =	sadd.s32 $0x88, s3;
	s6 =	simm.s32 @!p1 $0x1082;
	[sflag:s4] =	ssyncset.s32 $0xFFFFF086  }
0x25: {  	[simem:s6], [sflag:s4] =	dma.local [hbm:s3], $0xF7A  }
0x26: {  	[smem:$0x3F97] =	sst s1;
	(tag) =	ssettag s2;
	_ =	strace s9  }
0x27: {  	s1 =	sld [smem:$0x3FA7]  }
0x28: {  	s2 =	sld [smem:$0x3FA8]  }
0x29: {  	s4 =	sld [smem:$0x3FAA]  }
0x2a: {  	p0 =	seq.s32 s5, $0x0;
	s5 =	sld [smem:$0x3FAB]  }
0x2b: {  	s6 =	sld [smem:$0x3FAC]  }
0x2c: {  	s7 =	sld [smem:$0x3FAD]  }
0x2d: {  	s3 =	simm.s32 $0x108;
	s8 =	sld [smem:$0x3FAE]  }
0x2e: {  	s3 =	simm.s32 @!p0 $0x1082;
	s9 =	sld [smem:$0x3FAF]  }
0x2f: {  	lr =	sadd.s32 s0, s3;
	s0 =	sld [smem:$0x3FA6]  }
0x30: {  	s3 =	sld [smem:$0x3FA9]  }
0x31: {  	[smem:$0x3FB2] =	sst s10  }
0x32: {  	s10 =	sld [smem:$0x3FB0];
	_ =	sdelay $0x3  }
0x33: {  	p0 =	seq.s32 s10, $0x1;
	s10 =	sld [smem:$0x3FB2];
	_ =	sdelay $0x3  }
0x34: {  	[smem:$0x3FB2] =	sst s10  }
0x35: {  	s10 =	sld [smem:$0x3FB1];
	_ =	sdelay $0x3  }
0x36: {  	p1 =	seq.s32 s10, $0x1;
	s10 =	sld [smem:$0x3FB2];
	_ =	sdelay $0x3  }
0x37: {  	[smem:$0x3FB2] =	sst s10  }
0x38: {  	s10 =	sld [smem:$0x3FB3]  }
0x39: {  	_ = 	snop;
	(pc) =	sbr.ind lr, $3  }
0x3a: {  	_ = 	snop  }
0x3b: {  	_ = 	snop  }
0x3c: {  	p2 =	seq.s32 s10, $0x1;
	s10 =	sld [smem:$0x3FB2]  }
0x3d: {  	_ =	shalt  }
0x3e: {  	_ =	shalt  }
0x3f: {  	_ =	shalt  }
0x40: {  	_ =	shalt  }
0x41: {  	_ =	shalt  }
0x42: {  	_ =	shalt  }
0x43: {  	_ =	shalt  }
0x44: {  	_ =	shalt  }
0x45: {  	_ =	shalt  }
0x46: {  	_ =	shalt  }
0x47: {  	_ =	shalt  }
0x48: {  	_ =	shalt  }
0x49: {  	_ =	shalt  }
0x4a: {  	_ =	shalt  }
0x4b: {  	_ =	shalt  }
0x4c: {  	_ =	shalt  }
0x4d: {  	_ =	shalt  }
0x4e: {  	_ =	shalt  }
0x4f: {  	_ =	shalt  }
0x50: {  	_ =	shalt  }
0x51: {  	_ =	shalt  }
0x52: {  	_ =	shalt  }
0x53: {  	_ =	shalt  }
0x54: {  	_ =	shalt  }
0x55: {  	_ =	shalt  }
0x56: {  	_ =	shalt  }
0x57: {  	_ =	shalt  }
0x58: {  	_ =	shalt  }
0x59: {  	_ =	shalt  }
0x5a: {  	_ =	shalt  }
0x5b: {  	_ =	shalt  }
0x5c: {  	_ =	shalt  }
0x5d: {  	_ =	shalt  }
0x5e: {  	_ =	shalt  }
0x5f: {  	_ =	shalt  }
0x60: {  	_ =	shalt  }
0x61: {  	_ =	shalt  }
0x62: {  	_ =	shalt  }
0x63: {  	_ =	shalt  }
0x64: {  	_ =	shalt  }
0x65: {  	_ =	shalt  }
0x66: {  	_ =	shalt  }
0x67: {  	_ =	shalt  }
0x68: {  	_ =	shalt  }
0x69: {  	_ =	shalt  }
0x6a: {  	_ =	shalt  }
0x6b: {  	_ =	shalt  }
0x6c: {  	_ =	shalt  }
0x6d: {  	_ =	shalt  }
0x6e: {  	_ =	shalt  }
0x6f: {  	_ =	shalt  }
0x70: {  	_ =	shalt  }
0x71: {  	_ =	shalt  }
0x72: {  	_ =	shalt  }
0x73: {  	_ =	shalt  }
0x74: {  	_ =	shalt  }
0x75: {  	_ =	shalt  }
0x76: {  	_ =	shalt  }
0x77: {  	_ =	shalt  }
0x78: {  	_ =	shalt  }
0x79: {  	_ =	shalt  }
0x7a: {  	_ =	shalt  }
0x7b: {  	_ =	shalt  }
0x7c: {  	_ =	shalt  }
0x7d: {  	_ =	shalt  }
0x7e: {  	_ =	shalt  }
0x7f: {  	_ =	shalt  }
0x80: {  	_ =	shalt  }
0x81: {  	_ =	shalt  }
0x82: {  	_ =	shalt  }
0x83: {  	_ =	shalt  }
0x84: {  	_ =	shalt  }
0x85: {  	_ =	shalt  }
0x86: {  	_ =	shalt  }
0x87: {  	_ =	shalt  }
.Lfunc_end0:
.L_simem_size_0:
called_computation.2_lowered:
.L_overlay_start_0:
0x88: {  	s2 =	sld [smem:$0x3FD9]  }
0x89: {  	s3 =	sld [smem:$0x3FFE];
	_ =	sdelay $0x1  }
0x8a: {  	s1 =	srdreg.scid  }
0x8b: {  	s0 =	sand.u32 $0x1, s1  }
0x8c: {  	s16 =	sshll.u32 s0, $0xA;
	s2 =	sadd.s32 s3, s2  }
0x8d: {  	s2 =	sadd.s32 s2, s16  }
0x8e: {  	[smem:$0x3FBE] =	sst s2  }
0x8f: {  	_ = 	snop  }
0x90: {  	(tm) =	ssettm $0x1  }
0x91: {  	s17 =	sld [smem:$0x3FFB];
	_ =	sdelay $0x3  }
0x92: {  	_ =	strace s17  }
0x93: {  	s2 =	sld [smem:$0x3FFC];
	_ =	sdelay $0x3  }
0x94: {  	_ =	strace s2  }
0x95: {  	s2 =	sld [smem:$0x3FFD];
	_ =	sdelay $0x3  }
0x96: {  	_ =	strace s2  }
0x97: {  	_ =	strace $0x8FFFFFFF  }
0x98: {  	s18 =	sld [smem:$0x3FDB];
	_ =	sdelay $0x1  }
0x99: {  	s19 =	simm.s32 $_scs_section_size  }
0x9a: {  	s4 =	simm.s32 $_size__tile_overlayer_lowered;
	s5 =	simm.s32 $_tile_overlayer_lowered  }
0x9b: {  	s22 =	simm.s32 $0x1BFF;
	s21 =	sshll.u32 s5, $0x1;
	s2 =	sadd.s32 s19, s18  }
0x9c: {  	s6 =	simm.s32 $0x0;
	s20 =	sshll.u32 s4, $0x1;
	s4 =	sadd.s32 s21, s2  }
0x9d: {  	[timem:s6], [sflag:s22] =	dma.local [hbm:s4], s20  }
0x9e: {  	_ =	swait.ge [sflag:s22], s20  }
0x9f: {  	s3 =	ssub.s32 $0x0, s20;
	[sflag:s22] =	ssyncset.done $0x0  }
0xa0: {  	[sflag:s22] =	ssyncadd.s32 s3;
	_ =	sdelay $0x1  }
0xa1: {  	s23 =	simm.s32 $0x1B8B  }
0xa2: {  	_ =	swait.ge [sflag:s23], $0x1  }
0xa3: {  	[sflag:s23] =	ssyncset.done $0x0  }
0xa4: {  	s25 =	simm.s32 $0x1B8E;
	s24 =	sld [smem:$0x3FFE];
	[sflag:s23] =	ssyncadd.s32 $0xFFFFFFFF  }
0xa5: {  	s26 =	simm.s32 $execute0_lowered;
	[smem:$0x3FD2] =	sst s25  }
0xa6: {  	s4 =	sshll.u32 s26, $0x1;
	_ =	strace $0x8000004C;
	[dreg:$0x1] =	wrdreg $0xFFFFFFFF  }
0xa7: {  	s28 =	simm.s32 $_size_execute0_lowered;
	s2 =	sadd.s32 s2, s4;
	[dreg:$0x0] =	wrdreg $0x0  }
0xa8: {  	s4 =	sshll.u32 s28, $0x1;
	[dreg:$0x2] =	wrdreg s2  }
0xa9: {  	[dreg:$0x3] =	wrdreg s4  }
0xaa: {  	[dreg:$0x4] =	wrdreg $0xC0  }
0xab: {  	_ =	task [dreg:s6], $0x5FFFF  }
0xac: {  	[dreg:$0x1] =	wrdreg $0xFFFFFFFF  }
0xad: {  	[dreg:$0x0] =	wrdreg $0x60  }
0xae: {  	[dreg:$0x2] =	wrdreg s24  }
0xaf: {  	[dreg:$0x3] =	wrdreg $0x84800  }
0xb0: {  	[dreg:$0x4] =	wrdreg $0x9  }
0xb1: {  	_ =	task.clear_ibuf [dreg:s6], $0x5FFFF;
	_ =	strace $0x9000004C  }
0xb2: {  	s29 =	simm.s32 $0x9;
	_ =	strace $0x8000004E  }
0xb3: {  	_ =	swait.ge [sflag:s29], $0x1  }
0xb4: {  	[sflag:s29] =	ssyncadd.s32 $0xFFFFFFFF  }
0xb5: {  	_ =	strace $0x9000004E  }
0xb6: {  	_ =	sfence  }
0xb7: {  	s30 =	sld [smem:$0x0];
	_ =	sdelay $0x2  }
0xb8: {  	s31 =	sshll.u32 s1, $0xD;
	s1 =	sshrl.u32 s1, $0x2  }
0xb9: {  	s3 =	sand.u32 $0x4000, s31;
	s1 =	sadd.s32 s1, s30  }
0xba: {  	s0 =	sor.u32 s3, s0;
	s1 =	sshll.u32 s1, $0x11  }
0xbb: {  	s0 =	sor.u32 s1, s0  }
0xbc: {  	s0 =	sadd.s32 $0x8F2B, s0  }
0xbd: {  	[sflag:s0] =	ssyncadd.remote.s32 $0x1  }
0xbe: {  	_ =	sfence.sel $0xFFFF  }
0xbf: {  	[dreg:$0x0] =	wrdreg $0xFFFFFFFF;
	(pc) =	sbr.abs _section_cstart, $3  }
0xc0: {  	[dreg:$0x1] =	wrdreg $0xFFFFFFFF  }
0xc1: {  	_ =	task.clear_ibuf [dreg:s6], $0x2FFFF;
	_ =	strace $0x9FFFFFFF  }
0xc2: {  	(tm) =	ssettm $0x7FFFFFFF  }
0xc3: {  	_ =	shalt  }
tec
execute0_lowered:
.L_overlay_start_1:
0x0: {  	(tag) =	ssettag $0x1  }
0x1: {  	s0 =	rddreg [dreg:$0x0]  }
0x2: {  	s2 =	rddreg [dreg:$0x1];
	s3 =	simm.s32 $0x0  }
0x3: {  	s15 =	stileid.u32;
	s7 =	srdreg.scid;
	s29 =	simm.s32 $0x7080  }
0x4: {  	s30 =	simm.s32 $0x1;
	s31 =	simm.s32 $0x6;
	[smem:$0x7FF] =	sst s3  }
0x5: {  	s1 =	smul.u32 $0x13800, s15;
	s4 =	sadd.s32 $0x41A00, s0;
	s5 =	sadd.s32 $0x22400, s0  }
0x6: {  	s8 =	sadd.s32 $0x2E00, s0;
	s7 =	sand.u32 $0x1, s7;
	s11 =	smul.u32 $0x4E000, s15  }
0x7: {  	s12 =	sadd.s32 $0x8FE00, s0;
	s28 =	sshll.u32 s15, $0x6;
	s17 =	sadd.s32 $0x138000, s2  }
0x8: {  	s22 =	smul.u32 $0xFA0, s15;
	p0 =	sne.s32 s15, $0xF;
	_ =	strace $0x8000004D  }
0x9: {  	s9 =	ssub.s32 $0x2, s7;
	s10 =	sshll.u32 s7, $0x4;
	s14 =	smul.u32 $0x138800, s7  }
0xa: {  	s20 =	smul.u32 $0xFA00, s7;
	s6 =	sshrl.u32 s1, $0x3;
	s13 =	sshrl.u32 s9, $0x1  }
0xb: {  	s10 =	sor.u32 s15, s10;
	s11 =	sshrl.u32 s11, $0x2;
	s6 =	sadd.s32 s6, s0  }
0xc: {  	s9 =	ssub.s32 s9, s13;
	s10 =	smul.u32 $0xFA0, s10;
	s26 =	sadd.s32 s11, s2  }
0xd: {  	s0 =	sadd.s32 $0x8FC00, s0;
	s18 =	sadd.s32 s1, s14;
	s21 =	sshrl.u32 s14, $0x3  }
0xe: {  	s1 =	sadd.s32 s20, s8;
	s6 =	sadd.s32 $0x68C00, s6;
	[dreg:$0x6] =	wrdreg s0  }
0xf: {  	s0 =	sshrl.u32 s18, $0x3;
	s1 =	sadd.s32 s22, s1;
	s24 =	smax.u32 s9, $0x1  }
0x10: {  	s9 =	sshrl.u32 s26, $0x3;
	s26 =	simm.s32 $0x1B80;
	s18 =	simm.s32 $0x4  }
0x11: {  	[dreg:$0x5] =	wrdreg s6;
	s6 =	sor.u32 $0x1C08, s28;
	s16 =	sadd.s32 s5, s10  }
0x12: {  	s19 =	sadd.s32 s8, s10;
	s0 =	sadd.s32 s12, s0;
	[dreg:$0xb] =	wrdreg s24  }
0x13: {  	s5 =	sadd.s32 s20, s5;
	s25 =	sadd.s32 $0xA0, s1;
	[dreg:$0x3] =	wrdreg s26  }
0x14: {  	s10 =	sshrl.u32 @!p0 s17, $0x3;
	s20 =	simm.s32 $0x2080;
	[dreg:$0x7] =	wrdreg s16  }
0x15: {  	s28 =	simm.s32 $0x500;
	s24 =	simm.s32 $0x4880;
	[dreg:$0x8] =	wrdreg s19  }
0x16: {  	s26 =	simm.s32 $0x5C80;
	s1 =	simm.s32 $0x3;
	[dreg:$0x9] =	wrdreg s0  }
0x17: {  	s0 =	sadd.s32 s12, s21;
	s23 =	sadd.s32 s22, s5;
	[dreg:$0xd] =	wrdreg s25  }
0x18: {  	s16 =	simm.s32 $0x8;
	s19 =	simm.s32 $0x28;
	s22 =	simm.s32 $0x3480  }
0x19: {  	[dreg:$0x4] =	wrdreg s28;
	s21 =	simm.s32 $0x5;
	s0 =	sadd.s32 $0x27000, s0  }
0x1a: {  	s25 =	simm.s32 $0x0;
	[dreg:$0xa] =	wrdreg s0;
	s0 =	sadd.s32 $0xA0, s23  }
0x1b: {  	s23 =	simm.s32 $0x7;
	[dreg:$0xc] =	wrdreg s0;
	s0 =	simm.s32 $0x2  }
.LBB2_1:
0x1c: {  	s5 =	rddreg [dreg:$0x5]  }
0x1d: {  	[spmem:s9], [sflag:s6] =	dma.local [hbm:s5], $0x2700  }
0x1e: {  	_ =	swait.ge [sflag:s16], $0x2700  }
0x1f: {  	[sflag:s16] =	ssyncset.done $0x0  }
0x20: {  	s5 =	rddreg [dreg:$0x6];
	[sflag:s16] =	ssyncadd.s32 $0xFFFFD900  }
0x21: {  	[spmem:s10], [sflag:s6] =	dma.local @!p0 [hbm:s5], $0x100  }
0x22: {  	s5 =	simm.s32 @!p0 $0x8  }
0x23: {  	_ =	swait.ge @!p0 [sflag:s5], $0x100  }
0x24: {  	[sflag:s5] =	ssyncset.done @!p0 $0x0  }
0x25: {  	[sflag:s5] =	ssyncadd.s32 @!p0 $0xFFFFFF00  }
0x26: {  	[bflag:$0x0] =	sbarrier.arrive $0xFFFF  }
0x27: {  	s14 =	rddreg [dreg:$0x7]  }
0x28: {  	[tilespmem:s3], [sflag:$0x8] =	stream.linear.gather [hbm4b:s14+s3], $0x780, $0x38;
	[tilespmem:$0x1BD00] =	vst v63  }
0x29: {  	_ =	swait.ge [sflag:s16], $0x780  }
0x2a: {  	[sflag:s16] =	ssyncset.done $0x0  }
0x2b: {  	s7 =	simm.s32 $0x1680;
	s15 =	rddreg [dreg:$0x8];
	[sflag:s16] =	ssyncadd.s32 $0xFFFFF880  }
0x2c: {  	[tilespmem:s7], [sflag:$0x8] =	stream.linear.gather [hbm4b:s15+s3], $0x500, $0x38;
	[tilespmem:$0x1BD00] =	vst v63  }
0x2d: {  	_ =	swait.ge [sflag:s16], $0x500  }
0x2e: {  	[sflag:s16] =	ssyncset.done $0x0  }
0x2f: {  	s17 =	smov.u32 s9;
	s8 =	smov.u32 s10;
	[sflag:s16] =	ssyncadd.s32 $0xFFFFFB00  }
0x30: {  	[tilespmem:s20], [sflag:$0x1] =	stream.indirect.gather [hbm4b:s4+s19], $0x80, s3, s19, $0xb8;
	[tilespmem:$0x1BD00] =	vst v63  }
0x31: {  	s11 =	simm.s32 $0x180;
	s12 =	smul.u32 $0xAB, s30;
	s9 =	simm.s32 $0x80  }
0x32: {  	[tilespmem:s22], [sflag:$0x2] =	stream.indirect.gather [hbm4b:s4+s19], $0x80, s9, s19, $0xb8;
	[tilespmem:$0x1BD00] =	vst v63  }
0x33: {  	p1 =	por $0x1, $0x1;
	s10 =	simm.s32 $0x100;
	s15 =	sshrl.u32 s12, $0x9  }
0x34: {  	[tilespmem:s24], [sflag:$0x3] =	stream.indirect.gather [hbm4b:s4+s19], $0x80, s10, s19, $0xb8;
	[tilespmem:$0x1BD00] =	vst v63  }
0x35: {  	s13 =	simm.s32 @!p1 $0x7;
	s5 =	sadd.s32 $0xFFFFFF55, s12;
	s7 =	sand.u32 $0x7F, s15  }
0x36: {  	[tilespmem:s26], [sflag:$0x4] =	stream.indirect.gather [hbm4b:s4+s19], $0x80, s11, s19, $0xb8;
	[tilespmem:$0x1BD00] =	vst v63  }
0x37: {  	s5 =	sshrl.u32 s5, $0x9;
	s14 =	simm.s32 $0x200;
	s7 =	smul.u32 $0x3, s7  }
0x38: {  	[tilespmem:s29], [sflag:$0x5] =	stream.indirect.gather [hbm4b:s4+s19], $0x80, s14, s19, $0xb8;
	[tilespmem:$0x1BD00] =	vst v63  }
0x39: {  	s5 =	sand.u32 $0x7F, s5;
	s7 =	ssub.s32 $0x1, s7;
	_ =	swait.ge @!p1 [sflag:s13], $0x780  }
0x3a: {  	s7 =	sand.u32 $0xFF, s7;
	s14 =	smul.u32 $0x3, s5;
	[sflag:s13] =	ssyncset.done @!p1 $0x0  }
0x3b: {  	s10 =	simm.s32 $0x0;
	s5 =	smul.u32 $0x1E00, s7;
	[sflag:s13] =	ssyncadd.s32 @!p1 $0xFFFFF880  }
0x3c: {  	s9 =	sand.u32 $0x1, s30;
	s11 =	sand.u32 $0x1, s10;
	_ =	swait.ge @!p1 [sflag:s13], $0x500  }
0x3d: {  	s5 =	sshrl.u32 s5, $0x2;
	[sflag:s13] =	ssyncset.done @!p1 $0x0;
	s28 =	rddreg [dreg:$0x3]  }
0x3e: {  	[sflag:s13] =	ssyncadd.s32 @!p1 $0xFFFFFB00;
	p1 =	seq.s32 s9, $0x1;
	s9 =	rddreg [dreg:$0xc]  }
0x3f: {  	[tilespmem:s5], [sflag:$0x7] =	stream.linear.gather [hbm4b:s9+s3], $0x780, $0x38;
	[tilespmem:$0x1BD00] =	vst v63  }
0x40: {  	s12 =	ssub.s32 $0x0, s14;
	s10 =	rddreg [dreg:$0xd];
	s28 =	simm.s32 @!p1 $0x1680  }
0x41: {  	[tilespmem:s28], [sflag:$0x7] =	stream.linear.gather [hbm4b:s10+s3], $0x500, $0x38;
	[tilespmem:$0x1BD00] =	vst v63  }
0x42: {  	s5 =	rddreg [dreg:$0x4];
	p1 =	seq.s32 s11, $0x1;
	_ =	swait.ge [sflag:s30], $0x1400  }
0x43: {  	s13 =	sand.u32 $0xFF, s12;
	s5 =	simm.s32 @!p1 $0x0;
	[sflag:s30] =	ssyncset.done $0x0  }
0x44: {  	s7 =	smul.u32 $0x1E00, s13;
	s14 =	sadd.s32 $0x1680, s5;
	[sflag:s30] =	ssyncadd.s32 $0xFFFFEC00  }
0x45: {  	[spmem:s2] =	stream.indirect.scatter.add.f32 [tilespmem:s20], [sflag:$0x6], $0x80, s14, s19, $0xb8;
	[tilespmem:$0x1BD00] =	vst v63  }
0x46: {  	_ =	swait.ge [sflag:s31], $0x1400  }
0x47: {  	s28 =	sshrl.u32 s7, $0x2;
	[sflag:s31] =	ssyncset.done $0x0  }
0x48: {  	s7 =	sadd.s32 $0x280, s28;
	[sflag:s31] =	ssyncadd.s32 $0xFFFFEC00  }
0x49: {  	[tilespmem:s20], [sflag:$0x1] =	stream.indirect.gather [hbm4b:s4+s19], $0x80, s7, s19, $0xb8;
	[tilespmem:$0x1BD00] =	vst v63  }
0x4a: {  	_ =	swait.ge [sflag:s0], $0x1400  }
0x4b: {  	[sflag:s0] =	ssyncset.done $0x0  }
0x4c: {  	s15 =	sadd.s32 $0x1700, s5;
	[sflag:s0] =	ssyncadd.s32 $0xFFFFEC00  }
0x4d: {  	[spmem:s2] =	stream.indirect.scatter.add.f32 [tilespmem:s22], [sflag:$0x6], $0x80, s15, s19, $0xb8;
	[tilespmem:$0x1BD00] =	vst v63  }
0x4e: {  	_ =	swait.ge [sflag:s31], $0x1400  }
0x4f: {  	[sflag:s31] =	ssyncset.done $0x0  }
0x50: {  	s11 =	sadd.s32 $0x300, s28;
	[sflag:s31] =	ssyncadd.s32 $0xFFFFEC00  }
0x51: {  	[tilespmem:s22], [sflag:$0x2] =	stream.indirect.gather [hbm4b:s4+s19], $0x80, s11, s19, $0xb8;
	[tilespmem:$0x1BD00] =	vst v63  }
0x52: {  	_ =	swait.ge [sflag:s1], $0x1400  }
0x53: {  	[sflag:s1] =	ssyncset.done $0x0  }
0x54: {  	s12 =	sadd.s32 $0x1780, s5;
	[sflag:s1] =	ssyncadd.s32 $0xFFFFEC00  }
0x55: {  	[spmem:s2] =	stream.indirect.scatter.add.f32 [tilespmem:s24], [sflag:$0x6], $0x80, s12, s19, $0xb8;
	[tilespmem:$0x1BD00] =	vst v63  }
0x56: {  	_ =	swait.ge [sflag:s31], $0x1400  }
0x57: {  	[sflag:s31] =	ssyncset.done $0x0  }
0x58: {  	s13 =	sadd.s32 $0x380, s28;
	[sflag:s31] =	ssyncadd.s32 $0xFFFFEC00  }
0x59: {  	[tilespmem:s24], [sflag:$0x3] =	stream.indirect.gather [hbm4b:s4+s19], $0x80, s13, s19, $0xb8;
	[tilespmem:$0x1BD00] =	vst v63  }
0x5a: {  	_ =	swait.ge [sflag:s18], $0x1400  }
0x5b: {  	[sflag:s18] =	ssyncset.done $0x0  }
0x5c: {  	s14 =	sor.u32 $0x1800, s5;
	[sflag:s18] =	ssyncadd.s32 $0xFFFFEC00  }
0x5d: {  	[spmem:s2] =	stream.indirect.scatter.add.f32 [tilespmem:s26], [sflag:$0x6], $0x80, s14, s19, $0xb8;
	[tilespmem:$0x1BD00] =	vst v63  }
0x5e: {  	_ =	swait.ge [sflag:s31], $0x1400  }
0x5f: {  	[sflag:s31] =	ssyncset.done $0x0  }
0x60: {  	s15 =	sadd.s32 $0x400, s28;
	[sflag:s31] =	ssyncadd.s32 $0xFFFFEC00  }
0x61: {  	[tilespmem:s26], [sflag:$0x4] =	stream.indirect.gather [hbm4b:s4+s19], $0x80, s15, s19, $0xb8;
	[tilespmem:$0x1BD00] =	vst v63  }
0x62: {  	_ =	swait.ge [sflag:s21], $0x1400  }
0x63: {  	[sflag:s21] =	ssyncset.done $0x0  }
0x64: {  	s11 =	sor.u32 $0x1880, s5;
	[sflag:s21] =	ssyncadd.s32 $0xFFFFEC00  }
0x65: {  	[spmem:s2] =	stream.indirect.scatter.add.f32 [tilespmem:s29], [sflag:$0x6], $0x80, s11, s19, $0xb8;
	[tilespmem:$0x1BD00] =	vst v63  }
0x66: {  	_ =	swait.ge [sflag:s31], $0x1400  }
0x67: {  	[sflag:s31] =	ssyncset.done $0x0  }
0x68: {  	s12 =	sadd.s32 $0x480, s28;
	[sflag:s31] =	ssyncadd.s32 $0xFFFFEC00  }
0x69: {  	[tilespmem:s29], [sflag:$0x5] =	stream.indirect.gather [hbm4b:s4+s19], $0x80, s12, s19, $0xb8;
	[tilespmem:$0x1BD00] =	vst v63  }
0x6a: {  	_ =	swait.ge [sflag:s30], $0x1400  }
0x6b: {  	[sflag:s30] =	ssyncset.done $0x0  }
0x6c: {  	s13 =	sadd.s32 $0x1900, s5;
	[sflag:s30] =	ssyncadd.s32 $0xFFFFEC00  }
0x6d: {  	[spmem:s2] =	stream.indirect.scatter.add.f32 [tilespmem:s20], [sflag:$0x6], $0x80, s13, s19, $0xb8;
	[tilespmem:$0x1BD00] =	vst v63  }
0x6e: {  	_ =	swait.ge [sflag:s31], $0x1400  }
0x6f: {  	[sflag:s31] =	ssyncset.done $0x0  }
0x70: {  	s14 =	sadd.s32 $0x500, s28;
	[sflag:s31] =	ssyncadd.s32 $0xFFFFEC00  }
0x71: {  	[tilespmem:s20], [sflag:$0x1] =	stream.indirect.gather [hbm4b:s4+s19], $0x80, s14, s19, $0xb8;
	[tilespmem:$0x1BD00] =	vst v63  }
0x72: {  	_ =	swait.ge [sflag:s0], $0x1400  }
0x73: {  	[sflag:s0] =	ssyncset.done $0x0  }
0x74: {  	s15 =	sadd.s32 $0x1980, s5;
	[sflag:s0] =	ssyncadd.s32 $0xFFFFEC00  }
0x75: {  	[spmem:s2] =	stream.indirect.scatter.add.f32 [tilespmem:s22], [sflag:$0x6], $0x80, s15, s19, $0xb8;
	[tilespmem:$0x1BD00] =	vst v63  }
0x76: {  	_ =	swait.ge [sflag:s31], $0x1400  }
0x77: {  	[sflag:s31] =	ssyncset.done $0x0  }
0x78: {  	s11 =	sadd.s32 $0x580, s28;
	[sflag:s31] =	ssyncadd.s32 $0xFFFFEC00  }
0x79: {  	[tilespmem:s22], [sflag:$0x2] =	stream.indirect.gather [hbm4b:s4+s19], $0x80, s11, s19, $0xb8;
	[tilespmem:$0x1BD00] =	vst v63  }
0x7a: {  	_ =	swait.ge [sflag:s1], $0x1400  }
0x7b: {  	[sflag:s1] =	ssyncset.done $0x0  }
0x7c: {  	s12 =	sor.u32 $0x1A00, s5;
	[sflag:s1] =	ssyncadd.s32 $0xFFFFEC00  }
0x7d: {  	[spmem:s2] =	stream.indirect.scatter.add.f32 [tilespmem:s24], [sflag:$0x6], $0x80, s12, s19, $0xb8;
	[tilespmem:$0x1BD00] =	vst v63  }
0x7e: {  	_ =	swait.ge [sflag:s31], $0x1400  }
0x7f: {  	[sflag:s31] =	ssyncset.done $0x0  }
0x80: {  	s13 =	sadd.s32 $0x600, s28;
	[sflag:s31] =	ssyncadd.s32 $0xFFFFEC00  }
0x81: {  	[tilespmem:s24], [sflag:$0x3] =	stream.indirect.gather [hbm4b:s4+s19], $0x80, s13, s19, $0xb8;
	[tilespmem:$0x1BD00] =	vst v63  }
0x82: {  	_ =	swait.ge [sflag:s18], $0x1400  }
0x83: {  	[sflag:s18] =	ssyncset.done $0x0  }
0x84: {  	s14 =	sor.u32 $0x1A80, s5;
	[sflag:s18] =	ssyncadd.s32 $0xFFFFEC00  }
0x85: {  	[spmem:s2] =	stream.indirect.scatter.add.f32 [tilespmem:s26], [sflag:$0x6], $0x80, s14, s19, $0xb8;
	[tilespmem:$0x1BD00] =	vst v63  }
0x86: {  	_ =	swait.ge [sflag:s31], $0x1400  }
0x87: {  	s7 =	simm.s32 $0x2;
	s15 =	sadd.s32 $0x680, s28;
	[sflag:s31] =	ssyncset.done $0x0  }
0x88: {  	s13 =	smov.u32 s9;
	s14 =	smov.u32 s10;
	[sflag:s31] =	ssyncadd.s32 $0xFFFFEC00  }
0x89: {  	[tilespmem:s26], [sflag:$0x4] =	stream.indirect.gather [hbm4b:s4+s19], $0x80, s15, s19, $0xb8;
	[tilespmem:$0x1BD00] =	vst v63  }
.LBB2_2:
0x8a: {  	s10 =	smul.u32 $0xAB, s7  }
0x8b: {  	s14 =	sadd.s32 $0xA0, s14;
	s11 =	smov.u32 s7;
	_ =	swait.ge [sflag:s21], $0x1400  }
0x8c: {  	s5 =	sadd.s32 $0x1B00, s5;
	s13 =	sadd.s32 $0xA0, s13;
	[sflag:s21] =	ssyncset.done $0x0  }
0x8d: {  	s28 =	sadd.s32 $0x700, s28;
	p1 =	seq.s32 s11, $0x1;
	[sflag:s21] =	ssyncadd.s32 $0xFFFFEC00  }
0x8e: {  	[spmem:s2] =	stream.indirect.scatter.add.f32 [tilespmem:s29], [sflag:$0x6], $0x80, s5, s19, $0xb8;
	[tilespmem:$0x1BD00] =	vst v63  }
0x8f: {  	s12 =	sadd.s32 $0xFFFFFF55, s10;
	s10 =	sshrl.u32 s10, $0x9;
	_ =	swait.ge [sflag:s31], $0x1400  }
0x90: {  	s10 =	sand.u32 $0x7F, s10;
	s12 =	sshrl.u32 s12, $0x9;
	[sflag:s31] =	ssyncset.done $0x0  }
0x91: {  	s9 =	smul.u32 $0x3, s10;
	s10 =	simm.s32 @!p1 $0x7;
	[sflag:s31] =	ssyncadd.s32 $0xFFFFEC00  }
0x92: {  	[tilespmem:s29], [sflag:$0x5] =	stream.indirect.gather [hbm4b:s4+s19], $0x80, s28, s19, $0xb8;
	[tilespmem:$0x1BD00] =	vst v63  }
0x93: {  	s12 =	sand.u32 $0x7F, s12;
	s5 =	ssub.s32 s11, s9;
	_ =	swait.ge @!p1 [sflag:s10], $0x780  }
0x94: {  	s12 =	smul.u32 $0x3, s12;
	s5 =	sand.u32 $0xFF, s5;
	[sflag:s10] =	ssyncset.done @!p1 $0x0  }
0x95: {  	s28 =	sadd.s32 $0xFFFFFFFF, s11;
	s5 =	smul.u32 $0x1E00, s5;
	[sflag:s10] =	ssyncadd.s32 @!p1 $0xFFFFF880  }
0x96: {  	s11 =	sand.u32 $0x1, s11;
	s12 =	ssub.s32 s28, s12;
	_ =	swait.ge @!p1 [sflag:s10], $0x500  }
0x97: {  	s15 =	sand.u32 $0x1, s28;
	s5 =	sshrl.u32 s5, $0x2;
	[sflag:s10] =	ssyncset.done @!p1 $0x0  }
0x98: {  	s9 =	rddreg [dreg:$0x3];
	[sflag:s10] =	ssyncadd.s32 @!p1 $0xFFFFFB00;
	p1 =	seq.s32 s11, $0x1  }
0x99: {  	[tilespmem:s5], [sflag:$0x7] =	stream.linear.gather [hbm4b:s13+s3], $0x780, $0x38;
	[tilespmem:$0x1BD00] =	vst v63  }
0x9a: {  	s12 =	sand.u32 $0xFF, s12;
	p2 =	seq.s32 s15, $0x1;
	s9 =	simm.s32 @!p1 $0x1680  }
0x9b: {  	[tilespmem:s9], [sflag:$0x7] =	stream.linear.gather [hbm4b:s14+s3], $0x500, $0x38;
	[tilespmem:$0x1BD00] =	vst v63  }
0x9c: {  	s12 =	smul.u32 $0x1E00, s12;
	s5 =	rddreg [dreg:$0x4];
	_ =	swait.ge [sflag:s30], $0x1400  }
0x9d: {  	s5 =	simm.s32 @!p2 $0x0;
	[sflag:s30] =	ssyncset.done $0x0  }
0x9e: {  	s28 =	sshrl.u32 s12, $0x2;
	s12 =	sadd.s32 $0x1680, s5;
	[sflag:s30] =	ssyncadd.s32 $0xFFFFEC00  }
0x9f: {  	[spmem:s2] =	stream.indirect.scatter.add.f32 [tilespmem:s20], [sflag:$0x6], $0x80, s12, s19, $0xb8;
	[tilespmem:$0x1BD00] =	vst v63  }
0xa0: {  	_ =	swait.ge [sflag:s31], $0x1400  }
0xa1: {  	[sflag:s31] =	ssyncset.done $0x0  }
0xa2: {  	s15 =	sadd.s32 $0x280, s28;
	[sflag:s31] =	ssyncadd.s32 $0xFFFFEC00  }
0xa3: {  	[tilespmem:s20], [sflag:$0x1] =	stream.indirect.gather [hbm4b:s4+s19], $0x80, s15, s19, $0xb8;
	[tilespmem:$0x1BD00] =	vst v63  }
0xa4: {  	_ =	swait.ge [sflag:s0], $0x1400  }
0xa5: {  	[sflag:s0] =	ssyncset.done $0x0  }
0xa6: {  	s10 =	sadd.s32 $0x1700, s5;
	[sflag:s0] =	ssyncadd.s32 $0xFFFFEC00  }
0xa7: {  	[spmem:s2] =	stream.indirect.scatter.add.f32 [tilespmem:s22], [sflag:$0x6], $0x80, s10, s19, $0xb8;
	[tilespmem:$0x1BD00] =	vst v63  }
0xa8: {  	_ =	swait.ge [sflag:s31], $0x1400  }
0xa9: {  	[sflag:s31] =	ssyncset.done $0x0  }
0xaa: {  	s11 =	sadd.s32 $0x300, s28;
	[sflag:s31] =	ssyncadd.s32 $0xFFFFEC00  }
0xab: {  	[tilespmem:s22], [sflag:$0x2] =	stream.indirect.gather [hbm4b:s4+s19], $0x80, s11, s19, $0xb8;
	[tilespmem:$0x1BD00] =	vst v63  }
0xac: {  	_ =	swait.ge [sflag:s1], $0x1400  }
0xad: {  	[sflag:s1] =	ssyncset.done $0x0  }
0xae: {  	s12 =	sadd.s32 $0x1780, s5;
	[sflag:s1] =	ssyncadd.s32 $0xFFFFEC00  }
0xaf: {  	[spmem:s2] =	stream.indirect.scatter.add.f32 [tilespmem:s24], [sflag:$0x6], $0x80, s12, s19, $0xb8;
	[tilespmem:$0x1BD00] =	vst v63  }
0xb0: {  	_ =	swait.ge [sflag:s31], $0x1400  }
0xb1: {  	[sflag:s31] =	ssyncset.done $0x0  }
0xb2: {  	s15 =	sadd.s32 $0x380, s28;
	[sflag:s31] =	ssyncadd.s32 $0xFFFFEC00  }
0xb3: {  	[tilespmem:s24], [sflag:$0x3] =	stream.indirect.gather [hbm4b:s4+s19], $0x80, s15, s19, $0xb8;
	[tilespmem:$0x1BD00] =	vst v63  }
0xb4: {  	_ =	swait.ge [sflag:s18], $0x1400  }
0xb5: {  	[sflag:s18] =	ssyncset.done $0x0  }
0xb6: {  	s10 =	sor.u32 $0x1800, s5;
	[sflag:s18] =	ssyncadd.s32 $0xFFFFEC00  }
0xb7: {  	[spmem:s2] =	stream.indirect.scatter.add.f32 [tilespmem:s26], [sflag:$0x6], $0x80, s10, s19, $0xb8;
	[tilespmem:$0x1BD00] =	vst v63  }
0xb8: {  	_ =	swait.ge [sflag:s31], $0x1400  }
0xb9: {  	[sflag:s31] =	ssyncset.done $0x0  }
0xba: {  	s11 =	sadd.s32 $0x400, s28;
	[sflag:s31] =	ssyncadd.s32 $0xFFFFEC00  }
0xbb: {  	[tilespmem:s26], [sflag:$0x4] =	stream.indirect.gather [hbm4b:s4+s19], $0x80, s11, s19, $0xb8;
	[tilespmem:$0x1BD00] =	vst v63  }
0xbc: {  	_ =	swait.ge [sflag:s21], $0x1400  }
0xbd: {  	[sflag:s21] =	ssyncset.done $0x0  }
0xbe: {  	s12 =	sor.u32 $0x1880, s5;
	[sflag:s21] =	ssyncadd.s32 $0xFFFFEC00  }
0xbf: {  	[spmem:s2] =	stream.indirect.scatter.add.f32 [tilespmem:s29], [sflag:$0x6], $0x80, s12, s19, $0xb8;
	[tilespmem:$0x1BD00] =	vst v63  }
0xc0: {  	_ =	swait.ge [sflag:s31], $0x1400  }
0xc1: {  	[sflag:s31] =	ssyncset.done $0x0  }
0xc2: {  	s15 =	sadd.s32 $0x480, s28;
	[sflag:s31] =	ssyncadd.s32 $0xFFFFEC00  }
0xc3: {  	[tilespmem:s29], [sflag:$0x5] =	stream.indirect.gather [hbm4b:s4+s19], $0x80, s15, s19, $0xb8;
	[tilespmem:$0x1BD00] =	vst v63  }
0xc4: {  	_ =	swait.ge [sflag:s30], $0x1400  }
0xc5: {  	[sflag:s30] =	ssyncset.done $0x0  }
0xc6: {  	s10 =	sadd.s32 $0x1900, s5;
	[sflag:s30] =	ssyncadd.s32 $0xFFFFEC00  }
0xc7: {  	[spmem:s2] =	stream.indirect.scatter.add.f32 [tilespmem:s20], [sflag:$0x6], $0x80, s10, s19, $0xb8;
	[tilespmem:$0x1BD00] =	vst v63  }
0xc8: {  	_ =	swait.ge [sflag:s31], $0x1400  }
0xc9: {  	[sflag:s31] =	ssyncset.done $0x0  }
0xca: {  	s11 =	sadd.s32 $0x500, s28;
	[sflag:s31] =	ssyncadd.s32 $0xFFFFEC00  }
0xcb: {  	[tilespmem:s20], [sflag:$0x1] =	stream.indirect.gather [hbm4b:s4+s19], $0x80, s11, s19, $0xb8;
	[tilespmem:$0x1BD00] =	vst v63  }
0xcc: {  	_ =	swait.ge [sflag:s0], $0x1400  }
0xcd: {  	[sflag:s0] =	ssyncset.done $0x0  }
0xce: {  	s12 =	sadd.s32 $0x1980, s5;
	[sflag:s0] =	ssyncadd.s32 $0xFFFFEC00  }
0xcf: {  	[spmem:s2] =	stream.indirect.scatter.add.f32 [tilespmem:s22], [sflag:$0x6], $0x80, s12, s19, $0xb8;
	[tilespmem:$0x1BD00] =	vst v63  }
0xd0: {  	_ =	swait.ge [sflag:s31], $0x1400  }
0xd1: {  	[sflag:s31] =	ssyncset.done $0x0  }
0xd2: {  	s15 =	sadd.s32 $0x580, s28;
	[sflag:s31] =	ssyncadd.s32 $0xFFFFEC00  }
0xd3: {  	[tilespmem:s22], [sflag:$0x2] =	stream.indirect.gather [hbm4b:s4+s19], $0x80, s15, s19, $0xb8;
	[tilespmem:$0x1BD00] =	vst v63  }
0xd4: {  	_ =	swait.ge [sflag:s1], $0x1400  }
0xd5: {  	[sflag:s1] =	ssyncset.done $0x0  }
0xd6: {  	s10 =	sor.u32 $0x1A00, s5;
	[sflag:s1] =	ssyncadd.s32 $0xFFFFEC00  }
0xd7: {  	[spmem:s2] =	stream.indirect.scatter.add.f32 [tilespmem:s24], [sflag:$0x6], $0x80, s10, s19, $0xb8;
	[tilespmem:$0x1BD00] =	vst v63  }
0xd8: {  	_ =	swait.ge [sflag:s31], $0x1400  }
0xd9: {  	[sflag:s31] =	ssyncset.done $0x0  }
0xda: {  	s11 =	sadd.s32 $0x600, s28;
	[sflag:s31] =	ssyncadd.s32 $0xFFFFEC00  }
0xdb: {  	[tilespmem:s24], [sflag:$0x3] =	stream.indirect.gather [hbm4b:s4+s19], $0x80, s11, s19, $0xb8;
	[tilespmem:$0x1BD00] =	vst v63  }
0xdc: {  	_ =	swait.ge [sflag:s18], $0x1400  }
0xdd: {  	s7 =	sadd.s32 $0x1, s7;
	[sflag:s18] =	ssyncset.done $0x0  }
0xde: {  	p1 =	sne.s32 s7, $0x1A;
	s12 =	sor.u32 $0x1A80, s5;
	[sflag:s18] =	ssyncadd.s32 $0xFFFFEC00  }
0xdf: {  	[spmem:s2] =	stream.indirect.scatter.add.f32 [tilespmem:s26], [sflag:$0x6], $0x80, s12, s19, $0xb8;
	[tilespmem:$0x1BD00] =	vst v63  }
.Ltmp0:
0xe0: {  	_ = 	snop;
	(pc) =	sbr.rel @p1 .LBB2_2-.Ltmp0, $4  }
0xe1: {  	_ =	swait.ge [sflag:s31], $0x1400  }
0xe2: {  	[sflag:s31] =	ssyncset.done $0x0  }
0xe3: {  	s15 =	sadd.s32 $0x680, s28;
	[sflag:s31] =	ssyncadd.s32 $0xFFFFEC00  }
0xe4: {  	[tilespmem:s26], [sflag:$0x4] =	stream.indirect.gather [hbm4b:s4+s19], $0x80, s15, s19, $0xb8;
	[tilespmem:$0x1BD00] =	vst v63  }
0xe5: {  	_ =	swait.ge [sflag:s21], $0x1400  }
0xe6: {  	[sflag:s21] =	ssyncset.done $0x0  }
0xe7: {  	s5 =	sadd.s32 $0x1B00, s5;
	[sflag:s21] =	ssyncadd.s32 $0xFFFFEC00  }
0xe8: {  	[spmem:s2] =	stream.indirect.scatter.add.f32 [tilespmem:s29], [sflag:$0x6], $0x80, s5, s19, $0xb8;
	[tilespmem:$0x1BD00] =	vst v63  }
0xe9: {  	_ =	swait.ge [sflag:s31], $0x1400  }
0xea: {  	[sflag:s31] =	ssyncset.done $0x0  }
0xeb: {  	s15 =	sadd.s32 $0x700, s28;
	[sflag:s31] =	ssyncadd.s32 $0xFFFFEC00  }
0xec: {  	[tilespmem:s29], [sflag:$0x5] =	stream.indirect.gather [hbm4b:s4+s19], $0x80, s15, s19, $0xb8;
	[tilespmem:$0x1BD00] =	vst v63  }
0xed: {  	_ =	swait.ge [sflag:s30], $0x1400  }
0xee: {  	[sflag:s30] =	ssyncset.done $0x0  }
0xef: {  	[sflag:s30] =	ssyncadd.s32 $0xFFFFEC00  }
0xf0: {  	_ =	swait.ge [sflag:s0], $0x1400  }
0xf1: {  	[sflag:s0] =	ssyncset.done $0x0  }
0xf2: {  	[sflag:s0] =	ssyncadd.s32 $0xFFFFEC00  }
0xf3: {  	_ =	swait.ge [sflag:s1], $0x1400  }
0xf4: {  	[sflag:s1] =	ssyncset.done $0x0  }
0xf5: {  	[sflag:s1] =	ssyncadd.s32 $0xFFFFEC00  }
0xf6: {  	_ =	swait.ge [sflag:s18], $0x1400  }
0xf7: {  	[sflag:s18] =	ssyncset.done $0x0  }
0xf8: {  	[sflag:s18] =	ssyncadd.s32 $0xFFFFEC00  }
0xf9: {  	_ =	swait.ge [sflag:s21], $0x1400  }
0xfa: {  	[sflag:s21] =	ssyncset.done $0x0  }
0xfb: {  	[sflag:s21] =	ssyncadd.s32 $0xFFFFEC00  }
0xfc: {  	_ =	swait.ge [sflag:s23], $0x780  }
0xfd: {  	[sflag:s23] =	ssyncset.done $0x0  }
0xfe: {  	[sflag:s23] =	ssyncadd.s32 $0xFFFFF880  }
0xff: {  	_ =	swait.ge [sflag:s23], $0x500  }
0x100: {  	[sflag:s23] =	ssyncset.done $0x0  }
0x101: {  	[sflag:s23] =	ssyncadd.s32 $0xFFFFFB00  }
0x102: {  	[bflag:$0x0] =	sbarrier.arrive $0xFFFF  }
0x103: {  	s28 =	rddreg [dreg:$0x9]  }
0x104: {  	[hbm:s28], [sflag:s6] =	dma.local [spmem:s17], $0x2700  }
0x105: {  	_ =	swait.ge [sflag:s16], $0x2700  }
0x106: {  	[sflag:s16] =	ssyncset.done $0x0  }
0x107: {  	s5 =	rddreg [dreg:$0xa];
	[sflag:s16] =	ssyncadd.s32 $0xFFFFD900  }
0x108: {  	[hbm:s5], [sflag:s6] =	dma.local @!p0 [spmem:s8], $0x100  }
0x109: {  	s5 =	simm.s32 @!p0 $0x8  }
0x10a: {  	_ =	swait.ge @!p0 [sflag:s5], $0x100  }
0x10b: {  	s25 =	sadd.s32 $0x1, s25;
	s7 =	rddreg [dreg:$0xb]  }
0x10c: {  	p1 =	sne.s32 s25, s7  }
.Ltmp1:
0x10d: {  	_ = 	snop;
	(pc) =	sbr.rel @p1 .LBB2_1-.Ltmp1, $3  }
0x10e: {  	_ =	sdelay $0x1  }
0x10f: {  	[sflag:s5] =	ssyncset.done @!p0 $0x0  }
0x110: {  	s9 =	smov.u32 s17;
	s10 =	smov.u32 s8;
	[sflag:s5] =	ssyncadd.s32 @!p0 $0xFFFFFF00  }
0x111: {  	_ =	sfence.sel $0x180000  }
0x112: {  	[bflag:$0x0] =	sbarrier.arrive $0xFFFF  }
0x113: {  	_ =	strace $0x9000004D  }
0x114: {  	s0 =	stileid.u32;
	[bflag:$0x2] =	sbarrier.arrive $0xFFFF  }
0x115: {  	p0 =	sne.s32 s0, $0x0;
	s0 =	rddreg [dreg:$0x2]  }
0x116: {  	s0 =	sadd.s32 @!p0 $0x100000, s0  }
0x117: {  	[sflag:s0] =	ssyncadd.tile.s32 @!p0 $0x1;
	_ =	shalt  }
.Lfunc_end2:
_tile_overlayer_lowered:
.L_overlay_start_2:
0x118: {  	(tag) =	ssettag $0x2  }
0x119: {  	s0 =	rddreg [dreg:$0x0];
	s2 =	stileid.u32  }
0x11a: {  	s1 =	rddreg [dreg:$0x1];
	p0 =	sne.s32 s2, $0x0  }
0x11b: {  	s3 =	rddreg [dreg:$0x2];
	[bflag:$0x3] =	sbarrier.arrive $0xFFFF;
	s2 =	simm.s32 @!p0 $0x1C08  }
0x11c: {  	[timem:s3], [sflag:s2] =	dma.local @!p0 [hbm:s0], s1  }
0x11d: {  	s0 =	simm.s32 @!p0 $0x8  }
0x11e: {  	_ =	swait.ge @!p0 [sflag:s0], s1  }
0x11f: {  	s1 =	ssub.s32 @!p0 $0x0, s1;
	[sflag:s0] =	ssyncset.done @!p0 $0x0  }
0x120: {  	[sflag:s0] =	ssyncadd.s32 @!p0 s1  }
0x121: {  	[bflag:$0x3] =	sbarrier.arrive $0xFFFF  }
0x122: {  	_ =	shalt  }

// kernel: kernel.8.cloned.1.call-start
scs
__scs_entry_jumppad:
0x0: {  	(pc) =	sbr.rel $0x88, $3  }
0x1: {  	(tag) =	ssettag $0x0;
	lr =	simm.s32 $0x1  }
0x2: {  	[smem:$0x3F97] =	sst lr;
	_ =	strace $0xD0000000  }
0x3: {  	_ = 	snop  }
0x4: {  	_ = 	snop  }
0x5: {  	_ = 	snop  }
0x6: {  	_ = 	snop  }
0x7: {  	_ = 	snop  }
__scs_overlays_trampoline_lowered:
0x8: {  	[smem:$0x3FA6] =	sst s0  }
0x9: {  	[smem:$0x3FA7] =	sst s1  }
0xa: {  	[smem:$0x3FA8] =	sst s2  }
0xb: {  	[smem:$0x3FA9] =	sst s3  }
0xc: {  	[smem:$0x3FAA] =	sst s4  }
0xd: {  	[smem:$0x3FAB] =	sst s5  }
0xe: {  	[smem:$0x3FAC] =	sst s6  }
0xf: {  	[smem:$0x3FAD] =	sst s7  }
0x10: {  	[smem:$0x3FAE] =	sst s8  }
0x11: {  	[smem:$0x3FAF] =	sst s9;
	s0 =	simm.s32 @!p0 $0x0  }
0x12: {  	s1 =	sld [smem:$0x3F95];
	s0 =	simm.s32 @p0 $0x1  }
0x13: {  	[smem:$0x3FB0] =	sst s0;
	s0 =	simm.s32 @!p1 $0x0  }
0x14: {  	s2 =	sld [smem:$0x3F94];
	s0 =	simm.s32 @p1 $0x1  }
0x15: {  	[smem:$0x3FB1] =	sst s0;
	s0 =	simm.s32 @!p2 $0x0  }
0x16: {  	s3 =	sld [smem:$0x3FDB];
	s0 =	simm.s32 @p2 $0x1  }
0x17: {  	s4 =	simm.s32 $0x1BF5;
	[smem:$0x3FB3] =	sst s0  }
0x18: {  	s0 =	sld [smem:$0x3F96];
	_ =	swait.ge [sflag:s4], $0x0  }
0x19: {  	s7 =	sld [smem:$0x3F97]  }
0x1a: {  	s8 =	sadd.s32 $0xFFFFE003, lr  }
0x1b: {  	s9 =	sadd.s32 $0xFFFFFEF7, lr;
	s5 =	simm.s32 $0xFFFFFFFF;
	p2 =	slt.u32 s8, $0xFFFFF086  }
0x1c: {  	p1 =	slt.u32 s9, $0xF7A;
	s5 =	simm.s32 @!p2 $0x0  }
0x1d: {  	s5 =	simm.s32 @p1 $0x1;
	p0 =	seq.s32 s7, s2  }
0x1e: {  	s7 =	smul.u32 @!p0 $0xF7A, s2;
	p2 =	seq.s32 @!p0 s5, $0x0  }
0x1f: {  	s9 =	smul.u32 $0xF7A, s1;
	s8 =	simm.s32 @!p0 $0x1BF5;
	p2 =	por !p2, p0  }
0x20: {  	[sflag:s8] =	ssyncset.s32 @!p0 $0xFFFFF086;
	s6 =	sadd.s32 @!p0 s3, s7;
	s7 =	simm.s32 @!p0 $0x108  }
0x21: {  	s3 =	sadd.s32 s3, s9;
	s6 =	sadd.s32 @!p0 $0x88, s6;
	s7 =	simm.s32 @p2 $0x1082  }
0x22: {  	[simem:s7], [sflag:s8] =	dma.local @!p0 [hbm:s6], $0xF7A  }
0x23: {  	s9 =	sor.u32 $0xD0000000, s2;
	s6 =	simm.s32 $0x108;
	_ =	swait.ge @!p0 [sflag:s8], $0x0  }
0x24: {  	s3 =	sadd.s32 $0x88, s3;
	s6 =	simm.s32 @!p1 $0x1082;
	[sflag:s4] =	ssyncset.s32 $0xFFFFF086  }
0x25: {  	[simem:s6], [sflag:s4] =	dma.local [hbm:s3], $0xF7A  }
0x26: {  	[smem:$0x3F97] =	sst s1;
	(tag) =	ssettag s2;
	_ =	strace s9  }
0x27: {  	s1 =	sld [smem:$0x3FA7]  }
0x28: {  	s2 =	sld [smem:$0x3FA8]  }
0x29: {  	s4 =	sld [smem:$0x3FAA]  }
0x2a: {  	p0 =	seq.s32 s5, $0x0;
	s5 =	sld [smem:$0x3FAB]  }
0x2b: {  	s6 =	sld [smem:$0x3FAC]  }
0x2c: {  	s7 =	sld [smem:$0x3FAD]  }
0x2d: {  	s3 =	simm.s32 $0x108;
	s8 =	sld [smem:$0x3FAE]  }
0x2e: {  	s3 =	simm.s32 @!p0 $0x1082;
	s9 =	sld [smem:$0x3FAF]  }
0x2f: {  	lr =	sadd.s32 s0, s3;
	s0 =	sld [smem:$0x3FA6]  }
0x30: {  	s3 =	sld [smem:$0x3FA9]  }
0x31: {  	[smem:$0x3FB2] =	sst s10  }
0x32: {  	s10 =	sld [smem:$0x3FB0];
	_ =	sdelay $0x3  }
0x33: {  	p0 =	seq.s32 s10, $0x1;
	s10 =	sld [smem:$0x3FB2];
	_ =	sdelay $0x3  }
0x34: {  	[smem:$0x3FB2] =	sst s10  }
0x35: {  	s10 =	sld [smem:$0x3FB1];
	_ =	sdelay $0x3  }
0x36: {  	p1 =	seq.s32 s10, $0x1;
	s10 =	sld [smem:$0x3FB2];
	_ =	sdelay $0x3  }
0x37: {  	[smem:$0x3FB2] =	sst s10  }
0x38: {  	s10 =	sld [smem:$0x3FB3]  }
0x39: {  	_ = 	snop;
	(pc) =	sbr.ind lr, $3  }
0x3a: {  	_ = 	snop  }
0x3b: {  	_ = 	snop  }
0x3c: {  	p2 =	seq.s32 s10, $0x1;
	s10 =	sld [smem:$0x3FB2]  }
0x3d: {  	_ =	shalt  }
0x3e: {  	_ =	shalt  }
0x3f: {  	_ =	shalt  }
0x40: {  	_ =	shalt  }
0x41: {  	_ =	shalt  }
0x42: {  	_ =	shalt  }
0x43: {  	_ =	shalt  }
0x44: {  	_ =	shalt  }
0x45: {  	_ =	shalt  }
0x46: {  	_ =	shalt  }
0x47: {  	_ =	shalt  }
0x48: {  	_ =	shalt  }
0x49: {  	_ =	shalt  }
0x4a: {  	_ =	shalt  }
0x4b: {  	_ =	shalt  }
0x4c: {  	_ =	shalt  }
0x4d: {  	_ =	shalt  }
0x4e: {  	_ =	shalt  }
0x4f: {  	_ =	shalt  }
0x50: {  	_ =	shalt  }
0x51: {  	_ =	shalt  }
0x52: {  	_ =	shalt  }
0x53: {  	_ =	shalt  }
0x54: {  	_ =	shalt  }
0x55: {  	_ =	shalt  }
0x56: {  	_ =	shalt  }
0x57: {  	_ =	shalt  }
0x58: {  	_ =	shalt  }
0x59: {  	_ =	shalt  }
0x5a: {  	_ =	shalt  }
0x5b: {  	_ =	shalt  }
0x5c: {  	_ =	shalt  }
0x5d: {  	_ =	shalt  }
0x5e: {  	_ =	shalt  }
0x5f: {  	_ =	shalt  }
0x60: {  	_ =	shalt  }
0x61: {  	_ =	shalt  }
0x62: {  	_ =	shalt  }
0x63: {  	_ =	shalt  }
0x64: {  	_ =	shalt  }
0x65: {  	_ =	shalt  }
0x66: {  	_ =	shalt  }
0x67: {  	_ =	shalt  }
0x68: {  	_ =	shalt  }
0x69: {  	_ =	shalt  }
0x6a: {  	_ =	shalt  }
0x6b: {  	_ =	shalt  }
0x6c: {  	_ =	shalt  }
0x6d: {  	_ =	shalt  }
0x6e: {  	_ =	shalt  }
0x6f: {  	_ =	shalt  }
0x70: {  	_ =	shalt  }
0x71: {  	_ =	shalt  }
0x72: {  	_ =	shalt  }
0x73: {  	_ =	shalt  }
0x74: {  	_ =	shalt  }
0x75: {  	_ =	shalt  }
0x76: {  	_ =	shalt  }
0x77: {  	_ =	shalt  }
0x78: {  	_ =	shalt  }
0x79: {  	_ =	shalt  }
0x7a: {  	_ =	shalt  }
0x7b: {  	_ =	shalt  }
0x7c: {  	_ =	shalt  }
0x7d: {  	_ =	shalt  }
0x7e: {  	_ =	shalt  }
0x7f: {  	_ =	shalt  }
0x80: {  	_ =	shalt  }
0x81: {  	_ =	shalt  }
0x82: {  	_ =	shalt  }
0x83: {  	_ =	shalt  }
0x84: {  	_ =	shalt  }
0x85: {  	_ =	shalt  }
0x86: {  	_ =	shalt  }
0x87: {  	_ =	shalt  }
.Lfunc_end0:
.L_simem_size_0:
called_computation_lowered:
.L_overlay_start_0:
0x88: {  	s2 =	sld [smem:$0x3FD9]  }
0x89: {  	s3 =	sld [smem:$0x3FFE];
	_ =	sdelay $0x1  }
0x8a: {  	s1 =	srdreg.scid  }
0x8b: {  	s0 =	sand.u32 $0x1, s1  }
0x8c: {  	s17 =	sshll.u32 s0, $0xA;
	s2 =	sadd.s32 s3, s2  }
0x8d: {  	s2 =	sadd.s32 s2, s17  }
0x8e: {  	[smem:$0x3FBE] =	sst s2  }
0x8f: {  	_ = 	snop  }
0x90: {  	(tm) =	ssettm $0x1  }
0x91: {  	s18 =	sld [smem:$0x3FFB];
	_ =	sdelay $0x3  }
0x92: {  	_ =	strace s18  }
0x93: {  	s2 =	sld [smem:$0x3FFC];
	_ =	sdelay $0x3  }
0x94: {  	_ =	strace s2  }
0x95: {  	s2 =	sld [smem:$0x3FFD];
	_ =	sdelay $0x3  }
0x96: {  	_ =	strace s2  }
0x97: {  	_ =	strace $0x8FFFFFFF  }
0x98: {  	s19 =	sld [smem:$0x3FDB];
	_ =	sdelay $0x1  }
0x99: {  	s20 =	simm.s32 $_scs_section_size  }
0x9a: {  	s4 =	simm.s32 $_size__tile_overlayer_lowered;
	s5 =	simm.s32 $_tile_overlayer_lowered  }
0x9b: {  	s6 =	simm.s32 $0x1BFF;
	s21 =	sshll.u32 s5, $0x1;
	s3 =	sadd.s32 s20, s19  }
0x9c: {  	s22 =	simm.s32 $0x0;
	s4 =	sshll.u32 s4, $0x1;
	s5 =	sadd.s32 s21, s3  }
0x9d: {  	[timem:s22], [sflag:s6] =	dma.local [hbm:s5], s4  }
0x9e: {  	_ =	swait.ge [sflag:s6], s4  }
0x9f: {  	s4 =	ssub.s32 $0x0, s4;
	[sflag:s6] =	ssyncset.done $0x0  }
0xa0: {  	[sflag:s6] =	ssyncadd.s32 s4;
	_ =	sdelay $0x1  }
0xa1: {  	s23 =	simm.s32 $0x1B8B  }
0xa2: {  	_ =	swait.ge [sflag:s23], $0x1  }
0xa3: {  	[sflag:s23] =	ssyncset.done $0x0  }
0xa4: {  	[sflag:s23] =	ssyncadd.s32 $0xFFFFFFFF  }
0xa5: {  	s4 =	sld [smem:$0x0]  }
0xa6: {  	s5 =	sand.u32 $0xFFFFFFFE, s1  }
0xa7: {  	p0 =	sne.s32 s1, s5  }
0xa8: {  	s5 =	sshll.u32 @p0 s5, $0xE  }
0xa9: {  	s5 =	sadd.s32 @p0 $0x11B8D, s5;
	s6 =	sshll.u32 @p0 s4, $0x11  }
0xaa: {  	s5 =	sor.u32 @p0 s6, s5  }
0xab: {  	[sflag:s5] =	ssyncadd.remote.s32 @p0 $0x1;
	_ =	sdelay $0x1  }
0xac: {  	s5 =	simm.s32 @p0 $0x1B8D  }
0xad: {  	_ =	swait.eq @p0 [sflag:s5], $0x1  }
0xae: {  	[sflag:s5] =	ssyncadd.s32 @p0 $0xFFFFFFFF  }
0xaf: {  	s6 =	sshll.u32 @!p0 s1, $0xE  }
0xb0: {  	s6 =	sor.u32 @!p0 $0x4000, s6;
	s5 =	simm.s32 @!p0 $0x1B8D  }
0xb1: {  	s4 =	sshll.u32 @!p0 s4, $0x11;
	s6 =	sadd.s32 @!p0 $0x11B8D, s6;
	_ =	swait.eq @!p0 [sflag:s5], $0x1  }
0xb2: {  	s4 =	sor.u32 @!p0 s4, s6;
	[sflag:s5] =	ssyncadd.s32 @!p0 $0xFFFFFFFF  }
0xb3: {  	s25 =	simm.s32 $0x1B8E;
	s24 =	sld [smem:$0x3FFE];
	[sflag:s4] =	ssyncadd.remote.s32 @!p0 $0x1  }
0xb4: {  	s26 =	simm.s32 $execute0_lowered;
	[smem:$0x3FD2] =	sst s25  }
0xb5: {  	s5 =	sshll.u32 s26, $0x1;
	_ =	strace $0x80000049;
	[dreg:$0x1] =	wrdreg $0xFFFFFFFF  }
0xb6: {  	s28 =	simm.s32 $_size_execute0_lowered;
	s3 =	sadd.s32 s3, s5;
	[dreg:$0x0] =	wrdreg $0x0  }
0xb7: {  	s5 =	sshll.u32 s28, $0x1;
	[dreg:$0x2] =	wrdreg s3  }
0xb8: {  	[dreg:$0x3] =	wrdreg s5  }
0xb9: {  	[dreg:$0x4] =	wrdreg $0xC0  }
0xba: {  	_ =	task [dreg:s22], $0x5FFFF  }
0xbb: {  	[dreg:$0x1] =	wrdreg $0xFFFFFFFF  }
0xbc: {  	[dreg:$0x0] =	wrdreg $0x60  }
0xbd: {  	[dreg:$0x2] =	wrdreg s24  }
0xbe: {  	[dreg:$0x3] =	wrdreg $0x20800  }
0xbf: {  	[dreg:$0x4] =	wrdreg $0x9  }
0xc0: {  	_ =	task.clear_ibuf [dreg:s22], $0x5FFFF;
	_ =	strace $0x90000049  }
0xc1: {  	s29 =	simm.s32 $0x9;
	_ =	strace $0x8000004B  }
0xc2: {  	_ =	swait.ge [sflag:s29], $0x1  }
0xc3: {  	[sflag:s29] =	ssyncadd.s32 $0xFFFFFFFF  }
0xc4: {  	_ =	strace $0x9000004B  }
0xc5: {  	_ =	sfence  }
0xc6: {  	s30 =	sld [smem:$0x0];
	_ =	sdelay $0x2  }
0xc7: {  	s31 =	sshll.u32 s1, $0xD;
	s1 =	sshrl.u32 s1, $0x2  }
0xc8: {  	s4 =	sand.u32 $0x4000, s31;
	s1 =	sadd.s32 s1, s30  }
0xc9: {  	s0 =	sor.u32 s4, s0;
	s1 =	sshll.u32 s1, $0x11  }
0xca: {  	s0 =	sor.u32 s1, s0  }
0xcb: {  	s0 =	sadd.s32 $0x8F2B, s0  }
0xcc: {  	[sflag:s0] =	ssyncadd.remote.s32 $0x1  }
0xcd: {  	_ =	sfence.sel $0xFFFF  }
0xce: {  	[dreg:$0x0] =	wrdreg $0xFFFFFFFF;
	(pc) =	sbr.abs _section_cstart, $3  }
0xcf: {  	[dreg:$0x1] =	wrdreg $0xFFFFFFFF  }
0xd0: {  	_ =	task.clear_ibuf [dreg:s22], $0x2FFFF;
	_ =	strace $0x9FFFFFFF  }
0xd1: {  	(tm) =	ssettm $0x7FFFFFFF  }
tec
execute0_lowered:
.L_overlay_start_1:
0x0: {  	(tag) =	ssettag $0x1  }
0x1: {  	s0 =	rddreg [dreg:$0x0]  }
0x2: {  	s2 =	rddreg [dreg:$0x1];
	s1 =	srdreg.scid  }
0x3: {  	s11 =	stileid.u32;
	s3 =	simm.s32 $0x0;
	s12 =	simm.s32 $0x2  }
0x4: {  	s25 =	simm.s32 $0x80;
	s26 =	simm.s32 $0x100;
	s14 =	simm.s32 $0xC80  }
0x5: {  	s15 =	simm.s32 $0x28;
	s28 =	simm.s32 $0x680;
	s29 =	simm.s32 $0x700  }
0x6: {  	s30 =	simm.s32 $0x780;
	s31 =	simm.s32 $0x800;
	s4 =	smul.u32 $0x13800, s11  }
0x7: {  	s1 =	sand.u32 $0x1, s1;
	[smem:$0x7FF] =	sst s3;
	s7 =	smul.u32 $0x4E000, s11  }
0x8: {  	s9 =	sadd.s32 $0xDE000, s0;
	s10 =	sadd.s32 $0xDE400, s0;
	s19 =	smul.u32 $0xFA0, s11  }
0x9: {  	s18 =	sshll.u32 s11, $0x6;
	p0 =	sne.s32 s11, $0xF;
	s5 =	smul.u32 $0xFA00, s1  }
0xa: {  	_ =	strace $0x8000004A;
	s8 =	ssub.s32 $0x2, s1;
	[dreg:$0x6] =	wrdreg s9  }
0xb: {  	s1 =	smul.u32 $0x138800, s1;
	s13 =	sor.u32 $0x1C02, s18;
	[dreg:$0x4] =	wrdreg s25  }
0xc: {  	[dreg:$0x5] =	wrdreg s26;
	s18 =	simm.s32 $0x1;
	s25 =	simm.s32 $0x580  }
0xd: {  	s26 =	simm.s32 $0x600;
	s9 =	simm.s32 $0xB80;
	s6 =	sshrl.u32 s4, $0x3  }
0xe: {  	s17 =	sshrl.u32 s8, $0x1;
	s7 =	sshrl.u32 s7, $0x2;
	[dreg:$0x8] =	wrdreg s13  }
0xf: {  	s5 =	sadd.s32 s5, s0;
	s6 =	sadd.s32 s6, s0;
	s8 =	ssub.s32 s8, s17  }
0x10: {  	s7 =	sadd.s32 s7, s2;
	s0 =	sadd.s32 $0x8FC00, s0;
	s20 =	sadd.s32 s4, s1  }
0x11: {  	s1 =	sshrl.u32 s1, $0x3;
	s17 =	simm.s32 $0x200;
	s4 =	simm.s32 $0x980  }
0x12: {  	s6 =	sadd.s32 $0x68C00, s6;
	[dreg:$0x9] =	wrdreg s0;
	s0 =	sshrl.u32 s20, $0x3  }
0x13: {  	s1 =	sadd.s32 s10, s1;
	s21 =	sadd.s32 s19, s5;
	s24 =	smax.u32 s8, $0x1  }
0x14: {  	s16 =	sshrl.u32 s7, $0x3;
	s19 =	simm.s32 $0x280;
	s20 =	simm.s32 $0x300  }
0x15: {  	s5 =	simm.s32 $0xA00;
	s7 =	simm.s32 $0xA80;
	[dreg:$0x7] =	wrdreg s6  }
0x16: {  	s8 =	simm.s32 $0xB00;
	s6 =	sadd.s32 $0x138000, s2;
	[dreg:$0xc] =	wrdreg s24  }
0x17: {  	s0 =	sadd.s32 s10, s0;
	s22 =	sadd.s32 $0x27000, s1;
	[dreg:$0xd] =	wrdreg s16  }
0x18: {  	s23 =	sadd.s32 $0x2E00, s21;
	s21 =	simm.s32 $0x380;
	[dreg:$0xa] =	wrdreg s0  }
0x19: {  	s24 =	simm.s32 $0x500;
	s1 =	simm.s32 $0x900;
	[dreg:$0xb] =	wrdreg s22  }
0x1a: {  	[dreg:$0x3] =	wrdreg s23;
	s11 =	sshrl.u32 @!p0 s6, $0x3;
	s6 =	simm.s32 $0x0  }
0x1b: {  	s10 =	simm.s32 $0xC00;
	s22 =	simm.s32 $0x400;
	[dreg:$0xf] =	wrdreg s6  }
0x1c: {  	s23 =	simm.s32 $0x480;
	s0 =	simm.s32 $0x880;
	[dreg:$0xe] =	wrdreg s11  }
.LBB2_1:
0x1d: {  	s6 =	rddreg [dreg:$0x7]  }
0x1e: {  	[spmem:s16], [sflag:s13] =	dma.local [hbm:s6], $0x2700  }
0x1f: {  	_ =	swait.ge [sflag:s12], $0x2700  }
0x20: {  	[sflag:s12] =	ssyncset.done $0x0  }
0x21: {  	s6 =	rddreg [dreg:$0x9];
	[sflag:s12] =	ssyncadd.s32 $0xFFFFD900  }
0x22: {  	[spmem:s11], [sflag:s13] =	dma.local @!p0 [hbm:s6], $0x100  }
0x23: {  	s6 =	simm.s32 @!p0 $0x2  }
0x24: {  	_ =	swait.ge @!p0 [sflag:s6], $0x100  }
0x25: {  	[sflag:s6] =	ssyncset.done @!p0 $0x0  }
0x26: {  	s13 =	rddreg [dreg:$0x6];
	[sflag:s6] =	ssyncadd.s32 @!p0 $0xFFFFFF00  }
0x27: {  	[tilespmem:s14], [sflag:$0x2] =	stream.linear.gather [hbm4b:s13+s3], $0x1400, $0x38;
	[tilespmem:$0x15900] =	vst v63  }
0x28: {  	_ =	swait.ge [sflag:s12], $0x1400  }
0x29: {  	[sflag:s12] =	ssyncset.done $0x0  }
0x2a: {  	[sflag:s12] =	ssyncadd.s32 $0xFFFFEC00  }
0x2b: {  	[bflag:$0x0] =	sbarrier.arrive $0xFFFF  }
0x2c: {  	s16 =	rddreg [dreg:$0x3]  }
0x2d: {  	s6 =	sadd.s32 $0x0, s16  }
0x2e: {  	[tilespmem:s3], [sflag:$0x2] =	stream.linear.gather [hbm4b:s6+s3], $0xC80, $0x38;
	[tilespmem:$0x15900] =	vst v63  }
0x2f: {  	_ =	swait.ge [sflag:s12], $0xC80  }
0x30: {  	[sflag:s12] =	ssyncset.done $0x0  }
0x31: {  	[sflag:s12] =	ssyncadd.s32 $0xFFFFF380  }
0x32: {  	[spmem:s2] =	stream.indirect.scatter.add.f32 [tilespmem:s14], [sflag:$0x1], $0x80, s3, s15, $0xb8;
	[tilespmem:$0x15900] =	vst v63  }
0x33: {  	s11 =	rddreg [dreg:$0x4]  }
0x34: {  	[spmem:s2] =	stream.indirect.scatter.add.f32 [tilespmem:s14], [sflag:$0x1], $0x80, s11, s15, $0xb8;
	[tilespmem:$0x15900] =	vst v63  }
0x35: {  	s13 =	rddreg [dreg:$0x5]  }
0x36: {  	[spmem:s2] =	stream.indirect.scatter.add.f32 [tilespmem:s14], [sflag:$0x1], $0x80, s13, s15, $0xb8;
	[tilespmem:$0x15900] =	vst v63  }
0x37: {  	s16 =	simm.s32 $0x180  }
0x38: {  	[spmem:s2] =	stream.indirect.scatter.add.f32 [tilespmem:s14], [sflag:$0x1], $0x80, s16, s15, $0xb8;
	[tilespmem:$0x15900] =	vst v63  }
0x39: {  	_ = 	snop  }
0x3a: {  	[spmem:s2] =	stream.indirect.scatter.add.f32 [tilespmem:s14], [sflag:$0x1], $0x80, s17, s15, $0xb8;
	[tilespmem:$0x15900] =	vst v63  }
0x3b: {  	_ =	swait.ge [sflag:s18], $0x1400  }
0x3c: {  	[sflag:s18] =	ssyncset.done $0x0  }
0x3d: {  	[sflag:s18] =	ssyncadd.s32 $0xFFFFEC00  }
0x3e: {  	_ =	swait.ge [sflag:s18], $0x1400  }
0x3f: {  	[sflag:s18] =	ssyncset.done $0x0  }
0x40: {  	[sflag:s18] =	ssyncadd.s32 $0xFFFFEC00  }
0x41: {  	_ =	swait.ge [sflag:s18], $0x1400  }
0x42: {  	[sflag:s18] =	ssyncset.done $0x0  }
0x43: {  	[sflag:s18] =	ssyncadd.s32 $0xFFFFEC00  }
0x44: {  	_ =	swait.ge [sflag:s18], $0x1400  }
0x45: {  	[sflag:s18] =	ssyncset.done $0x0  }
0x46: {  	[sflag:s18] =	ssyncadd.s32 $0xFFFFEC00  }
0x47: {  	_ =	swait.ge [sflag:s18], $0x1400  }
0x48: {  	[sflag:s18] =	ssyncset.done $0x0  }
0x49: {  	[sflag:s18] =	ssyncadd.s32 $0xFFFFEC00  }
0x4a: {  	[spmem:s2] =	stream.indirect.scatter.add.f32 [tilespmem:s14], [sflag:$0x1], $0x80, s19, s15, $0xb8;
	[tilespmem:$0x15900] =	vst v63  }
0x4b: {  	_ = 	snop  }
0x4c: {  	[spmem:s2] =	stream.indirect.scatter.add.f32 [tilespmem:s14], [sflag:$0x1], $0x80, s20, s15, $0xb8;
	[tilespmem:$0x15900] =	vst v63  }
0x4d: {  	_ = 	snop  }
0x4e: {  	[spmem:s2] =	stream.indirect.scatter.add.f32 [tilespmem:s14], [sflag:$0x1], $0x80, s21, s15, $0xb8;
	[tilespmem:$0x15900] =	vst v63  }
0x4f: {  	_ = 	snop  }
0x50: {  	[spmem:s2] =	stream.indirect.scatter.add.f32 [tilespmem:s14], [sflag:$0x1], $0x80, s22, s15, $0xb8;
	[tilespmem:$0x15900] =	vst v63  }
0x51: {  	_ = 	snop  }
0x52: {  	[spmem:s2] =	stream.indirect.scatter.add.f32 [tilespmem:s14], [sflag:$0x1], $0x80, s23, s15, $0xb8;
	[tilespmem:$0x15900] =	vst v63  }
0x53: {  	_ =	swait.ge [sflag:s18], $0x1400  }
0x54: {  	[sflag:s18] =	ssyncset.done $0x0  }
0x55: {  	[sflag:s18] =	ssyncadd.s32 $0xFFFFEC00  }
0x56: {  	_ =	swait.ge [sflag:s18], $0x1400  }
0x57: {  	[sflag:s18] =	ssyncset.done $0x0  }
0x58: {  	[sflag:s18] =	ssyncadd.s32 $0xFFFFEC00  }
0x59: {  	_ =	swait.ge [sflag:s18], $0x1400  }
0x5a: {  	[sflag:s18] =	ssyncset.done $0x0  }
0x5b: {  	[sflag:s18] =	ssyncadd.s32 $0xFFFFEC00  }
0x5c: {  	_ =	swait.ge [sflag:s18], $0x1400  }
0x5d: {  	[sflag:s18] =	ssyncset.done $0x0  }
0x5e: {  	[sflag:s18] =	ssyncadd.s32 $0xFFFFEC00  }
0x5f: {  	_ =	swait.ge [sflag:s18], $0x1400  }
0x60: {  	[sflag:s18] =	ssyncset.done $0x0  }
0x61: {  	[sflag:s18] =	ssyncadd.s32 $0xFFFFEC00  }
0x62: {  	[spmem:s2] =	stream.indirect.scatter.add.f32 [tilespmem:s14], [sflag:$0x1], $0x80, s24, s15, $0xb8;
	[tilespmem:$0x15900] =	vst v63  }
0x63: {  	_ = 	snop  }
0x64: {  	[spmem:s2] =	stream.indirect.scatter.add.f32 [tilespmem:s14], [sflag:$0x1], $0x80, s25, s15, $0xb8;
	[tilespmem:$0x15900] =	vst v63  }
0x65: {  	_ = 	snop  }
0x66: {  	[spmem:s2] =	stream.indirect.scatter.add.f32 [tilespmem:s14], [sflag:$0x1], $0x80, s26, s15, $0xb8;
	[tilespmem:$0x15900] =	vst v63  }
0x67: {  	_ = 	snop  }
0x68: {  	[spmem:s2] =	stream.indirect.scatter.add.f32 [tilespmem:s14], [sflag:$0x1], $0x80, s28, s15, $0xb8;
	[tilespmem:$0x15900] =	vst v63  }
0x69: {  	_ = 	snop  }
0x6a: {  	[spmem:s2] =	stream.indirect.scatter.add.f32 [tilespmem:s14], [sflag:$0x1], $0x80, s29, s15, $0xb8;
	[tilespmem:$0x15900] =	vst v63  }
0x6b: {  	_ =	swait.ge [sflag:s18], $0x1400  }
0x6c: {  	[sflag:s18] =	ssyncset.done $0x0  }
0x6d: {  	[sflag:s18] =	ssyncadd.s32 $0xFFFFEC00  }
0x6e: {  	_ =	swait.ge [sflag:s18], $0x1400  }
0x6f: {  	[sflag:s18] =	ssyncset.done $0x0  }
0x70: {  	[sflag:s18] =	ssyncadd.s32 $0xFFFFEC00  }
0x71: {  	_ =	swait.ge [sflag:s18], $0x1400  }
0x72: {  	[sflag:s18] =	ssyncset.done $0x0  }
0x73: {  	[sflag:s18] =	ssyncadd.s32 $0xFFFFEC00  }
0x74: {  	_ =	swait.ge [sflag:s18], $0x1400  }
0x75: {  	[sflag:s18] =	ssyncset.done $0x0  }
0x76: {  	[sflag:s18] =	ssyncadd.s32 $0xFFFFEC00  }
0x77: {  	_ =	swait.ge [sflag:s18], $0x1400  }
0x78: {  	[sflag:s18] =	ssyncset.done $0x0  }
0x79: {  	[sflag:s18] =	ssyncadd.s32 $0xFFFFEC00  }
0x7a: {  	[spmem:s2] =	stream.indirect.scatter.add.f32 [tilespmem:s14], [sflag:$0x1], $0x80, s30, s15, $0xb8;
	[tilespmem:$0x15900] =	vst v63  }
0x7b: {  	_ = 	snop  }
0x7c: {  	[spmem:s2] =	stream.indirect.scatter.add.f32 [tilespmem:s14], [sflag:$0x1], $0x80, s31, s15, $0xb8;
	[tilespmem:$0x15900] =	vst v63  }
0x7d: {  	_ = 	snop  }
0x7e: {  	[spmem:s2] =	stream.indirect.scatter.add.f32 [tilespmem:s14], [sflag:$0x1], $0x80, s0, s15, $0xb8;
	[tilespmem:$0x15900] =	vst v63  }
0x7f: {  	_ = 	snop  }
0x80: {  	[spmem:s2] =	stream.indirect.scatter.add.f32 [tilespmem:s14], [sflag:$0x1], $0x80, s1, s15, $0xb8;
	[tilespmem:$0x15900] =	vst v63  }
0x81: {  	_ = 	snop  }
0x82: {  	[spmem:s2] =	stream.indirect.scatter.add.f32 [tilespmem:s14], [sflag:$0x1], $0x80, s4, s15, $0xb8;
	[tilespmem:$0x15900] =	vst v63  }
0x83: {  	_ =	swait.ge [sflag:s18], $0x1400  }
0x84: {  	[sflag:s18] =	ssyncset.done $0x0  }
0x85: {  	[sflag:s18] =	ssyncadd.s32 $0xFFFFEC00  }
0x86: {  	_ =	swait.ge [sflag:s18], $0x1400  }
0x87: {  	[sflag:s18] =	ssyncset.done $0x0  }
0x88: {  	[sflag:s18] =	ssyncadd.s32 $0xFFFFEC00  }
0x89: {  	_ =	swait.ge [sflag:s18], $0x1400  }
0x8a: {  	[sflag:s18] =	ssyncset.done $0x0  }
0x8b: {  	[sflag:s18] =	ssyncadd.s32 $0xFFFFEC00  }
0x8c: {  	_ =	swait.ge [sflag:s18], $0x1400  }
0x8d: {  	[sflag:s18] =	ssyncset.done $0x0  }
0x8e: {  	[sflag:s18] =	ssyncadd.s32 $0xFFFFEC00  }
0x8f: {  	_ =	swait.ge [sflag:s18], $0x1400  }
0x90: {  	[sflag:s18] =	ssyncset.done $0x0  }
0x91: {  	[sflag:s18] =	ssyncadd.s32 $0xFFFFEC00  }
0x92: {  	[spmem:s2] =	stream.indirect.scatter.add.f32 [tilespmem:s14], [sflag:$0x1], $0x80, s5, s15, $0xb8;
	[tilespmem:$0x15900] =	vst v63  }
0x93: {  	_ = 	snop  }
0x94: {  	[spmem:s2] =	stream.indirect.scatter.add.f32 [tilespmem:s14], [sflag:$0x1], $0x80, s7, s15, $0xb8;
	[tilespmem:$0x15900] =	vst v63  }
0x95: {  	_ = 	snop  }
0x96: {  	[spmem:s2] =	stream.indirect.scatter.add.f32 [tilespmem:s14], [sflag:$0x1], $0x80, s8, s15, $0xb8;
	[tilespmem:$0x15900] =	vst v63  }
0x97: {  	_ = 	snop  }
0x98: {  	[spmem:s2] =	stream.indirect.scatter.add.f32 [tilespmem:s14], [sflag:$0x1], $0x80, s9, s15, $0xb8;
	[tilespmem:$0x15900] =	vst v63  }
0x99: {  	_ = 	snop  }
0x9a: {  	[spmem:s2] =	stream.indirect.scatter.add.f32 [tilespmem:s14], [sflag:$0x1], $0x80, s10, s15, $0xb8;
	[tilespmem:$0x15900] =	vst v63  }
0x9b: {  	_ =	swait.ge [sflag:s18], $0x1400  }
0x9c: {  	[sflag:s18] =	ssyncset.done $0x0  }
0x9d: {  	[sflag:s18] =	ssyncadd.s32 $0xFFFFEC00  }
0x9e: {  	_ =	swait.ge [sflag:s18], $0x1400  }
0x9f: {  	[sflag:s18] =	ssyncset.done $0x0  }
0xa0: {  	[sflag:s18] =	ssyncadd.s32 $0xFFFFEC00  }
0xa1: {  	_ =	swait.ge [sflag:s18], $0x1400  }
0xa2: {  	[sflag:s18] =	ssyncset.done $0x0  }
0xa3: {  	[sflag:s18] =	ssyncadd.s32 $0xFFFFEC00  }
0xa4: {  	_ =	swait.ge [sflag:s18], $0x1400  }
0xa5: {  	[sflag:s18] =	ssyncset.done $0x0  }
0xa6: {  	[sflag:s18] =	ssyncadd.s32 $0xFFFFEC00  }
0xa7: {  	s6 =	simm.s32 $0x320;
	_ =	swait.ge [sflag:s18], $0x1400  }
0xa8: {  	s13 =	simm.s32 $0x190;
	s11 =	rddreg [dreg:$0x3];
	[sflag:s18] =	ssyncset.done $0x0  }
.LBB2_2:
0xa9: {  	[sflag:s18] =	ssyncadd.s32 $0xFFFFEC00;
	s11 =	sadd.s32 s13, s11  }
0xaa: {  	[tilespmem:s3], [sflag:$0x2] =	stream.linear.gather [hbm4b:s11+s3], $0xC80, $0x38;
	[tilespmem:$0x15900] =	vst v63  }
0xab: {  	_ =	swait.ge [sflag:s12], $0xC80  }
0xac: {  	[sflag:s12] =	ssyncset.done $0x0  }
0xad: {  	[sflag:s12] =	ssyncadd.s32 $0xFFFFF380  }
0xae: {  	[spmem:s2] =	stream.indirect.scatter.add.f32 [tilespmem:s14], [sflag:$0x1], $0x80, s3, s15, $0xb8;
	[tilespmem:$0x15900] =	vst v63  }
0xaf: {  	s16 =	smov.u32 s6;
	s11 =	rddreg [dreg:$0x4]  }
0xb0: {  	[spmem:s2] =	stream.indirect.scatter.add.f32 [tilespmem:s14], [sflag:$0x1], $0x80, s11, s15, $0xb8;
	[tilespmem:$0x15900] =	vst v63  }
0xb1: {  	s13 =	smov.u32 s16;
	s16 =	rddreg [dreg:$0x5]  }
0xb2: {  	[spmem:s2] =	stream.indirect.scatter.add.f32 [tilespmem:s14], [sflag:$0x1], $0x80, s16, s15, $0xb8;
	[tilespmem:$0x15900] =	vst v63  }
0xb3: {  	s16 =	simm.s32 $0x180  }
0xb4: {  	[spmem:s2] =	stream.indirect.scatter.add.f32 [tilespmem:s14], [sflag:$0x1], $0x80, s16, s15, $0xb8;
	[tilespmem:$0x15900] =	vst v63  }
0xb5: {  	_ = 	snop  }
0xb6: {  	[spmem:s2] =	stream.indirect.scatter.add.f32 [tilespmem:s14], [sflag:$0x1], $0x80, s17, s15, $0xb8;
	[tilespmem:$0x15900] =	vst v63  }
0xb7: {  	_ =	swait.ge [sflag:s18], $0x1400  }
0xb8: {  	[sflag:s18] =	ssyncset.done $0x0  }
0xb9: {  	[sflag:s18] =	ssyncadd.s32 $0xFFFFEC00  }
0xba: {  	_ =	swait.ge [sflag:s18], $0x1400  }
0xbb: {  	[sflag:s18] =	ssyncset.done $0x0  }
0xbc: {  	[sflag:s18] =	ssyncadd.s32 $0xFFFFEC00  }
0xbd: {  	_ =	swait.ge [sflag:s18], $0x1400  }
0xbe: {  	[sflag:s18] =	ssyncset.done $0x0  }
0xbf: {  	[sflag:s18] =	ssyncadd.s32 $0xFFFFEC00  }
0xc0: {  	_ =	swait.ge [sflag:s18], $0x1400  }
0xc1: {  	[sflag:s18] =	ssyncset.done $0x0  }
0xc2: {  	[sflag:s18] =	ssyncadd.s32 $0xFFFFEC00  }
0xc3: {  	_ =	swait.ge [sflag:s18], $0x1400  }
0xc4: {  	[sflag:s18] =	ssyncset.done $0x0  }
0xc5: {  	[sflag:s18] =	ssyncadd.s32 $0xFFFFEC00  }
0xc6: {  	[spmem:s2] =	stream.indirect.scatter.add.f32 [tilespmem:s14], [sflag:$0x1], $0x80, s19, s15, $0xb8;
	[tilespmem:$0x15900] =	vst v63  }
0xc7: {  	_ = 	snop  }
0xc8: {  	[spmem:s2] =	stream.indirect.scatter.add.f32 [tilespmem:s14], [sflag:$0x1], $0x80, s20, s15, $0xb8;
	[tilespmem:$0x15900] =	vst v63  }
0xc9: {  	_ = 	snop  }
0xca: {  	[spmem:s2] =	stream.indirect.scatter.add.f32 [tilespmem:s14], [sflag:$0x1], $0x80, s21, s15, $0xb8;
	[tilespmem:$0x15900] =	vst v63  }
0xcb: {  	_ = 	snop  }
0xcc: {  	[spmem:s2] =	stream.indirect.scatter.add.f32 [tilespmem:s14], [sflag:$0x1], $0x80, s22, s15, $0xb8;
	[tilespmem:$0x15900] =	vst v63  }
0xcd: {  	_ = 	snop  }
0xce: {  	[spmem:s2] =	stream.indirect.scatter.add.f32 [tilespmem:s14], [sflag:$0x1], $0x80, s23, s15, $0xb8;
	[tilespmem:$0x15900] =	vst v63  }
0xcf: {  	_ =	swait.ge [sflag:s18], $0x1400  }
0xd0: {  	[sflag:s18] =	ssyncset.done $0x0  }
0xd1: {  	[sflag:s18] =	ssyncadd.s32 $0xFFFFEC00  }
0xd2: {  	_ =	swait.ge [sflag:s18], $0x1400  }
0xd3: {  	[sflag:s18] =	ssyncset.done $0x0  }
0xd4: {  	[sflag:s18] =	ssyncadd.s32 $0xFFFFEC00  }
0xd5: {  	_ =	swait.ge [sflag:s18], $0x1400  }
0xd6: {  	[sflag:s18] =	ssyncset.done $0x0  }
0xd7: {  	[sflag:s18] =	ssyncadd.s32 $0xFFFFEC00  }
0xd8: {  	_ =	swait.ge [sflag:s18], $0x1400  }
0xd9: {  	[sflag:s18] =	ssyncset.done $0x0  }
0xda: {  	[sflag:s18] =	ssyncadd.s32 $0xFFFFEC00  }
0xdb: {  	_ =	swait.ge [sflag:s18], $0x1400  }
0xdc: {  	[sflag:s18] =	ssyncset.done $0x0  }
0xdd: {  	[sflag:s18] =	ssyncadd.s32 $0xFFFFEC00  }
0xde: {  	[spmem:s2] =	stream.indirect.scatter.add.f32 [tilespmem:s14], [sflag:$0x1], $0x80, s24, s15, $0xb8;
	[tilespmem:$0x15900] =	vst v63  }
0xdf: {  	_ = 	snop  }
0xe0: {  	[spmem:s2] =	stream.indirect.scatter.add.f32 [tilespmem:s14], [sflag:$0x1], $0x80, s25, s15, $0xb8;
	[tilespmem:$0x15900] =	vst v63  }
0xe1: {  	_ = 	snop  }
0xe2: {  	[spmem:s2] =	stream.indirect.scatter.add.f32 [tilespmem:s14], [sflag:$0x1], $0x80, s26, s15, $0xb8;
	[tilespmem:$0x15900] =	vst v63  }
0xe3: {  	_ = 	snop  }
0xe4: {  	[spmem:s2] =	stream.indirect.scatter.add.f32 [tilespmem:s14], [sflag:$0x1], $0x80, s28, s15, $0xb8;
	[tilespmem:$0x15900] =	vst v63  }
0xe5: {  	_ = 	snop  }
0xe6: {  	[spmem:s2] =	stream.indirect.scatter.add.f32 [tilespmem:s14], [sflag:$0x1], $0x80, s29, s15, $0xb8;
	[tilespmem:$0x15900] =	vst v63  }
0xe7: {  	_ =	swait.ge [sflag:s18], $0x1400  }
0xe8: {  	[sflag:s18] =	ssyncset.done $0x0  }
0xe9: {  	[sflag:s18] =	ssyncadd.s32 $0xFFFFEC00  }
0xea: {  	_ =	swait.ge [sflag:s18], $0x1400  }
0xeb: {  	[sflag:s18] =	ssyncset.done $0x0  }
0xec: {  	[sflag:s18] =	ssyncadd.s32 $0xFFFFEC00  }
0xed: {  	_ =	swait.ge [sflag:s18], $0x1400  }
0xee: {  	[sflag:s18] =	ssyncset.done $0x0  }
0xef: {  	[sflag:s18] =	ssyncadd.s32 $0xFFFFEC00  }
0xf0: {  	_ =	swait.ge [sflag:s18], $0x1400  }
0xf1: {  	[sflag:s18] =	ssyncset.done $0x0  }
0xf2: {  	[sflag:s18] =	ssyncadd.s32 $0xFFFFEC00  }
0xf3: {  	_ =	swait.ge [sflag:s18], $0x1400  }
0xf4: {  	[sflag:s18] =	ssyncset.done $0x0  }
0xf5: {  	[sflag:s18] =	ssyncadd.s32 $0xFFFFEC00  }
0xf6: {  	[spmem:s2] =	stream.indirect.scatter.add.f32 [tilespmem:s14], [sflag:$0x1], $0x80, s30, s15, $0xb8;
	[tilespmem:$0x15900] =	vst v63  }
0xf7: {  	_ = 	snop  }
0xf8: {  	[spmem:s2] =	stream.indirect.scatter.add.f32 [tilespmem:s14], [sflag:$0x1], $0x80, s31, s15, $0xb8;
	[tilespmem:$0x15900] =	vst v63  }
0xf9: {  	_ = 	snop  }
0xfa: {  	[spmem:s2] =	stream.indirect.scatter.add.f32 [tilespmem:s14], [sflag:$0x1], $0x80, s0, s15, $0xb8;
	[tilespmem:$0x15900] =	vst v63  }
0xfb: {  	_ = 	snop  }
0xfc: {  	[spmem:s2] =	stream.indirect.scatter.add.f32 [tilespmem:s14], [sflag:$0x1], $0x80, s1, s15, $0xb8;
	[tilespmem:$0x15900] =	vst v63  }
0xfd: {  	_ = 	snop  }
0xfe: {  	[spmem:s2] =	stream.indirect.scatter.add.f32 [tilespmem:s14], [sflag:$0x1], $0x80, s4, s15, $0xb8;
	[tilespmem:$0x15900] =	vst v63  }
0xff: {  	_ =	swait.ge [sflag:s18], $0x1400  }
0x100: {  	[sflag:s18] =	ssyncset.done $0x0  }
0x101: {  	[sflag:s18] =	ssyncadd.s32 $0xFFFFEC00  }
0x102: {  	_ =	swait.ge [sflag:s18], $0x1400  }
0x103: {  	[sflag:s18] =	ssyncset.done $0x0  }
0x104: {  	[sflag:s18] =	ssyncadd.s32 $0xFFFFEC00  }
0x105: {  	_ =	swait.ge [sflag:s18], $0x1400  }
0x106: {  	[sflag:s18] =	ssyncset.done $0x0  }
0x107: {  	[sflag:s18] =	ssyncadd.s32 $0xFFFFEC00  }
0x108: {  	_ =	swait.ge [sflag:s18], $0x1400  }
0x109: {  	[sflag:s18] =	ssyncset.done $0x0  }
0x10a: {  	[sflag:s18] =	ssyncadd.s32 $0xFFFFEC00  }
0x10b: {  	_ =	swait.ge [sflag:s18], $0x1400  }
0x10c: {  	[sflag:s18] =	ssyncset.done $0x0  }
0x10d: {  	[sflag:s18] =	ssyncadd.s32 $0xFFFFEC00  }
0x10e: {  	[spmem:s2] =	stream.indirect.scatter.add.f32 [tilespmem:s14], [sflag:$0x1], $0x80, s5, s15, $0xb8;
	[tilespmem:$0x15900] =	vst v63  }
0x10f: {  	_ = 	snop  }
0x110: {  	[spmem:s2] =	stream.indirect.scatter.add.f32 [tilespmem:s14], [sflag:$0x1], $0x80, s7, s15, $0xb8;
	[tilespmem:$0x15900] =	vst v63  }
0x111: {  	_ = 	snop  }
0x112: {  	[spmem:s2] =	stream.indirect.scatter.add.f32 [tilespmem:s14], [sflag:$0x1], $0x80, s8, s15, $0xb8;
	[tilespmem:$0x15900] =	vst v63  }
0x113: {  	_ = 	snop  }
0x114: {  	[spmem:s2] =	stream.indirect.scatter.add.f32 [tilespmem:s14], [sflag:$0x1], $0x80, s9, s15, $0xb8;
	[tilespmem:$0x15900] =	vst v63  }
0x115: {  	_ = 	snop  }
0x116: {  	[spmem:s2] =	stream.indirect.scatter.add.f32 [tilespmem:s14], [sflag:$0x1], $0x80, s10, s15, $0xb8;
	[tilespmem:$0x15900] =	vst v63  }
0x117: {  	_ =	swait.ge [sflag:s18], $0x1400  }
0x118: {  	[sflag:s18] =	ssyncset.done $0x0  }
0x119: {  	[sflag:s18] =	ssyncadd.s32 $0xFFFFEC00  }
0x11a: {  	_ =	swait.ge [sflag:s18], $0x1400  }
0x11b: {  	[sflag:s18] =	ssyncset.done $0x0  }
0x11c: {  	[sflag:s18] =	ssyncadd.s32 $0xFFFFEC00  }
0x11d: {  	_ =	swait.ge [sflag:s18], $0x1400  }
0x11e: {  	[sflag:s18] =	ssyncset.done $0x0  }
0x11f: {  	p1 =	sne.s32 s6, $0xE10;
	[sflag:s18] =	ssyncadd.s32 $0xFFFFEC00  }
.Ltmp0:
0x120: {  	_ =	swait.ge [sflag:s18], $0x1400;
	(pc) =	sbr.rel @p1 .LBB2_2-.Ltmp0, $4  }
0x121: {  	[sflag:s18] =	ssyncset.done $0x0  }
0x122: {  	[sflag:s18] =	ssyncadd.s32 $0xFFFFEC00  }
0x123: {  	_ =	swait.ge [sflag:s18], $0x1400  }
0x124: {  	s6 =	sadd.s32 $0x190, s6;
	s11 =	rddreg [dreg:$0x3];
	[sflag:s18] =	ssyncset.done $0x0  }
0x125: {  	[sflag:s18] =	ssyncadd.s32 $0xFFFFEC00;
	s6 =	sadd.s32 s13, s11  }
0x126: {  	[tilespmem:s3], [sflag:$0x2] =	stream.linear.gather [hbm4b:s6+s3], $0xC80, $0x38;
	[tilespmem:$0x15900] =	vst v63  }
0x127: {  	_ =	swait.ge [sflag:s12], $0xC80  }
0x128: {  	[sflag:s12] =	ssyncset.done $0x0  }
0x129: {  	[sflag:s12] =	ssyncadd.s32 $0xFFFFF380  }
0x12a: {  	[spmem:s2] =	stream.indirect.scatter.add.f32 [tilespmem:s14], [sflag:$0x1], $0x80, s3, s15, $0xb8;
	[tilespmem:$0x15900] =	vst v63  }
0x12b: {  	s11 =	rddreg [dreg:$0x4]  }
0x12c: {  	[spmem:s2] =	stream.indirect.scatter.add.f32 [tilespmem:s14], [sflag:$0x1], $0x80, s11, s15, $0xb8;
	[tilespmem:$0x15900] =	vst v63  }
0x12d: {  	s13 =	rddreg [dreg:$0x5]  }
0x12e: {  	[spmem:s2] =	stream.indirect.scatter.add.f32 [tilespmem:s14], [sflag:$0x1], $0x80, s13, s15, $0xb8;
	[tilespmem:$0x15900] =	vst v63  }
0x12f: {  	s16 =	simm.s32 $0x180  }
0x130: {  	[spmem:s2] =	stream.indirect.scatter.add.f32 [tilespmem:s14], [sflag:$0x1], $0x80, s16, s15, $0xb8;
	[tilespmem:$0x15900] =	vst v63  }
0x131: {  	_ = 	snop  }
0x132: {  	[spmem:s2] =	stream.indirect.scatter.add.f32 [tilespmem:s14], [sflag:$0x1], $0x80, s17, s15, $0xb8;
	[tilespmem:$0x15900] =	vst v63  }
0x133: {  	_ =	swait.ge [sflag:s18], $0x1400  }
0x134: {  	[sflag:s18] =	ssyncset.done $0x0  }
0x135: {  	[sflag:s18] =	ssyncadd.s32 $0xFFFFEC00  }
0x136: {  	_ =	swait.ge [sflag:s18], $0x1400  }
0x137: {  	[sflag:s18] =	ssyncset.done $0x0  }
0x138: {  	[sflag:s18] =	ssyncadd.s32 $0xFFFFEC00  }
0x139: {  	_ =	swait.ge [sflag:s18], $0x1400  }
0x13a: {  	[sflag:s18] =	ssyncset.done $0x0  }
0x13b: {  	[sflag:s18] =	ssyncadd.s32 $0xFFFFEC00  }
0x13c: {  	_ =	swait.ge [sflag:s18], $0x1400  }
0x13d: {  	[sflag:s18] =	ssyncset.done $0x0  }
0x13e: {  	[sflag:s18] =	ssyncadd.s32 $0xFFFFEC00  }
0x13f: {  	_ =	swait.ge [sflag:s18], $0x1400  }
0x140: {  	[sflag:s18] =	ssyncset.done $0x0  }
0x141: {  	[sflag:s18] =	ssyncadd.s32 $0xFFFFEC00  }
0x142: {  	[spmem:s2] =	stream.indirect.scatter.add.f32 [tilespmem:s14], [sflag:$0x1], $0x80, s19, s15, $0xb8;
	[tilespmem:$0x15900] =	vst v63  }
0x143: {  	_ = 	snop  }
0x144: {  	[spmem:s2] =	stream.indirect.scatter.add.f32 [tilespmem:s14], [sflag:$0x1], $0x80, s20, s15, $0xb8;
	[tilespmem:$0x15900] =	vst v63  }
0x145: {  	_ = 	snop  }
0x146: {  	[spmem:s2] =	stream.indirect.scatter.add.f32 [tilespmem:s14], [sflag:$0x1], $0x80, s21, s15, $0xb8;
	[tilespmem:$0x15900] =	vst v63  }
0x147: {  	_ = 	snop  }
0x148: {  	[spmem:s2] =	stream.indirect.scatter.add.f32 [tilespmem:s14], [sflag:$0x1], $0x80, s22, s15, $0xb8;
	[tilespmem:$0x15900] =	vst v63  }
0x149: {  	_ = 	snop  }
0x14a: {  	[spmem:s2] =	stream.indirect.scatter.add.f32 [tilespmem:s14], [sflag:$0x1], $0x80, s23, s15, $0xb8;
	[tilespmem:$0x15900] =	vst v63  }
0x14b: {  	_ =	swait.ge [sflag:s18], $0x1400  }
0x14c: {  	[sflag:s18] =	ssyncset.done $0x0  }
0x14d: {  	[sflag:s18] =	ssyncadd.s32 $0xFFFFEC00  }
0x14e: {  	_ =	swait.ge [sflag:s18], $0x1400  }
0x14f: {  	[sflag:s18] =	ssyncset.done $0x0  }
0x150: {  	[sflag:s18] =	ssyncadd.s32 $0xFFFFEC00  }
0x151: {  	_ =	swait.ge [sflag:s18], $0x1400  }
0x152: {  	[sflag:s18] =	ssyncset.done $0x0  }
0x153: {  	[sflag:s18] =	ssyncadd.s32 $0xFFFFEC00  }
0x154: {  	_ =	swait.ge [sflag:s18], $0x1400  }
0x155: {  	[sflag:s18] =	ssyncset.done $0x0  }
0x156: {  	[sflag:s18] =	ssyncadd.s32 $0xFFFFEC00  }
0x157: {  	_ =	swait.ge [sflag:s18], $0x1400  }
0x158: {  	[sflag:s18] =	ssyncset.done $0x0  }
0x159: {  	[sflag:s18] =	ssyncadd.s32 $0xFFFFEC00  }
0x15a: {  	[spmem:s2] =	stream.indirect.scatter.add.f32 [tilespmem:s14], [sflag:$0x1], $0x80, s24, s15, $0xb8;
	[tilespmem:$0x15900] =	vst v63  }
0x15b: {  	_ = 	snop  }
0x15c: {  	[spmem:s2] =	stream.indirect.scatter.add.f32 [tilespmem:s14], [sflag:$0x1], $0x80, s25, s15, $0xb8;
	[tilespmem:$0x15900] =	vst v63  }
0x15d: {  	_ = 	snop  }
0x15e: {  	[spmem:s2] =	stream.indirect.scatter.add.f32 [tilespmem:s14], [sflag:$0x1], $0x80, s26, s15, $0xb8;
	[tilespmem:$0x15900] =	vst v63  }
0x15f: {  	_ = 	snop  }
0x160: {  	[spmem:s2] =	stream.indirect.scatter.add.f32 [tilespmem:s14], [sflag:$0x1], $0x80, s28, s15, $0xb8;
	[tilespmem:$0x15900] =	vst v63  }
0x161: {  	_ = 	snop  }
0x162: {  	[spmem:s2] =	stream.indirect.scatter.add.f32 [tilespmem:s14], [sflag:$0x1], $0x80, s29, s15, $0xb8;
	[tilespmem:$0x15900] =	vst v63  }
0x163: {  	_ =	swait.ge [sflag:s18], $0x1400  }
0x164: {  	[sflag:s18] =	ssyncset.done $0x0  }
0x165: {  	[sflag:s18] =	ssyncadd.s32 $0xFFFFEC00  }
0x166: {  	_ =	swait.ge [sflag:s18], $0x1400  }
0x167: {  	[sflag:s18] =	ssyncset.done $0x0  }
0x168: {  	[sflag:s18] =	ssyncadd.s32 $0xFFFFEC00  }
0x169: {  	_ =	swait.ge [sflag:s18], $0x1400  }
0x16a: {  	[sflag:s18] =	ssyncset.done $0x0  }
0x16b: {  	[sflag:s18] =	ssyncadd.s32 $0xFFFFEC00  }
0x16c: {  	_ =	swait.ge [sflag:s18], $0x1400  }
0x16d: {  	[sflag:s18] =	ssyncset.done $0x0  }
0x16e: {  	[sflag:s18] =	ssyncadd.s32 $0xFFFFEC00  }
0x16f: {  	_ =	swait.ge [sflag:s18], $0x1400  }
0x170: {  	[sflag:s18] =	ssyncset.done $0x0  }
0x171: {  	[sflag:s18] =	ssyncadd.s32 $0xFFFFEC00  }
0x172: {  	[spmem:s2] =	stream.indirect.scatter.add.f32 [tilespmem:s14], [sflag:$0x1], $0x80, s30, s15, $0xb8;
	[tilespmem:$0x15900] =	vst v63  }
0x173: {  	_ = 	snop  }
0x174: {  	[spmem:s2] =	stream.indirect.scatter.add.f32 [tilespmem:s14], [sflag:$0x1], $0x80, s31, s15, $0xb8;
	[tilespmem:$0x15900] =	vst v63  }
0x175: {  	_ = 	snop  }
0x176: {  	[spmem:s2] =	stream.indirect.scatter.add.f32 [tilespmem:s14], [sflag:$0x1], $0x80, s0, s15, $0xb8;
	[tilespmem:$0x15900] =	vst v63  }
0x177: {  	_ = 	snop  }
0x178: {  	[spmem:s2] =	stream.indirect.scatter.add.f32 [tilespmem:s14], [sflag:$0x1], $0x80, s1, s15, $0xb8;
	[tilespmem:$0x15900] =	vst v63  }
0x179: {  	_ = 	snop  }
0x17a: {  	[spmem:s2] =	stream.indirect.scatter.add.f32 [tilespmem:s14], [sflag:$0x1], $0x80, s4, s15, $0xb8;
	[tilespmem:$0x15900] =	vst v63  }
0x17b: {  	_ =	swait.ge [sflag:s18], $0x1400  }
0x17c: {  	[sflag:s18] =	ssyncset.done $0x0  }
0x17d: {  	[sflag:s18] =	ssyncadd.s32 $0xFFFFEC00  }
0x17e: {  	_ =	swait.ge [sflag:s18], $0x1400  }
0x17f: {  	[sflag:s18] =	ssyncset.done $0x0  }
0x180: {  	[sflag:s18] =	ssyncadd.s32 $0xFFFFEC00  }
0x181: {  	_ =	swait.ge [sflag:s18], $0x1400  }
0x182: {  	[sflag:s18] =	ssyncset.done $0x0  }
0x183: {  	[sflag:s18] =	ssyncadd.s32 $0xFFFFEC00  }
0x184: {  	_ =	swait.ge [sflag:s18], $0x1400  }
0x185: {  	[sflag:s18] =	ssyncset.done $0x0  }
0x186: {  	[sflag:s18] =	ssyncadd.s32 $0xFFFFEC00  }
0x187: {  	_ =	swait.ge [sflag:s18], $0x1400  }
0x188: {  	[sflag:s18] =	ssyncset.done $0x0  }
0x189: {  	[sflag:s18] =	ssyncadd.s32 $0xFFFFEC00  }
0x18a: {  	[spmem:s2] =	stream.indirect.scatter.add.f32 [tilespmem:s14], [sflag:$0x1], $0x80, s5, s15, $0xb8;
	[tilespmem:$0x15900] =	vst v63  }
0x18b: {  	_ = 	snop  }
0x18c: {  	[spmem:s2] =	stream.indirect.scatter.add.f32 [tilespmem:s14], [sflag:$0x1], $0x80, s7, s15, $0xb8;
	[tilespmem:$0x15900] =	vst v63  }
0x18d: {  	_ = 	snop  }
0x18e: {  	[spmem:s2] =	stream.indirect.scatter.add.f32 [tilespmem:s14], [sflag:$0x1], $0x80, s8, s15, $0xb8;
	[tilespmem:$0x15900] =	vst v63  }
0x18f: {  	_ = 	snop  }
0x190: {  	[spmem:s2] =	stream.indirect.scatter.add.f32 [tilespmem:s14], [sflag:$0x1], $0x80, s9, s15, $0xb8;
	[tilespmem:$0x15900] =	vst v63  }
0x191: {  	_ = 	snop  }
0x192: {  	[spmem:s2] =	stream.indirect.scatter.add.f32 [tilespmem:s14], [sflag:$0x1], $0x80, s10, s15, $0xb8;
	[tilespmem:$0x15900] =	vst v63  }
0x193: {  	_ =	swait.ge [sflag:s18], $0x1400  }
0x194: {  	[sflag:s18] =	ssyncset.done $0x0  }
0x195: {  	[sflag:s18] =	ssyncadd.s32 $0xFFFFEC00  }
0x196: {  	_ =	swait.ge [sflag:s18], $0x1400  }
0x197: {  	[sflag:s18] =	ssyncset.done $0x0  }
0x198: {  	[sflag:s18] =	ssyncadd.s32 $0xFFFFEC00  }
0x199: {  	_ =	swait.ge [sflag:s18], $0x1400  }
0x19a: {  	[sflag:s18] =	ssyncset.done $0x0  }
0x19b: {  	[sflag:s18] =	ssyncadd.s32 $0xFFFFEC00  }
0x19c: {  	_ =	swait.ge [sflag:s18], $0x1400  }
0x19d: {  	[sflag:s18] =	ssyncset.done $0x0  }
0x19e: {  	[sflag:s18] =	ssyncadd.s32 $0xFFFFEC00  }
0x19f: {  	_ =	swait.ge [sflag:s18], $0x1400  }
0x1a0: {  	[sflag:s18] =	ssyncset.done $0x0  }
0x1a1: {  	[sflag:s18] =	ssyncadd.s32 $0xFFFFEC00  }
0x1a2: {  	[bflag:$0x0] =	sbarrier.arrive $0xFFFF  }
0x1a3: {  	s13 =	rddreg [dreg:$0x8]  }
0x1a4: {  	s11 =	rddreg [dreg:$0xa]  }
0x1a5: {  	s16 =	rddreg [dreg:$0xd]  }
0x1a6: {  	[hbm:s11], [sflag:s13] =	dma.local [spmem:s16], $0x2700  }
0x1a7: {  	_ =	swait.ge [sflag:s12], $0x2700  }
0x1a8: {  	[sflag:s12] =	ssyncset.done $0x0;
	s6 =	rddreg [dreg:$0xb]  }
0x1a9: {  	s11 =	simm.s32 @!p0 $0x2;
	s16 =	rddreg [dreg:$0xe];
	[sflag:s12] =	ssyncadd.s32 $0xFFFFD900  }
0x1aa: {  	[hbm:s6], [sflag:s13] =	dma.local @!p0 [spmem:s16], $0x100  }
0x1ab: {  	_ =	swait.ge @!p0 [sflag:s11], $0x100  }
0x1ac: {  	s6 =	rddreg [dreg:$0xf]  }
0x1ad: {  	[sflag:s11] =	ssyncset.done @!p0 $0x0;
	s11 =	rddreg [dreg:$0xc];
	s6 =	sadd.s32 $0x1, s6  }
0x1ae: {  	p1 =	sne.s32 s6, s11  }
.Ltmp1:
0x1af: {  	_ = 	snop;
	(pc) =	sbr.rel @p1 .LBB2_1-.Ltmp1, $3  }
0x1b0: {  	_ =	sdelay $0x1  }
0x1b1: {  	[dreg:$0xf] =	wrdreg s6;
	s6 =	simm.s32 @!p0 $0x2  }
0x1b2: {  	s11 =	smov.u32 s16;
	s16 =	rddreg [dreg:$0xd];
	[sflag:s6] =	ssyncadd.s32 @!p0 $0xFFFFFF00  }
0x1b3: {  	_ =	sfence.sel $0x180000  }
0x1b4: {  	[bflag:$0x0] =	sbarrier.arrive $0xFFFF  }
0x1b5: {  	_ =	strace $0x9000004A  }
0x1b6: {  	s0 =	stileid.u32;
	[bflag:$0x2] =	sbarrier.arrive $0xFFFF  }
0x1b7: {  	p0 =	sne.s32 s0, $0x0;
	s0 =	rddreg [dreg:$0x2]  }
0x1b8: {  	s0 =	sadd.s32 @!p0 $0x100000, s0  }
0x1b9: {  	[sflag:s0] =	ssyncadd.tile.s32 @!p0 $0x1;
	_ =	shalt  }
.Lfunc_end2:
_tile_overlayer_lowered:
.L_overlay_start_2:
0x1ba: {  	(tag) =	ssettag $0x2  }
0x1bb: {  	s0 =	rddreg [dreg:$0x0];
	s2 =	stileid.u32  }
0x1bc: {  	s1 =	rddreg [dreg:$0x1];
	p0 =	sne.s32 s2, $0x0  }
0x1bd: {  	s3 =	rddreg [dreg:$0x2];
	[bflag:$0x3] =	sbarrier.arrive $0xFFFF;
	s2 =	simm.s32 @!p0 $0x1C02  }
0x1be: {  	[timem:s3], [sflag:s2] =	dma.local @!p0 [hbm:s0], s1  }
0x1bf: {  	s0 =	simm.s32 @!p0 $0x2  }
0x1c0: {  	_ =	swait.ge @!p0 [sflag:s0], s1  }
0x1c1: {  	s1 =	ssub.s32 @!p0 $0x0, s1;
	[sflag:s0] =	ssyncset.done @!p0 $0x0  }
0x1c2: {  	[sflag:s0] =	ssyncadd.s32 @!p0 s1  }
0x1c3: {  	[bflag:$0x3] =	sbarrier.arrive $0xFFFF  }
0x1c4: {  	_ =	shalt  }

</sc_bundles>
